<compile_context>
chip_gen: v7x
topology: tpu7x:2x2x1
jax: 0.10.2.dev20260603
libtpu: 0.0.44.dev20260713+nightly
codegen_flags: <defaults>
</compile_context>

<pallas_src>
import functools

import jax
import jax.numpy as jnp
from jax import lax
from jax.experimental import pallas as pl
from jax.experimental.pallas import tpu as pltpu
from jax.experimental.pallas import tpu_sc as plsc

_NC = 2
_NS = 16
_NW = _NC * _NS
_CH = 8


def kernel(emb, t):
    del t
    n, d = emb.shape
    rows_per_w = n // _NW
    nch = rows_per_w // _CH

    mesh = plsc.VectorSubcoreMesh(core_axis_name="c", subcore_axis_name="s")

    @functools.partial(
        pl.kernel,
        mesh=mesh,
        out_type=jax.ShapeDtypeStruct((n, d), emb.dtype),
        scratch_types=[
            pltpu.VMEM((2, _CH, d), jnp.float32),
            pltpu.SemaphoreType.DMA((2,)),
            pltpu.SemaphoreType.DMA((2,)),
        ],
    )
    def copy_k(emb_hbm, out_hbm, bufs, isems, osems):
        wid = lax.axis_index("s") * _NC + lax.axis_index("c")
        base = wid * rows_per_w

        def in_copy(i):
            b = i % 2
            return pltpu.make_async_copy(
                emb_hbm.at[pl.ds(base + i * _CH, _CH)], bufs.at[b], isems.at[b]
            )

        def out_copy(i):
            b = i % 2
            return pltpu.make_async_copy(
                bufs.at[b], out_hbm.at[pl.ds(base + i * _CH, _CH)], osems.at[b]
            )

        waited = set()

        def start_load(j):
            k = j - 2
            if k >= 0 and k not in waited:
                out_copy(k).wait()
                waited.add(k)
            in_copy(j).start()

        start_load(0)
        for i in range(nch):
            if i + 1 < nch:
                start_load(i + 1)
            in_copy(i).wait()
            out_copy(i).start()
        for k in range(nch):
            if k not in waited:
                out_copy(k).wait()

    return copy_k(emb)

# --- scband reference (transcript-rebuilt; emitter-appended) ---
"""Pipeline reference for scband-position-embedding-26371099197790 (READ-ONLY COPY).

The authoritative reference and input builder live on the scoring server;
editing this copy changes nothing except your own understanding.
"""

import jax, jax.numpy as jnp
import numpy as np

LMAX = 8192
EMBED_DIM = 4096

def setup_inputs(seed: int = 0) -> dict:
    key = jax.random.key(seed)
    # Learned parameter: position embedding table (torch init is zeros; use small
    # random values so the memory traffic is real data, matching parameter shape).
    emb = jax.random.normal(key, (LMAX, EMBED_DIM), dtype=jnp.float32) * 0.02
    t = 8192  # python int scalar, as in torch forward(t)
    return {"emb": emb, "t": t}

def reference(emb, t):
    # Faithful translation of: return self.emb[:t, :]
    # A contiguous prefix slice of the embedding table.
    n = emb.shape[0]
    start = jnp.asarray(t, dtype=jnp.int32) - n
    return jax.lax.dynamic_slice(emb, (start, jnp.int32(0)), (n, emb.shape[1]))

if __name__ == "__main__":
    import jax
    _d = setup_inputs()
    print(jax.jit(kernel)(*tuple(_d.values())))

</pallas_src>

<mosaic_0001>
#map = affine_map<(d0, d1) -> (0, 0)>
module attributes {stable_mosaic.version = 14 : i64} {
  func.func @copy_k(%arg0: i32, %arg1: i32, %arg2: memref<8192x4096xf32, #tpu.memory_space<hbm>>, %arg3: memref<8192x4096xf32, #tpu.memory_space<hbm>>, %arg4: memref<2x8x4096xf32, #tpu.memory_space<vmem>>, %arg5: memref<2x!tpu.dma_semaphore, #tpu.memory_space<semaphore_mem>>, %arg6: memref<2x!tpu.dma_semaphore, #tpu.memory_space<semaphore_mem>>) attributes {dimension_semantics = [#tpu.dimension_semantics<core_parallel>, #tpu.dimension_semantics<subcore_parallel>], iteration_bounds = array<i64: 2, 16>, scalar_prefetch = 0 : i64, scratch_operands = 3 : i64, tpu.core_type = #tpu.core_type<sc_vector_subcore>, window_params = [{transform_indices = #map}, {transform_indices = #map}]} {
    %mul3A = arith.constant 2 : i32
    %mul3A_0 = arith.muli %arg1, %mul3A : i32
    %add3A = arith.addi %mul3A_0, %arg0 : i32
    %mul3A_1 = arith.constant 256 : i32
    %mul3A_2 = arith.muli %add3A, %mul3A_1 : i32
    %add3A_3 = arith.constant 0 : i32
    %add3A_4 = arith.addi %mul3A_2, %add3A_3 : i32
    %dma_start3A = arith.constant 0 : i32
    %dma_start3A_5 = arith.constant 0 : i32
    %dma_start3A_6 = arith.constant 0 : i32
    %dma_start3A_7 = arith.constant 0 : i32
    %dma_start3A_8 = tpu.memref_slice %arg4[%dma_start3A, %dma_start3A_6, %dma_start3A_7] : memref<2x8x4096xf32, #tpu.memory_space<vmem>> -> memref<1x8x4096xf32, #tpu.memory_space<vmem>>
    %dma_start3A_9 = tpu.memref_squeeze %dma_start3A_8 : memref<1x8x4096xf32, #tpu.memory_space<vmem>> -> memref<8x4096xf32, #tpu.memory_space<vmem>>
    %dma_start3A_10 = arith.constant 0 : i32
    %dma_start3A_11 = tpu.memref_slice %arg2[%add3A_4, %dma_start3A_10] : memref<8192x4096xf32, #tpu.memory_space<hbm>> -> memref<8x4096xf32, #tpu.memory_space<hbm>>
    %dma_start3A_12 = tpu.memref_slice %arg5[%dma_start3A_5] : memref<2x!tpu.dma_semaphore, #tpu.memory_space<semaphore_mem>> -> memref<1x!tpu.dma_semaphore, #tpu.memory_space<semaphore_mem>>
    %dma_start3A_13 = tpu.memref_squeeze %dma_start3A_12 : memref<1x!tpu.dma_semaphore, #tpu.memory_space<semaphore_mem>> -> memref<!tpu.dma_semaphore, #tpu.memory_space<semaphore_mem>>
    %dma_start3A_14 = arith.constant 0 : i32
    %dma_start3A_15 = arith.constant 0 : i32
    %dma_start3A_16 = tpu.memref_slice %arg4[%dma_start3A, %dma_start3A_14, %dma_start3A_15] : memref<2x8x4096xf32, #tpu.memory_space<vmem>> -> memref<1x8x4096xf32, #tpu.memory_space<vmem>>
    %dma_start3A_17 = tpu.memref_squeeze %dma_start3A_16 : memref<1x8x4096xf32, #tpu.memory_space<vmem>> -> memref<8x4096xf32, #tpu.memory_space<vmem>>
    %dma_start3A_18 = arith.constant 0 : i32
    %dma_start3A_19 = tpu.memref_slice %arg2[%add3A_4, %dma_start3A_18] : memref<8192x4096xf32, #tpu.memory_space<hbm>> -> memref<8x4096xf32, #tpu.memory_space<hbm>>
    tpu.enqueue_dma source(%dma_start3A_19 : memref<8x4096xf32, #tpu.memory_space<hbm>>) target(%dma_start3A_17 : memref<8x4096xf32, #tpu.memory_space<vmem>>) target_semaphore(%dma_start3A_13 : memref<!tpu.dma_semaphore, #tpu.memory_space<semaphore_mem>>)
    %add3A_20 = arith.constant 8 : i32
    %add3A_21 = arith.addi %mul3A_2, %add3A_20 : i32
    %dma_start3A_22 = arith.constant 1 : i32
    %dma_start3A_23 = arith.constant 1 : i32
    %dma_start3A_24 = arith.constant 0 : i32
    %dma_start3A_25 = arith.constant 0 : i32
    %dma_start3A_26 = tpu.memref_slice %arg4[%dma_start3A_22, %dma_start3A_24, %dma_start3A_25] : memref<2x8x4096xf32, #tpu.memory_space<vmem>> -> memref<1x8x4096xf32, #tpu.memory_space<vmem>>
    %dma_start3A_27 = tpu.memref_squeeze %dma_start3A_26 : memref<1x8x4096xf32, #tpu.memory_space<vmem>> -> memref<8x4096xf32, #tpu.memory_space<vmem>>
    %dma_start3A_28 = arith.constant 0 : i32
    %dma_start3A_29 = tpu.memref_slice %arg2[%add3A_21, %dma_start3A_28] : memref<8192x4096xf32, #tpu.memory_space<hbm>> -> memref<8x4096xf32, #tpu.memory_space<hbm>>
    %dma_start3A_30 = tpu.memref_slice %arg5[%dma_start3A_23] : memref<2x!tpu.dma_semaphore, #tpu.memory_space<semaphore_mem>> -> memref<1x!tpu.dma_semaphore, #tpu.memory_space<semaphore_mem>>
    %dma_start3A_31 = tpu.memref_squeeze %dma_start3A_30 : memref<1x!tpu.dma_semaphore, #tpu.memory_space<semaphore_mem>> -> memref<!tpu.dma_semaphore, #tpu.memory_space<semaphore_mem>>
    %dma_start3A_32 = arith.constant 0 : i32
    %dma_start3A_33 = arith.constant 0 : i32
    %dma_start3A_34 = tpu.memref_slice %arg4[%dma_start3A_22, %dma_start3A_32, %dma_start3A_33] : memref<2x8x4096xf32, #tpu.memory_space<vmem>> -> memref<1x8x4096xf32, #tpu.memory_space<vmem>>
    %dma_start3A_35 = tpu.memref_squeeze %dma_start3A_34 : memref<1x8x4096xf32, #tpu.memory_space<vmem>> -> memref<8x4096xf32, #tpu.memory_space<vmem>>
    %dma_start3A_36 = arith.constant 0 : i32
    %dma_start3A_37 = tpu.memref_slice %arg2[%add3A_21, %dma_start3A_36] : memref<8192x4096xf32, #tpu.memory_space<hbm>> -> memref<8x4096xf32, #tpu.memory_space<hbm>>
    tpu.enqueue_dma source(%dma_start3A_37 : memref<8x4096xf32, #tpu.memory_space<hbm>>) target(%dma_start3A_35 : memref<8x4096xf32, #tpu.memory_space<vmem>>) target_semaphore(%dma_start3A_31 : memref<!tpu.dma_semaphore, #tpu.memory_space<semaphore_mem>>)
    %add3A_38 = arith.constant 0 : i32
    %add3A_39 = arith.addi %mul3A_2, %add3A_38 : i32
    %dma_wait3A = arith.constant 0 : i32
    %dma_wait3A_40 = arith.constant 0 : i32
    %dma_wait3A_41 = arith.constant 0 : i32
    %dma_wait3A_42 = arith.constant 0 : i32
    %dma_wait3A_43 = tpu.memref_slice %arg4[%dma_wait3A, %dma_wait3A_41, %dma_wait3A_42] : memref<2x8x4096xf32, #tpu.memory_space<vmem>> -> memref<1x8x4096xf32, #tpu.memory_space<vmem>>
    %dma_wait3A_44 = tpu.memref_squeeze %dma_wait3A_43 : memref<1x8x4096xf32, #tpu.memory_space<vmem>> -> memref<8x4096xf32, #tpu.memory_space<vmem>>
    %dma_wait3A_45 = arith.constant 0 : i32
    %dma_wait3A_46 = tpu.memref_slice %arg2[%add3A_39, %dma_wait3A_45] : memref<8192x4096xf32, #tpu.memory_space<hbm>> -> memref<8x4096xf32, #tpu.memory_space<hbm>>
    %dma_wait3A_47 = tpu.memref_slice %arg5[%dma_wait3A_40] : memref<2x!tpu.dma_semaphore, #tpu.memory_space<semaphore_mem>> -> memref<1x!tpu.dma_semaphore, #tpu.memory_space<semaphore_mem>>
    %dma_wait3A_48 = tpu.memref_squeeze %dma_wait3A_47 : memref<1x!tpu.dma_semaphore, #tpu.memory_space<semaphore_mem>> -> memref<!tpu.dma_semaphore, #tpu.memory_space<semaphore_mem>>
    %dma_wait3A_49 = arith.constant 0 : i32
    %dma_wait3A_50 = arith.constant 0 : i32
    %dma_wait3A_51 = tpu.memref_slice %arg4[%dma_wait3A, %dma_wait3A_49, %dma_wait3A_50] : memref<2x8x4096xf32, #tpu.memory_space<vmem>> -> memref<1x8x4096xf32, #tpu.memory_space<vmem>>
    %dma_wait3A_52 = tpu.memref_squeeze %dma_wait3A_51 : memref<1x8x4096xf32, #tpu.memory_space<vmem>> -> memref<8x4096xf32, #tpu.memory_space<vmem>>
    %dma_wait3A_53 = arith.constant 0 : i32
    %dma_wait3A_54 = tpu.memref_slice %arg2[%add3A_39, %dma_wait3A_53] : memref<8192x4096xf32, #tpu.memory_space<hbm>> -> memref<8x4096xf32, #tpu.memory_space<hbm>>
    tpu.wait_dma2 semaphore(%dma_wait3A_48 : memref<!tpu.dma_semaphore, #tpu.memory_space<semaphore_mem>>) src(%dma_wait3A_54 : memref<8x4096xf32, #tpu.memory_space<hbm>>) dst(%dma_wait3A_52 : memref<8x4096xf32, #tpu.memory_space<vmem>>)
    %add3A_55 = arith.constant 0 : i32
    %add3A_56 = arith.addi %mul3A_2, %add3A_55 : i32
    %dma_start3A_57 = arith.constant 0 : i32
    %dma_start3A_58 = arith.constant 0 : i32
    %dma_start3A_59 = arith.constant 0 : i32
    %dma_start3A_60 = arith.constant 0 : i32
    %dma_start3A_61 = tpu.memref_slice %arg4[%dma_start3A_57, %dma_start3A_59, %dma_start3A_60] : memref<2x8x4096xf32, #tpu.memory_space<vmem>> -> memref<1x8x4096xf32, #tpu.memory_space<vmem>>
    %dma_start3A_62 = tpu.memref_squeeze %dma_start3A_61 : memref<1x8x4096xf32, #tpu.memory_space<vmem>> -> memref<8x4096xf32, #tpu.memory_space<vmem>>
    %dma_start3A_63 = arith.constant 0 : i32
    %dma_start3A_64 = tpu.memref_slice %arg3[%add3A_56, %dma_start3A_63] : memref<8192x4096xf32, #tpu.memory_space<hbm>> -> memref<8x4096xf32, #tpu.memory_space<hbm>>
    %dma_start3A_65 = tpu.memref_slice %arg6[%dma_start3A_58] : memref<2x!tpu.dma_semaphore, #tpu.memory_space<semaphore_mem>> -> memref<1x!tpu.dma_semaphore, #tpu.memory_space<semaphore_mem>>
    %dma_start3A_66 = tpu.memref_squeeze %dma_start3A_65 : memref<1x!tpu.dma_semaphore, #tpu.memory_space<semaphore_mem>> -> memref<!tpu.dma_semaphore, #tpu.memory_space<semaphore_mem>>
    %dma_start3A_67 = arith.constant 0 : i32
    %dma_start3A_68 = tpu.memref_slice %arg3[%add3A_56, %dma_start3A_67] : memref<8192x4096xf32, #tpu.memory_space<hbm>> -> memref<8x4096xf32, #tpu.memory_space<hbm>>
    %dma_start3A_69 = arith.constant 0 : i32
    %dma_start3A_70 = arith.constant 0 : i32
    %dma_start3A_71 = tpu.memref_slice %arg4[%dma_start3A_57, %dma_start3A_69, %dma_start3A_70] : memref<2x8x4096xf32, #tpu.memory_space<vmem>> -> memref<1x8x4096xf32, #tpu.memory_space<vmem>>
    %dma_start3A_72 = tpu.memref_squeeze %dma_start3A_71 : memref<1x8x4096xf32, #tpu.memory_space<vmem>> -> memref<8x4096xf32, #tpu.memory_space<vmem>>
    tpu.enqueue_dma source(%dma_start3A_72 : memref<8x4096xf32, #tpu.memory_space<vmem>>) target(%dma_start3A_68 : memref<8x4096xf32, #tpu.memory_space<hbm>>) target_semaphore(%dma_start3A_66 : memref<!tpu.dma_semaphore, #tpu.memory_space<semaphore_mem>>)
    %add3A_73 = arith.constant 0 : i32
    %add3A_74 = arith.addi %mul3A_2, %add3A_73 : i32
    %dma_wait3A_75 = arith.constant 0 : i32
    %dma_wait3A_76 = arith.constant 0 : i32
    %dma_wait3A_77 = arith.constant 0 : i32
    %dma_wait3A_78 = arith.constant 0 : i32
    %dma_wait3A_79 = tpu.memref_slice %arg4[%dma_wait3A_75, %dma_wait3A_77, %dma_wait3A_78] : memref<2x8x4096xf32, #tpu.memory_space<vmem>> -> memref<1x8x4096xf32, #tpu.memory_space<vmem>>
    %dma_wait3A_80 = tpu.memref_squeeze %dma_wait3A_79 : memref<1x8x4096xf32, #tpu.memory_space<vmem>> -> memref<8x4096xf32, #tpu.memory_space<vmem>>
    %dma_wait3A_81 = arith.constant 0 : i32
    %dma_wait3A_82 = tpu.memref_slice %arg3[%add3A_74, %dma_wait3A_81] : memref<8192x4096xf32, #tpu.memory_space<hbm>> -> memref<8x4096xf32, #tpu.memory_space<hbm>>
    %dma_wait3A_83 = tpu.memref_slice %arg6[%dma_wait3A_76] : memref<2x!tpu.dma_semaphore, #tpu.memory_space<semaphore_mem>> -> memref<1x!tpu.dma_semaphore, #tpu.memory_space<semaphore_mem>>
    %dma_wait3A_84 = tpu.memref_squeeze %dma_wait3A_83 : memref<1x!tpu.dma_semaphore, #tpu.memory_space<semaphore_mem>> -> memref<!tpu.dma_semaphore, #tpu.memory_space<semaphore_mem>>
    %dma_wait3A_85 = arith.constant 0 : i32
    %dma_wait3A_86 = tpu.memref_slice %arg3[%add3A_74, %dma_wait3A_85] : memref<8192x4096xf32, #tpu.memory_space<hbm>> -> memref<8x4096xf32, #tpu.memory_space<hbm>>
    %dma_wait3A_87 = arith.constant 0 : i32
    %dma_wait3A_88 = arith.constant 0 : i32
    %dma_wait3A_89 = tpu.memref_slice %arg4[%dma_wait3A_75, %dma_wait3A_87, %dma_wait3A_88] : memref<2x8x4096xf32, #tpu.memory_space<vmem>> -> memref<1x8x4096xf32, #tpu.memory_space<vmem>>
    %dma_wait3A_90 = tpu.memref_squeeze %dma_wait3A_89 : memref<1x8x4096xf32, #tpu.memory_space<vmem>> -> memref<8x4096xf32, #tpu.memory_space<vmem>>
    tpu.wait_dma2 semaphore(%dma_wait3A_84 : memref<!tpu.dma_semaphore, #tpu.memory_space<semaphore_mem>>) src(%dma_wait3A_90 : memref<8x4096xf32, #tpu.memory_space<vmem>>) dst(%dma_wait3A_86 : memref<8x4096xf32, #tpu.memory_space<hbm>>)
    %add3A_91 = arith.constant 16 : i32
    %add3A_92 = arith.addi %mul3A_2, %add3A_91 : i32
    %dma_start3A_93 = arith.constant 0 : i32
    %dma_start3A_94 = arith.constant 0 : i32
    %dma_start3A_95 = arith.constant 0 : i32
    %dma_start3A_96 = arith.constant 0 : i32
    %dma_start3A_97 = tpu.memref_slice %arg4[%dma_start3A_93, %dma_start3A_95, %dma_start3A_96] : memref<2x8x4096xf32, #tpu.memory_space<vmem>> -> memref<1x8x4096xf32, #tpu.memory_space<vmem>>
    %dma_start3A_98 = tpu.memref_squeeze %dma_start3A_97 : memref<1x8x4096xf32, #tpu.memory_space<vmem>> -> memref<8x4096xf32, #tpu.memory_space<vmem>>
    %dma_start3A_99 = arith.constant 0 : i32
    %dma_start3A_100 = tpu.memref_slice %arg2[%add3A_92, %dma_start3A_99] : memref<8192x4096xf32, #tpu.memory_space<hbm>> -> memref<8x4096xf32, #tpu.memory_space<hbm>>
    %dma_start3A_101 = tpu.memref_slice %arg5[%dma_start3A_94] : memref<2x!tpu.dma_semaphore, #tpu.memory_space<semaphore_mem>> -> memref<1x!tpu.dma_semaphore, #tpu.memory_space<semaphore_mem>>
    %dma_start3A_102 = tpu.memref_squeeze %dma_start3A_101 : memref<1x!tpu.dma_semaphore, #tpu.memory_space<semaphore_mem>> -> memref<!tpu.dma_semaphore, #tpu.memory_space<semaphore_mem>>
    %dma_start3A_103 = arith.constant 0 : i32
    %dma_start3A_104 = arith.constant 0 : i32
    %dma_start3A_105 = tpu.memref_slice %arg4[%dma_start3A_93, %dma_start3A_103, %dma_start3A_104] : memref<2x8x4096xf32, #tpu.memory_space<vmem>> -> memref<1x8x4096xf32, #tpu.memory_space<vmem>>
    %dma_start3A_106 = tpu.memref_squeeze %dma_start3A_105 : memref<1x8x4096xf32, #tpu.memory_space<vmem>> -> memref<8x4096xf32, #tpu.memory_space<vmem>>
    %dma_start3A_107 = arith.constant 0 : i32
    %dma_start3A_108 = tpu.memref_slice %arg2[%add3A_92, %dma_start3A_107] : memref<8192x4096xf32, #tpu.memory_space<hbm>> -> memref<8x4096xf32, #tpu.memory_space<hbm>>
    tpu.enqueue_dma source(%dma_start3A_108 : memref<8x4096xf32, #tpu.memory_space<hbm>>) target(%dma_start3A_106 : memref<8x4096xf32, #tpu.memory_space<vmem>>) target_semaphore(%dma_start3A_102 : memref<!tpu.dma_semaphore, #tpu.memory_space<semaphore_mem>>)
    %add3A_109 = arith.constant 8 : i32
    %add3A_110 = arith.addi %mul3A_2, %add3A_109 : i32
    %dma_wait3A_111 = arith.constant 1 : i32
    %dma_wait3A_112 = arith.constant 1 : i32
    %dma_wait3A_113 = arith.constant 0 : i32
    %dma_wait3A_114 = arith.constant 0 : i32
    %dma_wait3A_115 = tpu.memref_slice %arg4[%dma_wait3A_111, %dma_wait3A_113, %dma_wait3A_114] : memref<2x8x4096xf32, #tpu.memory_space<vmem>> -> memref<1x8x4096xf32, #tpu.memory_space<vmem>>
    %dma_wait3A_116 = tpu.memref_squeeze %dma_wait3A_115 : memref<1x8x4096xf32, #tpu.memory_space<vmem>> -> memref<8x4096xf32, #tpu.memory_space<vmem>>
    %dma_wait3A_117 = arith.constant 0 : i32
    %dma_wait3A_118 = tpu.memref_slice %arg2[%add3A_110, %dma_wait3A_117] : memref<8192x4096xf32, #tpu.memory_space<hbm>> -> memref<8x4096xf32, #tpu.memory_space<hbm>>
    %dma_wait3A_119 = tpu.memref_slice %arg5[%dma_wait3A_112] : memref<2x!tpu.dma_semaphore, #tpu.memory_space<semaphore_mem>> -> memref<1x!tpu.dma_semaphore, #tpu.memory_space<semaphore_mem>>
    %dma_wait3A_120 = tpu.memref_squeeze %dma_wait3A_119 : memref<1x!tpu.dma_semaphore, #tpu.memory_space<semaphore_mem>> -> memref<!tpu.dma_semaphore, #tpu.memory_space<semaphore_mem>>
    %dma_wait3A_121 = arith.constant 0 : i32
    %dma_wait3A_122 = arith.constant 0 : i32
    %dma_wait3A_123 = tpu.memref_slice %arg4[%dma_wait3A_111, %dma_wait3A_121, %dma_wait3A_122] : memref<2x8x4096xf32, #tpu.memory_space<vmem>> -> memref<1x8x4096xf32, #tpu.memory_space<vmem>>
    %dma_wait3A_124 = tpu.memref_squeeze %dma_wait3A_123 : memref<1x8x4096xf32, #tpu.memory_space<vmem>> -> memref<8x4096xf32, #tpu.memory_space<vmem>>
    %dma_wait3A_125 = arith.constant 0 : i32
    %dma_wait3A_126 = tpu.memref_slice %arg2[%add3A_110, %dma_wait3A_125] : memref<8192x4096xf32, #tpu.memory_space<hbm>> -> memref<8x4096xf32, #tpu.memory_space<hbm>>
    tpu.wait_dma2 semaphore(%dma_wait3A_120 : memref<!tpu.dma_semaphore, #tpu.memory_space<semaphore_mem>>) src(%dma_wait3A_126 : memref<8x4096xf32, #tpu.memory_space<hbm>>) dst(%dma_wait3A_124 : memref<8x4096xf32, #tpu.memory_space<vmem>>)
    %add3A_127 = arith.constant 8 : i32
    %add3A_128 = arith.addi %mul3A_2, %add3A_127 : i32
    %dma_start3A_129 = arith.constant 1 : i32
    %dma_start3A_130 = arith.constant 1 : i32
    %dma_start3A_131 = arith.constant 0 : i32
    %dma_start3A_132 = arith.constant 0 : i32
    %dma_start3A_133 = tpu.memref_slice %arg4[%dma_start3A_129, %dma_start3A_131, %dma_start3A_132] : memref<2x8x4096xf32, #tpu.memory_space<vmem>> -> memref<1x8x4096xf32, #tpu.memory_space<vmem>>
    %dma_start3A_134 = tpu.memref_squeeze %dma_start3A_133 : memref<1x8x4096xf32, #tpu.memory_space<vmem>> -> memref<8x4096xf32, #tpu.memory_space<vmem>>
    %dma_start3A_135 = arith.constant 0 : i32
    %dma_start3A_136 = tpu.memref_slice %arg3[%add3A_128, %dma_start3A_135] : memref<8192x4096xf32, #tpu.memory_space<hbm>> -> memref<8x4096xf32, #tpu.memory_space<hbm>>
    %dma_start3A_137 = tpu.memref_slice %arg6[%dma_start3A_130] : memref<2x!tpu.dma_semaphore, #tpu.memory_space<semaphore_mem>> -> memref<1x!tpu.dma_semaphore, #tpu.memory_space<semaphore_mem>>
    %dma_start3A_138 = tpu.memref_squeeze %dma_start3A_137 : memref<1x!tpu.dma_semaphore, #tpu.memory_space<semaphore_mem>> -> memref<!tpu.dma_semaphore, #tpu.memory_space<semaphore_mem>>
    %dma_start3A_139 = arith.constant 0 : i32
    %dma_start3A_140 = tpu.memref_slice %arg3[%add3A_128, %dma_start3A_139] : memref<8192x4096xf32, #tpu.memory_space<hbm>> -> memref<8x4096xf32, #tpu.memory_space<hbm>>
    %dma_start3A_141 = arith.constant 0 : i32
    %dma_start3A_142 = arith.constant 0 : i32
    %dma_start3A_143 = tpu.memref_slice %arg4[%dma_start3A_129, %dma_start3A_141, %dma_start3A_142] : memref<2x8x4096xf32, #tpu.memory_space<vmem>> -> memref<1x8x4096xf32, #tpu.memory_space<vmem>>
    %dma_start3A_144 = tpu.memref_squeeze %dma_start3A_143 : memref<1x8x4096xf32, #tpu.memory_space<vmem>> -> memref<8x4096xf32, #tpu.memory_space<vmem>>
    tpu.enqueue_dma source(%dma_start3A_144 : memref<8x4096xf32, #tpu.memory_space<vmem>>) target(%dma_start3A_140 : memref<8x4096xf32, #tpu.memory_space<hbm>>) target_semaphore(%dma_start3A_138 : memref<!tpu.dma_semaphore, #tpu.memory_space<semaphore_mem>>)
    %add3A_145 = arith.constant 8 : i32
    %add3A_146 = arith.addi %mul3A_2, %add3A_145 : i32
    %dma_wait3A_147 = arith.constant 1 : i32
    %dma_wait3A_148 = arith.constant 1 : i32
    %dma_wait3A_149 = arith.constant 0 : i32
    %dma_wait3A_150 = arith.constant 0 : i32
    %dma_wait3A_151 = tpu.memref_slice %arg4[%dma_wait3A_147, %dma_wait3A_149, %dma_wait3A_150] : memref<2x8x4096xf32, #tpu.memory_space<vmem>> -> memref<1x8x4096xf32, #tpu.memory_space<vmem>>
    %dma_wait3A_152 = tpu.memref_squeeze %dma_wait3A_151 : memref<1x8x4096xf32, #tpu.memory_space<vmem>> -> memref<8x4096xf32, #tpu.memory_space<vmem>>
    %dma_wait3A_153 = arith.constant 0 : i32
    %dma_wait3A_154 = tpu.memref_slice %arg3[%add3A_146, %dma_wait3A_153] : memref<8192x4096xf32, #tpu.memory_space<hbm>> -> memref<8x4096xf32, #tpu.memory_space<hbm>>
    %dma_wait3A_155 = tpu.memref_slice %arg6[%dma_wait3A_148] : memref<2x!tpu.dma_semaphore, #tpu.memory_space<semaphore_mem>> -> memref<1x!tpu.dma_semaphore, #tpu.memory_space<semaphore_mem>>
    %dma_wait3A_156 = tpu.memref_squeeze %dma_wait3A_155 : memref<1x!tpu.dma_semaphore, #tpu.memory_space<semaphore_mem>> -> memref<!tpu.dma_semaphore, #tpu.memory_space<semaphore_mem>>
    %dma_wait3A_157 = arith.constant 0 : i32
    %dma_wait3A_158 = tpu.memref_slice %arg3[%add3A_146, %dma_wait3A_157] : memref<8192x4096xf32, #tpu.memory_space<hbm>> -> memref<8x4096xf32, #tpu.memory_space<hbm>>
    %dma_wait3A_159 = arith.constant 0 : i32
    %dma_wait3A_160 = arith.constant 0 : i32
    %dma_wait3A_161 = tpu.memref_slice %arg4[%dma_wait3A_147, %dma_wait3A_159, %dma_wait3A_160] : memref<2x8x4096xf32, #tpu.memory_space<vmem>> -> memref<1x8x4096xf32, #tpu.memory_space<vmem>>
    %dma_wait3A_162 = tpu.memref_squeeze %dma_wait3A_161 : memref<1x8x4096xf32, #tpu.memory_space<vmem>> -> memref<8x4096xf32, #tpu.memory_space<vmem>>
    tpu.wait_dma2 semaphore(%dma_wait3A_156 : memref<!tpu.dma_semaphore, #tpu.memory_space<semaphore_mem>>) src(%dma_wait3A_162 : memref<8x4096xf32, #tpu.memory_space<vmem>>) dst(%dma_wait3A_158 : memref<8x4096xf32, #tpu.memory_space<hbm>>)
    %add3A_163 = arith.constant 24 : i32
    %add3A_164 = arith.addi %mul3A_2, %add3A_163 : i32
    %dma_start3A_165 = arith.constant 1 : i32
    %dma_start3A_166 = arith.constant 1 : i32
    %dma_start3A_167 = arith.constant 0 : i32
    %dma_start3A_168 = arith.constant 0 : i32
    %dma_start3A_169 = tpu.memref_slice %arg4[%dma_start3A_165, %dma_start3A_167, %dma_start3A_168] : memref<2x8x4096xf32, #tpu.memory_space<vmem>> -> memref<1x8x4096xf32, #tpu.memory_space<vmem>>
    %dma_start3A_170 = tpu.memref_squeeze %dma_start3A_169 : memref<1x8x4096xf32, #tpu.memory_space<vmem>> -> memref<8x4096xf32, #tpu.memory_space<vmem>>
    %dma_start3A_171 = arith.constant 0 : i32
    %dma_start3A_172 = tpu.memref_slice %arg2[%add3A_164, %dma_start3A_171] : memref<8192x4096xf32, #tpu.memory_space<hbm>> -> memref<8x4096xf32, #tpu.memory_space<hbm>>
    %dma_start3A_173 = tpu.memref_slice %arg5[%dma_start3A_166] : memref<2x!tpu.dma_semaphore, #tpu.memory_space<semaphore_mem>> -> memref<1x!tpu.dma_semaphore, #tpu.memory_space<semaphore_mem>>
    %dma_start3A_174 = tpu.memref_squeeze %dma_start3A_173 : memref<1x!tpu.dma_semaphore, #tpu.memory_space<semaphore_mem>> -> memref<!tpu.dma_semaphore, #tpu.memory_space<semaphore_mem>>
    %dma_start3A_175 = arith.constant 0 : i32
    %dma_start3A_176 = arith.constant 0 : i32
    %dma_start3A_177 = tpu.memref_slice %arg4[%dma_start3A_165, %dma_start3A_175, %dma_start3A_176] : memref<2x8x4096xf32, #tpu.memory_space<vmem>> -> memref<1x8x4096xf32, #tpu.memory_space<vmem>>
    %dma_start3A_178 = tpu.memref_squeeze %dma_start3A_177 : memref<1x8x4096xf32, #tpu.memory_space<vmem>> -> memref<8x4096xf32, #tpu.memory_space<vmem>>
    %dma_start3A_179 = arith.constant 0 : i32
    %dma_start3A_180 = tpu.memref_slice %arg2[%add3A_164, %dma_start3A_179] : memref<8192x4096xf32, #tpu.memory_space<hbm>> -> memref<8x4096xf32, #tpu.memory_space<hbm>>
    tpu.enqueue_dma source(%dma_start3A_180 : memref<8x4096xf32, #tpu.memory_space<hbm>>) target(%dma_start3A_178 : memref<8x4096xf32, #tpu.memory_space<vmem>>) target_semaphore(%dma_start3A_174 : memref<!tpu.dma_semaphore, #tpu.memory_space<semaphore_mem>>)
    %add3A_181 = arith.constant 16 : i32
    %add3A_182 = arith.addi %mul3A_2, %add3A_181 : i32
    %dma_wait3A_183 = arith.constant 0 : i32
    %dma_wait3A_184 = arith.constant 0 : i32
    %dma_wait3A_185 = arith.constant 0 : i32
    %dma_wait3A_186 = arith.constant 0 : i32
    %dma_wait3A_187 = tpu.memref_slice %arg4[%dma_wait3A_183, %dma_wait3A_185, %dma_wait3A_186] : memref<2x8x4096xf32, #tpu.memory_space<vmem>> -> memref<1x8x4096xf32, #tpu.memory_space<vmem>>
    %dma_wait3A_188 = tpu.memref_squeeze %dma_wait3A_187 : memref<1x8x4096xf32, #tpu.memory_space<vmem>> -> memref<8x4096xf32, #tpu.memory_space<vmem>>
    %dma_wait3A_189 = arith.constant 0 : i32
    %dma_wait3A_190 = tpu.memref_slice %arg2[%add3A_182, %dma_wait3A_189] : memref<8192x4096xf32, #tpu.memory_space<hbm>> -> memref<8x4096xf32, #tpu.memory_space<hbm>>
    %dma_wait3A_191 = tpu.memref_slice %arg5[%dma_wait3A_184] : memref<2x!tpu.dma_semaphore, #tpu.memory_space<semaphore_mem>> -> memref<1x!tpu.dma_semaphore, #tpu.memory_space<semaphore_mem>>
    %dma_wait3A_192 = tpu.memref_squeeze %dma_wait3A_191 : memref<1x!tpu.dma_semaphore, #tpu.memory_space<semaphore_mem>> -> memref<!tpu.dma_semaphore, #tpu.memory_space<semaphore_mem>>
    %dma_wait3A_193 = arith.constant 0 : i32
    %dma_wait3A_194 = arith.constant 0 : i32
    %dma_wait3A_195 = tpu.memref_slice %arg4[%dma_wait3A_183, %dma_wait3A_193, %dma_wait3A_194] : memref<2x8x4096xf32, #tpu.memory_space<vmem>> -> memref<1x8x4096xf32, #tpu.memory_space<vmem>>
    %dma_wait3A_196 = tpu.memref_squeeze %dma_wait3A_195 : memref<1x8x4096xf32, #tpu.memory_space<vmem>> -> memref<8x4096xf32, #tpu.memory_space<vmem>>
    %dma_wait3A_197 = arith.constant 0 : i32
    %dma_wait3A_198 = tpu.memref_slice %arg2[%add3A_182, %dma_wait3A_197] : memref<8192x4096xf32, #tpu.memory_space<hbm>> -> memref<8x4096xf32, #tpu.memory_space<hbm>>
    tpu.wait_dma2 semaphore(%dma_wait3A_192 : memref<!tpu.dma_semaphore, #tpu.memory_space<semaphore_mem>>) src(%dma_wait3A_198 : memref<8x4096xf32, #tpu.memory_space<hbm>>) dst(%dma_wait3A_196 : memref<8x4096xf32, #tpu.memory_space<vmem>>)
    %add3A_199 = arith.constant 16 : i32
    %add3A_200 = arith.addi %mul3A_2, %add3A_199 : i32
    %dma_start3A_201 = arith.constant 0 : i32
    %dma_start3A_202 = arith.constant 0 : i32
    %dma_start3A_203 = arith.constant 0 : i32
    %dma_start3A_204 = arith.constant 0 : i32
    %dma_start3A_205 = tpu.memref_slice %arg4[%dma_start3A_201, %dma_start3A_203, %dma_start3A_204] : memref<2x8x4096xf32, #tpu.memory_space<vmem>> -> memref<1x8x4096xf32, #tpu.memory_space<vmem>>
    %dma_start3A_206 = tpu.memref_squeeze %dma_start3A_205 : memref<1x8x4096xf32, #tpu.memory_space<vmem>> -> memref<8x4096xf32, #tpu.memory_space<vmem>>
    %dma_start3A_207 = arith.constant 0 : i32
    %dma_start3A_208 = tpu.memref_slice %arg3[%add3A_200, %dma_start3A_207] : memref<8192x4096xf32, #tpu.memory_space<hbm>> -> memref<8x4096xf32, #tpu.memory_space<hbm>>
    %dma_start3A_209 = tpu.memref_slice %arg6[%dma_start3A_202] : memref<2x!tpu.dma_semaphore, #tpu.memory_space<semaphore_mem>> -> memref<1x!tpu.dma_semaphore, #tpu.memory_space<semaphore_mem>>
    %dma_start3A_210 = tpu.memref_squeeze %dma_start3A_209 : memref<1x!tpu.dma_semaphore, #tpu.memory_space<semaphore_mem>> -> memref<!tpu.dma_semaphore, #tpu.memory_space<semaphore_mem>>
    %dma_start3A_211 = arith.constant 0 : i32
    %dma_start3A_212 = tpu.memref_slice %arg3[%add3A_200, %dma_start3A_211] : memref<8192x4096xf32, #tpu.memory_space<hbm>> -> memref<8x4096xf32, #tpu.memory_space<hbm>>
    %dma_start3A_213 = arith.constant 0 : i32
    %dma_start3A_214 = arith.constant 0 : i32
    %dma_start3A_215 = tpu.memref_slice %arg4[%dma_start3A_201, %dma_start3A_213, %dma_start3A_214] : memref<2x8x4096xf32, #tpu.memory_space<vmem>> -> memref<1x8x4096xf32, #tpu.memory_space<vmem>>
    %dma_start3A_216 = tpu.memref_squeeze %dma_start3A_215 : memref<1x8x4096xf32, #tpu.memory_space<vmem>> -> memref<8x4096xf32, #tpu.memory_space<vmem>>
    tpu.enqueue_dma source(%dma_start3A_216 : memref<8x4096xf32, #tpu.memory_space<vmem>>) target(%dma_start3A_212 : memref<8x4096xf32, #tpu.memory_space<hbm>>) target_semaphore(%dma_start3A_210 : memref<!tpu.dma_semaphore, #tpu.memory_space<semaphore_mem>>)
    %add3A_217 = arith.constant 16 : i32
    %add3A_218 = arith.addi %mul3A_2, %add3A_217 : i32
    %dma_wait3A_219 = arith.constant 0 : i32
    %dma_wait3A_220 = arith.constant 0 : i32
    %dma_wait3A_221 = arith.constant 0 : i32
    %dma_wait3A_222 = arith.constant 0 : i32
    %dma_wait3A_223 = tpu.memref_slice %arg4[%dma_wait3A_219, %dma_wait3A_221, %dma_wait3A_222] : memref<2x8x4096xf32, #tpu.memory_space<vmem>> -> memref<1x8x4096xf32, #tpu.memory_space<vmem>>
    %dma_wait3A_224 = tpu.memref_squeeze %dma_wait3A_223 : memref<1x8x4096xf32, #tpu.memory_space<vmem>> -> memref<8x4096xf32, #tpu.memory_space<vmem>>
    %dma_wait3A_225 = arith.constant 0 : i32
    %dma_wait3A_226 = tpu.memref_slice %arg3[%add3A_218, %dma_wait3A_225] : memref<8192x4096xf32, #tpu.memory_space<hbm>> -> memref<8x4096xf32, #tpu.memory_space<hbm>>
    %dma_wait3A_227 = tpu.memref_slice %arg6[%dma_wait3A_220] : memref<2x!tpu.dma_semaphore, #tpu.memory_space<semaphore_mem>> -> memref<1x!tpu.dma_semaphore, #tpu.memory_space<semaphore_mem>>
    %dma_wait3A_228 = tpu.memref_squeeze %dma_wait3A_227 : memref<1x!tpu.dma_semaphore, #tpu.memory_space<semaphore_mem>> -> memref<!tpu.dma_semaphore, #tpu.memory_space<semaphore_mem>>
    %dma_wait3A_229 = arith.constant 0 : i32
    %dma_wait3A_230 = tpu.memref_slice %arg3[%add3A_218, %dma_wait3A_229] : memref<8192x4096xf32, #tpu.memory_space<hbm>> -> memref<8x4096xf32, #tpu.memory_space<hbm>>
    %dma_wait3A_231 = arith.constant 0 : i32
    %dma_wait3A_232 = arith.constant 0 : i32
    %dma_wait3A_233 = tpu.memref_slice %arg4[%dma_wait3A_219, %dma_wait3A_231, %dma_wait3A_232] : memref<2x8x4096xf32, #tpu.memory_space<vmem>> -> memref<1x8x4096xf32, #tpu.memory_space<vmem>>
    %dma_wait3A_234 = tpu.memref_squeeze %dma_wait3A_233 : memref<1x8x4096xf32, #tpu.memory_space<vmem>> -> memref<8x4096xf32, #tpu.memory_space<vmem>>
    tpu.wait_dma2 semaphore(%dma_wait3A_228 : memref<!tpu.dma_semaphore, #tpu.memory_space<semaphore_mem>>) src(%dma_wait3A_234 : memref<8x4096xf32, #tpu.memory_space<vmem>>) dst(%dma_wait3A_230 : memref<8x4096xf32, #tpu.memory_space<hbm>>)
    %add3A_235 = arith.constant 32 : i32
    %add3A_236 = arith.addi %mul3A_2, %add3A_235 : i32
    %dma_start3A_237 = arith.constant 0 : i32
    %dma_start3A_238 = arith.constant 0 : i32
    %dma_start3A_239 = arith.constant 0 : i32
    %dma_start3A_240 = arith.constant 0 : i32
    %dma_start3A_241 = tpu.memref_slice %arg4[%dma_start3A_237, %dma_start3A_239, %dma_start3A_240] : memref<2x8x4096xf32, #tpu.memory_space<vmem>> -> memref<1x8x4096xf32, #tpu.memory_space<vmem>>
    %dma_start3A_242 = tpu.memref_squeeze %dma_start3A_241 : memref<1x8x4096xf32, #tpu.memory_space<vmem>> -> memref<8x4096xf32, #tpu.memory_space<vmem>>
    %dma_start3A_243 = arith.constant 0 : i32
    %dma_start3A_244 = tpu.memref_slice %arg2[%add3A_236, %dma_start3A_243] : memref<8192x4096xf32, #tpu.memory_space<hbm>> -> memref<8x4096xf32, #tpu.memory_space<hbm>>
    %dma_start3A_245 = tpu.memref_slice %arg5[%dma_start3A_238] : memref<2x!tpu.dma_semaphore, #tpu.memory_space<semaphore_mem>> -> memref<1x!tpu.dma_semaphore, #tpu.memory_space<semaphore_mem>>
    %dma_start3A_246 = tpu.memref_squeeze %dma_start3A_245 : memref<1x!tpu.dma_semaphore, #tpu.memory_space<semaphore_mem>> -> memref<!tpu.dma_semaphore, #tpu.memory_space<semaphore_mem>>
    %dma_start3A_247 = arith.constant 0 : i32
    %dma_start3A_248 = arith.constant 0 : i32
    %dma_start3A_249 = tpu.memref_slice %arg4[%dma_start3A_237, %dma_start3A_247, %dma_start3A_248] : memref<2x8x4096xf32, #tpu.memory_space<vmem>> -> memref<1x8x4096xf32, #tpu.memory_space<vmem>>
    %dma_start3A_250 = tpu.memref_squeeze %dma_start3A_249 : memref<1x8x4096xf32, #tpu.memory_space<vmem>> -> memref<8x4096xf32, #tpu.memory_space<vmem>>
    %dma_start3A_251 = arith.constant 0 : i32
    %dma_start3A_252 = tpu.memref_slice %arg2[%add3A_236, %dma_start3A_251] : memref<8192x4096xf32, #tpu.memory_space<hbm>> -> memref<8x4096xf32, #tpu.memory_space<hbm>>
    tpu.enqueue_dma source(%dma_start3A_252 : memref<8x4096xf32, #tpu.memory_space<hbm>>) target(%dma_start3A_250 : memref<8x4096xf32, #tpu.memory_space<vmem>>) target_semaphore(%dma_start3A_246 : memref<!tpu.dma_semaphore, #tpu.memory_space<semaphore_mem>>)
    %add3A_253 = arith.constant 24 : i32
    %add3A_254 = arith.addi %mul3A_2, %add3A_253 : i32
    %dma_wait3A_255 = arith.constant 1 : i32
    %dma_wait3A_256 = arith.constant 1 : i32
    %dma_wait3A_257 = arith.constant 0 : i32
    %dma_wait3A_258 = arith.constant 0 : i32
    %dma_wait3A_259 = tpu.memref_slice %arg4[%dma_wait3A_255, %dma_wait3A_257, %dma_wait3A_258] : memref<2x8x4096xf32, #tpu.memory_space<vmem>> -> memref<1x8x4096xf32, #tpu.memory_space<vmem>>
    %dma_wait3A_260 = tpu.memref_squeeze %dma_wait3A_259 : memref<1x8x4096xf32, #tpu.memory_space<vmem>> -> memref<8x4096xf32, #tpu.memory_space<vmem>>
    %dma_wait3A_261 = arith.constant 0 : i32
    %dma_wait3A_262 = tpu.memref_slice %arg2[%add3A_254, %dma_wait3A_261] : memref<8192x4096xf32, #tpu.memory_space<hbm>> -> memref<8x4096xf32, #tpu.memory_space<hbm>>
    %dma_wait3A_263 = tpu.memref_slice %arg5[%dma_wait3A_256] : memref<2x!tpu.dma_semaphore, #tpu.memory_space<semaphore_mem>> -> memref<1x!tpu.dma_semaphore, #tpu.memory_space<semaphore_mem>>
    %dma_wait3A_264 = tpu.memref_squeeze %dma_wait3A_263 : memref<1x!tpu.dma_semaphore, #tpu.memory_space<semaphore_mem>> -> memref<!tpu.dma_semaphore, #tpu.memory_space<semaphore_mem>>
    %dma_wait3A_265 = arith.constant 0 : i32
    %dma_wait3A_266 = arith.constant 0 : i32
    %dma_wait3A_267 = tpu.memref_slice %arg4[%dma_wait3A_255, %dma_wait3A_265, %dma_wait3A_266] : memref<2x8x4096xf32, #tpu.memory_space<vmem>> -> memref<1x8x4096xf32, #tpu.memory_space<vmem>>
    %dma_wait3A_268 = tpu.memref_squeeze %dma_wait3A_267 : memref<1x8x4096xf32, #tpu.memory_space<vmem>> -> memref<8x4096xf32, #tpu.memory_space<vmem>>
    %dma_wait3A_269 = arith.constant 0 : i32
    %dma_wait3A_270 = tpu.memref_slice %arg2[%add3A_254, %dma_wait3A_269] : memref<8192x4096xf32, #tpu.memory_space<hbm>> -> memref<8x4096xf32, #tpu.memory_space<hbm>>
    tpu.wait_dma2 semaphore(%dma_wait3A_264 : memref<!tpu.dma_semaphore, #tpu.memory_space<semaphore_mem>>) src(%dma_wait3A_270 : memref<8x4096xf32, #tpu.memory_space<hbm>>) dst(%dma_wait3A_268 : memref<8x4096xf32, #tpu.memory_space<vmem>>)
    %add3A_271 = arith.constant 24 : i32
    %add3A_272 = arith.addi %mul3A_2, %add3A_271 : i32
    %dma_start3A_273 = arith.constant 1 : i32
    %dma_start3A_274 = arith.constant 1 : i32
    %dma_start3A_275 = arith.constant 0 : i32
    %dma_start3A_276 = arith.constant 0 : i32
    %dma_start3A_277 = tpu.memref_slice %arg4[%dma_start3A_273, %dma_start3A_275, %dma_start3A_276] : memref<2x8x4096xf32, #tpu.memory_space<vmem>> -> memref<1x8x4096xf32, #tpu.memory_space<vmem>>
    %dma_start3A_278 = tpu.memref_squeeze %dma_start3A_277 : memref<1x8x4096xf32, #tpu.memory_space<vmem>> -> memref<8x4096xf32, #tpu.memory_space<vmem>>
    %dma_start3A_279 = arith.constant 0 : i32
    %dma_start3A_280 = tpu.memref_slice %arg3[%add3A_272, %dma_start3A_279] : memref<8192x4096xf32, #tpu.memory_space<hbm>> -> memref<8x4096xf32, #tpu.memory_space<hbm>>
    %dma_start3A_281 = tpu.memref_slice %arg6[%dma_start3A_274] : memref<2x!tpu.dma_semaphore, #tpu.memory_space<semaphore_mem>> -> memref<1x!tpu.dma_semaphore, #tpu.memory_space<semaphore_mem>>
    %dma_start3A_282 = tpu.memref_squeeze %dma_start3A_281 : memref<1x!tpu.dma_semaphore, #tpu.memory_space<semaphore_mem>> -> memref<!tpu.dma_semaphore, #tpu.memory_space<semaphore_mem>>
    %dma_start3A_283 = arith.constant 0 : i32
    %dma_start3A_284 = tpu.memref_slice %arg3[%add3A_272, %dma_start3A_283] : memref<8192x4096xf32, #tpu.memory_space<hbm>> -> memref<8x4096xf32, #tpu.memory_space<hbm>>
    %dma_start3A_285 = arith.constant 0 : i32
    %dma_start3A_286 = arith.constant 0 : i32
    %dma_start3A_287 = tpu.memref_slice %arg4[%dma_start3A_273, %dma_start3A_285, %dma_start3A_286] : memref<2x8x4096xf32, #tpu.memory_space<vmem>> -> memref<1x8x4096xf32, #tpu.memory_space<vmem>>
    %dma_start3A_288 = tpu.memref_squeeze %dma_start3A_287 : memref<1x8x4096xf32, #tpu.memory_space<vmem>> -> memref<8x4096xf32, #tpu.memory_space<vmem>>
    tpu.enqueue_dma source(%dma_start3A_288 : memref<8x4096xf32, #tpu.memory_space<vmem>>) target(%dma_start3A_284 : memref<8x4096xf32, #tpu.memory_space<hbm>>) target_semaphore(%dma_start3A_282 : memref<!tpu.dma_semaphore, #tpu.memory_space<semaphore_mem>>)
    %add3A_289 = arith.constant 24 : i32
    %add3A_290 = arith.addi %mul3A_2, %add3A_289 : i32
    %dma_wait3A_291 = arith.constant 1 : i32
    %dma_wait3A_292 = arith.constant 1 : i32
    %dma_wait3A_293 = arith.constant 0 : i32
    %dma_wait3A_294 = arith.constant 0 : i32
    %dma_wait3A_295 = tpu.memref_slice %arg4[%dma_wait3A_291, %dma_wait3A_293, %dma_wait3A_294] : memref<2x8x4096xf32, #tpu.memory_space<vmem>> -> memref<1x8x4096xf32, #tpu.memory_space<vmem>>
    %dma_wait3A_296 = tpu.memref_squeeze %dma_wait3A_295 : memref<1x8x4096xf32, #tpu.memory_space<vmem>> -> memref<8x4096xf32, #tpu.memory_space<vmem>>
    %dma_wait3A_297 = arith.constant 0 : i32
    %dma_wait3A_298 = tpu.memref_slice %arg3[%add3A_290, %dma_wait3A_297] : memref<8192x4096xf32, #tpu.memory_space<hbm>> -> memref<8x4096xf32, #tpu.memory_space<hbm>>
    %dma_wait3A_299 = tpu.memref_slice %arg6[%dma_wait3A_292] : memref<2x!tpu.dma_semaphore, #tpu.memory_space<semaphore_mem>> -> memref<1x!tpu.dma_semaphore, #tpu.memory_space<semaphore_mem>>
    %dma_wait3A_300 = tpu.memref_squeeze %dma_wait3A_299 : memref<1x!tpu.dma_semaphore, #tpu.memory_space<semaphore_mem>> -> memref<!tpu.dma_semaphore, #tpu.memory_space<semaphore_mem>>
    %dma_wait3A_301 = arith.constant 0 : i32
    %dma_wait3A_302 = tpu.memref_slice %arg3[%add3A_290, %dma_wait3A_301] : memref<8192x4096xf32, #tpu.memory_space<hbm>> -> memref<8x4096xf32, #tpu.memory_space<hbm>>
    %dma_wait3A_303 = arith.constant 0 : i32
    %dma_wait3A_304 = arith.constant 0 : i32
    %dma_wait3A_305 = tpu.memref_slice %arg4[%dma_wait3A_291, %dma_wait3A_303, %dma_wait3A_304] : memref<2x8x4096xf32, #tpu.memory_space<vmem>> -> memref<1x8x4096xf32, #tpu.memory_space<vmem>>
    %dma_wait3A_306 = tpu.memref_squeeze %dma_wait3A_305 : memref<1x8x4096xf32, #tpu.memory_space<vmem>> -> memref<8x4096xf32, #tpu.memory_space<vmem>>
    tpu.wait_dma2 semaphore(%dma_wait3A_300 : memref<!tpu.dma_semaphore, #tpu.memory_space<semaphore_mem>>) src(%dma_wait3A_306 : memref<8x4096xf32, #tpu.memory_space<vmem>>) dst(%dma_wait3A_302 : memref<8x4096xf32, #tpu.memory_space<hbm>>)
    %add3A_307 = arith.constant 40 : i32
    %add3A_308 = arith.addi %mul3A_2, %add3A_307 : i32
    %dma_start3A_309 = arith.constant 1 : i32
    %dma_start3A_310 = arith.constant 1 : i32
    %dma_start3A_311 = arith.constant 0 : i32
    %dma_start3A_312 = arith.constant 0 : i32
    %dma_start3A_313 = tpu.memref_slice %arg4[%dma_start3A_309, %dma_start3A_311, %dma_start3A_312] : memref<2x8x4096xf32, #tpu.memory_space<vmem>> -> memref<1x8x4096xf32, #tpu.memory_space<vmem>>
    %dma_start3A_314 = tpu.memref_squeeze %dma_start3A_313 : memref<1x8x4096xf32, #tpu.memory_space<vmem>> -> memref<8x4096xf32, #tpu.memory_space<vmem>>
    %dma_start3A_315 = arith.constant 0 : i32
    %dma_start3A_316 = tpu.memref_slice %arg2[%add3A_308, %dma_start3A_315] : memref<8192x4096xf32, #tpu.memory_space<hbm>> -> memref<8x4096xf32, #tpu.memory_space<hbm>>
    %dma_start3A_317 = tpu.memref_slice %arg5[%dma_start3A_310] : memref<2x!tpu.dma_semaphore, #tpu.memory_space<semaphore_mem>> -> memref<1x!tpu.dma_semaphore, #tpu.memory_space<semaphore_mem>>
    %dma_start3A_318 = tpu.memref_squeeze %dma_start3A_317 : memref<1x!tpu.dma_semaphore, #tpu.memory_space<semaphore_mem>> -> memref<!tpu.dma_semaphore, #tpu.memory_space<semaphore_mem>>
    %dma_start3A_319 = arith.constant 0 : i32
    %dma_start3A_320 = arith.constant 0 : i32
    %dma_start3A_321 = tpu.memref_slice %arg4[%dma_start3A_309, %dma_start3A_319, %dma_start3A_320] : memref<2x8x4096xf32, #tpu.memory_space<vmem>> -> memref<1x8x4096xf32, #tpu.memory_space<vmem>>
    %dma_start3A_322 = tpu.memref_squeeze %dma_start3A_321 : memref<1x8x4096xf32, #tpu.memory_space<vmem>> -> memref<8x4096xf32, #tpu.memory_space<vmem>>
    %dma_start3A_323 = arith.constant 0 : i32
    %dma_start3A_324 = tpu.memref_slice %arg2[%add3A_308, %dma_start3A_323] : memref<8192x4096xf32, #tpu.memory_space<hbm>> -> memref<8x4096xf32, #tpu.memory_space<hbm>>
    tpu.enqueue_dma source(%dma_start3A_324 : memref<8x4096xf32, #tpu.memory_space<hbm>>) target(%dma_start3A_322 : memref<8x4096xf32, #tpu.memory_space<vmem>>) target_semaphore(%dma_start3A_318 : memref<!tpu.dma_semaphore, #tpu.memory_space<semaphore_mem>>)
    %add3A_325 = arith.constant 32 : i32
    %add3A_326 = arith.addi %mul3A_2, %add3A_325 : i32
    %dma_wait3A_327 = arith.constant 0 : i32
    %dma_wait3A_328 = arith.constant 0 : i32
    %dma_wait3A_329 = arith.constant 0 : i32
    %dma_wait3A_330 = arith.constant 0 : i32
    %dma_wait3A_331 = tpu.memref_slice %arg4[%dma_wait3A_327, %dma_wait3A_329, %dma_wait3A_330] : memref<2x8x4096xf32, #tpu.memory_space<vmem>> -> memref<1x8x4096xf32, #tpu.memory_space<vmem>>
    %dma_wait3A_332 = tpu.memref_squeeze %dma_wait3A_331 : memref<1x8x4096xf32, #tpu.memory_space<vmem>> -> memref<8x4096xf32, #tpu.memory_space<vmem>>
    %dma_wait3A_333 = arith.constant 0 : i32
    %dma_wait3A_334 = tpu.memref_slice %arg2[%add3A_326, %dma_wait3A_333] : memref<8192x4096xf32, #tpu.memory_space<hbm>> -> memref<8x4096xf32, #tpu.memory_space<hbm>>
    %dma_wait3A_335 = tpu.memref_slice %arg5[%dma_wait3A_328] : memref<2x!tpu.dma_semaphore, #tpu.memory_space<semaphore_mem>> -> memref<1x!tpu.dma_semaphore, #tpu.memory_space<semaphore_mem>>
    %dma_wait3A_336 = tpu.memref_squeeze %dma_wait3A_335 : memref<1x!tpu.dma_semaphore, #tpu.memory_space<semaphore_mem>> -> memref<!tpu.dma_semaphore, #tpu.memory_space<semaphore_mem>>
    %dma_wait3A_337 = arith.constant 0 : i32
    %dma_wait3A_338 = arith.constant 0 : i32
    %dma_wait3A_339 = tpu.memref_slice %arg4[%dma_wait3A_327, %dma_wait3A_337, %dma_wait3A_338] : memref<2x8x4096xf32, #tpu.memory_space<vmem>> -> memref<1x8x4096xf32, #tpu.memory_space<vmem>>
    %dma_wait3A_340 = tpu.memref_squeeze %dma_wait3A_339 : memref<1x8x4096xf32, #tpu.memory_space<vmem>> -> memref<8x4096xf32, #tpu.memory_space<vmem>>
    %dma_wait3A_341 = arith.constant 0 : i32
    %dma_wait3A_342 = tpu.memref_slice %arg2[%add3A_326, %dma_wait3A_341] : memref<8192x4096xf32, #tpu.memory_space<hbm>> -> memref<8x4096xf32, #tpu.memory_space<hbm>>
    tpu.wait_dma2 semaphore(%dma_wait3A_336 : memref<!tpu.dma_semaphore, #tpu.memory_space<semaphore_mem>>) src(%dma_wait3A_342 : memref<8x4096xf32, #tpu.memory_space<hbm>>) dst(%dma_wait3A_340 : memref<8x4096xf32, #tpu.memory_space<vmem>>)
    %add3A_343 = arith.constant 32 : i32
    %add3A_344 = arith.addi %mul3A_2, %add3A_343 : i32
    %dma_start3A_345 = arith.constant 0 : i32
    %dma_start3A_346 = arith.constant 0 : i32
    %dma_start3A_347 = arith.constant 0 : i32
    %dma_start3A_348 = arith.constant 0 : i32
    %dma_start3A_349 = tpu.memref_slice %arg4[%dma_start3A_345, %dma_start3A_347, %dma_start3A_348] : memref<2x8x4096xf32, #tpu.memory_space<vmem>> -> memref<1x8x4096xf32, #tpu.memory_space<vmem>>
    %dma_start3A_350 = tpu.memref_squeeze %dma_start3A_349 : memref<1x8x4096xf32, #tpu.memory_space<vmem>> -> memref<8x4096xf32, #tpu.memory_space<vmem>>
    %dma_start3A_351 = arith.constant 0 : i32
    %dma_start3A_352 = tpu.memref_slice %arg3[%add3A_344, %dma_start3A_351] : memref<8192x4096xf32, #tpu.memory_space<hbm>> -> memref<8x4096xf32, #tpu.memory_space<hbm>>
    %dma_start3A_353 = tpu.memref_slice %arg6[%dma_start3A_346] : memref<2x!tpu.dma_semaphore, #tpu.memory_space<semaphore_mem>> -> memref<1x!tpu.dma_semaphore, #tpu.memory_space<semaphore_mem>>
    %dma_start3A_354 = tpu.memref_squeeze %dma_start3A_353 : memref<1x!tpu.dma_semaphore, #tpu.memory_space<semaphore_mem>> -> memref<!tpu.dma_semaphore, #tpu.memory_space<semaphore_mem>>
    %dma_start3A_355 = arith.constant 0 : i32
    %dma_start3A_356 = tpu.memref_slice %arg3[%add3A_344, %dma_start3A_355] : memref<8192x4096xf32, #tpu.memory_space<hbm>> -> memref<8x4096xf32, #tpu.memory_space<hbm>>
    %dma_start3A_357 = arith.constant 0 : i32
    %dma_start3A_358 = arith.constant 0 : i32
    %dma_start3A_359 = tpu.memref_slice %arg4[%dma_start3A_345, %dma_start3A_357, %dma_start3A_358] : memref<2x8x4096xf32, #tpu.memory_space<vmem>> -> memref<1x8x4096xf32, #tpu.memory_space<vmem>>
    %dma_start3A_360 = tpu.memref_squeeze %dma_start3A_359 : memref<1x8x4096xf32, #tpu.memory_space<vmem>> -> memref<8x4096xf32, #tpu.memory_space<vmem>>
    tpu.enqueue_dma source(%dma_start3A_360 : memref<8x4096xf32, #tpu.memory_space<vmem>>) target(%dma_start3A_356 : memref<8x4096xf32, #tpu.memory_space<hbm>>) target_semaphore(%dma_start3A_354 : memref<!tpu.dma_semaphore, #tpu.memory_space<semaphore_mem>>)
    %add3A_361 = arith.constant 32 : i32
    %add3A_362 = arith.addi %mul3A_2, %add3A_361 : i32
    %dma_wait3A_363 = arith.constant 0 : i32
    %dma_wait3A_364 = arith.constant 0 : i32
    %dma_wait3A_365 = arith.constant 0 : i32
    %dma_wait3A_366 = arith.constant 0 : i32
    %dma_wait3A_367 = tpu.memref_slice %arg4[%dma_wait3A_363, %dma_wait3A_365, %dma_wait3A_366] : memref<2x8x4096xf32, #tpu.memory_space<vmem>> -> memref<1x8x4096xf32, #tpu.memory_space<vmem>>
    %dma_wait3A_368 = tpu.memref_squeeze %dma_wait3A_367 : memref<1x8x4096xf32, #tpu.memory_space<vmem>> -> memref<8x4096xf32, #tpu.memory_space<vmem>>
    %dma_wait3A_369 = arith.constant 0 : i32
    %dma_wait3A_370 = tpu.memref_slice %arg3[%add3A_362, %dma_wait3A_369] : memref<8192x4096xf32, #tpu.memory_space<hbm>> -> memref<8x4096xf32, #tpu.memory_space<hbm>>
    %dma_wait3A_371 = tpu.memref_slice %arg6[%dma_wait3A_364] : memref<2x!tpu.dma_semaphore, #tpu.memory_space<semaphore_mem>> -> memref<1x!tpu.dma_semaphore, #tpu.memory_space<semaphore_mem>>
    %dma_wait3A_372 = tpu.memref_squeeze %dma_wait3A_371 : memref<1x!tpu.dma_semaphore, #tpu.memory_space<semaphore_mem>> -> memref<!tpu.dma_semaphore, #tpu.memory_space<semaphore_mem>>
    %dma_wait3A_373 = arith.constant 0 : i32
    %dma_wait3A_374 = tpu.memref_slice %arg3[%add3A_362, %dma_wait3A_373] : memref<8192x4096xf32, #tpu.memory_space<hbm>> -> memref<8x4096xf32, #tpu.memory_space<hbm>>
    %dma_wait3A_375 = arith.constant 0 : i32
    %dma_wait3A_376 = arith.constant 0 : i32
    %dma_wait3A_377 = tpu.memref_slice %arg4[%dma_wait3A_363, %dma_wait3A_375, %dma_wait3A_376] : memref<2x8x4096xf32, #tpu.memory_space<vmem>> -> memref<1x8x4096xf32, #tpu.memory_space<vmem>>
    %dma_wait3A_378 = tpu.memref_squeeze %dma_wait3A_377 : memref<1x8x4096xf32, #tpu.memory_space<vmem>> -> memref<8x4096xf32, #tpu.memory_space<vmem>>
    tpu.wait_dma2 semaphore(%dma_wait3A_372 : memref<!tpu.dma_semaphore, #tpu.memory_space<semaphore_mem>>) src(%dma_wait3A_378 : memref<8x4096xf32, #tpu.memory_space<vmem>>) dst(%dma_wait3A_374 : memref<8x4096xf32, #tpu.memory_space<hbm>>)
    %add3A_379 = arith.constant 48 : i32
    %add3A_380 = arith.addi %mul3A_2, %add3A_379 : i32
    %dma_start3A_381 = arith.constant 0 : i32
    %dma_start3A_382 = arith.constant 0 : i32
    %dma_start3A_383 = arith.constant 0 : i32
    %dma_start3A_384 = arith.constant 0 : i32
    %dma_start3A_385 = tpu.memref_slice %arg4[%dma_start3A_381, %dma_start3A_383, %dma_start3A_384] : memref<2x8x4096xf32, #tpu.memory_space<vmem>> -> memref<1x8x4096xf32, #tpu.memory_space<vmem>>
    %dma_start3A_386 = tpu.memref_squeeze %dma_start3A_385 : memref<1x8x4096xf32, #tpu.memory_space<vmem>> -> memref<8x4096xf32, #tpu.memory_space<vmem>>
    %dma_start3A_387 = arith.constant 0 : i32
    %dma_start3A_388 = tpu.memref_slice %arg2[%add3A_380, %dma_start3A_387] : memref<8192x4096xf32, #tpu.memory_space<hbm>> -> memref<8x4096xf32, #tpu.memory_space<hbm>>
    %dma_start3A_389 = tpu.memref_slice %arg5[%dma_start3A_382] : memref<2x!tpu.dma_semaphore, #tpu.memory_space<semaphore_mem>> -> memref<1x!tpu.dma_semaphore, #tpu.memory_space<semaphore_mem>>
    %dma_start3A_390 = tpu.memref_squeeze %dma_start3A_389 : memref<1x!tpu.dma_semaphore, #tpu.memory_space<semaphore_mem>> -> memref<!tpu.dma_semaphore, #tpu.memory_space<semaphore_mem>>
    %dma_start3A_391 = arith.constant 0 : i32
    %dma_start3A_392 = arith.constant 0 : i32
    %dma_start3A_393 = tpu.memref_slice %arg4[%dma_start3A_381, %dma_start3A_391, %dma_start3A_392] : memref<2x8x4096xf32, #tpu.memory_space<vmem>> -> memref<1x8x4096xf32, #tpu.memory_space<vmem>>
    %dma_start3A_394 = tpu.memref_squeeze %dma_start3A_393 : memref<1x8x4096xf32, #tpu.memory_space<vmem>> -> memref<8x4096xf32, #tpu.memory_space<vmem>>
    %dma_start3A_395 = arith.constant 0 : i32
    %dma_start3A_396 = tpu.memref_slice %arg2[%add3A_380, %dma_start3A_395] : memref<8192x4096xf32, #tpu.memory_space<hbm>> -> memref<8x4096xf32, #tpu.memory_space<hbm>>
    tpu.enqueue_dma source(%dma_start3A_396 : memref<8x4096xf32, #tpu.memory_space<hbm>>) target(%dma_start3A_394 : memref<8x4096xf32, #tpu.memory_space<vmem>>) target_semaphore(%dma_start3A_390 : memref<!tpu.dma_semaphore, #tpu.memory_space<semaphore_mem>>)
    %add3A_397 = arith.constant 40 : i32
    %add3A_398 = arith.addi %mul3A_2, %add3A_397 : i32
    %dma_wait3A_399 = arith.constant 1 : i32
    %dma_wait3A_400 = arith.constant 1 : i32
    %dma_wait3A_401 = arith.constant 0 : i32
    %dma_wait3A_402 = arith.constant 0 : i32
    %dma_wait3A_403 = tpu.memref_slice %arg4[%dma_wait3A_399, %dma_wait3A_401, %dma_wait3A_402] : memref<2x8x4096xf32, #tpu.memory_space<vmem>> -> memref<1x8x4096xf32, #tpu.memory_space<vmem>>
    %dma_wait3A_404 = tpu.memref_squeeze %dma_wait3A_403 : memref<1x8x4096xf32, #tpu.memory_space<vmem>> -> memref<8x4096xf32, #tpu.memory_space<vmem>>
    %dma_wait3A_405 = arith.constant 0 : i32
    %dma_wait3A_406 = tpu.memref_slice %arg2[%add3A_398, %dma_wait3A_405] : memref<8192x4096xf32, #tpu.memory_space<hbm>> -> memref<8x4096xf32, #tpu.memory_space<hbm>>
    %dma_wait3A_407 = tpu.memref_slice %arg5[%dma_wait3A_400] : memref<2x!tpu.dma_semaphore, #tpu.memory_space<semaphore_mem>> -> memref<1x!tpu.dma_semaphore, #tpu.memory_space<semaphore_mem>>
    %dma_wait3A_408 = tpu.memref_squeeze %dma_wait3A_407 : memref<1x!tpu.dma_semaphore, #tpu.memory_space<semaphore_mem>> -> memref<!tpu.dma_semaphore, #tpu.memory_space<semaphore_mem>>
    %dma_wait3A_409 = arith.constant 0 : i32
    %dma_wait3A_410 = arith.constant 0 : i32
    %dma_wait3A_411 = tpu.memref_slice %arg4[%dma_wait3A_399, %dma_wait3A_409, %dma_wait3A_410] : memref<2x8x4096xf32, #tpu.memory_space<vmem>> -> memref<1x8x4096xf32, #tpu.memory_space<vmem>>
    %dma_wait3A_412 = tpu.memref_squeeze %dma_wait3A_411 : memref<1x8x4096xf32, #tpu.memory_space<vmem>> -> memref<8x4096xf32, #tpu.memory_space<vmem>>
    %dma_wait3A_413 = arith.constant 0 : i32
    %dma_wait3A_414 = tpu.memref_slice %arg2[%add3A_398, %dma_wait3A_413] : memref<8192x4096xf32, #tpu.memory_space<hbm>> -> memref<8x4096xf32, #tpu.memory_space<hbm>>
    tpu.wait_dma2 semaphore(%dma_wait3A_408 : memref<!tpu.dma_semaphore, #tpu.memory_space<semaphore_mem>>) src(%dma_wait3A_414 : memref<8x4096xf32, #tpu.memory_space<hbm>>) dst(%dma_wait3A_412 : memref<8x4096xf32, #tpu.memory_space<vmem>>)
    %add3A_415 = arith.constant 40 : i32
    %add3A_416 = arith.addi %mul3A_2, %add3A_415 : i32
    %dma_start3A_417 = arith.constant 1 : i32
    %dma_start3A_418 = arith.constant 1 : i32
    %dma_start3A_419 = arith.constant 0 : i32
    %dma_start3A_420 = arith.constant 0 : i32
    %dma_start3A_421 = tpu.memref_slice %arg4[%dma_start3A_417, %dma_start3A_419, %dma_start3A_420] : memref<2x8x4096xf32, #tpu.memory_space<vmem>> -> memref<1x8x4096xf32, #tpu.memory_space<vmem>>
    %dma_start3A_422 = tpu.memref_squeeze %dma_start3A_421 : memref<1x8x4096xf32, #tpu.memory_space<vmem>> -> memref<8x4096xf32, #tpu.memory_space<vmem>>
    %dma_start3A_423 = arith.constant 0 : i32
    %dma_start3A_424 = tpu.memref_slice %arg3[%add3A_416, %dma_start3A_423] : memref<8192x4096xf32, #tpu.memory_space<hbm>> -> memref<8x4096xf32, #tpu.memory_space<hbm>>
    %dma_start3A_425 = tpu.memref_slice %arg6[%dma_start3A_418] : memref<2x!tpu.dma_semaphore, #tpu.memory_space<semaphore_mem>> -> memref<1x!tpu.dma_semaphore, #tpu.memory_space<semaphore_mem>>
    %dma_start3A_426 = tpu.memref_squeeze %dma_start3A_425 : memref<1x!tpu.dma_semaphore, #tpu.memory_space<semaphore_mem>> -> memref<!tpu.dma_semaphore, #tpu.memory_space<semaphore_mem>>
    %dma_start3A_427 = arith.constant 0 : i32
    %dma_start3A_428 = tpu.memref_slice %arg3[%add3A_416, %dma_start3A_427] : memref<8192x4096xf32, #tpu.memory_space<hbm>> -> memref<8x4096xf32, #tpu.memory_space<hbm>>
    %dma_start3A_429 = arith.constant 0 : i32
    %dma_start3A_430 = arith.constant 0 : i32
    %dma_start3A_431 = tpu.memref_slice %arg4[%dma_start3A_417, %dma_start3A_429, %dma_start3A_430] : memref<2x8x4096xf32, #tpu.memory_space<vmem>> -> memref<1x8x4096xf32, #tpu.memory_space<vmem>>
    %dma_start3A_432 = tpu.memref_squeeze %dma_start3A_431 : memref<1x8x4096xf32, #tpu.memory_space<vmem>> -> memref<8x4096xf32, #tpu.memory_space<vmem>>
    tpu.enqueue_dma source(%dma_start3A_432 : memref<8x4096xf32, #tpu.memory_space<vmem>>) target(%dma_start3A_428 : memref<8x4096xf32, #tpu.memory_space<hbm>>) target_semaphore(%dma_start3A_426 : memref<!tpu.dma_semaphore, #tpu.memory_space<semaphore_mem>>)
    %add3A_433 = arith.constant 40 : i32
    %add3A_434 = arith.addi %mul3A_2, %add3A_433 : i32
    %dma_wait3A_435 = arith.constant 1 : i32
    %dma_wait3A_436 = arith.constant 1 : i32
    %dma_wait3A_437 = arith.constant 0 : i32
    %dma_wait3A_438 = arith.constant 0 : i32
    %dma_wait3A_439 = tpu.memref_slice %arg4[%dma_wait3A_435, %dma_wait3A_437, %dma_wait3A_438] : memref<2x8x4096xf32, #tpu.memory_space<vmem>> -> memref<1x8x4096xf32, #tpu.memory_space<vmem>>
    %dma_wait3A_440 = tpu.memref_squeeze %dma_wait3A_439 : memref<1x8x4096xf32, #tpu.memory_space<vmem>> -> memref<8x4096xf32, #tpu.memory_space<vmem>>
    %dma_wait3A_441 = arith.constant 0 : i32
    %dma_wait3A_442 = tpu.memref_slice %arg3[%add3A_434, %dma_wait3A_441] : memref<8192x4096xf32, #tpu.memory_space<hbm>> -> memref<8x4096xf32, #tpu.memory_space<hbm>>
    %dma_wait3A_443 = tpu.memref_slice %arg6[%dma_wait3A_436] : memref<2x!tpu.dma_semaphore, #tpu.memory_space<semaphore_mem>> -> memref<1x!tpu.dma_semaphore, #tpu.memory_space<semaphore_mem>>
    %dma_wait3A_444 = tpu.memref_squeeze %dma_wait3A_443 : memref<1x!tpu.dma_semaphore, #tpu.memory_space<semaphore_mem>> -> memref<!tpu.dma_semaphore, #tpu.memory_space<semaphore_mem>>
    %dma_wait3A_445 = arith.constant 0 : i32
    %dma_wait3A_446 = tpu.memref_slice %arg3[%add3A_434, %dma_wait3A_445] : memref<8192x4096xf32, #tpu.memory_space<hbm>> -> memref<8x4096xf32, #tpu.memory_space<hbm>>
    %dma_wait3A_447 = arith.constant 0 : i32
    %dma_wait3A_448 = arith.constant 0 : i32
    %dma_wait3A_449 = tpu.memref_slice %arg4[%dma_wait3A_435, %dma_wait3A_447, %dma_wait3A_448] : memref<2x8x4096xf32, #tpu.memory_space<vmem>> -> memref<1x8x4096xf32, #tpu.memory_space<vmem>>
    %dma_wait3A_450 = tpu.memref_squeeze %dma_wait3A_449 : memref<1x8x4096xf32, #tpu.memory_space<vmem>> -> memref<8x4096xf32, #tpu.memory_space<vmem>>
    tpu.wait_dma2 semaphore(%dma_wait3A_444 : memref<!tpu.dma_semaphore, #tpu.memory_space<semaphore_mem>>) src(%dma_wait3A_450 : memref<8x4096xf32, #tpu.memory_space<vmem>>) dst(%dma_wait3A_446 : memref<8x4096xf32, #tpu.memory_space<hbm>>)
    %add3A_451 = arith.constant 56 : i32
    %add3A_452 = arith.addi %mul3A_2, %add3A_451 : i32
    %dma_start3A_453 = arith.constant 1 : i32
    %dma_start3A_454 = arith.constant 1 : i32
    %dma_start3A_455 = arith.constant 0 : i32
    %dma_start3A_456 = arith.constant 0 : i32
    %dma_start3A_457 = tpu.memref_slice %arg4[%dma_start3A_453, %dma_start3A_455, %dma_start3A_456] : memref<2x8x4096xf32, #tpu.memory_space<vmem>> -> memref<1x8x4096xf32, #tpu.memory_space<vmem>>
    %dma_start3A_458 = tpu.memref_squeeze %dma_start3A_457 : memref<1x8x4096xf32, #tpu.memory_space<vmem>> -> memref<8x4096xf32, #tpu.memory_space<vmem>>
    %dma_start3A_459 = arith.constant 0 : i32
    %dma_start3A_460 = tpu.memref_slice %arg2[%add3A_452, %dma_start3A_459] : memref<8192x4096xf32, #tpu.memory_space<hbm>> -> memref<8x4096xf32, #tpu.memory_space<hbm>>
    %dma_start3A_461 = tpu.memref_slice %arg5[%dma_start3A_454] : memref<2x!tpu.dma_semaphore, #tpu.memory_space<semaphore_mem>> -> memref<1x!tpu.dma_semaphore, #tpu.memory_space<semaphore_mem>>
    %dma_start3A_462 = tpu.memref_squeeze %dma_start3A_461 : memref<1x!tpu.dma_semaphore, #tpu.memory_space<semaphore_mem>> -> memref<!tpu.dma_semaphore, #tpu.memory_space<semaphore_mem>>
    %dma_start3A_463 = arith.constant 0 : i32
    %dma_start3A_464 = arith.constant 0 : i32
    %dma_start3A_465 = tpu.memref_slice %arg4[%dma_start3A_453, %dma_start3A_463, %dma_start3A_464] : memref<2x8x4096xf32, #tpu.memory_space<vmem>> -> memref<1x8x4096xf32, #tpu.memory_space<vmem>>
    %dma_start3A_466 = tpu.memref_squeeze %dma_start3A_465 : memref<1x8x4096xf32, #tpu.memory_space<vmem>> -> memref<8x4096xf32, #tpu.memory_space<vmem>>
    %dma_start3A_467 = arith.constant 0 : i32
    %dma_start3A_468 = tpu.memref_slice %arg2[%add3A_452, %dma_start3A_467] : memref<8192x4096xf32, #tpu.memory_space<hbm>> -> memref<8x4096xf32, #tpu.memory_space<hbm>>
    tpu.enqueue_dma source(%dma_start3A_468 : memref<8x4096xf32, #tpu.memory_space<hbm>>) target(%dma_start3A_466 : memref<8x4096xf32, #tpu.memory_space<vmem>>) target_semaphore(%dma_start3A_462 : memref<!tpu.dma_semaphore, #tpu.memory_space<semaphore_mem>>)
    %add3A_469 = arith.constant 48 : i32
    %add3A_470 = arith.addi %mul3A_2, %add3A_469 : i32
    %dma_wait3A_471 = arith.constant 0 : i32
    %dma_wait3A_472 = arith.constant 0 : i32
    %dma_wait3A_473 = arith.constant 0 : i32
    %dma_wait3A_474 = arith.constant 0 : i32
    %dma_wait3A_475 = tpu.memref_slice %arg4[%dma_wait3A_471, %dma_wait3A_473, %dma_wait3A_474] : memref<2x8x4096xf32, #tpu.memory_space<vmem>> -> memref<1x8x4096xf32, #tpu.memory_space<vmem>>
    %dma_wait3A_476 = tpu.memref_squeeze %dma_wait3A_475 : memref<1x8x4096xf32, #tpu.memory_space<vmem>> -> memref<8x4096xf32, #tpu.memory_space<vmem>>
    %dma_wait3A_477 = arith.constant 0 : i32
    %dma_wait3A_478 = tpu.memref_slice %arg2[%add3A_470, %dma_wait3A_477] : memref<8192x4096xf32, #tpu.memory_space<hbm>> -> memref<8x4096xf32, #tpu.memory_space<hbm>>
    %dma_wait3A_479 = tpu.memref_slice %arg5[%dma_wait3A_472] : memref<2x!tpu.dma_semaphore, #tpu.memory_space<semaphore_mem>> -> memref<1x!tpu.dma_semaphore, #tpu.memory_space<semaphore_mem>>
    %dma_wait3A_480 = tpu.memref_squeeze %dma_wait3A_479 : memref<1x!tpu.dma_semaphore, #tpu.memory_space<semaphore_mem>> -> memref<!tpu.dma_semaphore, #tpu.memory_space<semaphore_mem>>
    %dma_wait3A_481 = arith.constant 0 : i32
    %dma_wait3A_482 = arith.constant 0 : i32
    %dma_wait3A_483 = tpu.memref_slice %arg4[%dma_wait3A_471, %dma_wait3A_481, %dma_wait3A_482] : memref<2x8x4096xf32, #tpu.memory_space<vmem>> -> memref<1x8x4096xf32, #tpu.memory_space<vmem>>
    %dma_wait3A_484 = tpu.memref_squeeze %dma_wait3A_483 : memref<1x8x4096xf32, #tpu.memory_space<vmem>> -> memref<8x4096xf32, #tpu.memory_space<vmem>>
    %dma_wait3A_485 = arith.constant 0 : i32
    %dma_wait3A_486 = tpu.memref_slice %arg2[%add3A_470, %dma_wait3A_485] : memref<8192x4096xf32, #tpu.memory_space<hbm>> -> memref<8x4096xf32, #tpu.memory_space<hbm>>
    tpu.wait_dma2 semaphore(%dma_wait3A_480 : memref<!tpu.dma_semaphore, #tpu.memory_space<semaphore_mem>>) src(%dma_wait3A_486 : memref<8x4096xf32, #tpu.memory_space<hbm>>) dst(%dma_wait3A_484 : memref<8x4096xf32, #tpu.memory_space<vmem>>)
    %add3A_487 = arith.constant 48 : i32
    %add3A_488 = arith.addi %mul3A_2, %add3A_487 : i32
    %dma_start3A_489 = arith.constant 0 : i32
    %dma_start3A_490 = arith.constant 0 : i32
    %dma_start3A_491 = arith.constant 0 : i32
    %dma_start3A_492 = arith.constant 0 : i32
    %dma_start3A_493 = tpu.memref_slice %arg4[%dma_start3A_489, %dma_start3A_491, %dma_start3A_492] : memref<2x8x4096xf32, #tpu.memory_space<vmem>> -> memref<1x8x4096xf32, #tpu.memory_space<vmem>>
    %dma_start3A_494 = tpu.memref_squeeze %dma_start3A_493 : memref<1x8x4096xf32, #tpu.memory_space<vmem>> -> memref<8x4096xf32, #tpu.memory_space<vmem>>
    %dma_start3A_495 = arith.constant 0 : i32
    %dma_start3A_496 = tpu.memref_slice %arg3[%add3A_488, %dma_start3A_495] : memref<8192x4096xf32, #tpu.memory_space<hbm>> -> memref<8x4096xf32, #tpu.memory_space<hbm>>
    %dma_start3A_497 = tpu.memref_slice %arg6[%dma_start3A_490] : memref<2x!tpu.dma_semaphore, #tpu.memory_space<semaphore_mem>> -> memref<1x!tpu.dma_semaphore, #tpu.memory_space<semaphore_mem>>
    %dma_start3A_498 = tpu.memref_squeeze %dma_start3A_497 : memref<1x!tpu.dma_semaphore, #tpu.memory_space<semaphore_mem>> -> memref<!tpu.dma_semaphore, #tpu.memory_space<semaphore_mem>>
    %dma_start3A_499 = arith.constant 0 : i32
    %dma_start3A_500 = tpu.memref_slice %arg3[%add3A_488, %dma_start3A_499] : memref<8192x4096xf32, #tpu.memory_space<hbm>> -> memref<8x4096xf32, #tpu.memory_space<hbm>>
    %dma_start3A_501 = arith.constant 0 : i32
    %dma_start3A_502 = arith.constant 0 : i32
    %dma_start3A_503 = tpu.memref_slice %arg4[%dma_start3A_489, %dma_start3A_501, %dma_start3A_502] : memref<2x8x4096xf32, #tpu.memory_space<vmem>> -> memref<1x8x4096xf32, #tpu.memory_space<vmem>>
    %dma_start3A_504 = tpu.memref_squeeze %dma_start3A_503 : memref<1x8x4096xf32, #tpu.memory_space<vmem>> -> memref<8x4096xf32, #tpu.memory_space<vmem>>
    tpu.enqueue_dma source(%dma_start3A_504 : memref<8x4096xf32, #tpu.memory_space<vmem>>) target(%dma_start3A_500 : memref<8x4096xf32, #tpu.memory_space<hbm>>) target_semaphore(%dma_start3A_498 : memref<!tpu.dma_semaphore, #tpu.memory_space<semaphore_mem>>)
    %add3A_505 = arith.constant 48 : i32
    %add3A_506 = arith.addi %mul3A_2, %add3A_505 : i32
    %dma_wait3A_507 = arith.constant 0 : i32
    %dma_wait3A_508 = arith.constant 0 : i32
    %dma_wait3A_509 = arith.constant 0 : i32
    %dma_wait3A_510 = arith.constant 0 : i32
    %dma_wait3A_511 = tpu.memref_slice %arg4[%dma_wait3A_507, %dma_wait3A_509, %dma_wait3A_510] : memref<2x8x4096xf32, #tpu.memory_space<vmem>> -> memref<1x8x4096xf32, #tpu.memory_space<vmem>>
    %dma_wait3A_512 = tpu.memref_squeeze %dma_wait3A_511 : memref<1x8x4096xf32, #tpu.memory_space<vmem>> -> memref<8x4096xf32, #tpu.memory_space<vmem>>
    %dma_wait3A_513 = arith.constant 0 : i32
    %dma_wait3A_514 = tpu.memref_slice %arg3[%add3A_506, %dma_wait3A_513] : memref<8192x4096xf32, #tpu.memory_space<hbm>> -> memref<8x4096xf32, #tpu.memory_space<hbm>>
    %dma_wait3A_515 = tpu.memref_slice %arg6[%dma_wait3A_508] : memref<2x!tpu.dma_semaphore, #tpu.memory_space<semaphore_mem>> -> memref<1x!tpu.dma_semaphore, #tpu.memory_space<semaphore_mem>>
    %dma_wait3A_516 = tpu.memref_squeeze %dma_wait3A_515 : memref<1x!tpu.dma_semaphore, #tpu.memory_space<semaphore_mem>> -> memref<!tpu.dma_semaphore, #tpu.memory_space<semaphore_mem>>
    %dma_wait3A_517 = arith.constant 0 : i32
    %dma_wait3A_518 = tpu.memref_slice %arg3[%add3A_506, %dma_wait3A_517] : memref<8192x4096xf32, #tpu.memory_space<hbm>> -> memref<8x4096xf32, #tpu.memory_space<hbm>>
    %dma_wait3A_519 = arith.constant 0 : i32
    %dma_wait3A_520 = arith.constant 0 : i32
    %dma_wait3A_521 = tpu.memref_slice %arg4[%dma_wait3A_507, %dma_wait3A_519, %dma_wait3A_520] : memref<2x8x4096xf32, #tpu.memory_space<vmem>> -> memref<1x8x4096xf32, #tpu.memory_space<vmem>>
    %dma_wait3A_522 = tpu.memref_squeeze %dma_wait3A_521 : memref<1x8x4096xf32, #tpu.memory_space<vmem>> -> memref<8x4096xf32, #tpu.memory_space<vmem>>
    tpu.wait_dma2 semaphore(%dma_wait3A_516 : memref<!tpu.dma_semaphore, #tpu.memory_space<semaphore_mem>>) src(%dma_wait3A_522 : memref<8x4096xf32, #tpu.memory_space<vmem>>) dst(%dma_wait3A_518 : memref<8x4096xf32, #tpu.memory_space<hbm>>)
    %add3A_523 = arith.constant 64 : i32
    %add3A_524 = arith.addi %mul3A_2, %add3A_523 : i32
    %dma_start3A_525 = arith.constant 0 : i32
    %dma_start3A_526 = arith.constant 0 : i32
    %dma_start3A_527 = arith.constant 0 : i32
    %dma_start3A_528 = arith.constant 0 : i32
    %dma_start3A_529 = tpu.memref_slice %arg4[%dma_start3A_525, %dma_start3A_527, %dma_start3A_528] : memref<2x8x4096xf32, #tpu.memory_space<vmem>> -> memref<1x8x4096xf32, #tpu.memory_space<vmem>>
    %dma_start3A_530 = tpu.memref_squeeze %dma_start3A_529 : memref<1x8x4096xf32, #tpu.memory_space<vmem>> -> memref<8x4096xf32, #tpu.memory_space<vmem>>
    %dma_start3A_531 = arith.constant 0 : i32
    %dma_start3A_532 = tpu.memref_slice %arg2[%add3A_524, %dma_start3A_531] : memref<8192x4096xf32, #tpu.memory_space<hbm>> -> memref<8x4096xf32, #tpu.memory_space<hbm>>
    %dma_start3A_533 = tpu.memref_slice %arg5[%dma_start3A_526] : memref<2x!tpu.dma_semaphore, #tpu.memory_space<semaphore_mem>> -> memref<1x!tpu.dma_semaphore, #tpu.memory_space<semaphore_mem>>
    %dma_start3A_534 = tpu.memref_squeeze %dma_start3A_533 : memref<1x!tpu.dma_semaphore, #tpu.memory_space<semaphore_mem>> -> memref<!tpu.dma_semaphore, #tpu.memory_space<semaphore_mem>>
    %dma_start3A_535 = arith.constant 0 : i32
    %dma_start3A_536 = arith.constant 0 : i32
    %dma_start3A_537 = tpu.memref_slice %arg4[%dma_start3A_525, %dma_start3A_535, %dma_start3A_536] : memref<2x8x4096xf32, #tpu.memory_space<vmem>> -> memref<1x8x4096xf32, #tpu.memory_space<vmem>>
    %dma_start3A_538 = tpu.memref_squeeze %dma_start3A_537 : memref<1x8x4096xf32, #tpu.memory_space<vmem>> -> memref<8x4096xf32, #tpu.memory_space<vmem>>
    %dma_start3A_539 = arith.constant 0 : i32
    %dma_start3A_540 = tpu.memref_slice %arg2[%add3A_524, %dma_start3A_539] : memref<8192x4096xf32, #tpu.memory_space<hbm>> -> memref<8x4096xf32, #tpu.memory_space<hbm>>
    tpu.enqueue_dma source(%dma_start3A_540 : memref<8x4096xf32, #tpu.memory_space<hbm>>) target(%dma_start3A_538 : memref<8x4096xf32, #tpu.memory_space<vmem>>) target_semaphore(%dma_start3A_534 : memref<!tpu.dma_semaphore, #tpu.memory_space<semaphore_mem>>)
    %add3A_541 = arith.constant 56 : i32
    %add3A_542 = arith.addi %mul3A_2, %add3A_541 : i32
    %dma_wait3A_543 = arith.constant 1 : i32
    %dma_wait3A_544 = arith.constant 1 : i32
    %dma_wait3A_545 = arith.constant 0 : i32
    %dma_wait3A_546 = arith.constant 0 : i32
    %dma_wait3A_547 = tpu.memref_slice %arg4[%dma_wait3A_543, %dma_wait3A_545, %dma_wait3A_546] : memref<2x8x4096xf32, #tpu.memory_space<vmem>> -> memref<1x8x4096xf32, #tpu.memory_space<vmem>>
    %dma_wait3A_548 = tpu.memref_squeeze %dma_wait3A_547 : memref<1x8x4096xf32, #tpu.memory_space<vmem>> -> memref<8x4096xf32, #tpu.memory_space<vmem>>
    %dma_wait3A_549 = arith.constant 0 : i32
    %dma_wait3A_550 = tpu.memref_slice %arg2[%add3A_542, %dma_wait3A_549] : memref<8192x4096xf32, #tpu.memory_space<hbm>> -> memref<8x4096xf32, #tpu.memory_space<hbm>>
    %dma_wait3A_551 = tpu.memref_slice %arg5[%dma_wait3A_544] : memref<2x!tpu.dma_semaphore, #tpu.memory_space<semaphore_mem>> -> memref<1x!tpu.dma_semaphore, #tpu.memory_space<semaphore_mem>>
    %dma_wait3A_552 = tpu.memref_squeeze %dma_wait3A_551 : memref<1x!tpu.dma_semaphore, #tpu.memory_space<semaphore_mem>> -> memref<!tpu.dma_semaphore, #tpu.memory_space<semaphore_mem>>
    %dma_wait3A_553 = arith.constant 0 : i32
    %dma_wait3A_554 = arith.constant 0 : i32
    %dma_wait3A_555 = tpu.memref_slice %arg4[%dma_wait3A_543, %dma_wait3A_553, %dma_wait3A_554] : memref<2x8x4096xf32, #tpu.memory_space<vmem>> -> memref<1x8x4096xf32, #tpu.memory_space<vmem>>
    %dma_wait3A_556 = tpu.memref_squeeze %dma_wait3A_555 : memref<1x8x4096xf32, #tpu.memory_space<vmem>> -> memref<8x4096xf32, #tpu.memory_space<vmem>>
    %dma_wait3A_557 = arith.constant 0 : i32
    %dma_wait3A_558 = tpu.memref_slice %arg2[%add3A_542, %dma_wait3A_557] : memref<8192x4096xf32, #tpu.memory_space<hbm>> -> memref<8x4096xf32, #tpu.memory_space<hbm>>
    tpu.wait_dma2 semaphore(%dma_wait3A_552 : memref<!tpu.dma_semaphore, #tpu.memory_space<semaphore_mem>>) src(%dma_wait3A_558 : memref<8x4096xf32, #tpu.memory_space<hbm>>) dst(%dma_wait3A_556 : memref<8x4096xf32, #tpu.memory_space<vmem>>)
    %add3A_559 = arith.constant 56 : i32
    %add3A_560 = arith.addi %mul3A_2, %add3A_559 : i32
    %dma_start3A_561 = arith.constant 1 : i32
    %dma_start3A_562 = arith.constant 1 : i32
    %dma_start3A_563 = arith.constant 0 : i32
    %dma_start3A_564 = arith.constant 0 : i32
    %dma_start3A_565 = tpu.memref_slice %arg4[%dma_start3A_561, %dma_start3A_563, %dma_start3A_564] : memref<2x8x4096xf32, #tpu.memory_space<vmem>> -> memref<1x8x4096xf32, #tpu.memory_space<vmem>>
    %dma_start3A_566 = tpu.memref_squeeze %dma_start3A_565 : memref<1x8x4096xf32, #tpu.memory_space<vmem>> -> memref<8x4096xf32, #tpu.memory_space<vmem>>
    %dma_start3A_567 = arith.constant 0 : i32
    %dma_start3A_568 = tpu.memref_slice %arg3[%add3A_560, %dma_start3A_567] : memref<8192x4096xf32, #tpu.memory_space<hbm>> -> memref<8x4096xf32, #tpu.memory_space<hbm>>
    %dma_start3A_569 = tpu.memref_slice %arg6[%dma_start3A_562] : memref<2x!tpu.dma_semaphore, #tpu.memory_space<semaphore_mem>> -> memref<1x!tpu.dma_semaphore, #tpu.memory_space<semaphore_mem>>
    %dma_start3A_570 = tpu.memref_squeeze %dma_start3A_569 : memref<1x!tpu.dma_semaphore, #tpu.memory_space<semaphore_mem>> -> memref<!tpu.dma_semaphore, #tpu.memory_space<semaphore_mem>>
    %dma_start3A_571 = arith.constant 0 : i32
    %dma_start3A_572 = tpu.memref_slice %arg3[%add3A_560, %dma_start3A_571] : memref<8192x4096xf32, #tpu.memory_space<hbm>> -> memref<8x4096xf32, #tpu.memory_space<hbm>>
    %dma_start3A_573 = arith.constant 0 : i32
    %dma_start3A_574 = arith.constant 0 : i32
    %dma_start3A_575 = tpu.memref_slice %arg4[%dma_start3A_561, %dma_start3A_573, %dma_start3A_574] : memref<2x8x4096xf32, #tpu.memory_space<vmem>> -> memref<1x8x4096xf32, #tpu.memory_space<vmem>>
    %dma_start3A_576 = tpu.memref_squeeze %dma_start3A_575 : memref<1x8x4096xf32, #tpu.memory_space<vmem>> -> memref<8x4096xf32, #tpu.memory_space<vmem>>
    tpu.enqueue_dma source(%dma_start3A_576 : memref<8x4096xf32, #tpu.memory_space<vmem>>) target(%dma_start3A_572 : memref<8x4096xf32, #tpu.memory_space<hbm>>) target_semaphore(%dma_start3A_570 : memref<!tpu.dma_semaphore, #tpu.memory_space<semaphore_mem>>)
    %add3A_577 = arith.constant 56 : i32
    %add3A_578 = arith.addi %mul3A_2, %add3A_577 : i32
    %dma_wait3A_579 = arith.constant 1 : i32
    %dma_wait3A_580 = arith.constant 1 : i32
    %dma_wait3A_581 = arith.constant 0 : i32
    %dma_wait3A_582 = arith.constant 0 : i32
    %dma_wait3A_583 = tpu.memref_slice %arg4[%dma_wait3A_579, %dma_wait3A_581, %dma_wait3A_582] : memref<2x8x4096xf32, #tpu.memory_space<vmem>> -> memref<1x8x4096xf32, #tpu.memory_space<vmem>>
    %dma_wait3A_584 = tpu.memref_squeeze %dma_wait3A_583 : memref<1x8x4096xf32, #tpu.memory_space<vmem>> -> memref<8x4096xf32, #tpu.memory_space<vmem>>
    %dma_wait3A_585 = arith.constant 0 : i32
    %dma_wait3A_586 = tpu.memref_slice %arg3[%add3A_578, %dma_wait3A_585] : memref<8192x4096xf32, #tpu.memory_space<hbm>> -> memref<8x4096xf32, #tpu.memory_space<hbm>>
    %dma_wait3A_587 = tpu.memref_slice %arg6[%dma_wait3A_580] : memref<2x!tpu.dma_semaphore, #tpu.memory_space<semaphore_mem>> -> memref<1x!tpu.dma_semaphore, #tpu.memory_space<semaphore_mem>>
    %dma_wait3A_588 = tpu.memref_squeeze %dma_wait3A_587 : memref<1x!tpu.dma_semaphore, #tpu.memory_space<semaphore_mem>> -> memref<!tpu.dma_semaphore, #tpu.memory_space<semaphore_mem>>
    %dma_wait3A_589 = arith.constant 0 : i32
    %dma_wait3A_590 = tpu.memref_slice %arg3[%add3A_578, %dma_wait3A_589] : memref<8192x4096xf32, #tpu.memory_space<hbm>> -> memref<8x4096xf32, #tpu.memory_space<hbm>>
    %dma_wait3A_591 = arith.constant 0 : i32
    %dma_wait3A_592 = arith.constant 0 : i32
    %dma_wait3A_593 = tpu.memref_slice %arg4[%dma_wait3A_579, %dma_wait3A_591, %dma_wait3A_592] : memref<2x8x4096xf32, #tpu.memory_space<vmem>> -> memref<1x8x4096xf32, #tpu.memory_space<vmem>>
    %dma_wait3A_594 = tpu.memref_squeeze %dma_wait3A_593 : memref<1x8x4096xf32, #tpu.memory_space<vmem>> -> memref<8x4096xf32, #tpu.memory_space<vmem>>
    tpu.wait_dma2 semaphore(%dma_wait3A_588 : memref<!tpu.dma_semaphore, #tpu.memory_space<semaphore_mem>>) src(%dma_wait3A_594 : memref<8x4096xf32, #tpu.memory_space<vmem>>) dst(%dma_wait3A_590 : memref<8x4096xf32, #tpu.memory_space<hbm>>)
    %add3A_595 = arith.constant 72 : i32
    %add3A_596 = arith.addi %mul3A_2, %add3A_595 : i32
    %dma_start3A_597 = arith.constant 1 : i32
    %dma_start3A_598 = arith.constant 1 : i32
    %dma_start3A_599 = arith.constant 0 : i32
    %dma_start3A_600 = arith.constant 0 : i32
    %dma_start3A_601 = tpu.memref_slice %arg4[%dma_start3A_597, %dma_start3A_599, %dma_start3A_600] : memref<2x8x4096xf32, #tpu.memory_space<vmem>> -> memref<1x8x4096xf32, #tpu.memory_space<vmem>>
    %dma_start3A_602 = tpu.memref_squeeze %dma_start3A_601 : memref<1x8x4096xf32, #tpu.memory_space<vmem>> -> memref<8x4096xf32, #tpu.memory_space<vmem>>
    %dma_start3A_603 = arith.constant 0 : i32
    %dma_start3A_604 = tpu.memref_slice %arg2[%add3A_596, %dma_start3A_603] : memref<8192x4096xf32, #tpu.memory_space<hbm>> -> memref<8x4096xf32, #tpu.memory_space<hbm>>
    %dma_start3A_605 = tpu.memref_slice %arg5[%dma_start3A_598] : memref<2x!tpu.dma_semaphore, #tpu.memory_space<semaphore_mem>> -> memref<1x!tpu.dma_semaphore, #tpu.memory_space<semaphore_mem>>
    %dma_start3A_606 = tpu.memref_squeeze %dma_start3A_605 : memref<1x!tpu.dma_semaphore, #tpu.memory_space<semaphore_mem>> -> memref<!tpu.dma_semaphore, #tpu.memory_space<semaphore_mem>>
    %dma_start3A_607 = arith.constant 0 : i32
    %dma_start3A_608 = arith.constant 0 : i32
    %dma_start3A_609 = tpu.memref_slice %arg4[%dma_start3A_597, %dma_start3A_607, %dma_start3A_608] : memref<2x8x4096xf32, #tpu.memory_space<vmem>> -> memref<1x8x4096xf32, #tpu.memory_space<vmem>>
    %dma_start3A_610 = tpu.memref_squeeze %dma_start3A_609 : memref<1x8x4096xf32, #tpu.memory_space<vmem>> -> memref<8x4096xf32, #tpu.memory_space<vmem>>
    %dma_start3A_611 = arith.constant 0 : i32
    %dma_start3A_612 = tpu.memref_slice %arg2[%add3A_596, %dma_start3A_611] : memref<8192x4096xf32, #tpu.memory_space<hbm>> -> memref<8x4096xf32, #tpu.memory_space<hbm>>
    tpu.enqueue_dma source(%dma_start3A_612 : memref<8x4096xf32, #tpu.memory_space<hbm>>) target(%dma_start3A_610 : memref<8x4096xf32, #tpu.memory_space<vmem>>) target_semaphore(%dma_start3A_606 : memref<!tpu.dma_semaphore, #tpu.memory_space<semaphore_mem>>)
    %add3A_613 = arith.constant 64 : i32
    %add3A_614 = arith.addi %mul3A_2, %add3A_613 : i32
    %dma_wait3A_615 = arith.constant 0 : i32
    %dma_wait3A_616 = arith.constant 0 : i32
    %dma_wait3A_617 = arith.constant 0 : i32
    %dma_wait3A_618 = arith.constant 0 : i32
    %dma_wait3A_619 = tpu.memref_slice %arg4[%dma_wait3A_615, %dma_wait3A_617, %dma_wait3A_618] : memref<2x8x4096xf32, #tpu.memory_space<vmem>> -> memref<1x8x4096xf32, #tpu.memory_space<vmem>>
    %dma_wait3A_620 = tpu.memref_squeeze %dma_wait3A_619 : memref<1x8x4096xf32, #tpu.memory_space<vmem>> -> memref<8x4096xf32, #tpu.memory_space<vmem>>
    %dma_wait3A_621 = arith.constant 0 : i32
    %dma_wait3A_622 = tpu.memref_slice %arg2[%add3A_614, %dma_wait3A_621] : memref<8192x4096xf32, #tpu.memory_space<hbm>> -> memref<8x4096xf32, #tpu.memory_space<hbm>>
    %dma_wait3A_623 = tpu.memref_slice %arg5[%dma_wait3A_616] : memref<2x!tpu.dma_semaphore, #tpu.memory_space<semaphore_mem>> -> memref<1x!tpu.dma_semaphore, #tpu.memory_space<semaphore_mem>>
    %dma_wait3A_624 = tpu.memref_squeeze %dma_wait3A_623 : memref<1x!tpu.dma_semaphore, #tpu.memory_space<semaphore_mem>> -> memref<!tpu.dma_semaphore, #tpu.memory_space<semaphore_mem>>
    %dma_wait3A_625 = arith.constant 0 : i32
    %dma_wait3A_626 = arith.constant 0 : i32
    %dma_wait3A_627 = tpu.memref_slice %arg4[%dma_wait3A_615, %dma_wait3A_625, %dma_wait3A_626] : memref<2x8x4096xf32, #tpu.memory_space<vmem>> -> memref<1x8x4096xf32, #tpu.memory_space<vmem>>
    %dma_wait3A_628 = tpu.memref_squeeze %dma_wait3A_627 : memref<1x8x4096xf32, #tpu.memory_space<vmem>> -> memref<8x4096xf32, #tpu.memory_space<vmem>>
    %dma_wait3A_629 = arith.constant 0 : i32
    %dma_wait3A_630 = tpu.memref_slice %arg2[%add3A_614, %dma_wait3A_629] : memref<8192x4096xf32, #tpu.memory_space<hbm>> -> memref<8x4096xf32, #tpu.memory_space<hbm>>
    tpu.wait_dma2 semaphore(%dma_wait3A_624 : memref<!tpu.dma_semaphore, #tpu.memory_space<semaphore_mem>>) src(%dma_wait3A_630 : memref<8x4096xf32, #tpu.memory_space<hbm>>) dst(%dma_wait3A_628 : memref<8x4096xf32, #tpu.memory_space<vmem>>)
    %add3A_631 = arith.constant 64 : i32
    %add3A_632 = arith.addi %mul3A_2, %add3A_631 : i32
    %dma_start3A_633 = arith.constant 0 : i32
    %dma_start3A_634 = arith.constant 0 : i32
    %dma_start3A_635 = arith.constant 0 : i32
    %dma_start3A_636 = arith.constant 0 : i32
    %dma_start3A_637 = tpu.memref_slice %arg4[%dma_start3A_633, %dma_start3A_635, %dma_start3A_636] : memref<2x8x4096xf32, #tpu.memory_space<vmem>> -> memref<1x8x4096xf32, #tpu.memory_space<vmem>>
    %dma_start3A_638 = tpu.memref_squeeze %dma_start3A_637 : memref<1x8x4096xf32, #tpu.memory_space<vmem>> -> memref<8x4096xf32, #tpu.memory_space<vmem>>
    %dma_start3A_639 = arith.constant 0 : i32
    %dma_start3A_640 = tpu.memref_slice %arg3[%add3A_632, %dma_start3A_639] : memref<8192x4096xf32, #tpu.memory_space<hbm>> -> memref<8x4096xf32, #tpu.memory_space<hbm>>
    %dma_start3A_641 = tpu.memref_slice %arg6[%dma_start3A_634] : memref<2x!tpu.dma_semaphore, #tpu.memory_space<semaphore_mem>> -> memref<1x!tpu.dma_semaphore, #tpu.memory_space<semaphore_mem>>
    %dma_start3A_642 = tpu.memref_squeeze %dma_start3A_641 : memref<1x!tpu.dma_semaphore, #tpu.memory_space<semaphore_mem>> -> memref<!tpu.dma_semaphore, #tpu.memory_space<semaphore_mem>>
    %dma_start3A_643 = arith.constant 0 : i32
    %dma_start3A_644 = tpu.memref_slice %arg3[%add3A_632, %dma_start3A_643] : memref<8192x4096xf32, #tpu.memory_space<hbm>> -> memref<8x4096xf32, #tpu.memory_space<hbm>>
    %dma_start3A_645 = arith.constant 0 : i32
    %dma_start3A_646 = arith.constant 0 : i32
    %dma_start3A_647 = tpu.memref_slice %arg4[%dma_start3A_633, %dma_start3A_645, %dma_start3A_646] : memref<2x8x4096xf32, #tpu.memory_space<vmem>> -> memref<1x8x4096xf32, #tpu.memory_space<vmem>>
    %dma_start3A_648 = tpu.memref_squeeze %dma_start3A_647 : memref<1x8x4096xf32, #tpu.memory_space<vmem>> -> memref<8x4096xf32, #tpu.memory_space<vmem>>
    tpu.enqueue_dma source(%dma_start3A_648 : memref<8x4096xf32, #tpu.memory_space<vmem>>) target(%dma_start3A_644 : memref<8x4096xf32, #tpu.memory_space<hbm>>) target_semaphore(%dma_start3A_642 : memref<!tpu.dma_semaphore, #tpu.memory_space<semaphore_mem>>)
    %add3A_649 = arith.constant 64 : i32
    %add3A_650 = arith.addi %mul3A_2, %add3A_649 : i32
    %dma_wait3A_651 = arith.constant 0 : i32
    %dma_wait3A_652 = arith.constant 0 : i32
    %dma_wait3A_653 = arith.constant 0 : i32
    %dma_wait3A_654 = arith.constant 0 : i32
    %dma_wait3A_655 = tpu.memref_slice %arg4[%dma_wait3A_651, %dma_wait3A_653, %dma_wait3A_654] : memref<2x8x4096xf32, #tpu.memory_space<vmem>> -> memref<1x8x4096xf32, #tpu.memory_space<vmem>>
    %dma_wait3A_656 = tpu.memref_squeeze %dma_wait3A_655 : memref<1x8x4096xf32, #tpu.memory_space<vmem>> -> memref<8x4096xf32, #tpu.memory_space<vmem>>
    %dma_wait3A_657 = arith.constant 0 : i32
    %dma_wait3A_658 = tpu.memref_slice %arg3[%add3A_650, %dma_wait3A_657] : memref<8192x4096xf32, #tpu.memory_space<hbm>> -> memref<8x4096xf32, #tpu.memory_space<hbm>>
    %dma_wait3A_659 = tpu.memref_slice %arg6[%dma_wait3A_652] : memref<2x!tpu.dma_semaphore, #tpu.memory_space<semaphore_mem>> -> memref<1x!tpu.dma_semaphore, #tpu.memory_space<semaphore_mem>>
    %dma_wait3A_660 = tpu.memref_squeeze %dma_wait3A_659 : memref<1x!tpu.dma_semaphore, #tpu.memory_space<semaphore_mem>> -> memref<!tpu.dma_semaphore, #tpu.memory_space<semaphore_mem>>
    %dma_wait3A_661 = arith.constant 0 : i32
    %dma_wait3A_662 = tpu.memref_slice %arg3[%add3A_650, %dma_wait3A_661] : memref<8192x4096xf32, #tpu.memory_space<hbm>> -> memref<8x4096xf32, #tpu.memory_space<hbm>>
    %dma_wait3A_663 = arith.constant 0 : i32
    %dma_wait3A_664 = arith.constant 0 : i32
    %dma_wait3A_665 = tpu.memref_slice %arg4[%dma_wait3A_651, %dma_wait3A_663, %dma_wait3A_664] : memref<2x8x4096xf32, #tpu.memory_space<vmem>> -> memref<1x8x4096xf32, #tpu.memory_space<vmem>>
    %dma_wait3A_666 = tpu.memref_squeeze %dma_wait3A_665 : memref<1x8x4096xf32, #tpu.memory_space<vmem>> -> memref<8x4096xf32, #tpu.memory_space<vmem>>
    tpu.wait_dma2 semaphore(%dma_wait3A_660 : memref<!tpu.dma_semaphore, #tpu.memory_space<semaphore_mem>>) src(%dma_wait3A_666 : memref<8x4096xf32, #tpu.memory_space<vmem>>) dst(%dma_wait3A_662 : memref<8x4096xf32, #tpu.memory_space<hbm>>)
    %add3A_667 = arith.constant 80 : i32
    %add3A_668 = arith.addi %mul3A_2, %add3A_667 : i32
    %dma_start3A_669 = arith.constant 0 : i32
    %dma_start3A_670 = arith.constant 0 : i32
    %dma_start3A_671 = arith.constant 0 : i32
    %dma_start3A_672 = arith.constant 0 : i32
    %dma_start3A_673 = tpu.memref_slice %arg4[%dma_start3A_669, %dma_start3A_671, %dma_start3A_672] : memref<2x8x4096xf32, #tpu.memory_space<vmem>> -> memref<1x8x4096xf32, #tpu.memory_space<vmem>>
    %dma_start3A_674 = tpu.memref_squeeze %dma_start3A_673 : memref<1x8x4096xf32, #tpu.memory_space<vmem>> -> memref<8x4096xf32, #tpu.memory_space<vmem>>
    %dma_start3A_675 = arith.constant 0 : i32
    %dma_start3A_676 = tpu.memref_slice %arg2[%add3A_668, %dma_start3A_675] : memref<8192x4096xf32, #tpu.memory_space<hbm>> -> memref<8x4096xf32, #tpu.memory_space<hbm>>
    %dma_start3A_677 = tpu.memref_slice %arg5[%dma_start3A_670] : memref<2x!tpu.dma_semaphore, #tpu.memory_space<semaphore_mem>> -> memref<1x!tpu.dma_semaphore, #tpu.memory_space<semaphore_mem>>
    %dma_start3A_678 = tpu.memref_squeeze %dma_start3A_677 : memref<1x!tpu.dma_semaphore, #tpu.memory_space<semaphore_mem>> -> memref<!tpu.dma_semaphore, #tpu.memory_space<semaphore_mem>>
    %dma_start3A_679 = arith.constant 0 : i32
    %dma_start3A_680 = arith.constant 0 : i32
    %dma_start3A_681 = tpu.memref_slice %arg4[%dma_start3A_669, %dma_start3A_679, %dma_start3A_680] : memref<2x8x4096xf32, #tpu.memory_space<vmem>> -> memref<1x8x4096xf32, #tpu.memory_space<vmem>>
    %dma_start3A_682 = tpu.memref_squeeze %dma_start3A_681 : memref<1x8x4096xf32, #tpu.memory_space<vmem>> -> memref<8x4096xf32, #tpu.memory_space<vmem>>
    %dma_start3A_683 = arith.constant 0 : i32
    %dma_start3A_684 = tpu.memref_slice %arg2[%add3A_668, %dma_start3A_683] : memref<8192x4096xf32, #tpu.memory_space<hbm>> -> memref<8x4096xf32, #tpu.memory_space<hbm>>
    tpu.enqueue_dma source(%dma_start3A_684 : memref<8x4096xf32, #tpu.memory_space<hbm>>) target(%dma_start3A_682 : memref<8x4096xf32, #tpu.memory_space<vmem>>) target_semaphore(%dma_start3A_678 : memref<!tpu.dma_semaphore, #tpu.memory_space<semaphore_mem>>)
    %add3A_685 = arith.constant 72 : i32
    %add3A_686 = arith.addi %mul3A_2, %add3A_685 : i32
    %dma_wait3A_687 = arith.constant 1 : i32
    %dma_wait3A_688 = arith.constant 1 : i32
    %dma_wait3A_689 = arith.constant 0 : i32
    %dma_wait3A_690 = arith.constant 0 : i32
    %dma_wait3A_691 = tpu.memref_slice %arg4[%dma_wait3A_687, %dma_wait3A_689, %dma_wait3A_690] : memref<2x8x4096xf32, #tpu.memory_space<vmem>> -> memref<1x8x4096xf32, #tpu.memory_space<vmem>>
    %dma_wait3A_692 = tpu.memref_squeeze %dma_wait3A_691 : memref<1x8x4096xf32, #tpu.memory_space<vmem>> -> memref<8x4096xf32, #tpu.memory_space<vmem>>
    %dma_wait3A_693 = arith.constant 0 : i32
    %dma_wait3A_694 = tpu.memref_slice %arg2[%add3A_686, %dma_wait3A_693] : memref<8192x4096xf32, #tpu.memory_space<hbm>> -> memref<8x4096xf32, #tpu.memory_space<hbm>>
    %dma_wait3A_695 = tpu.memref_slice %arg5[%dma_wait3A_688] : memref<2x!tpu.dma_semaphore, #tpu.memory_space<semaphore_mem>> -> memref<1x!tpu.dma_semaphore, #tpu.memory_space<semaphore_mem>>
    %dma_wait3A_696 = tpu.memref_squeeze %dma_wait3A_695 : memref<1x!tpu.dma_semaphore, #tpu.memory_space<semaphore_mem>> -> memref<!tpu.dma_semaphore, #tpu.memory_space<semaphore_mem>>
    %dma_wait3A_697 = arith.constant 0 : i32
    %dma_wait3A_698 = arith.constant 0 : i32
    %dma_wait3A_699 = tpu.memref_slice %arg4[%dma_wait3A_687, %dma_wait3A_697, %dma_wait3A_698] : memref<2x8x4096xf32, #tpu.memory_space<vmem>> -> memref<1x8x4096xf32, #tpu.memory_space<vmem>>
    %dma_wait3A_700 = tpu.memref_squeeze %dma_wait3A_699 : memref<1x8x4096xf32, #tpu.memory_space<vmem>> -> memref<8x4096xf32, #tpu.memory_space<vmem>>
    %dma_wait3A_701 = arith.constant 0 : i32
    %dma_wait3A_702 = tpu.memref_slice %arg2[%add3A_686, %dma_wait3A_701] : memref<8192x4096xf32, #tpu.memory_space<hbm>> -> memref<8x4096xf32, #tpu.memory_space<hbm>>
    tpu.wait_dma2 semaphore(%dma_wait3A_696 : memref<!tpu.dma_semaphore, #tpu.memory_space<semaphore_mem>>) src(%dma_wait3A_702 : memref<8x4096xf32, #tpu.memory_space<hbm>>) dst(%dma_wait3A_700 : memref<8x4096xf32, #tpu.memory_space<vmem>>)
    %add3A_703 = arith.constant 72 : i32
    %add3A_704 = arith.addi %mul3A_2, %add3A_703 : i32
    %dma_start3A_705 = arith.constant 1 : i32
    %dma_start3A_706 = arith.constant 1 : i32
    %dma_start3A_707 = arith.constant 0 : i32
    %dma_start3A_708 = arith.constant 0 : i32
    %dma_start3A_709 = tpu.memref_slice %arg4[%dma_start3A_705, %dma_start3A_707, %dma_start3A_708] : memref<2x8x4096xf32, #tpu.memory_space<vmem>> -> memref<1x8x4096xf32, #tpu.memory_space<vmem>>
    %dma_start3A_710 = tpu.memref_squeeze %dma_start3A_709 : memref<1x8x4096xf32, #tpu.memory_space<vmem>> -> memref<8x4096xf32, #tpu.memory_space<vmem>>
    %dma_start3A_711 = arith.constant 0 : i32
    %dma_start3A_712 = tpu.memref_slice %arg3[%add3A_704, %dma_start3A_711] : memref<8192x4096xf32, #tpu.memory_space<hbm>> -> memref<8x4096xf32, #tpu.memory_space<hbm>>
    %dma_start3A_713 = tpu.memref_slice %arg6[%dma_start3A_706] : memref<2x!tpu.dma_semaphore, #tpu.memory_space<semaphore_mem>> -> memref<1x!tpu.dma_semaphore, #tpu.memory_space<semaphore_mem>>
    %dma_start3A_714 = tpu.memref_squeeze %dma_start3A_713 : memref<1x!tpu.dma_semaphore, #tpu.memory_space<semaphore_mem>> -> memref<!tpu.dma_semaphore, #tpu.memory_space<semaphore_mem>>
    %dma_start3A_715 = arith.constant 0 : i32
    %dma_start3A_716 = tpu.memref_slice %arg3[%add3A_704, %dma_start3A_715] : memref<8192x4096xf32, #tpu.memory_space<hbm>> -> memref<8x4096xf32, #tpu.memory_space<hbm>>
    %dma_start3A_717 = arith.constant 0 : i32
    %dma_start3A_718 = arith.constant 0 : i32
    %dma_start3A_719 = tpu.memref_slice %arg4[%dma_start3A_705, %dma_start3A_717, %dma_start3A_718] : memref<2x8x4096xf32, #tpu.memory_space<vmem>> -> memref<1x8x4096xf32, #tpu.memory_space<vmem>>
    %dma_start3A_720 = tpu.memref_squeeze %dma_start3A_719 : memref<1x8x4096xf32, #tpu.memory_space<vmem>> -> memref<8x4096xf32, #tpu.memory_space<vmem>>
    tpu.enqueue_dma source(%dma_start3A_720 : memref<8x4096xf32, #tpu.memory_space<vmem>>) target(%dma_start3A_716 : memref<8x4096xf32, #tpu.memory_space<hbm>>) target_semaphore(%dma_start3A_714 : memref<!tpu.dma_semaphore, #tpu.memory_space<semaphore_mem>>)
    %add3A_721 = arith.constant 72 : i32
    %add3A_722 = arith.addi %mul3A_2, %add3A_721 : i32
    %dma_wait3A_723 = arith.constant 1 : i32
    %dma_wait3A_724 = arith.constant 1 : i32
    %dma_wait3A_725 = arith.constant 0 : i32
    %dma_wait3A_726 = arith.constant 0 : i32
    %dma_wait3A_727 = tpu.memref_slice %arg4[%dma_wait3A_723, %dma_wait3A_725, %dma_wait3A_726] : memref<2x8x4096xf32, #tpu.memory_space<vmem>> -> memref<1x8x4096xf32, #tpu.memory_space<vmem>>
    %dma_wait3A_728 = tpu.memref_squeeze %dma_wait3A_727 : memref<1x8x4096xf32, #tpu.memory_space<vmem>> -> memref<8x4096xf32, #tpu.memory_space<vmem>>
    %dma_wait3A_729 = arith.constant 0 : i32
    %dma_wait3A_730 = tpu.memref_slice %arg3[%add3A_722, %dma_wait3A_729] : memref<8192x4096xf32, #tpu.memory_space<hbm>> -> memref<8x4096xf32, #tpu.memory_space<hbm>>
    %dma_wait3A_731 = tpu.memref_slice %arg6[%dma_wait3A_724] : memref<2x!tpu.dma_semaphore, #tpu.memory_space<semaphore_mem>> -> memref<1x!tpu.dma_semaphore, #tpu.memory_space<semaphore_mem>>
    %dma_wait3A_732 = tpu.memref_squeeze %dma_wait3A_731 : memref<1x!tpu.dma_semaphore, #tpu.memory_space<semaphore_mem>> -> memref<!tpu.dma_semaphore, #tpu.memory_space<semaphore_mem>>
    %dma_wait3A_733 = arith.constant 0 : i32
    %dma_wait3A_734 = tpu.memref_slice %arg3[%add3A_722, %dma_wait3A_733] : memref<8192x4096xf32, #tpu.memory_space<hbm>> -> memref<8x4096xf32, #tpu.memory_space<hbm>>
    %dma_wait3A_735 = arith.constant 0 : i32
    %dma_wait3A_736 = arith.constant 0 : i32
    %dma_wait3A_737 = tpu.memref_slice %arg4[%dma_wait3A_723, %dma_wait3A_735, %dma_wait3A_736] : memref<2x8x4096xf32, #tpu.memory_space<vmem>> -> memref<1x8x4096xf32, #tpu.memory_space<vmem>>
    %dma_wait3A_738 = tpu.memref_squeeze %dma_wait3A_737 : memref<1x8x4096xf32, #tpu.memory_space<vmem>> -> memref<8x4096xf32, #tpu.memory_space<vmem>>
    tpu.wait_dma2 semaphore(%dma_wait3A_732 : memref<!tpu.dma_semaphore, #tpu.memory_space<semaphore_mem>>) src(%dma_wait3A_738 : memref<8x4096xf32, #tpu.memory_space<vmem>>) dst(%dma_wait3A_734 : memref<8x4096xf32, #tpu.memory_space<hbm>>)
    %add3A_739 = arith.constant 88 : i32
    %add3A_740 = arith.addi %mul3A_2, %add3A_739 : i32
    %dma_start3A_741 = arith.constant 1 : i32
    %dma_start3A_742 = arith.constant 1 : i32
    %dma_start3A_743 = arith.constant 0 : i32
    %dma_start3A_744 = arith.constant 0 : i32
    %dma_start3A_745 = tpu.memref_slice %arg4[%dma_start3A_741, %dma_start3A_743, %dma_start3A_744] : memref<2x8x4096xf32, #tpu.memory_space<vmem>> -> memref<1x8x4096xf32, #tpu.memory_space<vmem>>
    %dma_start3A_746 = tpu.memref_squeeze %dma_start3A_745 : memref<1x8x4096xf32, #tpu.memory_space<vmem>> -> memref<8x4096xf32, #tpu.memory_space<vmem>>
    %dma_start3A_747 = arith.constant 0 : i32
    %dma_start3A_748 = tpu.memref_slice %arg2[%add3A_740, %dma_start3A_747] : memref<8192x4096xf32, #tpu.memory_space<hbm>> -> memref<8x4096xf32, #tpu.memory_space<hbm>>
    %dma_start3A_749 = tpu.memref_slice %arg5[%dma_start3A_742] : memref<2x!tpu.dma_semaphore, #tpu.memory_space<semaphore_mem>> -> memref<1x!tpu.dma_semaphore, #tpu.memory_space<semaphore_mem>>
    %dma_start3A_750 = tpu.memref_squeeze %dma_start3A_749 : memref<1x!tpu.dma_semaphore, #tpu.memory_space<semaphore_mem>> -> memref<!tpu.dma_semaphore, #tpu.memory_space<semaphore_mem>>
    %dma_start3A_751 = arith.constant 0 : i32
    %dma_start3A_752 = arith.constant 0 : i32
    %dma_start3A_753 = tpu.memref_slice %arg4[%dma_start3A_741, %dma_start3A_751, %dma_start3A_752] : memref<2x8x4096xf32, #tpu.memory_space<vmem>> -> memref<1x8x4096xf32, #tpu.memory_space<vmem>>
    %dma_start3A_754 = tpu.memref_squeeze %dma_start3A_753 : memref<1x8x4096xf32, #tpu.memory_space<vmem>> -> memref<8x4096xf32, #tpu.memory_space<vmem>>
    %dma_start3A_755 = arith.constant 0 : i32
    %dma_start3A_756 = tpu.memref_slice %arg2[%add3A_740, %dma_start3A_755] : memref<8192x4096xf32, #tpu.memory_space<hbm>> -> memref<8x4096xf32, #tpu.memory_space<hbm>>
    tpu.enqueue_dma source(%dma_start3A_756 : memref<8x4096xf32, #tpu.memory_space<hbm>>) target(%dma_start3A_754 : memref<8x4096xf32, #tpu.memory_space<vmem>>) target_semaphore(%dma_start3A_750 : memref<!tpu.dma_semaphore, #tpu.memory_space<semaphore_mem>>)
    %add3A_757 = arith.constant 80 : i32
    %add3A_758 = arith.addi %mul3A_2, %add3A_757 : i32
    %dma_wait3A_759 = arith.constant 0 : i32
    %dma_wait3A_760 = arith.constant 0 : i32
    %dma_wait3A_761 = arith.constant 0 : i32
    %dma_wait3A_762 = arith.constant 0 : i32
    %dma_wait3A_763 = tpu.memref_slice %arg4[%dma_wait3A_759, %dma_wait3A_761, %dma_wait3A_762] : memref<2x8x4096xf32, #tpu.memory_space<vmem>> -> memref<1x8x4096xf32, #tpu.memory_space<vmem>>
    %dma_wait3A_764 = tpu.memref_squeeze %dma_wait3A_763 : memref<1x8x4096xf32, #tpu.memory_space<vmem>> -> memref<8x4096xf32, #tpu.memory_space<vmem>>
    %dma_wait3A_765 = arith.constant 0 : i32
    %dma_wait3A_766 = tpu.memref_slice %arg2[%add3A_758, %dma_wait3A_765] : memref<8192x4096xf32, #tpu.memory_space<hbm>> -> memref<8x4096xf32, #tpu.memory_space<hbm>>
    %dma_wait3A_767 = tpu.memref_slice %arg5[%dma_wait3A_760] : memref<2x!tpu.dma_semaphore, #tpu.memory_space<semaphore_mem>> -> memref<1x!tpu.dma_semaphore, #tpu.memory_space<semaphore_mem>>
    %dma_wait3A_768 = tpu.memref_squeeze %dma_wait3A_767 : memref<1x!tpu.dma_semaphore, #tpu.memory_space<semaphore_mem>> -> memref<!tpu.dma_semaphore, #tpu.memory_space<semaphore_mem>>
    %dma_wait3A_769 = arith.constant 0 : i32
    %dma_wait3A_770 = arith.constant 0 : i32
    %dma_wait3A_771 = tpu.memref_slice %arg4[%dma_wait3A_759, %dma_wait3A_769, %dma_wait3A_770] : memref<2x8x4096xf32, #tpu.memory_space<vmem>> -> memref<1x8x4096xf32, #tpu.memory_space<vmem>>
    %dma_wait3A_772 = tpu.memref_squeeze %dma_wait3A_771 : memref<1x8x4096xf32, #tpu.memory_space<vmem>> -> memref<8x4096xf32, #tpu.memory_space<vmem>>
    %dma_wait3A_773 = arith.constant 0 : i32
    %dma_wait3A_774 = tpu.memref_slice %arg2[%add3A_758, %dma_wait3A_773] : memref<8192x4096xf32, #tpu.memory_space<hbm>> -> memref<8x4096xf32, #tpu.memory_space<hbm>>
    tpu.wait_dma2 semaphore(%dma_wait3A_768 : memref<!tpu.dma_semaphore, #tpu.memory_space<semaphore_mem>>) src(%dma_wait3A_774 : memref<8x4096xf32, #tpu.memory_space<hbm>>) dst(%dma_wait3A_772 : memref<8x4096xf32, #tpu.memory_space<vmem>>)
    %add3A_775 = arith.constant 80 : i32
    %add3A_776 = arith.addi %mul3A_2, %add3A_775 : i32
    %dma_start3A_777 = arith.constant 0 : i32
    %dma_start3A_778 = arith.constant 0 : i32
    %dma_start3A_779 = arith.constant 0 : i32
    %dma_start3A_780 = arith.constant 0 : i32
    %dma_start3A_781 = tpu.memref_slice %arg4[%dma_start3A_777, %dma_start3A_779, %dma_start3A_780] : memref<2x8x4096xf32, #tpu.memory_space<vmem>> -> memref<1x8x4096xf32, #tpu.memory_space<vmem>>
    %dma_start3A_782 = tpu.memref_squeeze %dma_start3A_781 : memref<1x8x4096xf32, #tpu.memory_space<vmem>> -> memref<8x4096xf32, #tpu.memory_space<vmem>>
    %dma_start3A_783 = arith.constant 0 : i32
    %dma_start3A_784 = tpu.memref_slice %arg3[%add3A_776, %dma_start3A_783] : memref<8192x4096xf32, #tpu.memory_space<hbm>> -> memref<8x4096xf32, #tpu.memory_space<hbm>>
    %dma_start3A_785 = tpu.memref_slice %arg6[%dma_start3A_778] : memref<2x!tpu.dma_semaphore, #tpu.memory_space<semaphore_mem>> -> memref<1x!tpu.dma_semaphore, #tpu.memory_space<semaphore_mem>>
    %dma_start3A_786 = tpu.memref_squeeze %dma_start3A_785 : memref<1x!tpu.dma_semaphore, #tpu.memory_space<semaphore_mem>> -> memref<!tpu.dma_semaphore, #tpu.memory_space<semaphore_mem>>
    %dma_start3A_787 = arith.constant 0 : i32
    %dma_start3A_788 = tpu.memref_slice %arg3[%add3A_776, %dma_start3A_787] : memref<8192x4096xf32, #tpu.memory_space<hbm>> -> memref<8x4096xf32, #tpu.memory_space<hbm>>
    %dma_start3A_789 = arith.constant 0 : i32
    %dma_start3A_790 = arith.constant 0 : i32
    %dma_start3A_791 = tpu.memref_slice %arg4[%dma_start3A_777, %dma_start3A_789, %dma_start3A_790] : memref<2x8x4096xf32, #tpu.memory_space<vmem>> -> memref<1x8x4096xf32, #tpu.memory_space<vmem>>
    %dma_start3A_792 = tpu.memref_squeeze %dma_start3A_791 : memref<1x8x4096xf32, #tpu.memory_space<vmem>> -> memref<8x4096xf32, #tpu.memory_space<vmem>>
    tpu.enqueue_dma source(%dma_start3A_792 : memref<8x4096xf32, #tpu.memory_space<vmem>>) target(%dma_start3A_788 : memref<8x4096xf32, #tpu.memory_space<hbm>>) target_semaphore(%dma_start3A_786 : memref<!tpu.dma_semaphore, #tpu.memory_space<semaphore_mem>>)
    %add3A_793 = arith.constant 80 : i32
    %add3A_794 = arith.addi %mul3A_2, %add3A_793 : i32
    %dma_wait3A_795 = arith.constant 0 : i32
    %dma_wait3A_796 = arith.constant 0 : i32
    %dma_wait3A_797 = arith.constant 0 : i32
    %dma_wait3A_798 = arith.constant 0 : i32
    %dma_wait3A_799 = tpu.memref_slice %arg4[%dma_wait3A_795, %dma_wait3A_797, %dma_wait3A_798] : memref<2x8x4096xf32, #tpu.memory_space<vmem>> -> memref<1x8x4096xf32, #tpu.memory_space<vmem>>
    %dma_wait3A_800 = tpu.memref_squeeze %dma_wait3A_799 : memref<1x8x4096xf32, #tpu.memory_space<vmem>> -> memref<8x4096xf32, #tpu.memory_space<vmem>>
    %dma_wait3A_801 = arith.constant 0 : i32
    %dma_wait3A_802 = tpu.memref_slice %arg3[%add3A_794, %dma_wait3A_801] : memref<8192x4096xf32, #tpu.memory_space<hbm>> -> memref<8x4096xf32, #tpu.memory_space<hbm>>
    %dma_wait3A_803 = tpu.memref_slice %arg6[%dma_wait3A_796] : memref<2x!tpu.dma_semaphore, #tpu.memory_space<semaphore_mem>> -> memref<1x!tpu.dma_semaphore, #tpu.memory_space<semaphore_mem>>
    %dma_wait3A_804 = tpu.memref_squeeze %dma_wait3A_803 : memref<1x!tpu.dma_semaphore, #tpu.memory_space<semaphore_mem>> -> memref<!tpu.dma_semaphore, #tpu.memory_space<semaphore_mem>>
    %dma_wait3A_805 = arith.constant 0 : i32
    %dma_wait3A_806 = tpu.memref_slice %arg3[%add3A_794, %dma_wait3A_805] : memref<8192x4096xf32, #tpu.memory_space<hbm>> -> memref<8x4096xf32, #tpu.memory_space<hbm>>
    %dma_wait3A_807 = arith.constant 0 : i32
    %dma_wait3A_808 = arith.constant 0 : i32
    %dma_wait3A_809 = tpu.memref_slice %arg4[%dma_wait3A_795, %dma_wait3A_807, %dma_wait3A_808] : memref<2x8x4096xf32, #tpu.memory_space<vmem>> -> memref<1x8x4096xf32, #tpu.memory_space<vmem>>
    %dma_wait3A_810 = tpu.memref_squeeze %dma_wait3A_809 : memref<1x8x4096xf32, #tpu.memory_space<vmem>> -> memref<8x4096xf32, #tpu.memory_space<vmem>>
    tpu.wait_dma2 semaphore(%dma_wait3A_804 : memref<!tpu.dma_semaphore, #tpu.memory_space<semaphore_mem>>) src(%dma_wait3A_810 : memref<8x4096xf32, #tpu.memory_space<vmem>>) dst(%dma_wait3A_806 : memref<8x4096xf32, #tpu.memory_space<hbm>>)
    %add3A_811 = arith.constant 96 : i32
    %add3A_812 = arith.addi %mul3A_2, %add3A_811 : i32
    %dma_start3A_813 = arith.constant 0 : i32
    %dma_start3A_814 = arith.constant 0 : i32
    %dma_start3A_815 = arith.constant 0 : i32
    %dma_start3A_816 = arith.constant 0 : i32
    %dma_start3A_817 = tpu.memref_slice %arg4[%dma_start3A_813, %dma_start3A_815, %dma_start3A_816] : memref<2x8x4096xf32, #tpu.memory_space<vmem>> -> memref<1x8x4096xf32, #tpu.memory_space<vmem>>
    %dma_start3A_818 = tpu.memref_squeeze %dma_start3A_817 : memref<1x8x4096xf32, #tpu.memory_space<vmem>> -> memref<8x4096xf32, #tpu.memory_space<vmem>>
    %dma_start3A_819 = arith.constant 0 : i32
    %dma_start3A_820 = tpu.memref_slice %arg2[%add3A_812, %dma_start3A_819] : memref<8192x4096xf32, #tpu.memory_space<hbm>> -> memref<8x4096xf32, #tpu.memory_space<hbm>>
    %dma_start3A_821 = tpu.memref_slice %arg5[%dma_start3A_814] : memref<2x!tpu.dma_semaphore, #tpu.memory_space<semaphore_mem>> -> memref<1x!tpu.dma_semaphore, #tpu.memory_space<semaphore_mem>>
    %dma_start3A_822 = tpu.memref_squeeze %dma_start3A_821 : memref<1x!tpu.dma_semaphore, #tpu.memory_space<semaphore_mem>> -> memref<!tpu.dma_semaphore, #tpu.memory_space<semaphore_mem>>
    %dma_start3A_823 = arith.constant 0 : i32
    %dma_start3A_824 = arith.constant 0 : i32
    %dma_start3A_825 = tpu.memref_slice %arg4[%dma_start3A_813, %dma_start3A_823, %dma_start3A_824] : memref<2x8x4096xf32, #tpu.memory_space<vmem>> -> memref<1x8x4096xf32, #tpu.memory_space<vmem>>
    %dma_start3A_826 = tpu.memref_squeeze %dma_start3A_825 : memref<1x8x4096xf32, #tpu.memory_space<vmem>> -> memref<8x4096xf32, #tpu.memory_space<vmem>>
    %dma_start3A_827 = arith.constant 0 : i32
    %dma_start3A_828 = tpu.memref_slice %arg2[%add3A_812, %dma_start3A_827] : memref<8192x4096xf32, #tpu.memory_space<hbm>> -> memref<8x4096xf32, #tpu.memory_space<hbm>>
    tpu.enqueue_dma source(%dma_start3A_828 : memref<8x4096xf32, #tpu.memory_space<hbm>>) target(%dma_start3A_826 : memref<8x4096xf32, #tpu.memory_space<vmem>>) target_semaphore(%dma_start3A_822 : memref<!tpu.dma_semaphore, #tpu.memory_space<semaphore_mem>>)
    %add3A_829 = arith.constant 88 : i32
    %add3A_830 = arith.addi %mul3A_2, %add3A_829 : i32
    %dma_wait3A_831 = arith.constant 1 : i32
    %dma_wait3A_832 = arith.constant 1 : i32
    %dma_wait3A_833 = arith.constant 0 : i32
    %dma_wait3A_834 = arith.constant 0 : i32
    %dma_wait3A_835 = tpu.memref_slice %arg4[%dma_wait3A_831, %dma_wait3A_833, %dma_wait3A_834] : memref<2x8x4096xf32, #tpu.memory_space<vmem>> -> memref<1x8x4096xf32, #tpu.memory_space<vmem>>
    %dma_wait3A_836 = tpu.memref_squeeze %dma_wait3A_835 : memref<1x8x4096xf32, #tpu.memory_space<vmem>> -> memref<8x4096xf32, #tpu.memory_space<vmem>>
    %dma_wait3A_837 = arith.constant 0 : i32
    %dma_wait3A_838 = tpu.memref_slice %arg2[%add3A_830, %dma_wait3A_837] : memref<8192x4096xf32, #tpu.memory_space<hbm>> -> memref<8x4096xf32, #tpu.memory_space<hbm>>
    %dma_wait3A_839 = tpu.memref_slice %arg5[%dma_wait3A_832] : memref<2x!tpu.dma_semaphore, #tpu.memory_space<semaphore_mem>> -> memref<1x!tpu.dma_semaphore, #tpu.memory_space<semaphore_mem>>
    %dma_wait3A_840 = tpu.memref_squeeze %dma_wait3A_839 : memref<1x!tpu.dma_semaphore, #tpu.memory_space<semaphore_mem>> -> memref<!tpu.dma_semaphore, #tpu.memory_space<semaphore_mem>>
    %dma_wait3A_841 = arith.constant 0 : i32
    %dma_wait3A_842 = arith.constant 0 : i32
    %dma_wait3A_843 = tpu.memref_slice %arg4[%dma_wait3A_831, %dma_wait3A_841, %dma_wait3A_842] : memref<2x8x4096xf32, #tpu.memory_space<vmem>> -> memref<1x8x4096xf32, #tpu.memory_space<vmem>>
    %dma_wait3A_844 = tpu.memref_squeeze %dma_wait3A_843 : memref<1x8x4096xf32, #tpu.memory_space<vmem>> -> memref<8x4096xf32, #tpu.memory_space<vmem>>
    %dma_wait3A_845 = arith.constant 0 : i32
    %dma_wait3A_846 = tpu.memref_slice %arg2[%add3A_830, %dma_wait3A_845] : memref<8192x4096xf32, #tpu.memory_space<hbm>> -> memref<8x4096xf32, #tpu.memory_space<hbm>>
    tpu.wait_dma2 semaphore(%dma_wait3A_840 : memref<!tpu.dma_semaphore, #tpu.memory_space<semaphore_mem>>) src(%dma_wait3A_846 : memref<8x4096xf32, #tpu.memory_space<hbm>>) dst(%dma_wait3A_844 : memref<8x4096xf32, #tpu.memory_space<vmem>>)
    %add3A_847 = arith.constant 88 : i32
    %add3A_848 = arith.addi %mul3A_2, %add3A_847 : i32
    %dma_start3A_849 = arith.constant 1 : i32
    %dma_start3A_850 = arith.constant 1 : i32
    %dma_start3A_851 = arith.constant 0 : i32
    %dma_start3A_852 = arith.constant 0 : i32
    %dma_start3A_853 = tpu.memref_slice %arg4[%dma_start3A_849, %dma_start3A_851, %dma_start3A_852] : memref<2x8x4096xf32, #tpu.memory_space<vmem>> -> memref<1x8x4096xf32, #tpu.memory_space<vmem>>
    %dma_start3A_854 = tpu.memref_squeeze %dma_start3A_853 : memref<1x8x4096xf32, #tpu.memory_space<vmem>> -> memref<8x4096xf32, #tpu.memory_space<vmem>>
    %dma_start3A_855 = arith.constant 0 : i32
    %dma_start3A_856 = tpu.memref_slice %arg3[%add3A_848, %dma_start3A_855] : memref<8192x4096xf32, #tpu.memory_space<hbm>> -> memref<8x4096xf32, #tpu.memory_space<hbm>>
    %dma_start3A_857 = tpu.memref_slice %arg6[%dma_start3A_850] : memref<2x!tpu.dma_semaphore, #tpu.memory_space<semaphore_mem>> -> memref<1x!tpu.dma_semaphore, #tpu.memory_space<semaphore_mem>>
    %dma_start3A_858 = tpu.memref_squeeze %dma_start3A_857 : memref<1x!tpu.dma_semaphore, #tpu.memory_space<semaphore_mem>> -> memref<!tpu.dma_semaphore, #tpu.memory_space<semaphore_mem>>
    %dma_start3A_859 = arith.constant 0 : i32
    %dma_start3A_860 = tpu.memref_slice %arg3[%add3A_848, %dma_start3A_859] : memref<8192x4096xf32, #tpu.memory_space<hbm>> -> memref<8x4096xf32, #tpu.memory_space<hbm>>
    %dma_start3A_861 = arith.constant 0 : i32
    %dma_start3A_862 = arith.constant 0 : i32
    %dma_start3A_863 = tpu.memref_slice %arg4[%dma_start3A_849, %dma_start3A_861, %dma_start3A_862] : memref<2x8x4096xf32, #tpu.memory_space<vmem>> -> memref<1x8x4096xf32, #tpu.memory_space<vmem>>
    %dma_start3A_864 = tpu.memref_squeeze %dma_start3A_863 : memref<1x8x4096xf32, #tpu.memory_space<vmem>> -> memref<8x4096xf32, #tpu.memory_space<vmem>>
    tpu.enqueue_dma source(%dma_start3A_864 : memref<8x4096xf32, #tpu.memory_space<vmem>>) target(%dma_start3A_860 : memref<8x4096xf32, #tpu.memory_space<hbm>>) target_semaphore(%dma_start3A_858 : memref<!tpu.dma_semaphore, #tpu.memory_space<semaphore_mem>>)
    %add3A_865 = arith.constant 88 : i32
    %add3A_866 = arith.addi %mul3A_2, %add3A_865 : i32
    %dma_wait3A_867 = arith.constant 1 : i32
    %dma_wait3A_868 = arith.constant 1 : i32
    %dma_wait3A_869 = arith.constant 0 : i32
    %dma_wait3A_870 = arith.constant 0 : i32
    %dma_wait3A_871 = tpu.memref_slice %arg4[%dma_wait3A_867, %dma_wait3A_869, %dma_wait3A_870] : memref<2x8x4096xf32, #tpu.memory_space<vmem>> -> memref<1x8x4096xf32, #tpu.memory_space<vmem>>
    %dma_wait3A_872 = tpu.memref_squeeze %dma_wait3A_871 : memref<1x8x4096xf32, #tpu.memory_space<vmem>> -> memref<8x4096xf32, #tpu.memory_space<vmem>>
    %dma_wait3A_873 = arith.constant 0 : i32
    %dma_wait3A_874 = tpu.memref_slice %arg3[%add3A_866, %dma_wait3A_873] : memref<8192x4096xf32, #tpu.memory_space<hbm>> -> memref<8x4096xf32, #tpu.memory_space<hbm>>
    %dma_wait3A_875 = tpu.memref_slice %arg6[%dma_wait3A_868] : memref<2x!tpu.dma_semaphore, #tpu.memory_space<semaphore_mem>> -> memref<1x!tpu.dma_semaphore, #tpu.memory_space<semaphore_mem>>
    %dma_wait3A_876 = tpu.memref_squeeze %dma_wait3A_875 : memref<1x!tpu.dma_semaphore, #tpu.memory_space<semaphore_mem>> -> memref<!tpu.dma_semaphore, #tpu.memory_space<semaphore_mem>>
    %dma_wait3A_877 = arith.constant 0 : i32
    %dma_wait3A_878 = tpu.memref_slice %arg3[%add3A_866, %dma_wait3A_877] : memref<8192x4096xf32, #tpu.memory_space<hbm>> -> memref<8x4096xf32, #tpu.memory_space<hbm>>
    %dma_wait3A_879 = arith.constant 0 : i32
    %dma_wait3A_880 = arith.constant 0 : i32
    %dma_wait3A_881 = tpu.memref_slice %arg4[%dma_wait3A_867, %dma_wait3A_879, %dma_wait3A_880] : memref<2x8x4096xf32, #tpu.memory_space<vmem>> -> memref<1x8x4096xf32, #tpu.memory_space<vmem>>
    %dma_wait3A_882 = tpu.memref_squeeze %dma_wait3A_881 : memref<1x8x4096xf32, #tpu.memory_space<vmem>> -> memref<8x4096xf32, #tpu.memory_space<vmem>>
    tpu.wait_dma2 semaphore(%dma_wait3A_876 : memref<!tpu.dma_semaphore, #tpu.memory_space<semaphore_mem>>) src(%dma_wait3A_882 : memref<8x4096xf32, #tpu.memory_space<vmem>>) dst(%dma_wait3A_878 : memref<8x4096xf32, #tpu.memory_space<hbm>>)
    %add3A_883 = arith.constant 104 : i32
    %add3A_884 = arith.addi %mul3A_2, %add3A_883 : i32
    %dma_start3A_885 = arith.constant 1 : i32
    %dma_start3A_886 = arith.constant 1 : i32
    %dma_start3A_887 = arith.constant 0 : i32
    %dma_start3A_888 = arith.constant 0 : i32
    %dma_start3A_889 = tpu.memref_slice %arg4[%dma_start3A_885, %dma_start3A_887, %dma_start3A_888] : memref<2x8x4096xf32, #tpu.memory_space<vmem>> -> memref<1x8x4096xf32, #tpu.memory_space<vmem>>
    %dma_start3A_890 = tpu.memref_squeeze %dma_start3A_889 : memref<1x8x4096xf32, #tpu.memory_space<vmem>> -> memref<8x4096xf32, #tpu.memory_space<vmem>>
    %dma_start3A_891 = arith.constant 0 : i32
    %dma_start3A_892 = tpu.memref_slice %arg2[%add3A_884, %dma_start3A_891] : memref<8192x4096xf32, #tpu.memory_space<hbm>> -> memref<8x4096xf32, #tpu.memory_space<hbm>>
    %dma_start3A_893 = tpu.memref_slice %arg5[%dma_start3A_886] : memref<2x!tpu.dma_semaphore, #tpu.memory_space<semaphore_mem>> -> memref<1x!tpu.dma_semaphore, #tpu.memory_space<semaphore_mem>>
    %dma_start3A_894 = tpu.memref_squeeze %dma_start3A_893 : memref<1x!tpu.dma_semaphore, #tpu.memory_space<semaphore_mem>> -> memref<!tpu.dma_semaphore, #tpu.memory_space<semaphore_mem>>
    %dma_start3A_895 = arith.constant 0 : i32
    %dma_start3A_896 = arith.constant 0 : i32
    %dma_start3A_897 = tpu.memref_slice %arg4[%dma_start3A_885, %dma_start3A_895, %dma_start3A_896] : memref<2x8x4096xf32, #tpu.memory_space<vmem>> -> memref<1x8x4096xf32, #tpu.memory_space<vmem>>
    %dma_start3A_898 = tpu.memref_squeeze %dma_start3A_897 : memref<1x8x4096xf32, #tpu.memory_space<vmem>> -> memref<8x4096xf32, #tpu.memory_space<vmem>>
    %dma_start3A_899 = arith.constant 0 : i32
    %dma_start3A_900 = tpu.memref_slice %arg2[%add3A_884, %dma_start3A_899] : memref<8192x4096xf32, #tpu.memory_space<hbm>> -> memref<8x4096xf32, #tpu.memory_space<hbm>>
    tpu.enqueue_dma source(%dma_start3A_900 : memref<8x4096xf32, #tpu.memory_space<hbm>>) target(%dma_start3A_898 : memref<8x4096xf32, #tpu.memory_space<vmem>>) target_semaphore(%dma_start3A_894 : memref<!tpu.dma_semaphore, #tpu.memory_space<semaphore_mem>>)
    %add3A_901 = arith.constant 96 : i32
    %add3A_902 = arith.addi %mul3A_2, %add3A_901 : i32
    %dma_wait3A_903 = arith.constant 0 : i32
    %dma_wait3A_904 = arith.constant 0 : i32
    %dma_wait3A_905 = arith.constant 0 : i32
    %dma_wait3A_906 = arith.constant 0 : i32
    %dma_wait3A_907 = tpu.memref_slice %arg4[%dma_wait3A_903, %dma_wait3A_905, %dma_wait3A_906] : memref<2x8x4096xf32, #tpu.memory_space<vmem>> -> memref<1x8x4096xf32, #tpu.memory_space<vmem>>
    %dma_wait3A_908 = tpu.memref_squeeze %dma_wait3A_907 : memref<1x8x4096xf32, #tpu.memory_space<vmem>> -> memref<8x4096xf32, #tpu.memory_space<vmem>>
    %dma_wait3A_909 = arith.constant 0 : i32
    %dma_wait3A_910 = tpu.memref_slice %arg2[%add3A_902, %dma_wait3A_909] : memref<8192x4096xf32, #tpu.memory_space<hbm>> -> memref<8x4096xf32, #tpu.memory_space<hbm>>
    %dma_wait3A_911 = tpu.memref_slice %arg5[%dma_wait3A_904] : memref<2x!tpu.dma_semaphore, #tpu.memory_space<semaphore_mem>> -> memref<1x!tpu.dma_semaphore, #tpu.memory_space<semaphore_mem>>
    %dma_wait3A_912 = tpu.memref_squeeze %dma_wait3A_911 : memref<1x!tpu.dma_semaphore, #tpu.memory_space<semaphore_mem>> -> memref<!tpu.dma_semaphore, #tpu.memory_space<semaphore_mem>>
    %dma_wait3A_913 = arith.constant 0 : i32
    %dma_wait3A_914 = arith.constant 0 : i32
    %dma_wait3A_915 = tpu.memref_slice %arg4[%dma_wait3A_903, %dma_wait3A_913, %dma_wait3A_914] : memref<2x8x4096xf32, #tpu.memory_space<vmem>> -> memref<1x8x4096xf32, #tpu.memory_space<vmem>>
    %dma_wait3A_916 = tpu.memref_squeeze %dma_wait3A_915 : memref<1x8x4096xf32, #tpu.memory_space<vmem>> -> memref<8x4096xf32, #tpu.memory_space<vmem>>
    %dma_wait3A_917 = arith.constant 0 : i32
    %dma_wait3A_918 = tpu.memref_slice %arg2[%add3A_902, %dma_wait3A_917] : memref<8192x4096xf32, #tpu.memory_space<hbm>> -> memref<8x4096xf32, #tpu.memory_space<hbm>>
    tpu.wait_dma2 semaphore(%dma_wait3A_912 : memref<!tpu.dma_semaphore, #tpu.memory_space<semaphore_mem>>) src(%dma_wait3A_918 : memref<8x4096xf32, #tpu.memory_space<hbm>>) dst(%dma_wait3A_916 : memref<8x4096xf32, #tpu.memory_space<vmem>>)
    %add3A_919 = arith.constant 96 : i32
    %add3A_920 = arith.addi %mul3A_2, %add3A_919 : i32
    %dma_start3A_921 = arith.constant 0 : i32
    %dma_start3A_922 = arith.constant 0 : i32
    %dma_start3A_923 = arith.constant 0 : i32
    %dma_start3A_924 = arith.constant 0 : i32
    %dma_start3A_925 = tpu.memref_slice %arg4[%dma_start3A_921, %dma_start3A_923, %dma_start3A_924] : memref<2x8x4096xf32, #tpu.memory_space<vmem>> -> memref<1x8x4096xf32, #tpu.memory_space<vmem>>
    %dma_start3A_926 = tpu.memref_squeeze %dma_start3A_925 : memref<1x8x4096xf32, #tpu.memory_space<vmem>> -> memref<8x4096xf32, #tpu.memory_space<vmem>>
    %dma_start3A_927 = arith.constant 0 : i32
    %dma_start3A_928 = tpu.memref_slice %arg3[%add3A_920, %dma_start3A_927] : memref<8192x4096xf32, #tpu.memory_space<hbm>> -> memref<8x4096xf32, #tpu.memory_space<hbm>>
    %dma_start3A_929 = tpu.memref_slice %arg6[%dma_start3A_922] : memref<2x!tpu.dma_semaphore, #tpu.memory_space<semaphore_mem>> -> memref<1x!tpu.dma_semaphore, #tpu.memory_space<semaphore_mem>>
    %dma_start3A_930 = tpu.memref_squeeze %dma_start3A_929 : memref<1x!tpu.dma_semaphore, #tpu.memory_space<semaphore_mem>> -> memref<!tpu.dma_semaphore, #tpu.memory_space<semaphore_mem>>
    %dma_start3A_931 = arith.constant 0 : i32
    %dma_start3A_932 = tpu.memref_slice %arg3[%add3A_920, %dma_start3A_931] : memref<8192x4096xf32, #tpu.memory_space<hbm>> -> memref<8x4096xf32, #tpu.memory_space<hbm>>
    %dma_start3A_933 = arith.constant 0 : i32
    %dma_start3A_934 = arith.constant 0 : i32
    %dma_start3A_935 = tpu.memref_slice %arg4[%dma_start3A_921, %dma_start3A_933, %dma_start3A_934] : memref<2x8x4096xf32, #tpu.memory_space<vmem>> -> memref<1x8x4096xf32, #tpu.memory_space<vmem>>
    %dma_start3A_936 = tpu.memref_squeeze %dma_start3A_935 : memref<1x8x4096xf32, #tpu.memory_space<vmem>> -> memref<8x4096xf32, #tpu.memory_space<vmem>>
    tpu.enqueue_dma source(%dma_start3A_936 : memref<8x4096xf32, #tpu.memory_space<vmem>>) target(%dma_start3A_932 : memref<8x4096xf32, #tpu.memory_space<hbm>>) target_semaphore(%dma_start3A_930 : memref<!tpu.dma_semaphore, #tpu.memory_space<semaphore_mem>>)
    %add3A_937 = arith.constant 96 : i32
    %add3A_938 = arith.addi %mul3A_2, %add3A_937 : i32
    %dma_wait3A_939 = arith.constant 0 : i32
    %dma_wait3A_940 = arith.constant 0 : i32
    %dma_wait3A_941 = arith.constant 0 : i32
    %dma_wait3A_942 = arith.constant 0 : i32
    %dma_wait3A_943 = tpu.memref_slice %arg4[%dma_wait3A_939, %dma_wait3A_941, %dma_wait3A_942] : memref<2x8x4096xf32, #tpu.memory_space<vmem>> -> memref<1x8x4096xf32, #tpu.memory_space<vmem>>
    %dma_wait3A_944 = tpu.memref_squeeze %dma_wait3A_943 : memref<1x8x4096xf32, #tpu.memory_space<vmem>> -> memref<8x4096xf32, #tpu.memory_space<vmem>>
    %dma_wait3A_945 = arith.constant 0 : i32
    %dma_wait3A_946 = tpu.memref_slice %arg3[%add3A_938, %dma_wait3A_945] : memref<8192x4096xf32, #tpu.memory_space<hbm>> -> memref<8x4096xf32, #tpu.memory_space<hbm>>
    %dma_wait3A_947 = tpu.memref_slice %arg6[%dma_wait3A_940] : memref<2x!tpu.dma_semaphore, #tpu.memory_space<semaphore_mem>> -> memref<1x!tpu.dma_semaphore, #tpu.memory_space<semaphore_mem>>
    %dma_wait3A_948 = tpu.memref_squeeze %dma_wait3A_947 : memref<1x!tpu.dma_semaphore, #tpu.memory_space<semaphore_mem>> -> memref<!tpu.dma_semaphore, #tpu.memory_space<semaphore_mem>>
    %dma_wait3A_949 = arith.constant 0 : i32
    %dma_wait3A_950 = tpu.memref_slice %arg3[%add3A_938, %dma_wait3A_949] : memref<8192x4096xf32, #tpu.memory_space<hbm>> -> memref<8x4096xf32, #tpu.memory_space<hbm>>
    %dma_wait3A_951 = arith.constant 0 : i32
    %dma_wait3A_952 = arith.constant 0 : i32
    %dma_wait3A_953 = tpu.memref_slice %arg4[%dma_wait3A_939, %dma_wait3A_951, %dma_wait3A_952] : memref<2x8x4096xf32, #tpu.memory_space<vmem>> -> memref<1x8x4096xf32, #tpu.memory_space<vmem>>
    %dma_wait3A_954 = tpu.memref_squeeze %dma_wait3A_953 : memref<1x8x4096xf32, #tpu.memory_space<vmem>> -> memref<8x4096xf32, #tpu.memory_space<vmem>>
    tpu.wait_dma2 semaphore(%dma_wait3A_948 : memref<!tpu.dma_semaphore, #tpu.memory_space<semaphore_mem>>) src(%dma_wait3A_954 : memref<8x4096xf32, #tpu.memory_space<vmem>>) dst(%dma_wait3A_950 : memref<8x4096xf32, #tpu.memory_space<hbm>>)
    %add3A_955 = arith.constant 112 : i32
    %add3A_956 = arith.addi %mul3A_2, %add3A_955 : i32
    %dma_start3A_957 = arith.constant 0 : i32
    %dma_start3A_958 = arith.constant 0 : i32
    %dma_start3A_959 = arith.constant 0 : i32
    %dma_start3A_960 = arith.constant 0 : i32
    %dma_start3A_961 = tpu.memref_slice %arg4[%dma_start3A_957, %dma_start3A_959, %dma_start3A_960] : memref<2x8x4096xf32, #tpu.memory_space<vmem>> -> memref<1x8x4096xf32, #tpu.memory_space<vmem>>
    %dma_start3A_962 = tpu.memref_squeeze %dma_start3A_961 : memref<1x8x4096xf32, #tpu.memory_space<vmem>> -> memref<8x4096xf32, #tpu.memory_space<vmem>>
    %dma_start3A_963 = arith.constant 0 : i32
    %dma_start3A_964 = tpu.memref_slice %arg2[%add3A_956, %dma_start3A_963] : memref<8192x4096xf32, #tpu.memory_space<hbm>> -> memref<8x4096xf32, #tpu.memory_space<hbm>>
    %dma_start3A_965 = tpu.memref_slice %arg5[%dma_start3A_958] : memref<2x!tpu.dma_semaphore, #tpu.memory_space<semaphore_mem>> -> memref<1x!tpu.dma_semaphore, #tpu.memory_space<semaphore_mem>>
    %dma_start3A_966 = tpu.memref_squeeze %dma_start3A_965 : memref<1x!tpu.dma_semaphore, #tpu.memory_space<semaphore_mem>> -> memref<!tpu.dma_semaphore, #tpu.memory_space<semaphore_mem>>
    %dma_start3A_967 = arith.constant 0 : i32
    %dma_start3A_968 = arith.constant 0 : i32
    %dma_start3A_969 = tpu.memref_slice %arg4[%dma_start3A_957, %dma_start3A_967, %dma_start3A_968] : memref<2x8x4096xf32, #tpu.memory_space<vmem>> -> memref<1x8x4096xf32, #tpu.memory_space<vmem>>
    %dma_start3A_970 = tpu.memref_squeeze %dma_start3A_969 : memref<1x8x4096xf32, #tpu.memory_space<vmem>> -> memref<8x4096xf32, #tpu.memory_space<vmem>>
    %dma_start3A_971 = arith.constant 0 : i32
    %dma_start3A_972 = tpu.memref_slice %arg2[%add3A_956, %dma_start3A_971] : memref<8192x4096xf32, #tpu.memory_space<hbm>> -> memref<8x4096xf32, #tpu.memory_space<hbm>>
    tpu.enqueue_dma source(%dma_start3A_972 : memref<8x4096xf32, #tpu.memory_space<hbm>>) target(%dma_start3A_970 : memref<8x4096xf32, #tpu.memory_space<vmem>>) target_semaphore(%dma_start3A_966 : memref<!tpu.dma_semaphore, #tpu.memory_space<semaphore_mem>>)
    %add3A_973 = arith.constant 104 : i32
    %add3A_974 = arith.addi %mul3A_2, %add3A_973 : i32
    %dma_wait3A_975 = arith.constant 1 : i32
    %dma_wait3A_976 = arith.constant 1 : i32
    %dma_wait3A_977 = arith.constant 0 : i32
    %dma_wait3A_978 = arith.constant 0 : i32
    %dma_wait3A_979 = tpu.memref_slice %arg4[%dma_wait3A_975, %dma_wait3A_977, %dma_wait3A_978] : memref<2x8x4096xf32, #tpu.memory_space<vmem>> -> memref<1x8x4096xf32, #tpu.memory_space<vmem>>
    %dma_wait3A_980 = tpu.memref_squeeze %dma_wait3A_979 : memref<1x8x4096xf32, #tpu.memory_space<vmem>> -> memref<8x4096xf32, #tpu.memory_space<vmem>>
    %dma_wait3A_981 = arith.constant 0 : i32
    %dma_wait3A_982 = tpu.memref_slice %arg2[%add3A_974, %dma_wait3A_981] : memref<8192x4096xf32, #tpu.memory_space<hbm>> -> memref<8x4096xf32, #tpu.memory_space<hbm>>
    %dma_wait3A_983 = tpu.memref_slice %arg5[%dma_wait3A_976] : memref<2x!tpu.dma_semaphore, #tpu.memory_space<semaphore_mem>> -> memref<1x!tpu.dma_semaphore, #tpu.memory_space<semaphore_mem>>
    %dma_wait3A_984 = tpu.memref_squeeze %dma_wait3A_983 : memref<1x!tpu.dma_semaphore, #tpu.memory_space<semaphore_mem>> -> memref<!tpu.dma_semaphore, #tpu.memory_space<semaphore_mem>>
    %dma_wait3A_985 = arith.constant 0 : i32
    %dma_wait3A_986 = arith.constant 0 : i32
    %dma_wait3A_987 = tpu.memref_slice %arg4[%dma_wait3A_975, %dma_wait3A_985, %dma_wait3A_986] : memref<2x8x4096xf32, #tpu.memory_space<vmem>> -> memref<1x8x4096xf32, #tpu.memory_space<vmem>>
    %dma_wait3A_988 = tpu.memref_squeeze %dma_wait3A_987 : memref<1x8x4096xf32, #tpu.memory_space<vmem>> -> memref<8x4096xf32, #tpu.memory_space<vmem>>
    %dma_wait3A_989 = arith.constant 0 : i32
    %dma_wait3A_990 = tpu.memref_slice %arg2[%add3A_974, %dma_wait3A_989] : memref<8192x4096xf32, #tpu.memory_space<hbm>> -> memref<8x4096xf32, #tpu.memory_space<hbm>>
    tpu.wait_dma2 semaphore(%dma_wait3A_984 : memref<!tpu.dma_semaphore, #tpu.memory_space<semaphore_mem>>) src(%dma_wait3A_990 : memref<8x4096xf32, #tpu.memory_space<hbm>>) dst(%dma_wait3A_988 : memref<8x4096xf32, #tpu.memory_space<vmem>>)
    %add3A_991 = arith.constant 104 : i32
    %add3A_992 = arith.addi %mul3A_2, %add3A_991 : i32
    %dma_start3A_993 = arith.constant 1 : i32
    %dma_start3A_994 = arith.constant 1 : i32
    %dma_start3A_995 = arith.constant 0 : i32
    %dma_start3A_996 = arith.constant 0 : i32
    %dma_start3A_997 = tpu.memref_slice %arg4[%dma_start3A_993, %dma_start3A_995, %dma_start3A_996] : memref<2x8x4096xf32, #tpu.memory_space<vmem>> -> memref<1x8x4096xf32, #tpu.memory_space<vmem>>
    %dma_start3A_998 = tpu.memref_squeeze %dma_start3A_997 : memref<1x8x4096xf32, #tpu.memory_space<vmem>> -> memref<8x4096xf32, #tpu.memory_space<vmem>>
    %dma_start3A_999 = arith.constant 0 : i32
    %dma_start3A_1000 = tpu.memref_slice %arg3[%add3A_992, %dma_start3A_999] : memref<8192x4096xf32, #tpu.memory_space<hbm>> -> memref<8x4096xf32, #tpu.memory_space<hbm>>
    %dma_start3A_1001 = tpu.memref_slice %arg6[%dma_start3A_994] : memref<2x!tpu.dma_semaphore, #tpu.memory_space<semaphore_mem>> -> memref<1x!tpu.dma_semaphore, #tpu.memory_space<semaphore_mem>>
    %dma_start3A_1002 = tpu.memref_squeeze %dma_start3A_1001 : memref<1x!tpu.dma_semaphore, #tpu.memory_space<semaphore_mem>> -> memref<!tpu.dma_semaphore, #tpu.memory_space<semaphore_mem>>
    %dma_start3A_1003 = arith.constant 0 : i32
    %dma_start3A_1004 = tpu.memref_slice %arg3[%add3A_992, %dma_start3A_1003] : memref<8192x4096xf32, #tpu.memory_space<hbm>> -> memref<8x4096xf32, #tpu.memory_space<hbm>>
    %dma_start3A_1005 = arith.constant 0 : i32
    %dma_start3A_1006 = arith.constant 0 : i32
    %dma_start3A_1007 = tpu.memref_slice %arg4[%dma_start3A_993, %dma_start3A_1005, %dma_start3A_1006] : memref<2x8x4096xf32, #tpu.memory_space<vmem>> -> memref<1x8x4096xf32, #tpu.memory_space<vmem>>
    %dma_start3A_1008 = tpu.memref_squeeze %dma_start3A_1007 : memref<1x8x4096xf32, #tpu.memory_space<vmem>> -> memref<8x4096xf32, #tpu.memory_space<vmem>>
    tpu.enqueue_dma source(%dma_start3A_1008 : memref<8x4096xf32, #tpu.memory_space<vmem>>) target(%dma_start3A_1004 : memref<8x4096xf32, #tpu.memory_space<hbm>>) target_semaphore(%dma_start3A_1002 : memref<!tpu.dma_semaphore, #tpu.memory_space<semaphore_mem>>)
    %add3A_1009 = arith.constant 104 : i32
    %add3A_1010 = arith.addi %mul3A_2, %add3A_1009 : i32
    %dma_wait3A_1011 = arith.constant 1 : i32
    %dma_wait3A_1012 = arith.constant 1 : i32
    %dma_wait3A_1013 = arith.constant 0 : i32
    %dma_wait3A_1014 = arith.constant 0 : i32
    %dma_wait3A_1015 = tpu.memref_slice %arg4[%dma_wait3A_1011, %dma_wait3A_1013, %dma_wait3A_1014] : memref<2x8x4096xf32, #tpu.memory_space<vmem>> -> memref<1x8x4096xf32, #tpu.memory_space<vmem>>
    %dma_wait3A_1016 = tpu.memref_squeeze %dma_wait3A_1015 : memref<1x8x4096xf32, #tpu.memory_space<vmem>> -> memref<8x4096xf32, #tpu.memory_space<vmem>>
    %dma_wait3A_1017 = arith.constant 0 : i32
    %dma_wait3A_1018 = tpu.memref_slice %arg3[%add3A_1010, %dma_wait3A_1017] : memref<8192x4096xf32, #tpu.memory_space<hbm>> -> memref<8x4096xf32, #tpu.memory_space<hbm>>
    %dma_wait3A_1019 = tpu.memref_slice %arg6[%dma_wait3A_1012] : memref<2x!tpu.dma_semaphore, #tpu.memory_space<semaphore_mem>> -> memref<1x!tpu.dma_semaphore, #tpu.memory_space<semaphore_mem>>
    %dma_wait3A_1020 = tpu.memref_squeeze %dma_wait3A_1019 : memref<1x!tpu.dma_semaphore, #tpu.memory_space<semaphore_mem>> -> memref<!tpu.dma_semaphore, #tpu.memory_space<semaphore_mem>>
    %dma_wait3A_1021 = arith.constant 0 : i32
    %dma_wait3A_1022 = tpu.memref_slice %arg3[%add3A_1010, %dma_wait3A_1021] : memref<8192x4096xf32, #tpu.memory_space<hbm>> -> memref<8x4096xf32, #tpu.memory_space<hbm>>
    %dma_wait3A_1023 = arith.constant 0 : i32
    %dma_wait3A_1024 = arith.constant 0 : i32
    %dma_wait3A_1025 = tpu.memref_slice %arg4[%dma_wait3A_1011, %dma_wait3A_1023, %dma_wait3A_1024] : memref<2x8x4096xf32, #tpu.memory_space<vmem>> -> memref<1x8x4096xf32, #tpu.memory_space<vmem>>
    %dma_wait3A_1026 = tpu.memref_squeeze %dma_wait3A_1025 : memref<1x8x4096xf32, #tpu.memory_space<vmem>> -> memref<8x4096xf32, #tpu.memory_space<vmem>>
    tpu.wait_dma2 semaphore(%dma_wait3A_1020 : memref<!tpu.dma_semaphore, #tpu.memory_space<semaphore_mem>>) src(%dma_wait3A_1026 : memref<8x4096xf32, #tpu.memory_space<vmem>>) dst(%dma_wait3A_1022 : memref<8x4096xf32, #tpu.memory_space<hbm>>)
    %add3A_1027 = arith.constant 120 : i32
    %add3A_1028 = arith.addi %mul3A_2, %add3A_1027 : i32
    %dma_start3A_1029 = arith.constant 1 : i32
    %dma_start3A_1030 = arith.constant 1 : i32
    %dma_start3A_1031 = arith.constant 0 : i32
    %dma_start3A_1032 = arith.constant 0 : i32
    %dma_start3A_1033 = tpu.memref_slice %arg4[%dma_start3A_1029, %dma_start3A_1031, %dma_start3A_1032] : memref<2x8x4096xf32, #tpu.memory_space<vmem>> -> memref<1x8x4096xf32, #tpu.memory_space<vmem>>
    %dma_start3A_1034 = tpu.memref_squeeze %dma_start3A_1033 : memref<1x8x4096xf32, #tpu.memory_space<vmem>> -> memref<8x4096xf32, #tpu.memory_space<vmem>>
    %dma_start3A_1035 = arith.constant 0 : i32
    %dma_start3A_1036 = tpu.memref_slice %arg2[%add3A_1028, %dma_start3A_1035] : memref<8192x4096xf32, #tpu.memory_space<hbm>> -> memref<8x4096xf32, #tpu.memory_space<hbm>>
    %dma_start3A_1037 = tpu.memref_slice %arg5[%dma_start3A_1030] : memref<2x!tpu.dma_semaphore, #tpu.memory_space<semaphore_mem>> -> memref<1x!tpu.dma_semaphore, #tpu.memory_space<semaphore_mem>>
    %dma_start3A_1038 = tpu.memref_squeeze %dma_start3A_1037 : memref<1x!tpu.dma_semaphore, #tpu.memory_space<semaphore_mem>> -> memref<!tpu.dma_semaphore, #tpu.memory_space<semaphore_mem>>
    %dma_start3A_1039 = arith.constant 0 : i32
    %dma_start3A_1040 = arith.constant 0 : i32
    %dma_start3A_1041 = tpu.memref_slice %arg4[%dma_start3A_1029, %dma_start3A_1039, %dma_start3A_1040] : memref<2x8x4096xf32, #tpu.memory_space<vmem>> -> memref<1x8x4096xf32, #tpu.memory_space<vmem>>
    %dma_start3A_1042 = tpu.memref_squeeze %dma_start3A_1041 : memref<1x8x4096xf32, #tpu.memory_space<vmem>> -> memref<8x4096xf32, #tpu.memory_space<vmem>>
    %dma_start3A_1043 = arith.constant 0 : i32
    %dma_start3A_1044 = tpu.memref_slice %arg2[%add3A_1028, %dma_start3A_1043] : memref<8192x4096xf32, #tpu.memory_space<hbm>> -> memref<8x4096xf32, #tpu.memory_space<hbm>>
    tpu.enqueue_dma source(%dma_start3A_1044 : memref<8x4096xf32, #tpu.memory_space<hbm>>) target(%dma_start3A_1042 : memref<8x4096xf32, #tpu.memory_space<vmem>>) target_semaphore(%dma_start3A_1038 : memref<!tpu.dma_semaphore, #tpu.memory_space<semaphore_mem>>)
    %add3A_1045 = arith.constant 112 : i32
    %add3A_1046 = arith.addi %mul3A_2, %add3A_1045 : i32
    %dma_wait3A_1047 = arith.constant 0 : i32
    %dma_wait3A_1048 = arith.constant 0 : i32
    %dma_wait3A_1049 = arith.constant 0 : i32
    %dma_wait3A_1050 = arith.constant 0 : i32
    %dma_wait3A_1051 = tpu.memref_slice %arg4[%dma_wait3A_1047, %dma_wait3A_1049, %dma_wait3A_1050] : memref<2x8x4096xf32, #tpu.memory_space<vmem>> -> memref<1x8x4096xf32, #tpu.memory_space<vmem>>
    %dma_wait3A_1052 = tpu.memref_squeeze %dma_wait3A_1051 : memref<1x8x4096xf32, #tpu.memory_space<vmem>> -> memref<8x4096xf32, #tpu.memory_space<vmem>>
    %dma_wait3A_1053 = arith.constant 0 : i32
    %dma_wait3A_1054 = tpu.memref_slice %arg2[%add3A_1046, %dma_wait3A_1053] : memref<8192x4096xf32, #tpu.memory_space<hbm>> -> memref<8x4096xf32, #tpu.memory_space<hbm>>
    %dma_wait3A_1055 = tpu.memref_slice %arg5[%dma_wait3A_1048] : memref<2x!tpu.dma_semaphore, #tpu.memory_space<semaphore_mem>> -> memref<1x!tpu.dma_semaphore, #tpu.memory_space<semaphore_mem>>
    %dma_wait3A_1056 = tpu.memref_squeeze %dma_wait3A_1055 : memref<1x!tpu.dma_semaphore, #tpu.memory_space<semaphore_mem>> -> memref<!tpu.dma_semaphore, #tpu.memory_space<semaphore_mem>>
    %dma_wait3A_1057 = arith.constant 0 : i32
    %dma_wait3A_1058 = arith.constant 0 : i32
    %dma_wait3A_1059 = tpu.memref_slice %arg4[%dma_wait3A_1047, %dma_wait3A_1057, %dma_wait3A_1058] : memref<2x8x4096xf32, #tpu.memory_space<vmem>> -> memref<1x8x4096xf32, #tpu.memory_space<vmem>>
    %dma_wait3A_1060 = tpu.memref_squeeze %dma_wait3A_1059 : memref<1x8x4096xf32, #tpu.memory_space<vmem>> -> memref<8x4096xf32, #tpu.memory_space<vmem>>
    %dma_wait3A_1061 = arith.constant 0 : i32
    %dma_wait3A_1062 = tpu.memref_slice %arg2[%add3A_1046, %dma_wait3A_1061] : memref<8192x4096xf32, #tpu.memory_space<hbm>> -> memref<8x4096xf32, #tpu.memory_space<hbm>>
    tpu.wait_dma2 semaphore(%dma_wait3A_1056 : memref<!tpu.dma_semaphore, #tpu.memory_space<semaphore_mem>>) src(%dma_wait3A_1062 : memref<8x4096xf32, #tpu.memory_space<hbm>>) dst(%dma_wait3A_1060 : memref<8x4096xf32, #tpu.memory_space<vmem>>)
    %add3A_1063 = arith.constant 112 : i32
    %add3A_1064 = arith.addi %mul3A_2, %add3A_1063 : i32
    %dma_start3A_1065 = arith.constant 0 : i32
    %dma_start3A_1066 = arith.constant 0 : i32
    %dma_start3A_1067 = arith.constant 0 : i32
    %dma_start3A_1068 = arith.constant 0 : i32
    %dma_start3A_1069 = tpu.memref_slice %arg4[%dma_start3A_1065, %dma_start3A_1067, %dma_start3A_1068] : memref<2x8x4096xf32, #tpu.memory_space<vmem>> -> memref<1x8x4096xf32, #tpu.memory_space<vmem>>
    %dma_start3A_1070 = tpu.memref_squeeze %dma_start3A_1069 : memref<1x8x4096xf32, #tpu.memory_space<vmem>> -> memref<8x4096xf32, #tpu.memory_space<vmem>>
    %dma_start3A_1071 = arith.constant 0 : i32
    %dma_start3A_1072 = tpu.memref_slice %arg3[%add3A_1064, %dma_start3A_1071] : memref<8192x4096xf32, #tpu.memory_space<hbm>> -> memref<8x4096xf32, #tpu.memory_space<hbm>>
    %dma_start3A_1073 = tpu.memref_slice %arg6[%dma_start3A_1066] : memref<2x!tpu.dma_semaphore, #tpu.memory_space<semaphore_mem>> -> memref<1x!tpu.dma_semaphore, #tpu.memory_space<semaphore_mem>>
    %dma_start3A_1074 = tpu.memref_squeeze %dma_start3A_1073 : memref<1x!tpu.dma_semaphore, #tpu.memory_space<semaphore_mem>> -> memref<!tpu.dma_semaphore, #tpu.memory_space<semaphore_mem>>
    %dma_start3A_1075 = arith.constant 0 : i32
    %dma_start3A_1076 = tpu.memref_slice %arg3[%add3A_1064, %dma_start3A_1075] : memref<8192x4096xf32, #tpu.memory_space<hbm>> -> memref<8x4096xf32, #tpu.memory_space<hbm>>
    %dma_start3A_1077 = arith.constant 0 : i32
    %dma_start3A_1078 = arith.constant 0 : i32
    %dma_start3A_1079 = tpu.memref_slice %arg4[%dma_start3A_1065, %dma_start3A_1077, %dma_start3A_1078] : memref<2x8x4096xf32, #tpu.memory_space<vmem>> -> memref<1x8x4096xf32, #tpu.memory_space<vmem>>
    %dma_start3A_1080 = tpu.memref_squeeze %dma_start3A_1079 : memref<1x8x4096xf32, #tpu.memory_space<vmem>> -> memref<8x4096xf32, #tpu.memory_space<vmem>>
    tpu.enqueue_dma source(%dma_start3A_1080 : memref<8x4096xf32, #tpu.memory_space<vmem>>) target(%dma_start3A_1076 : memref<8x4096xf32, #tpu.memory_space<hbm>>) target_semaphore(%dma_start3A_1074 : memref<!tpu.dma_semaphore, #tpu.memory_space<semaphore_mem>>)
    %add3A_1081 = arith.constant 112 : i32
    %add3A_1082 = arith.addi %mul3A_2, %add3A_1081 : i32
    %dma_wait3A_1083 = arith.constant 0 : i32
    %dma_wait3A_1084 = arith.constant 0 : i32
    %dma_wait3A_1085 = arith.constant 0 : i32
    %dma_wait3A_1086 = arith.constant 0 : i32
    %dma_wait3A_1087 = tpu.memref_slice %arg4[%dma_wait3A_1083, %dma_wait3A_1085, %dma_wait3A_1086] : memref<2x8x4096xf32, #tpu.memory_space<vmem>> -> memref<1x8x4096xf32, #tpu.memory_space<vmem>>
    %dma_wait3A_1088 = tpu.memref_squeeze %dma_wait3A_1087 : memref<1x8x4096xf32, #tpu.memory_space<vmem>> -> memref<8x4096xf32, #tpu.memory_space<vmem>>
    %dma_wait3A_1089 = arith.constant 0 : i32
    %dma_wait3A_1090 = tpu.memref_slice %arg3[%add3A_1082, %dma_wait3A_1089] : memref<8192x4096xf32, #tpu.memory_space<hbm>> -> memref<8x4096xf32, #tpu.memory_space<hbm>>
    %dma_wait3A_1091 = tpu.memref_slice %arg6[%dma_wait3A_1084] : memref<2x!tpu.dma_semaphore, #tpu.memory_space<semaphore_mem>> -> memref<1x!tpu.dma_semaphore, #tpu.memory_space<semaphore_mem>>
    %dma_wait3A_1092 = tpu.memref_squeeze %dma_wait3A_1091 : memref<1x!tpu.dma_semaphore, #tpu.memory_space<semaphore_mem>> -> memref<!tpu.dma_semaphore, #tpu.memory_space<semaphore_mem>>
    %dma_wait3A_1093 = arith.constant 0 : i32
    %dma_wait3A_1094 = tpu.memref_slice %arg3[%add3A_1082, %dma_wait3A_1093] : memref<8192x4096xf32, #tpu.memory_space<hbm>> -> memref<8x4096xf32, #tpu.memory_space<hbm>>
    %dma_wait3A_1095 = arith.constant 0 : i32
    %dma_wait3A_1096 = arith.constant 0 : i32
    %dma_wait3A_1097 = tpu.memref_slice %arg4[%dma_wait3A_1083, %dma_wait3A_1095, %dma_wait3A_1096] : memref<2x8x4096xf32, #tpu.memory_space<vmem>> -> memref<1x8x4096xf32, #tpu.memory_space<vmem>>
    %dma_wait3A_1098 = tpu.memref_squeeze %dma_wait3A_1097 : memref<1x8x4096xf32, #tpu.memory_space<vmem>> -> memref<8x4096xf32, #tpu.memory_space<vmem>>
    tpu.wait_dma2 semaphore(%dma_wait3A_1092 : memref<!tpu.dma_semaphore, #tpu.memory_space<semaphore_mem>>) src(%dma_wait3A_1098 : memref<8x4096xf32, #tpu.memory_space<vmem>>) dst(%dma_wait3A_1094 : memref<8x4096xf32, #tpu.memory_space<hbm>>)
    %add3A_1099 = arith.constant 128 : i32
    %add3A_1100 = arith.addi %mul3A_2, %add3A_1099 : i32
    %dma_start3A_1101 = arith.constant 0 : i32
    %dma_start3A_1102 = arith.constant 0 : i32
    %dma_start3A_1103 = arith.constant 0 : i32
    %dma_start3A_1104 = arith.constant 0 : i32
    %dma_start3A_1105 = tpu.memref_slice %arg4[%dma_start3A_1101, %dma_start3A_1103, %dma_start3A_1104] : memref<2x8x4096xf32, #tpu.memory_space<vmem>> -> memref<1x8x4096xf32, #tpu.memory_space<vmem>>
    %dma_start3A_1106 = tpu.memref_squeeze %dma_start3A_1105 : memref<1x8x4096xf32, #tpu.memory_space<vmem>> -> memref<8x4096xf32, #tpu.memory_space<vmem>>
    %dma_start3A_1107 = arith.constant 0 : i32
    %dma_start3A_1108 = tpu.memref_slice %arg2[%add3A_1100, %dma_start3A_1107] : memref<8192x4096xf32, #tpu.memory_space<hbm>> -> memref<8x4096xf32, #tpu.memory_space<hbm>>
    %dma_start3A_1109 = tpu.memref_slice %arg5[%dma_start3A_1102] : memref<2x!tpu.dma_semaphore, #tpu.memory_space<semaphore_mem>> -> memref<1x!tpu.dma_semaphore, #tpu.memory_space<semaphore_mem>>
    %dma_start3A_1110 = tpu.memref_squeeze %dma_start3A_1109 : memref<1x!tpu.dma_semaphore, #tpu.memory_space<semaphore_mem>> -> memref<!tpu.dma_semaphore, #tpu.memory_space<semaphore_mem>>
    %dma_start3A_1111 = arith.constant 0 : i32
    %dma_start3A_1112 = arith.constant 0 : i32
    %dma_start3A_1113 = tpu.memref_slice %arg4[%dma_start3A_1101, %dma_start3A_1111, %dma_start3A_1112] : memref<2x8x4096xf32, #tpu.memory_space<vmem>> -> memref<1x8x4096xf32, #tpu.memory_space<vmem>>
    %dma_start3A_1114 = tpu.memref_squeeze %dma_start3A_1113 : memref<1x8x4096xf32, #tpu.memory_space<vmem>> -> memref<8x4096xf32, #tpu.memory_space<vmem>>
    %dma_start3A_1115 = arith.constant 0 : i32
    %dma_start3A_1116 = tpu.memref_slice %arg2[%add3A_1100, %dma_start3A_1115] : memref<8192x4096xf32, #tpu.memory_space<hbm>> -> memref<8x4096xf32, #tpu.memory_space<hbm>>
    tpu.enqueue_dma source(%dma_start3A_1116 : memref<8x4096xf32, #tpu.memory_space<hbm>>) target(%dma_start3A_1114 : memref<8x4096xf32, #tpu.memory_space<vmem>>) target_semaphore(%dma_start3A_1110 : memref<!tpu.dma_semaphore, #tpu.memory_space<semaphore_mem>>)
    %add3A_1117 = arith.constant 120 : i32
    %add3A_1118 = arith.addi %mul3A_2, %add3A_1117 : i32
    %dma_wait3A_1119 = arith.constant 1 : i32
    %dma_wait3A_1120 = arith.constant 1 : i32
    %dma_wait3A_1121 = arith.constant 0 : i32
    %dma_wait3A_1122 = arith.constant 0 : i32
    %dma_wait3A_1123 = tpu.memref_slice %arg4[%dma_wait3A_1119, %dma_wait3A_1121, %dma_wait3A_1122] : memref<2x8x4096xf32, #tpu.memory_space<vmem>> -> memref<1x8x4096xf32, #tpu.memory_space<vmem>>
    %dma_wait3A_1124 = tpu.memref_squeeze %dma_wait3A_1123 : memref<1x8x4096xf32, #tpu.memory_space<vmem>> -> memref<8x4096xf32, #tpu.memory_space<vmem>>
    %dma_wait3A_1125 = arith.constant 0 : i32
    %dma_wait3A_1126 = tpu.memref_slice %arg2[%add3A_1118, %dma_wait3A_1125] : memref<8192x4096xf32, #tpu.memory_space<hbm>> -> memref<8x4096xf32, #tpu.memory_space<hbm>>
    %dma_wait3A_1127 = tpu.memref_slice %arg5[%dma_wait3A_1120] : memref<2x!tpu.dma_semaphore, #tpu.memory_space<semaphore_mem>> -> memref<1x!tpu.dma_semaphore, #tpu.memory_space<semaphore_mem>>
    %dma_wait3A_1128 = tpu.memref_squeeze %dma_wait3A_1127 : memref<1x!tpu.dma_semaphore, #tpu.memory_space<semaphore_mem>> -> memref<!tpu.dma_semaphore, #tpu.memory_space<semaphore_mem>>
    %dma_wait3A_1129 = arith.constant 0 : i32
    %dma_wait3A_1130 = arith.constant 0 : i32
    %dma_wait3A_1131 = tpu.memref_slice %arg4[%dma_wait3A_1119, %dma_wait3A_1129, %dma_wait3A_1130] : memref<2x8x4096xf32, #tpu.memory_space<vmem>> -> memref<1x8x4096xf32, #tpu.memory_space<vmem>>
    %dma_wait3A_1132 = tpu.memref_squeeze %dma_wait3A_1131 : memref<1x8x4096xf32, #tpu.memory_space<vmem>> -> memref<8x4096xf32, #tpu.memory_space<vmem>>
    %dma_wait3A_1133 = arith.constant 0 : i32
    %dma_wait3A_1134 = tpu.memref_slice %arg2[%add3A_1118, %dma_wait3A_1133] : memref<8192x4096xf32, #tpu.memory_space<hbm>> -> memref<8x4096xf32, #tpu.memory_space<hbm>>
    tpu.wait_dma2 semaphore(%dma_wait3A_1128 : memref<!tpu.dma_semaphore, #tpu.memory_space<semaphore_mem>>) src(%dma_wait3A_1134 : memref<8x4096xf32, #tpu.memory_space<hbm>>) dst(%dma_wait3A_1132 : memref<8x4096xf32, #tpu.memory_space<vmem>>)
    %add3A_1135 = arith.constant 120 : i32
    %add3A_1136 = arith.addi %mul3A_2, %add3A_1135 : i32
    %dma_start3A_1137 = arith.constant 1 : i32
    %dma_start3A_1138 = arith.constant 1 : i32
    %dma_start3A_1139 = arith.constant 0 : i32
    %dma_start3A_1140 = arith.constant 0 : i32
    %dma_start3A_1141 = tpu.memref_slice %arg4[%dma_start3A_1137, %dma_start3A_1139, %dma_start3A_1140] : memref<2x8x4096xf32, #tpu.memory_space<vmem>> -> memref<1x8x4096xf32, #tpu.memory_space<vmem>>
    %dma_start3A_1142 = tpu.memref_squeeze %dma_start3A_1141 : memref<1x8x4096xf32, #tpu.memory_space<vmem>> -> memref<8x4096xf32, #tpu.memory_space<vmem>>
    %dma_start3A_1143 = arith.constant 0 : i32
    %dma_start3A_1144 = tpu.memref_slice %arg3[%add3A_1136, %dma_start3A_1143] : memref<8192x4096xf32, #tpu.memory_space<hbm>> -> memref<8x4096xf32, #tpu.memory_space<hbm>>
    %dma_start3A_1145 = tpu.memref_slice %arg6[%dma_start3A_1138] : memref<2x!tpu.dma_semaphore, #tpu.memory_space<semaphore_mem>> -> memref<1x!tpu.dma_semaphore, #tpu.memory_space<semaphore_mem>>
    %dma_start3A_1146 = tpu.memref_squeeze %dma_start3A_1145 : memref<1x!tpu.dma_semaphore, #tpu.memory_space<semaphore_mem>> -> memref<!tpu.dma_semaphore, #tpu.memory_space<semaphore_mem>>
    %dma_start3A_1147 = arith.constant 0 : i32
    %dma_start3A_1148 = tpu.memref_slice %arg3[%add3A_1136, %dma_start3A_1147] : memref<8192x4096xf32, #tpu.memory_space<hbm>> -> memref<8x4096xf32, #tpu.memory_space<hbm>>
    %dma_start3A_1149 = arith.constant 0 : i32
    %dma_start3A_1150 = arith.constant 0 : i32
    %dma_start3A_1151 = tpu.memref_slice %arg4[%dma_start3A_1137, %dma_start3A_1149, %dma_start3A_1150] : memref<2x8x4096xf32, #tpu.memory_space<vmem>> -> memref<1x8x4096xf32, #tpu.memory_space<vmem>>
    %dma_start3A_1152 = tpu.memref_squeeze %dma_start3A_1151 : memref<1x8x4096xf32, #tpu.memory_space<vmem>> -> memref<8x4096xf32, #tpu.memory_space<vmem>>
    tpu.enqueue_dma source(%dma_start3A_1152 : memref<8x4096xf32, #tpu.memory_space<vmem>>) target(%dma_start3A_1148 : memref<8x4096xf32, #tpu.memory_space<hbm>>) target_semaphore(%dma_start3A_1146 : memref<!tpu.dma_semaphore, #tpu.memory_space<semaphore_mem>>)
    %add3A_1153 = arith.constant 120 : i32
    %add3A_1154 = arith.addi %mul3A_2, %add3A_1153 : i32
    %dma_wait3A_1155 = arith.constant 1 : i32
    %dma_wait3A_1156 = arith.constant 1 : i32
    %dma_wait3A_1157 = arith.constant 0 : i32
    %dma_wait3A_1158 = arith.constant 0 : i32
    %dma_wait3A_1159 = tpu.memref_slice %arg4[%dma_wait3A_1155, %dma_wait3A_1157, %dma_wait3A_1158] : memref<2x8x4096xf32, #tpu.memory_space<vmem>> -> memref<1x8x4096xf32, #tpu.memory_space<vmem>>
    %dma_wait3A_1160 = tpu.memref_squeeze %dma_wait3A_1159 : memref<1x8x4096xf32, #tpu.memory_space<vmem>> -> memref<8x4096xf32, #tpu.memory_space<vmem>>
    %dma_wait3A_1161 = arith.constant 0 : i32
    %dma_wait3A_1162 = tpu.memref_slice %arg3[%add3A_1154, %dma_wait3A_1161] : memref<8192x4096xf32, #tpu.memory_space<hbm>> -> memref<8x4096xf32, #tpu.memory_space<hbm>>
    %dma_wait3A_1163 = tpu.memref_slice %arg6[%dma_wait3A_1156] : memref<2x!tpu.dma_semaphore, #tpu.memory_space<semaphore_mem>> -> memref<1x!tpu.dma_semaphore, #tpu.memory_space<semaphore_mem>>
    %dma_wait3A_1164 = tpu.memref_squeeze %dma_wait3A_1163 : memref<1x!tpu.dma_semaphore, #tpu.memory_space<semaphore_mem>> -> memref<!tpu.dma_semaphore, #tpu.memory_space<semaphore_mem>>
    %dma_wait3A_1165 = arith.constant 0 : i32
    %dma_wait3A_1166 = tpu.memref_slice %arg3[%add3A_1154, %dma_wait3A_1165] : memref<8192x4096xf32, #tpu.memory_space<hbm>> -> memref<8x4096xf32, #tpu.memory_space<hbm>>
    %dma_wait3A_1167 = arith.constant 0 : i32
    %dma_wait3A_1168 = arith.constant 0 : i32
    %dma_wait3A_1169 = tpu.memref_slice %arg4[%dma_wait3A_1155, %dma_wait3A_1167, %dma_wait3A_1168] : memref<2x8x4096xf32, #tpu.memory_space<vmem>> -> memref<1x8x4096xf32, #tpu.memory_space<vmem>>
    %dma_wait3A_1170 = tpu.memref_squeeze %dma_wait3A_1169 : memref<1x8x4096xf32, #tpu.memory_space<vmem>> -> memref<8x4096xf32, #tpu.memory_space<vmem>>
    tpu.wait_dma2 semaphore(%dma_wait3A_1164 : memref<!tpu.dma_semaphore, #tpu.memory_space<semaphore_mem>>) src(%dma_wait3A_1170 : memref<8x4096xf32, #tpu.memory_space<vmem>>) dst(%dma_wait3A_1166 : memref<8x4096xf32, #tpu.memory_space<hbm>>)
    %add3A_1171 = arith.constant 136 : i32
    %add3A_1172 = arith.addi %mul3A_2, %add3A_1171 : i32
    %dma_start3A_1173 = arith.constant 1 : i32
    %dma_start3A_1174 = arith.constant 1 : i32
    %dma_start3A_1175 = arith.constant 0 : i32
    %dma_start3A_1176 = arith.constant 0 : i32
    %dma_start3A_1177 = tpu.memref_slice %arg4[%dma_start3A_1173, %dma_start3A_1175, %dma_start3A_1176] : memref<2x8x4096xf32, #tpu.memory_space<vmem>> -> memref<1x8x4096xf32, #tpu.memory_space<vmem>>
    %dma_start3A_1178 = tpu.memref_squeeze %dma_start3A_1177 : memref<1x8x4096xf32, #tpu.memory_space<vmem>> -> memref<8x4096xf32, #tpu.memory_space<vmem>>
    %dma_start3A_1179 = arith.constant 0 : i32
    %dma_start3A_1180 = tpu.memref_slice %arg2[%add3A_1172, %dma_start3A_1179] : memref<8192x4096xf32, #tpu.memory_space<hbm>> -> memref<8x4096xf32, #tpu.memory_space<hbm>>
    %dma_start3A_1181 = tpu.memref_slice %arg5[%dma_start3A_1174] : memref<2x!tpu.dma_semaphore, #tpu.memory_space<semaphore_mem>> -> memref<1x!tpu.dma_semaphore, #tpu.memory_space<semaphore_mem>>
    %dma_start3A_1182 = tpu.memref_squeeze %dma_start3A_1181 : memref<1x!tpu.dma_semaphore, #tpu.memory_space<semaphore_mem>> -> memref<!tpu.dma_semaphore, #tpu.memory_space<semaphore_mem>>
    %dma_start3A_1183 = arith.constant 0 : i32
    %dma_start3A_1184 = arith.constant 0 : i32
    %dma_start3A_1185 = tpu.memref_slice %arg4[%dma_start3A_1173, %dma_start3A_1183, %dma_start3A_1184] : memref<2x8x4096xf32, #tpu.memory_space<vmem>> -> memref<1x8x4096xf32, #tpu.memory_space<vmem>>
    %dma_start3A_1186 = tpu.memref_squeeze %dma_start3A_1185 : memref<1x8x4096xf32, #tpu.memory_space<vmem>> -> memref<8x4096xf32, #tpu.memory_space<vmem>>
    %dma_start3A_1187 = arith.constant 0 : i32
    %dma_start3A_1188 = tpu.memref_slice %arg2[%add3A_1172, %dma_start3A_1187] : memref<8192x4096xf32, #tpu.memory_space<hbm>> -> memref<8x4096xf32, #tpu.memory_space<hbm>>
    tpu.enqueue_dma source(%dma_start3A_1188 : memref<8x4096xf32, #tpu.memory_space<hbm>>) target(%dma_start3A_1186 : memref<8x4096xf32, #tpu.memory_space<vmem>>) target_semaphore(%dma_start3A_1182 : memref<!tpu.dma_semaphore, #tpu.memory_space<semaphore_mem>>)
    %add3A_1189 = arith.constant 128 : i32
    %add3A_1190 = arith.addi %mul3A_2, %add3A_1189 : i32
    %dma_wait3A_1191 = arith.constant 0 : i32
    %dma_wait3A_1192 = arith.constant 0 : i32
    %dma_wait3A_1193 = arith.constant 0 : i32
    %dma_wait3A_1194 = arith.constant 0 : i32
    %dma_wait3A_1195 = tpu.memref_slice %arg4[%dma_wait3A_1191, %dma_wait3A_1193, %dma_wait3A_1194] : memref<2x8x4096xf32, #tpu.memory_space<vmem>> -> memref<1x8x4096xf32, #tpu.memory_space<vmem>>
    %dma_wait3A_1196 = tpu.memref_squeeze %dma_wait3A_1195 : memref<1x8x4096xf32, #tpu.memory_space<vmem>> -> memref<8x4096xf32, #tpu.memory_space<vmem>>
    %dma_wait3A_1197 = arith.constant 0 : i32
    %dma_wait3A_1198 = tpu.memref_slice %arg2[%add3A_1190, %dma_wait3A_1197] : memref<8192x4096xf32, #tpu.memory_space<hbm>> -> memref<8x4096xf32, #tpu.memory_space<hbm>>
    %dma_wait3A_1199 = tpu.memref_slice %arg5[%dma_wait3A_1192] : memref<2x!tpu.dma_semaphore, #tpu.memory_space<semaphore_mem>> -> memref<1x!tpu.dma_semaphore, #tpu.memory_space<semaphore_mem>>
    %dma_wait3A_1200 = tpu.memref_squeeze %dma_wait3A_1199 : memref<1x!tpu.dma_semaphore, #tpu.memory_space<semaphore_mem>> -> memref<!tpu.dma_semaphore, #tpu.memory_space<semaphore_mem>>
    %dma_wait3A_1201 = arith.constant 0 : i32
    %dma_wait3A_1202 = arith.constant 0 : i32
    %dma_wait3A_1203 = tpu.memref_slice %arg4[%dma_wait3A_1191, %dma_wait3A_1201, %dma_wait3A_1202] : memref<2x8x4096xf32, #tpu.memory_space<vmem>> -> memref<1x8x4096xf32, #tpu.memory_space<vmem>>
    %dma_wait3A_1204 = tpu.memref_squeeze %dma_wait3A_1203 : memref<1x8x4096xf32, #tpu.memory_space<vmem>> -> memref<8x4096xf32, #tpu.memory_space<vmem>>
    %dma_wait3A_1205 = arith.constant 0 : i32
    %dma_wait3A_1206 = tpu.memref_slice %arg2[%add3A_1190, %dma_wait3A_1205] : memref<8192x4096xf32, #tpu.memory_space<hbm>> -> memref<8x4096xf32, #tpu.memory_space<hbm>>
    tpu.wait_dma2 semaphore(%dma_wait3A_1200 : memref<!tpu.dma_semaphore, #tpu.memory_space<semaphore_mem>>) src(%dma_wait3A_1206 : memref<8x4096xf32, #tpu.memory_space<hbm>>) dst(%dma_wait3A_1204 : memref<8x4096xf32, #tpu.memory_space<vmem>>)
    %add3A_1207 = arith.constant 128 : i32
    %add3A_1208 = arith.addi %mul3A_2, %add3A_1207 : i32
    %dma_start3A_1209 = arith.constant 0 : i32
    %dma_start3A_1210 = arith.constant 0 : i32
    %dma_start3A_1211 = arith.constant 0 : i32
    %dma_start3A_1212 = arith.constant 0 : i32
    %dma_start3A_1213 = tpu.memref_slice %arg4[%dma_start3A_1209, %dma_start3A_1211, %dma_start3A_1212] : memref<2x8x4096xf32, #tpu.memory_space<vmem>> -> memref<1x8x4096xf32, #tpu.memory_space<vmem>>
    %dma_start3A_1214 = tpu.memref_squeeze %dma_start3A_1213 : memref<1x8x4096xf32, #tpu.memory_space<vmem>> -> memref<8x4096xf32, #tpu.memory_space<vmem>>
    %dma_start3A_1215 = arith.constant 0 : i32
    %dma_start3A_1216 = tpu.memref_slice %arg3[%add3A_1208, %dma_start3A_1215] : memref<8192x4096xf32, #tpu.memory_space<hbm>> -> memref<8x4096xf32, #tpu.memory_space<hbm>>
    %dma_start3A_1217 = tpu.memref_slice %arg6[%dma_start3A_1210] : memref<2x!tpu.dma_semaphore, #tpu.memory_space<semaphore_mem>> -> memref<1x!tpu.dma_semaphore, #tpu.memory_space<semaphore_mem>>
    %dma_start3A_1218 = tpu.memref_squeeze %dma_start3A_1217 : memref<1x!tpu.dma_semaphore, #tpu.memory_space<semaphore_mem>> -> memref<!tpu.dma_semaphore, #tpu.memory_space<semaphore_mem>>
    %dma_start3A_1219 = arith.constant 0 : i32
    %dma_start3A_1220 = tpu.memref_slice %arg3[%add3A_1208, %dma_start3A_1219] : memref<8192x4096xf32, #tpu.memory_space<hbm>> -> memref<8x4096xf32, #tpu.memory_space<hbm>>
    %dma_start3A_1221 = arith.constant 0 : i32
    %dma_start3A_1222 = arith.constant 0 : i32
    %dma_start3A_1223 = tpu.memref_slice %arg4[%dma_start3A_1209, %dma_start3A_1221, %dma_start3A_1222] : memref<2x8x4096xf32, #tpu.memory_space<vmem>> -> memref<1x8x4096xf32, #tpu.memory_space<vmem>>
    %dma_start3A_1224 = tpu.memref_squeeze %dma_start3A_1223 : memref<1x8x4096xf32, #tpu.memory_space<vmem>> -> memref<8x4096xf32, #tpu.memory_space<vmem>>
    tpu.enqueue_dma source(%dma_start3A_1224 : memref<8x4096xf32, #tpu.memory_space<vmem>>) target(%dma_start3A_1220 : memref<8x4096xf32, #tpu.memory_space<hbm>>) target_semaphore(%dma_start3A_1218 : memref<!tpu.dma_semaphore, #tpu.memory_space<semaphore_mem>>)
    %add3A_1225 = arith.constant 128 : i32
    %add3A_1226 = arith.addi %mul3A_2, %add3A_1225 : i32
    %dma_wait3A_1227 = arith.constant 0 : i32
    %dma_wait3A_1228 = arith.constant 0 : i32
    %dma_wait3A_1229 = arith.constant 0 : i32
    %dma_wait3A_1230 = arith.constant 0 : i32
    %dma_wait3A_1231 = tpu.memref_slice %arg4[%dma_wait3A_1227, %dma_wait3A_1229, %dma_wait3A_1230] : memref<2x8x4096xf32, #tpu.memory_space<vmem>> -> memref<1x8x4096xf32, #tpu.memory_space<vmem>>
    %dma_wait3A_1232 = tpu.memref_squeeze %dma_wait3A_1231 : memref<1x8x4096xf32, #tpu.memory_space<vmem>> -> memref<8x4096xf32, #tpu.memory_space<vmem>>
    %dma_wait3A_1233 = arith.constant 0 : i32
    %dma_wait3A_1234 = tpu.memref_slice %arg3[%add3A_1226, %dma_wait3A_1233] : memref<8192x4096xf32, #tpu.memory_space<hbm>> -> memref<8x4096xf32, #tpu.memory_space<hbm>>
    %dma_wait3A_1235 = tpu.memref_slice %arg6[%dma_wait3A_1228] : memref<2x!tpu.dma_semaphore, #tpu.memory_space<semaphore_mem>> -> memref<1x!tpu.dma_semaphore, #tpu.memory_space<semaphore_mem>>
    %dma_wait3A_1236 = tpu.memref_squeeze %dma_wait3A_1235 : memref<1x!tpu.dma_semaphore, #tpu.memory_space<semaphore_mem>> -> memref<!tpu.dma_semaphore, #tpu.memory_space<semaphore_mem>>
    %dma_wait3A_1237 = arith.constant 0 : i32
    %dma_wait3A_1238 = tpu.memref_slice %arg3[%add3A_1226, %dma_wait3A_1237] : memref<8192x4096xf32, #tpu.memory_space<hbm>> -> memref<8x4096xf32, #tpu.memory_space<hbm>>
    %dma_wait3A_1239 = arith.constant 0 : i32
    %dma_wait3A_1240 = arith.constant 0 : i32
    %dma_wait3A_1241 = tpu.memref_slice %arg4[%dma_wait3A_1227, %dma_wait3A_1239, %dma_wait3A_1240] : memref<2x8x4096xf32, #tpu.memory_space<vmem>> -> memref<1x8x4096xf32, #tpu.memory_space<vmem>>
    %dma_wait3A_1242 = tpu.memref_squeeze %dma_wait3A_1241 : memref<1x8x4096xf32, #tpu.memory_space<vmem>> -> memref<8x4096xf32, #tpu.memory_space<vmem>>
    tpu.wait_dma2 semaphore(%dma_wait3A_1236 : memref<!tpu.dma_semaphore, #tpu.memory_space<semaphore_mem>>) src(%dma_wait3A_1242 : memref<8x4096xf32, #tpu.memory_space<vmem>>) dst(%dma_wait3A_1238 : memref<8x4096xf32, #tpu.memory_space<hbm>>)
    %add3A_1243 = arith.constant 144 : i32
    %add3A_1244 = arith.addi %mul3A_2, %add3A_1243 : i32
    %dma_start3A_1245 = arith.constant 0 : i32
    %dma_start3A_1246 = arith.constant 0 : i32
    %dma_start3A_1247 = arith.constant 0 : i32
    %dma_start3A_1248 = arith.constant 0 : i32
    %dma_start3A_1249 = tpu.memref_slice %arg4[%dma_start3A_1245, %dma_start3A_1247, %dma_start3A_1248] : memref<2x8x4096xf32, #tpu.memory_space<vmem>> -> memref<1x8x4096xf32, #tpu.memory_space<vmem>>
    %dma_start3A_1250 = tpu.memref_squeeze %dma_start3A_1249 : memref<1x8x4096xf32, #tpu.memory_space<vmem>> -> memref<8x4096xf32, #tpu.memory_space<vmem>>
    %dma_start3A_1251 = arith.constant 0 : i32
    %dma_start3A_1252 = tpu.memref_slice %arg2[%add3A_1244, %dma_start3A_1251] : memref<8192x4096xf32, #tpu.memory_space<hbm>> -> memref<8x4096xf32, #tpu.memory_space<hbm>>
    %dma_start3A_1253 = tpu.memref_slice %arg5[%dma_start3A_1246] : memref<2x!tpu.dma_semaphore, #tpu.memory_space<semaphore_mem>> -> memref<1x!tpu.dma_semaphore, #tpu.memory_space<semaphore_mem>>
    %dma_start3A_1254 = tpu.memref_squeeze %dma_start3A_1253 : memref<1x!tpu.dma_semaphore, #tpu.memory_space<semaphore_mem>> -> memref<!tpu.dma_semaphore, #tpu.memory_space<semaphore_mem>>
    %dma_start3A_1255 = arith.constant 0 : i32
    %dma_start3A_1256 = arith.constant 0 : i32
    %dma_start3A_1257 = tpu.memref_slice %arg4[%dma_start3A_1245, %dma_start3A_1255, %dma_start3A_1256] : memref<2x8x4096xf32, #tpu.memory_space<vmem>> -> memref<1x8x4096xf32, #tpu.memory_space<vmem>>
    %dma_start3A_1258 = tpu.memref_squeeze %dma_start3A_1257 : memref<1x8x4096xf32, #tpu.memory_space<vmem>> -> memref<8x4096xf32, #tpu.memory_space<vmem>>
    %dma_start3A_1259 = arith.constant 0 : i32
    %dma_start3A_1260 = tpu.memref_slice %arg2[%add3A_1244, %dma_start3A_1259] : memref<8192x4096xf32, #tpu.memory_space<hbm>> -> memref<8x4096xf32, #tpu.memory_space<hbm>>
    tpu.enqueue_dma source(%dma_start3A_1260 : memref<8x4096xf32, #tpu.memory_space<hbm>>) target(%dma_start3A_1258 : memref<8x4096xf32, #tpu.memory_space<vmem>>) target_semaphore(%dma_start3A_1254 : memref<!tpu.dma_semaphore, #tpu.memory_space<semaphore_mem>>)
    %add3A_1261 = arith.constant 136 : i32
    %add3A_1262 = arith.addi %mul3A_2, %add3A_1261 : i32
    %dma_wait3A_1263 = arith.constant 1 : i32
    %dma_wait3A_1264 = arith.constant 1 : i32
    %dma_wait3A_1265 = arith.constant 0 : i32
    %dma_wait3A_1266 = arith.constant 0 : i32
    %dma_wait3A_1267 = tpu.memref_slice %arg4[%dma_wait3A_1263, %dma_wait3A_1265, %dma_wait3A_1266] : memref<2x8x4096xf32, #tpu.memory_space<vmem>> -> memref<1x8x4096xf32, #tpu.memory_space<vmem>>
    %dma_wait3A_1268 = tpu.memref_squeeze %dma_wait3A_1267 : memref<1x8x4096xf32, #tpu.memory_space<vmem>> -> memref<8x4096xf32, #tpu.memory_space<vmem>>
    %dma_wait3A_1269 = arith.constant 0 : i32
    %dma_wait3A_1270 = tpu.memref_slice %arg2[%add3A_1262, %dma_wait3A_1269] : memref<8192x4096xf32, #tpu.memory_space<hbm>> -> memref<8x4096xf32, #tpu.memory_space<hbm>>
    %dma_wait3A_1271 = tpu.memref_slice %arg5[%dma_wait3A_1264] : memref<2x!tpu.dma_semaphore, #tpu.memory_space<semaphore_mem>> -> memref<1x!tpu.dma_semaphore, #tpu.memory_space<semaphore_mem>>
    %dma_wait3A_1272 = tpu.memref_squeeze %dma_wait3A_1271 : memref<1x!tpu.dma_semaphore, #tpu.memory_space<semaphore_mem>> -> memref<!tpu.dma_semaphore, #tpu.memory_space<semaphore_mem>>
    %dma_wait3A_1273 = arith.constant 0 : i32
    %dma_wait3A_1274 = arith.constant 0 : i32
    %dma_wait3A_1275 = tpu.memref_slice %arg4[%dma_wait3A_1263, %dma_wait3A_1273, %dma_wait3A_1274] : memref<2x8x4096xf32, #tpu.memory_space<vmem>> -> memref<1x8x4096xf32, #tpu.memory_space<vmem>>
    %dma_wait3A_1276 = tpu.memref_squeeze %dma_wait3A_1275 : memref<1x8x4096xf32, #tpu.memory_space<vmem>> -> memref<8x4096xf32, #tpu.memory_space<vmem>>
    %dma_wait3A_1277 = arith.constant 0 : i32
    %dma_wait3A_1278 = tpu.memref_slice %arg2[%add3A_1262, %dma_wait3A_1277] : memref<8192x4096xf32, #tpu.memory_space<hbm>> -> memref<8x4096xf32, #tpu.memory_space<hbm>>
    tpu.wait_dma2 semaphore(%dma_wait3A_1272 : memref<!tpu.dma_semaphore, #tpu.memory_space<semaphore_mem>>) src(%dma_wait3A_1278 : memref<8x4096xf32, #tpu.memory_space<hbm>>) dst(%dma_wait3A_1276 : memref<8x4096xf32, #tpu.memory_space<vmem>>)
    %add3A_1279 = arith.constant 136 : i32
    %add3A_1280 = arith.addi %mul3A_2, %add3A_1279 : i32
    %dma_start3A_1281 = arith.constant 1 : i32
    %dma_start3A_1282 = arith.constant 1 : i32
    %dma_start3A_1283 = arith.constant 0 : i32
    %dma_start3A_1284 = arith.constant 0 : i32
    %dma_start3A_1285 = tpu.memref_slice %arg4[%dma_start3A_1281, %dma_start3A_1283, %dma_start3A_1284] : memref<2x8x4096xf32, #tpu.memory_space<vmem>> -> memref<1x8x4096xf32, #tpu.memory_space<vmem>>
    %dma_start3A_1286 = tpu.memref_squeeze %dma_start3A_1285 : memref<1x8x4096xf32, #tpu.memory_space<vmem>> -> memref<8x4096xf32, #tpu.memory_space<vmem>>
    %dma_start3A_1287 = arith.constant 0 : i32
    %dma_start3A_1288 = tpu.memref_slice %arg3[%add3A_1280, %dma_start3A_1287] : memref<8192x4096xf32, #tpu.memory_space<hbm>> -> memref<8x4096xf32, #tpu.memory_space<hbm>>
    %dma_start3A_1289 = tpu.memref_slice %arg6[%dma_start3A_1282] : memref<2x!tpu.dma_semaphore, #tpu.memory_space<semaphore_mem>> -> memref<1x!tpu.dma_semaphore, #tpu.memory_space<semaphore_mem>>
    %dma_start3A_1290 = tpu.memref_squeeze %dma_start3A_1289 : memref<1x!tpu.dma_semaphore, #tpu.memory_space<semaphore_mem>> -> memref<!tpu.dma_semaphore, #tpu.memory_space<semaphore_mem>>
    %dma_start3A_1291 = arith.constant 0 : i32
    %dma_start3A_1292 = tpu.memref_slice %arg3[%add3A_1280, %dma_start3A_1291] : memref<8192x4096xf32, #tpu.memory_space<hbm>> -> memref<8x4096xf32, #tpu.memory_space<hbm>>
    %dma_start3A_1293 = arith.constant 0 : i32
    %dma_start3A_1294 = arith.constant 0 : i32
    %dma_start3A_1295 = tpu.memref_slice %arg4[%dma_start3A_1281, %dma_start3A_1293, %dma_start3A_1294] : memref<2x8x4096xf32, #tpu.memory_space<vmem>> -> memref<1x8x4096xf32, #tpu.memory_space<vmem>>
    %dma_start3A_1296 = tpu.memref_squeeze %dma_start3A_1295 : memref<1x8x4096xf32, #tpu.memory_space<vmem>> -> memref<8x4096xf32, #tpu.memory_space<vmem>>
    tpu.enqueue_dma source(%dma_start3A_1296 : memref<8x4096xf32, #tpu.memory_space<vmem>>) target(%dma_start3A_1292 : memref<8x4096xf32, #tpu.memory_space<hbm>>) target_semaphore(%dma_start3A_1290 : memref<!tpu.dma_semaphore, #tpu.memory_space<semaphore_mem>>)
    %add3A_1297 = arith.constant 136 : i32
    %add3A_1298 = arith.addi %mul3A_2, %add3A_1297 : i32
    %dma_wait3A_1299 = arith.constant 1 : i32
    %dma_wait3A_1300 = arith.constant 1 : i32
    %dma_wait3A_1301 = arith.constant 0 : i32
    %dma_wait3A_1302 = arith.constant 0 : i32
    %dma_wait3A_1303 = tpu.memref_slice %arg4[%dma_wait3A_1299, %dma_wait3A_1301, %dma_wait3A_1302] : memref<2x8x4096xf32, #tpu.memory_space<vmem>> -> memref<1x8x4096xf32, #tpu.memory_space<vmem>>
    %dma_wait3A_1304 = tpu.memref_squeeze %dma_wait3A_1303 : memref<1x8x4096xf32, #tpu.memory_space<vmem>> -> memref<8x4096xf32, #tpu.memory_space<vmem>>
    %dma_wait3A_1305 = arith.constant 0 : i32
    %dma_wait3A_1306 = tpu.memref_slice %arg3[%add3A_1298, %dma_wait3A_1305] : memref<8192x4096xf32, #tpu.memory_space<hbm>> -> memref<8x4096xf32, #tpu.memory_space<hbm>>
    %dma_wait3A_1307 = tpu.memref_slice %arg6[%dma_wait3A_1300] : memref<2x!tpu.dma_semaphore, #tpu.memory_space<semaphore_mem>> -> memref<1x!tpu.dma_semaphore, #tpu.memory_space<semaphore_mem>>
    %dma_wait3A_1308 = tpu.memref_squeeze %dma_wait3A_1307 : memref<1x!tpu.dma_semaphore, #tpu.memory_space<semaphore_mem>> -> memref<!tpu.dma_semaphore, #tpu.memory_space<semaphore_mem>>
    %dma_wait3A_1309 = arith.constant 0 : i32
    %dma_wait3A_1310 = tpu.memref_slice %arg3[%add3A_1298, %dma_wait3A_1309] : memref<8192x4096xf32, #tpu.memory_space<hbm>> -> memref<8x4096xf32, #tpu.memory_space<hbm>>
    %dma_wait3A_1311 = arith.constant 0 : i32
    %dma_wait3A_1312 = arith.constant 0 : i32
    %dma_wait3A_1313 = tpu.memref_slice %arg4[%dma_wait3A_1299, %dma_wait3A_1311, %dma_wait3A_1312] : memref<2x8x4096xf32, #tpu.memory_space<vmem>> -> memref<1x8x4096xf32, #tpu.memory_space<vmem>>
    %dma_wait3A_1314 = tpu.memref_squeeze %dma_wait3A_1313 : memref<1x8x4096xf32, #tpu.memory_space<vmem>> -> memref<8x4096xf32, #tpu.memory_space<vmem>>
    tpu.wait_dma2 semaphore(%dma_wait3A_1308 : memref<!tpu.dma_semaphore, #tpu.memory_space<semaphore_mem>>) src(%dma_wait3A_1314 : memref<8x4096xf32, #tpu.memory_space<vmem>>) dst(%dma_wait3A_1310 : memref<8x4096xf32, #tpu.memory_space<hbm>>)
    %add3A_1315 = arith.constant 152 : i32
    %add3A_1316 = arith.addi %mul3A_2, %add3A_1315 : i32
    %dma_start3A_1317 = arith.constant 1 : i32
    %dma_start3A_1318 = arith.constant 1 : i32
    %dma_start3A_1319 = arith.constant 0 : i32
    %dma_start3A_1320 = arith.constant 0 : i32
    %dma_start3A_1321 = tpu.memref_slice %arg4[%dma_start3A_1317, %dma_start3A_1319, %dma_start3A_1320] : memref<2x8x4096xf32, #tpu.memory_space<vmem>> -> memref<1x8x4096xf32, #tpu.memory_space<vmem>>
    %dma_start3A_1322 = tpu.memref_squeeze %dma_start3A_1321 : memref<1x8x4096xf32, #tpu.memory_space<vmem>> -> memref<8x4096xf32, #tpu.memory_space<vmem>>
    %dma_start3A_1323 = arith.constant 0 : i32
    %dma_start3A_1324 = tpu.memref_slice %arg2[%add3A_1316, %dma_start3A_1323] : memref<8192x4096xf32, #tpu.memory_space<hbm>> -> memref<8x4096xf32, #tpu.memory_space<hbm>>
    %dma_start3A_1325 = tpu.memref_slice %arg5[%dma_start3A_1318] : memref<2x!tpu.dma_semaphore, #tpu.memory_space<semaphore_mem>> -> memref<1x!tpu.dma_semaphore, #tpu.memory_space<semaphore_mem>>
    %dma_start3A_1326 = tpu.memref_squeeze %dma_start3A_1325 : memref<1x!tpu.dma_semaphore, #tpu.memory_space<semaphore_mem>> -> memref<!tpu.dma_semaphore, #tpu.memory_space<semaphore_mem>>
    %dma_start3A_1327 = arith.constant 0 : i32
    %dma_start3A_1328 = arith.constant 0 : i32
    %dma_start3A_1329 = tpu.memref_slice %arg4[%dma_start3A_1317, %dma_start3A_1327, %dma_start3A_1328] : memref<2x8x4096xf32, #tpu.memory_space<vmem>> -> memref<1x8x4096xf32, #tpu.memory_space<vmem>>
    %dma_start3A_1330 = tpu.memref_squeeze %dma_start3A_1329 : memref<1x8x4096xf32, #tpu.memory_space<vmem>> -> memref<8x4096xf32, #tpu.memory_space<vmem>>
    %dma_start3A_1331 = arith.constant 0 : i32
    %dma_start3A_1332 = tpu.memref_slice %arg2[%add3A_1316, %dma_start3A_1331] : memref<8192x4096xf32, #tpu.memory_space<hbm>> -> memref<8x4096xf32, #tpu.memory_space<hbm>>
    tpu.enqueue_dma source(%dma_start3A_1332 : memref<8x4096xf32, #tpu.memory_space<hbm>>) target(%dma_start3A_1330 : memref<8x4096xf32, #tpu.memory_space<vmem>>) target_semaphore(%dma_start3A_1326 : memref<!tpu.dma_semaphore, #tpu.memory_space<semaphore_mem>>)
    %add3A_1333 = arith.constant 144 : i32
    %add3A_1334 = arith.addi %mul3A_2, %add3A_1333 : i32
    %dma_wait3A_1335 = arith.constant 0 : i32
    %dma_wait3A_1336 = arith.constant 0 : i32
    %dma_wait3A_1337 = arith.constant 0 : i32
    %dma_wait3A_1338 = arith.constant 0 : i32
    %dma_wait3A_1339 = tpu.memref_slice %arg4[%dma_wait3A_1335, %dma_wait3A_1337, %dma_wait3A_1338] : memref<2x8x4096xf32, #tpu.memory_space<vmem>> -> memref<1x8x4096xf32, #tpu.memory_space<vmem>>
    %dma_wait3A_1340 = tpu.memref_squeeze %dma_wait3A_1339 : memref<1x8x4096xf32, #tpu.memory_space<vmem>> -> memref<8x4096xf32, #tpu.memory_space<vmem>>
    %dma_wait3A_1341 = arith.constant 0 : i32
    %dma_wait3A_1342 = tpu.memref_slice %arg2[%add3A_1334, %dma_wait3A_1341] : memref<8192x4096xf32, #tpu.memory_space<hbm>> -> memref<8x4096xf32, #tpu.memory_space<hbm>>
    %dma_wait3A_1343 = tpu.memref_slice %arg5[%dma_wait3A_1336] : memref<2x!tpu.dma_semaphore, #tpu.memory_space<semaphore_mem>> -> memref<1x!tpu.dma_semaphore, #tpu.memory_space<semaphore_mem>>
    %dma_wait3A_1344 = tpu.memref_squeeze %dma_wait3A_1343 : memref<1x!tpu.dma_semaphore, #tpu.memory_space<semaphore_mem>> -> memref<!tpu.dma_semaphore, #tpu.memory_space<semaphore_mem>>
    %dma_wait3A_1345 = arith.constant 0 : i32
    %dma_wait3A_1346 = arith.constant 0 : i32
    %dma_wait3A_1347 = tpu.memref_slice %arg4[%dma_wait3A_1335, %dma_wait3A_1345, %dma_wait3A_1346] : memref<2x8x4096xf32, #tpu.memory_space<vmem>> -> memref<1x8x4096xf32, #tpu.memory_space<vmem>>
    %dma_wait3A_1348 = tpu.memref_squeeze %dma_wait3A_1347 : memref<1x8x4096xf32, #tpu.memory_space<vmem>> -> memref<8x4096xf32, #tpu.memory_space<vmem>>
    %dma_wait3A_1349 = arith.constant 0 : i32
    %dma_wait3A_1350 = tpu.memref_slice %arg2[%add3A_1334, %dma_wait3A_1349] : memref<8192x4096xf32, #tpu.memory_space<hbm>> -> memref<8x4096xf32, #tpu.memory_space<hbm>>
    tpu.wait_dma2 semaphore(%dma_wait3A_1344 : memref<!tpu.dma_semaphore, #tpu.memory_space<semaphore_mem>>) src(%dma_wait3A_1350 : memref<8x4096xf32, #tpu.memory_space<hbm>>) dst(%dma_wait3A_1348 : memref<8x4096xf32, #tpu.memory_space<vmem>>)
    %add3A_1351 = arith.constant 144 : i32
    %add3A_1352 = arith.addi %mul3A_2, %add3A_1351 : i32
    %dma_start3A_1353 = arith.constant 0 : i32
    %dma_start3A_1354 = arith.constant 0 : i32
    %dma_start3A_1355 = arith.constant 0 : i32
    %dma_start3A_1356 = arith.constant 0 : i32
    %dma_start3A_1357 = tpu.memref_slice %arg4[%dma_start3A_1353, %dma_start3A_1355, %dma_start3A_1356] : memref<2x8x4096xf32, #tpu.memory_space<vmem>> -> memref<1x8x4096xf32, #tpu.memory_space<vmem>>
    %dma_start3A_1358 = tpu.memref_squeeze %dma_start3A_1357 : memref<1x8x4096xf32, #tpu.memory_space<vmem>> -> memref<8x4096xf32, #tpu.memory_space<vmem>>
    %dma_start3A_1359 = arith.constant 0 : i32
    %dma_start3A_1360 = tpu.memref_slice %arg3[%add3A_1352, %dma_start3A_1359] : memref<8192x4096xf32, #tpu.memory_space<hbm>> -> memref<8x4096xf32, #tpu.memory_space<hbm>>
    %dma_start3A_1361 = tpu.memref_slice %arg6[%dma_start3A_1354] : memref<2x!tpu.dma_semaphore, #tpu.memory_space<semaphore_mem>> -> memref<1x!tpu.dma_semaphore, #tpu.memory_space<semaphore_mem>>
    %dma_start3A_1362 = tpu.memref_squeeze %dma_start3A_1361 : memref<1x!tpu.dma_semaphore, #tpu.memory_space<semaphore_mem>> -> memref<!tpu.dma_semaphore, #tpu.memory_space<semaphore_mem>>
    %dma_start3A_1363 = arith.constant 0 : i32
    %dma_start3A_1364 = tpu.memref_slice %arg3[%add3A_1352, %dma_start3A_1363] : memref<8192x4096xf32, #tpu.memory_space<hbm>> -> memref<8x4096xf32, #tpu.memory_space<hbm>>
    %dma_start3A_1365 = arith.constant 0 : i32
    %dma_start3A_1366 = arith.constant 0 : i32
    %dma_start3A_1367 = tpu.memref_slice %arg4[%dma_start3A_1353, %dma_start3A_1365, %dma_start3A_1366] : memref<2x8x4096xf32, #tpu.memory_space<vmem>> -> memref<1x8x4096xf32, #tpu.memory_space<vmem>>
    %dma_start3A_1368 = tpu.memref_squeeze %dma_start3A_1367 : memref<1x8x4096xf32, #tpu.memory_space<vmem>> -> memref<8x4096xf32, #tpu.memory_space<vmem>>
    tpu.enqueue_dma source(%dma_start3A_1368 : memref<8x4096xf32, #tpu.memory_space<vmem>>) target(%dma_start3A_1364 : memref<8x4096xf32, #tpu.memory_space<hbm>>) target_semaphore(%dma_start3A_1362 : memref<!tpu.dma_semaphore, #tpu.memory_space<semaphore_mem>>)
    %add3A_1369 = arith.constant 144 : i32
    %add3A_1370 = arith.addi %mul3A_2, %add3A_1369 : i32
    %dma_wait3A_1371 = arith.constant 0 : i32
    %dma_wait3A_1372 = arith.constant 0 : i32
    %dma_wait3A_1373 = arith.constant 0 : i32
    %dma_wait3A_1374 = arith.constant 0 : i32
    %dma_wait3A_1375 = tpu.memref_slice %arg4[%dma_wait3A_1371, %dma_wait3A_1373, %dma_wait3A_1374] : memref<2x8x4096xf32, #tpu.memory_space<vmem>> -> memref<1x8x4096xf32, #tpu.memory_space<vmem>>
    %dma_wait3A_1376 = tpu.memref_squeeze %dma_wait3A_1375 : memref<1x8x4096xf32, #tpu.memory_space<vmem>> -> memref<8x4096xf32, #tpu.memory_space<vmem>>
    %dma_wait3A_1377 = arith.constant 0 : i32
    %dma_wait3A_1378 = tpu.memref_slice %arg3[%add3A_1370, %dma_wait3A_1377] : memref<8192x4096xf32, #tpu.memory_space<hbm>> -> memref<8x4096xf32, #tpu.memory_space<hbm>>
    %dma_wait3A_1379 = tpu.memref_slice %arg6[%dma_wait3A_1372] : memref<2x!tpu.dma_semaphore, #tpu.memory_space<semaphore_mem>> -> memref<1x!tpu.dma_semaphore, #tpu.memory_space<semaphore_mem>>
    %dma_wait3A_1380 = tpu.memref_squeeze %dma_wait3A_1379 : memref<1x!tpu.dma_semaphore, #tpu.memory_space<semaphore_mem>> -> memref<!tpu.dma_semaphore, #tpu.memory_space<semaphore_mem>>
    %dma_wait3A_1381 = arith.constant 0 : i32
    %dma_wait3A_1382 = tpu.memref_slice %arg3[%add3A_1370, %dma_wait3A_1381] : memref<8192x4096xf32, #tpu.memory_space<hbm>> -> memref<8x4096xf32, #tpu.memory_space<hbm>>
    %dma_wait3A_1383 = arith.constant 0 : i32
    %dma_wait3A_1384 = arith.constant 0 : i32
    %dma_wait3A_1385 = tpu.memref_slice %arg4[%dma_wait3A_1371, %dma_wait3A_1383, %dma_wait3A_1384] : memref<2x8x4096xf32, #tpu.memory_space<vmem>> -> memref<1x8x4096xf32, #tpu.memory_space<vmem>>
    %dma_wait3A_1386 = tpu.memref_squeeze %dma_wait3A_1385 : memref<1x8x4096xf32, #tpu.memory_space<vmem>> -> memref<8x4096xf32, #tpu.memory_space<vmem>>
    tpu.wait_dma2 semaphore(%dma_wait3A_1380 : memref<!tpu.dma_semaphore, #tpu.memory_space<semaphore_mem>>) src(%dma_wait3A_1386 : memref<8x4096xf32, #tpu.memory_space<vmem>>) dst(%dma_wait3A_1382 : memref<8x4096xf32, #tpu.memory_space<hbm>>)
    %add3A_1387 = arith.constant 160 : i32
    %add3A_1388 = arith.addi %mul3A_2, %add3A_1387 : i32
    %dma_start3A_1389 = arith.constant 0 : i32
    %dma_start3A_1390 = arith.constant 0 : i32
    %dma_start3A_1391 = arith.constant 0 : i32
    %dma_start3A_1392 = arith.constant 0 : i32
    %dma_start3A_1393 = tpu.memref_slice %arg4[%dma_start3A_1389, %dma_start3A_1391, %dma_start3A_1392] : memref<2x8x4096xf32, #tpu.memory_space<vmem>> -> memref<1x8x4096xf32, #tpu.memory_space<vmem>>
    %dma_start3A_1394 = tpu.memref_squeeze %dma_start3A_1393 : memref<1x8x4096xf32, #tpu.memory_space<vmem>> -> memref<8x4096xf32, #tpu.memory_space<vmem>>
    %dma_start3A_1395 = arith.constant 0 : i32
    %dma_start3A_1396 = tpu.memref_slice %arg2[%add3A_1388, %dma_start3A_1395] : memref<8192x4096xf32, #tpu.memory_space<hbm>> -> memref<8x4096xf32, #tpu.memory_space<hbm>>
    %dma_start3A_1397 = tpu.memref_slice %arg5[%dma_start3A_1390] : memref<2x!tpu.dma_semaphore, #tpu.memory_space<semaphore_mem>> -> memref<1x!tpu.dma_semaphore, #tpu.memory_space<semaphore_mem>>
    %dma_start3A_1398 = tpu.memref_squeeze %dma_start3A_1397 : memref<1x!tpu.dma_semaphore, #tpu.memory_space<semaphore_mem>> -> memref<!tpu.dma_semaphore, #tpu.memory_space<semaphore_mem>>
    %dma_start3A_1399 = arith.constant 0 : i32
    %dma_start3A_1400 = arith.constant 0 : i32
    %dma_start3A_1401 = tpu.memref_slice %arg4[%dma_start3A_1389, %dma_start3A_1399, %dma_start3A_1400] : memref<2x8x4096xf32, #tpu.memory_space<vmem>> -> memref<1x8x4096xf32, #tpu.memory_space<vmem>>
    %dma_start3A_1402 = tpu.memref_squeeze %dma_start3A_1401 : memref<1x8x4096xf32, #tpu.memory_space<vmem>> -> memref<8x4096xf32, #tpu.memory_space<vmem>>
    %dma_start3A_1403 = arith.constant 0 : i32
    %dma_start3A_1404 = tpu.memref_slice %arg2[%add3A_1388, %dma_start3A_1403] : memref<8192x4096xf32, #tpu.memory_space<hbm>> -> memref<8x4096xf32, #tpu.memory_space<hbm>>
    tpu.enqueue_dma source(%dma_start3A_1404 : memref<8x4096xf32, #tpu.memory_space<hbm>>) target(%dma_start3A_1402 : memref<8x4096xf32, #tpu.memory_space<vmem>>) target_semaphore(%dma_start3A_1398 : memref<!tpu.dma_semaphore, #tpu.memory_space<semaphore_mem>>)
    %add3A_1405 = arith.constant 152 : i32
    %add3A_1406 = arith.addi %mul3A_2, %add3A_1405 : i32
    %dma_wait3A_1407 = arith.constant 1 : i32
    %dma_wait3A_1408 = arith.constant 1 : i32
    %dma_wait3A_1409 = arith.constant 0 : i32
    %dma_wait3A_1410 = arith.constant 0 : i32
    %dma_wait3A_1411 = tpu.memref_slice %arg4[%dma_wait3A_1407, %dma_wait3A_1409, %dma_wait3A_1410] : memref<2x8x4096xf32, #tpu.memory_space<vmem>> -> memref<1x8x4096xf32, #tpu.memory_space<vmem>>
    %dma_wait3A_1412 = tpu.memref_squeeze %dma_wait3A_1411 : memref<1x8x4096xf32, #tpu.memory_space<vmem>> -> memref<8x4096xf32, #tpu.memory_space<vmem>>
    %dma_wait3A_1413 = arith.constant 0 : i32
    %dma_wait3A_1414 = tpu.memref_slice %arg2[%add3A_1406, %dma_wait3A_1413] : memref<8192x4096xf32, #tpu.memory_space<hbm>> -> memref<8x4096xf32, #tpu.memory_space<hbm>>
    %dma_wait3A_1415 = tpu.memref_slice %arg5[%dma_wait3A_1408] : memref<2x!tpu.dma_semaphore, #tpu.memory_space<semaphore_mem>> -> memref<1x!tpu.dma_semaphore, #tpu.memory_space<semaphore_mem>>
    %dma_wait3A_1416 = tpu.memref_squeeze %dma_wait3A_1415 : memref<1x!tpu.dma_semaphore, #tpu.memory_space<semaphore_mem>> -> memref<!tpu.dma_semaphore, #tpu.memory_space<semaphore_mem>>
    %dma_wait3A_1417 = arith.constant 0 : i32
    %dma_wait3A_1418 = arith.constant 0 : i32
    %dma_wait3A_1419 = tpu.memref_slice %arg4[%dma_wait3A_1407, %dma_wait3A_1417, %dma_wait3A_1418] : memref<2x8x4096xf32, #tpu.memory_space<vmem>> -> memref<1x8x4096xf32, #tpu.memory_space<vmem>>
    %dma_wait3A_1420 = tpu.memref_squeeze %dma_wait3A_1419 : memref<1x8x4096xf32, #tpu.memory_space<vmem>> -> memref<8x4096xf32, #tpu.memory_space<vmem>>
    %dma_wait3A_1421 = arith.constant 0 : i32
    %dma_wait3A_1422 = tpu.memref_slice %arg2[%add3A_1406, %dma_wait3A_1421] : memref<8192x4096xf32, #tpu.memory_space<hbm>> -> memref<8x4096xf32, #tpu.memory_space<hbm>>
    tpu.wait_dma2 semaphore(%dma_wait3A_1416 : memref<!tpu.dma_semaphore, #tpu.memory_space<semaphore_mem>>) src(%dma_wait3A_1422 : memref<8x4096xf32, #tpu.memory_space<hbm>>) dst(%dma_wait3A_1420 : memref<8x4096xf32, #tpu.memory_space<vmem>>)
    %add3A_1423 = arith.constant 152 : i32
    %add3A_1424 = arith.addi %mul3A_2, %add3A_1423 : i32
    %dma_start3A_1425 = arith.constant 1 : i32
    %dma_start3A_1426 = arith.constant 1 : i32
    %dma_start3A_1427 = arith.constant 0 : i32
    %dma_start3A_1428 = arith.constant 0 : i32
    %dma_start3A_1429 = tpu.memref_slice %arg4[%dma_start3A_1425, %dma_start3A_1427, %dma_start3A_1428] : memref<2x8x4096xf32, #tpu.memory_space<vmem>> -> memref<1x8x4096xf32, #tpu.memory_space<vmem>>
    %dma_start3A_1430 = tpu.memref_squeeze %dma_start3A_1429 : memref<1x8x4096xf32, #tpu.memory_space<vmem>> -> memref<8x4096xf32, #tpu.memory_space<vmem>>
    %dma_start3A_1431 = arith.constant 0 : i32
    %dma_start3A_1432 = tpu.memref_slice %arg3[%add3A_1424, %dma_start3A_1431] : memref<8192x4096xf32, #tpu.memory_space<hbm>> -> memref<8x4096xf32, #tpu.memory_space<hbm>>
    %dma_start3A_1433 = tpu.memref_slice %arg6[%dma_start3A_1426] : memref<2x!tpu.dma_semaphore, #tpu.memory_space<semaphore_mem>> -> memref<1x!tpu.dma_semaphore, #tpu.memory_space<semaphore_mem>>
    %dma_start3A_1434 = tpu.memref_squeeze %dma_start3A_1433 : memref<1x!tpu.dma_semaphore, #tpu.memory_space<semaphore_mem>> -> memref<!tpu.dma_semaphore, #tpu.memory_space<semaphore_mem>>
    %dma_start3A_1435 = arith.constant 0 : i32
    %dma_start3A_1436 = tpu.memref_slice %arg3[%add3A_1424, %dma_start3A_1435] : memref<8192x4096xf32, #tpu.memory_space<hbm>> -> memref<8x4096xf32, #tpu.memory_space<hbm>>
    %dma_start3A_1437 = arith.constant 0 : i32
    %dma_start3A_1438 = arith.constant 0 : i32
    %dma_start3A_1439 = tpu.memref_slice %arg4[%dma_start3A_1425, %dma_start3A_1437, %dma_start3A_1438] : memref<2x8x4096xf32, #tpu.memory_space<vmem>> -> memref<1x8x4096xf32, #tpu.memory_space<vmem>>
    %dma_start3A_1440 = tpu.memref_squeeze %dma_start3A_1439 : memref<1x8x4096xf32, #tpu.memory_space<vmem>> -> memref<8x4096xf32, #tpu.memory_space<vmem>>
    tpu.enqueue_dma source(%dma_start3A_1440 : memref<8x4096xf32, #tpu.memory_space<vmem>>) target(%dma_start3A_1436 : memref<8x4096xf32, #tpu.memory_space<hbm>>) target_semaphore(%dma_start3A_1434 : memref<!tpu.dma_semaphore, #tpu.memory_space<semaphore_mem>>)
    %add3A_1441 = arith.constant 152 : i32
    %add3A_1442 = arith.addi %mul3A_2, %add3A_1441 : i32
    %dma_wait3A_1443 = arith.constant 1 : i32
    %dma_wait3A_1444 = arith.constant 1 : i32
    %dma_wait3A_1445 = arith.constant 0 : i32
    %dma_wait3A_1446 = arith.constant 0 : i32
    %dma_wait3A_1447 = tpu.memref_slice %arg4[%dma_wait3A_1443, %dma_wait3A_1445, %dma_wait3A_1446] : memref<2x8x4096xf32, #tpu.memory_space<vmem>> -> memref<1x8x4096xf32, #tpu.memory_space<vmem>>
    %dma_wait3A_1448 = tpu.memref_squeeze %dma_wait3A_1447 : memref<1x8x4096xf32, #tpu.memory_space<vmem>> -> memref<8x4096xf32, #tpu.memory_space<vmem>>
    %dma_wait3A_1449 = arith.constant 0 : i32
    %dma_wait3A_1450 = tpu.memref_slice %arg3[%add3A_1442, %dma_wait3A_1449] : memref<8192x4096xf32, #tpu.memory_space<hbm>> -> memref<8x4096xf32, #tpu.memory_space<hbm>>
    %dma_wait3A_1451 = tpu.memref_slice %arg6[%dma_wait3A_1444] : memref<2x!tpu.dma_semaphore, #tpu.memory_space<semaphore_mem>> -> memref<1x!tpu.dma_semaphore, #tpu.memory_space<semaphore_mem>>
    %dma_wait3A_1452 = tpu.memref_squeeze %dma_wait3A_1451 : memref<1x!tpu.dma_semaphore, #tpu.memory_space<semaphore_mem>> -> memref<!tpu.dma_semaphore, #tpu.memory_space<semaphore_mem>>
    %dma_wait3A_1453 = arith.constant 0 : i32
    %dma_wait3A_1454 = tpu.memref_slice %arg3[%add3A_1442, %dma_wait3A_1453] : memref<8192x4096xf32, #tpu.memory_space<hbm>> -> memref<8x4096xf32, #tpu.memory_space<hbm>>
    %dma_wait3A_1455 = arith.constant 0 : i32
    %dma_wait3A_1456 = arith.constant 0 : i32
    %dma_wait3A_1457 = tpu.memref_slice %arg4[%dma_wait3A_1443, %dma_wait3A_1455, %dma_wait3A_1456] : memref<2x8x4096xf32, #tpu.memory_space<vmem>> -> memref<1x8x4096xf32, #tpu.memory_space<vmem>>
    %dma_wait3A_1458 = tpu.memref_squeeze %dma_wait3A_1457 : memref<1x8x4096xf32, #tpu.memory_space<vmem>> -> memref<8x4096xf32, #tpu.memory_space<vmem>>
    tpu.wait_dma2 semaphore(%dma_wait3A_1452 : memref<!tpu.dma_semaphore, #tpu.memory_space<semaphore_mem>>) src(%dma_wait3A_1458 : memref<8x4096xf32, #tpu.memory_space<vmem>>) dst(%dma_wait3A_1454 : memref<8x4096xf32, #tpu.memory_space<hbm>>)
    %add3A_1459 = arith.constant 168 : i32
    %add3A_1460 = arith.addi %mul3A_2, %add3A_1459 : i32
    %dma_start3A_1461 = arith.constant 1 : i32
    %dma_start3A_1462 = arith.constant 1 : i32
    %dma_start3A_1463 = arith.constant 0 : i32
    %dma_start3A_1464 = arith.constant 0 : i32
    %dma_start3A_1465 = tpu.memref_slice %arg4[%dma_start3A_1461, %dma_start3A_1463, %dma_start3A_1464] : memref<2x8x4096xf32, #tpu.memory_space<vmem>> -> memref<1x8x4096xf32, #tpu.memory_space<vmem>>
    %dma_start3A_1466 = tpu.memref_squeeze %dma_start3A_1465 : memref<1x8x4096xf32, #tpu.memory_space<vmem>> -> memref<8x4096xf32, #tpu.memory_space<vmem>>
    %dma_start3A_1467 = arith.constant 0 : i32
    %dma_start3A_1468 = tpu.memref_slice %arg2[%add3A_1460, %dma_start3A_1467] : memref<8192x4096xf32, #tpu.memory_space<hbm>> -> memref<8x4096xf32, #tpu.memory_space<hbm>>
    %dma_start3A_1469 = tpu.memref_slice %arg5[%dma_start3A_1462] : memref<2x!tpu.dma_semaphore, #tpu.memory_space<semaphore_mem>> -> memref<1x!tpu.dma_semaphore, #tpu.memory_space<semaphore_mem>>
    %dma_start3A_1470 = tpu.memref_squeeze %dma_start3A_1469 : memref<1x!tpu.dma_semaphore, #tpu.memory_space<semaphore_mem>> -> memref<!tpu.dma_semaphore, #tpu.memory_space<semaphore_mem>>
    %dma_start3A_1471 = arith.constant 0 : i32
    %dma_start3A_1472 = arith.constant 0 : i32
    %dma_start3A_1473 = tpu.memref_slice %arg4[%dma_start3A_1461, %dma_start3A_1471, %dma_start3A_1472] : memref<2x8x4096xf32, #tpu.memory_space<vmem>> -> memref<1x8x4096xf32, #tpu.memory_space<vmem>>
    %dma_start3A_1474 = tpu.memref_squeeze %dma_start3A_1473 : memref<1x8x4096xf32, #tpu.memory_space<vmem>> -> memref<8x4096xf32, #tpu.memory_space<vmem>>
    %dma_start3A_1475 = arith.constant 0 : i32
    %dma_start3A_1476 = tpu.memref_slice %arg2[%add3A_1460, %dma_start3A_1475] : memref<8192x4096xf32, #tpu.memory_space<hbm>> -> memref<8x4096xf32, #tpu.memory_space<hbm>>
    tpu.enqueue_dma source(%dma_start3A_1476 : memref<8x4096xf32, #tpu.memory_space<hbm>>) target(%dma_start3A_1474 : memref<8x4096xf32, #tpu.memory_space<vmem>>) target_semaphore(%dma_start3A_1470 : memref<!tpu.dma_semaphore, #tpu.memory_space<semaphore_mem>>)
    %add3A_1477 = arith.constant 160 : i32
    %add3A_1478 = arith.addi %mul3A_2, %add3A_1477 : i32
    %dma_wait3A_1479 = arith.constant 0 : i32
    %dma_wait3A_1480 = arith.constant 0 : i32
    %dma_wait3A_1481 = arith.constant 0 : i32
    %dma_wait3A_1482 = arith.constant 0 : i32
    %dma_wait3A_1483 = tpu.memref_slice %arg4[%dma_wait3A_1479, %dma_wait3A_1481, %dma_wait3A_1482] : memref<2x8x4096xf32, #tpu.memory_space<vmem>> -> memref<1x8x4096xf32, #tpu.memory_space<vmem>>
    %dma_wait3A_1484 = tpu.memref_squeeze %dma_wait3A_1483 : memref<1x8x4096xf32, #tpu.memory_space<vmem>> -> memref<8x4096xf32, #tpu.memory_space<vmem>>
    %dma_wait3A_1485 = arith.constant 0 : i32
    %dma_wait3A_1486 = tpu.memref_slice %arg2[%add3A_1478, %dma_wait3A_1485] : memref<8192x4096xf32, #tpu.memory_space<hbm>> -> memref<8x4096xf32, #tpu.memory_space<hbm>>
    %dma_wait3A_1487 = tpu.memref_slice %arg5[%dma_wait3A_1480] : memref<2x!tpu.dma_semaphore, #tpu.memory_space<semaphore_mem>> -> memref<1x!tpu.dma_semaphore, #tpu.memory_space<semaphore_mem>>
    %dma_wait3A_1488 = tpu.memref_squeeze %dma_wait3A_1487 : memref<1x!tpu.dma_semaphore, #tpu.memory_space<semaphore_mem>> -> memref<!tpu.dma_semaphore, #tpu.memory_space<semaphore_mem>>
    %dma_wait3A_1489 = arith.constant 0 : i32
    %dma_wait3A_1490 = arith.constant 0 : i32
    %dma_wait3A_1491 = tpu.memref_slice %arg4[%dma_wait3A_1479, %dma_wait3A_1489, %dma_wait3A_1490] : memref<2x8x4096xf32, #tpu.memory_space<vmem>> -> memref<1x8x4096xf32, #tpu.memory_space<vmem>>
    %dma_wait3A_1492 = tpu.memref_squeeze %dma_wait3A_1491 : memref<1x8x4096xf32, #tpu.memory_space<vmem>> -> memref<8x4096xf32, #tpu.memory_space<vmem>>
    %dma_wait3A_1493 = arith.constant 0 : i32
    %dma_wait3A_1494 = tpu.memref_slice %arg2[%add3A_1478, %dma_wait3A_1493] : memref<8192x4096xf32, #tpu.memory_space<hbm>> -> memref<8x4096xf32, #tpu.memory_space<hbm>>
    tpu.wait_dma2 semaphore(%dma_wait3A_1488 : memref<!tpu.dma_semaphore, #tpu.memory_space<semaphore_mem>>) src(%dma_wait3A_1494 : memref<8x4096xf32, #tpu.memory_space<hbm>>) dst(%dma_wait3A_1492 : memref<8x4096xf32, #tpu.memory_space<vmem>>)
    %add3A_1495 = arith.constant 160 : i32
    %add3A_1496 = arith.addi %mul3A_2, %add3A_1495 : i32
    %dma_start3A_1497 = arith.constant 0 : i32
    %dma_start3A_1498 = arith.constant 0 : i32
    %dma_start3A_1499 = arith.constant 0 : i32
    %dma_start3A_1500 = arith.constant 0 : i32
    %dma_start3A_1501 = tpu.memref_slice %arg4[%dma_start3A_1497, %dma_start3A_1499, %dma_start3A_1500] : memref<2x8x4096xf32, #tpu.memory_space<vmem>> -> memref<1x8x4096xf32, #tpu.memory_space<vmem>>
    %dma_start3A_1502 = tpu.memref_squeeze %dma_start3A_1501 : memref<1x8x4096xf32, #tpu.memory_space<vmem>> -> memref<8x4096xf32, #tpu.memory_space<vmem>>
    %dma_start3A_1503 = arith.constant 0 : i32
    %dma_start3A_1504 = tpu.memref_slice %arg3[%add3A_1496, %dma_start3A_1503] : memref<8192x4096xf32, #tpu.memory_space<hbm>> -> memref<8x4096xf32, #tpu.memory_space<hbm>>
    %dma_start3A_1505 = tpu.memref_slice %arg6[%dma_start3A_1498] : memref<2x!tpu.dma_semaphore, #tpu.memory_space<semaphore_mem>> -> memref<1x!tpu.dma_semaphore, #tpu.memory_space<semaphore_mem>>
    %dma_start3A_1506 = tpu.memref_squeeze %dma_start3A_1505 : memref<1x!tpu.dma_semaphore, #tpu.memory_space<semaphore_mem>> -> memref<!tpu.dma_semaphore, #tpu.memory_space<semaphore_mem>>
    %dma_start3A_1507 = arith.constant 0 : i32
    %dma_start3A_1508 = tpu.memref_slice %arg3[%add3A_1496, %dma_start3A_1507] : memref<8192x4096xf32, #tpu.memory_space<hbm>> -> memref<8x4096xf32, #tpu.memory_space<hbm>>
    %dma_start3A_1509 = arith.constant 0 : i32
    %dma_start3A_1510 = arith.constant 0 : i32
    %dma_start3A_1511 = tpu.memref_slice %arg4[%dma_start3A_1497, %dma_start3A_1509, %dma_start3A_1510] : memref<2x8x4096xf32, #tpu.memory_space<vmem>> -> memref<1x8x4096xf32, #tpu.memory_space<vmem>>
    %dma_start3A_1512 = tpu.memref_squeeze %dma_start3A_1511 : memref<1x8x4096xf32, #tpu.memory_space<vmem>> -> memref<8x4096xf32, #tpu.memory_space<vmem>>
    tpu.enqueue_dma source(%dma_start3A_1512 : memref<8x4096xf32, #tpu.memory_space<vmem>>) target(%dma_start3A_1508 : memref<8x4096xf32, #tpu.memory_space<hbm>>) target_semaphore(%dma_start3A_1506 : memref<!tpu.dma_semaphore, #tpu.memory_space<semaphore_mem>>)
    %add3A_1513 = arith.constant 160 : i32
    %add3A_1514 = arith.addi %mul3A_2, %add3A_1513 : i32
    %dma_wait3A_1515 = arith.constant 0 : i32
    %dma_wait3A_1516 = arith.constant 0 : i32
    %dma_wait3A_1517 = arith.constant 0 : i32
    %dma_wait3A_1518 = arith.constant 0 : i32
    %dma_wait3A_1519 = tpu.memref_slice %arg4[%dma_wait3A_1515, %dma_wait3A_1517, %dma_wait3A_1518] : memref<2x8x4096xf32, #tpu.memory_space<vmem>> -> memref<1x8x4096xf32, #tpu.memory_space<vmem>>
    %dma_wait3A_1520 = tpu.memref_squeeze %dma_wait3A_1519 : memref<1x8x4096xf32, #tpu.memory_space<vmem>> -> memref<8x4096xf32, #tpu.memory_space<vmem>>
    %dma_wait3A_1521 = arith.constant 0 : i32
    %dma_wait3A_1522 = tpu.memref_slice %arg3[%add3A_1514, %dma_wait3A_1521] : memref<8192x4096xf32, #tpu.memory_space<hbm>> -> memref<8x4096xf32, #tpu.memory_space<hbm>>
    %dma_wait3A_1523 = tpu.memref_slice %arg6[%dma_wait3A_1516] : memref<2x!tpu.dma_semaphore, #tpu.memory_space<semaphore_mem>> -> memref<1x!tpu.dma_semaphore, #tpu.memory_space<semaphore_mem>>
    %dma_wait3A_1524 = tpu.memref_squeeze %dma_wait3A_1523 : memref<1x!tpu.dma_semaphore, #tpu.memory_space<semaphore_mem>> -> memref<!tpu.dma_semaphore, #tpu.memory_space<semaphore_mem>>
    %dma_wait3A_1525 = arith.constant 0 : i32
    %dma_wait3A_1526 = tpu.memref_slice %arg3[%add3A_1514, %dma_wait3A_1525] : memref<8192x4096xf32, #tpu.memory_space<hbm>> -> memref<8x4096xf32, #tpu.memory_space<hbm>>
    %dma_wait3A_1527 = arith.constant 0 : i32
    %dma_wait3A_1528 = arith.constant 0 : i32
    %dma_wait3A_1529 = tpu.memref_slice %arg4[%dma_wait3A_1515, %dma_wait3A_1527, %dma_wait3A_1528] : memref<2x8x4096xf32, #tpu.memory_space<vmem>> -> memref<1x8x4096xf32, #tpu.memory_space<vmem>>
    %dma_wait3A_1530 = tpu.memref_squeeze %dma_wait3A_1529 : memref<1x8x4096xf32, #tpu.memory_space<vmem>> -> memref<8x4096xf32, #tpu.memory_space<vmem>>
    tpu.wait_dma2 semaphore(%dma_wait3A_1524 : memref<!tpu.dma_semaphore, #tpu.memory_space<semaphore_mem>>) src(%dma_wait3A_1530 : memref<8x4096xf32, #tpu.memory_space<vmem>>) dst(%dma_wait3A_1526 : memref<8x4096xf32, #tpu.memory_space<hbm>>)
    %add3A_1531 = arith.constant 176 : i32
    %add3A_1532 = arith.addi %mul3A_2, %add3A_1531 : i32
    %dma_start3A_1533 = arith.constant 0 : i32
    %dma_start3A_1534 = arith.constant 0 : i32
    %dma_start3A_1535 = arith.constant 0 : i32
    %dma_start3A_1536 = arith.constant 0 : i32
    %dma_start3A_1537 = tpu.memref_slice %arg4[%dma_start3A_1533, %dma_start3A_1535, %dma_start3A_1536] : memref<2x8x4096xf32, #tpu.memory_space<vmem>> -> memref<1x8x4096xf32, #tpu.memory_space<vmem>>
    %dma_start3A_1538 = tpu.memref_squeeze %dma_start3A_1537 : memref<1x8x4096xf32, #tpu.memory_space<vmem>> -> memref<8x4096xf32, #tpu.memory_space<vmem>>
    %dma_start3A_1539 = arith.constant 0 : i32
    %dma_start3A_1540 = tpu.memref_slice %arg2[%add3A_1532, %dma_start3A_1539] : memref<8192x4096xf32, #tpu.memory_space<hbm>> -> memref<8x4096xf32, #tpu.memory_space<hbm>>
    %dma_start3A_1541 = tpu.memref_slice %arg5[%dma_start3A_1534] : memref<2x!tpu.dma_semaphore, #tpu.memory_space<semaphore_mem>> -> memref<1x!tpu.dma_semaphore, #tpu.memory_space<semaphore_mem>>
    %dma_start3A_1542 = tpu.memref_squeeze %dma_start3A_1541 : memref<1x!tpu.dma_semaphore, #tpu.memory_space<semaphore_mem>> -> memref<!tpu.dma_semaphore, #tpu.memory_space<semaphore_mem>>
    %dma_start3A_1543 = arith.constant 0 : i32
    %dma_start3A_1544 = arith.constant 0 : i32
    %dma_start3A_1545 = tpu.memref_slice %arg4[%dma_start3A_1533, %dma_start3A_1543, %dma_start3A_1544] : memref<2x8x4096xf32, #tpu.memory_space<vmem>> -> memref<1x8x4096xf32, #tpu.memory_space<vmem>>
    %dma_start3A_1546 = tpu.memref_squeeze %dma_start3A_1545 : memref<1x8x4096xf32, #tpu.memory_space<vmem>> -> memref<8x4096xf32, #tpu.memory_space<vmem>>
    %dma_start3A_1547 = arith.constant 0 : i32
    %dma_start3A_1548 = tpu.memref_slice %arg2[%add3A_1532, %dma_start3A_1547] : memref<8192x4096xf32, #tpu.memory_space<hbm>> -> memref<8x4096xf32, #tpu.memory_space<hbm>>
    tpu.enqueue_dma source(%dma_start3A_1548 : memref<8x4096xf32, #tpu.memory_space<hbm>>) target(%dma_start3A_1546 : memref<8x4096xf32, #tpu.memory_space<vmem>>) target_semaphore(%dma_start3A_1542 : memref<!tpu.dma_semaphore, #tpu.memory_space<semaphore_mem>>)
    %add3A_1549 = arith.constant 168 : i32
    %add3A_1550 = arith.addi %mul3A_2, %add3A_1549 : i32
    %dma_wait3A_1551 = arith.constant 1 : i32
    %dma_wait3A_1552 = arith.constant 1 : i32
    %dma_wait3A_1553 = arith.constant 0 : i32
    %dma_wait3A_1554 = arith.constant 0 : i32
    %dma_wait3A_1555 = tpu.memref_slice %arg4[%dma_wait3A_1551, %dma_wait3A_1553, %dma_wait3A_1554] : memref<2x8x4096xf32, #tpu.memory_space<vmem>> -> memref<1x8x4096xf32, #tpu.memory_space<vmem>>
    %dma_wait3A_1556 = tpu.memref_squeeze %dma_wait3A_1555 : memref<1x8x4096xf32, #tpu.memory_space<vmem>> -> memref<8x4096xf32, #tpu.memory_space<vmem>>
    %dma_wait3A_1557 = arith.constant 0 : i32
    %dma_wait3A_1558 = tpu.memref_slice %arg2[%add3A_1550, %dma_wait3A_1557] : memref<8192x4096xf32, #tpu.memory_space<hbm>> -> memref<8x4096xf32, #tpu.memory_space<hbm>>
    %dma_wait3A_1559 = tpu.memref_slice %arg5[%dma_wait3A_1552] : memref<2x!tpu.dma_semaphore, #tpu.memory_space<semaphore_mem>> -> memref<1x!tpu.dma_semaphore, #tpu.memory_space<semaphore_mem>>
    %dma_wait3A_1560 = tpu.memref_squeeze %dma_wait3A_1559 : memref<1x!tpu.dma_semaphore, #tpu.memory_space<semaphore_mem>> -> memref<!tpu.dma_semaphore, #tpu.memory_space<semaphore_mem>>
    %dma_wait3A_1561 = arith.constant 0 : i32
    %dma_wait3A_1562 = arith.constant 0 : i32
    %dma_wait3A_1563 = tpu.memref_slice %arg4[%dma_wait3A_1551, %dma_wait3A_1561, %dma_wait3A_1562] : memref<2x8x4096xf32, #tpu.memory_space<vmem>> -> memref<1x8x4096xf32, #tpu.memory_space<vmem>>
    %dma_wait3A_1564 = tpu.memref_squeeze %dma_wait3A_1563 : memref<1x8x4096xf32, #tpu.memory_space<vmem>> -> memref<8x4096xf32, #tpu.memory_space<vmem>>
    %dma_wait3A_1565 = arith.constant 0 : i32
    %dma_wait3A_1566 = tpu.memref_slice %arg2[%add3A_1550, %dma_wait3A_1565] : memref<8192x4096xf32, #tpu.memory_space<hbm>> -> memref<8x4096xf32, #tpu.memory_space<hbm>>
    tpu.wait_dma2 semaphore(%dma_wait3A_1560 : memref<!tpu.dma_semaphore, #tpu.memory_space<semaphore_mem>>) src(%dma_wait3A_1566 : memref<8x4096xf32, #tpu.memory_space<hbm>>) dst(%dma_wait3A_1564 : memref<8x4096xf32, #tpu.memory_space<vmem>>)
    %add3A_1567 = arith.constant 168 : i32
    %add3A_1568 = arith.addi %mul3A_2, %add3A_1567 : i32
    %dma_start3A_1569 = arith.constant 1 : i32
    %dma_start3A_1570 = arith.constant 1 : i32
    %dma_start3A_1571 = arith.constant 0 : i32
    %dma_start3A_1572 = arith.constant 0 : i32
    %dma_start3A_1573 = tpu.memref_slice %arg4[%dma_start3A_1569, %dma_start3A_1571, %dma_start3A_1572] : memref<2x8x4096xf32, #tpu.memory_space<vmem>> -> memref<1x8x4096xf32, #tpu.memory_space<vmem>>
    %dma_start3A_1574 = tpu.memref_squeeze %dma_start3A_1573 : memref<1x8x4096xf32, #tpu.memory_space<vmem>> -> memref<8x4096xf32, #tpu.memory_space<vmem>>
    %dma_start3A_1575 = arith.constant 0 : i32
    %dma_start3A_1576 = tpu.memref_slice %arg3[%add3A_1568, %dma_start3A_1575] : memref<8192x4096xf32, #tpu.memory_space<hbm>> -> memref<8x4096xf32, #tpu.memory_space<hbm>>
    %dma_start3A_1577 = tpu.memref_slice %arg6[%dma_start3A_1570] : memref<2x!tpu.dma_semaphore, #tpu.memory_space<semaphore_mem>> -> memref<1x!tpu.dma_semaphore, #tpu.memory_space<semaphore_mem>>
    %dma_start3A_1578 = tpu.memref_squeeze %dma_start3A_1577 : memref<1x!tpu.dma_semaphore, #tpu.memory_space<semaphore_mem>> -> memref<!tpu.dma_semaphore, #tpu.memory_space<semaphore_mem>>
    %dma_start3A_1579 = arith.constant 0 : i32
    %dma_start3A_1580 = tpu.memref_slice %arg3[%add3A_1568, %dma_start3A_1579] : memref<8192x4096xf32, #tpu.memory_space<hbm>> -> memref<8x4096xf32, #tpu.memory_space<hbm>>
    %dma_start3A_1581 = arith.constant 0 : i32
    %dma_start3A_1582 = arith.constant 0 : i32
    %dma_start3A_1583 = tpu.memref_slice %arg4[%dma_start3A_1569, %dma_start3A_1581, %dma_start3A_1582] : memref<2x8x4096xf32, #tpu.memory_space<vmem>> -> memref<1x8x4096xf32, #tpu.memory_space<vmem>>
    %dma_start3A_1584 = tpu.memref_squeeze %dma_start3A_1583 : memref<1x8x4096xf32, #tpu.memory_space<vmem>> -> memref<8x4096xf32, #tpu.memory_space<vmem>>
    tpu.enqueue_dma source(%dma_start3A_1584 : memref<8x4096xf32, #tpu.memory_space<vmem>>) target(%dma_start3A_1580 : memref<8x4096xf32, #tpu.memory_space<hbm>>) target_semaphore(%dma_start3A_1578 : memref<!tpu.dma_semaphore, #tpu.memory_space<semaphore_mem>>)
    %add3A_1585 = arith.constant 168 : i32
    %add3A_1586 = arith.addi %mul3A_2, %add3A_1585 : i32
    %dma_wait3A_1587 = arith.constant 1 : i32
    %dma_wait3A_1588 = arith.constant 1 : i32
    %dma_wait3A_1589 = arith.constant 0 : i32
    %dma_wait3A_1590 = arith.constant 0 : i32
    %dma_wait3A_1591 = tpu.memref_slice %arg4[%dma_wait3A_1587, %dma_wait3A_1589, %dma_wait3A_1590] : memref<2x8x4096xf32, #tpu.memory_space<vmem>> -> memref<1x8x4096xf32, #tpu.memory_space<vmem>>
    %dma_wait3A_1592 = tpu.memref_squeeze %dma_wait3A_1591 : memref<1x8x4096xf32, #tpu.memory_space<vmem>> -> memref<8x4096xf32, #tpu.memory_space<vmem>>
    %dma_wait3A_1593 = arith.constant 0 : i32
    %dma_wait3A_1594 = tpu.memref_slice %arg3[%add3A_1586, %dma_wait3A_1593] : memref<8192x4096xf32, #tpu.memory_space<hbm>> -> memref<8x4096xf32, #tpu.memory_space<hbm>>
    %dma_wait3A_1595 = tpu.memref_slice %arg6[%dma_wait3A_1588] : memref<2x!tpu.dma_semaphore, #tpu.memory_space<semaphore_mem>> -> memref<1x!tpu.dma_semaphore, #tpu.memory_space<semaphore_mem>>
    %dma_wait3A_1596 = tpu.memref_squeeze %dma_wait3A_1595 : memref<1x!tpu.dma_semaphore, #tpu.memory_space<semaphore_mem>> -> memref<!tpu.dma_semaphore, #tpu.memory_space<semaphore_mem>>
    %dma_wait3A_1597 = arith.constant 0 : i32
    %dma_wait3A_1598 = tpu.memref_slice %arg3[%add3A_1586, %dma_wait3A_1597] : memref<8192x4096xf32, #tpu.memory_space<hbm>> -> memref<8x4096xf32, #tpu.memory_space<hbm>>
    %dma_wait3A_1599 = arith.constant 0 : i32
    %dma_wait3A_1600 = arith.constant 0 : i32
    %dma_wait3A_1601 = tpu.memref_slice %arg4[%dma_wait3A_1587, %dma_wait3A_1599, %dma_wait3A_1600] : memref<2x8x4096xf32, #tpu.memory_space<vmem>> -> memref<1x8x4096xf32, #tpu.memory_space<vmem>>
    %dma_wait3A_1602 = tpu.memref_squeeze %dma_wait3A_1601 : memref<1x8x4096xf32, #tpu.memory_space<vmem>> -> memref<8x4096xf32, #tpu.memory_space<vmem>>
    tpu.wait_dma2 semaphore(%dma_wait3A_1596 : memref<!tpu.dma_semaphore, #tpu.memory_space<semaphore_mem>>) src(%dma_wait3A_1602 : memref<8x4096xf32, #tpu.memory_space<vmem>>) dst(%dma_wait3A_1598 : memref<8x4096xf32, #tpu.memory_space<hbm>>)
    %add3A_1603 = arith.constant 184 : i32
    %add3A_1604 = arith.addi %mul3A_2, %add3A_1603 : i32
    %dma_start3A_1605 = arith.constant 1 : i32
    %dma_start3A_1606 = arith.constant 1 : i32
    %dma_start3A_1607 = arith.constant 0 : i32
    %dma_start3A_1608 = arith.constant 0 : i32
    %dma_start3A_1609 = tpu.memref_slice %arg4[%dma_start3A_1605, %dma_start3A_1607, %dma_start3A_1608] : memref<2x8x4096xf32, #tpu.memory_space<vmem>> -> memref<1x8x4096xf32, #tpu.memory_space<vmem>>
    %dma_start3A_1610 = tpu.memref_squeeze %dma_start3A_1609 : memref<1x8x4096xf32, #tpu.memory_space<vmem>> -> memref<8x4096xf32, #tpu.memory_space<vmem>>
    %dma_start3A_1611 = arith.constant 0 : i32
    %dma_start3A_1612 = tpu.memref_slice %arg2[%add3A_1604, %dma_start3A_1611] : memref<8192x4096xf32, #tpu.memory_space<hbm>> -> memref<8x4096xf32, #tpu.memory_space<hbm>>
    %dma_start3A_1613 = tpu.memref_slice %arg5[%dma_start3A_1606] : memref<2x!tpu.dma_semaphore, #tpu.memory_space<semaphore_mem>> -> memref<1x!tpu.dma_semaphore, #tpu.memory_space<semaphore_mem>>
    %dma_start3A_1614 = tpu.memref_squeeze %dma_start3A_1613 : memref<1x!tpu.dma_semaphore, #tpu.memory_space<semaphore_mem>> -> memref<!tpu.dma_semaphore, #tpu.memory_space<semaphore_mem>>
    %dma_start3A_1615 = arith.constant 0 : i32
    %dma_start3A_1616 = arith.constant 0 : i32
    %dma_start3A_1617 = tpu.memref_slice %arg4[%dma_start3A_1605, %dma_start3A_1615, %dma_start3A_1616] : memref<2x8x4096xf32, #tpu.memory_space<vmem>> -> memref<1x8x4096xf32, #tpu.memory_space<vmem>>
    %dma_start3A_1618 = tpu.memref_squeeze %dma_start3A_1617 : memref<1x8x4096xf32, #tpu.memory_space<vmem>> -> memref<8x4096xf32, #tpu.memory_space<vmem>>
    %dma_start3A_1619 = arith.constant 0 : i32
    %dma_start3A_1620 = tpu.memref_slice %arg2[%add3A_1604, %dma_start3A_1619] : memref<8192x4096xf32, #tpu.memory_space<hbm>> -> memref<8x4096xf32, #tpu.memory_space<hbm>>
    tpu.enqueue_dma source(%dma_start3A_1620 : memref<8x4096xf32, #tpu.memory_space<hbm>>) target(%dma_start3A_1618 : memref<8x4096xf32, #tpu.memory_space<vmem>>) target_semaphore(%dma_start3A_1614 : memref<!tpu.dma_semaphore, #tpu.memory_space<semaphore_mem>>)
    %add3A_1621 = arith.constant 176 : i32
    %add3A_1622 = arith.addi %mul3A_2, %add3A_1621 : i32
    %dma_wait3A_1623 = arith.constant 0 : i32
    %dma_wait3A_1624 = arith.constant 0 : i32
    %dma_wait3A_1625 = arith.constant 0 : i32
    %dma_wait3A_1626 = arith.constant 0 : i32
    %dma_wait3A_1627 = tpu.memref_slice %arg4[%dma_wait3A_1623, %dma_wait3A_1625, %dma_wait3A_1626] : memref<2x8x4096xf32, #tpu.memory_space<vmem>> -> memref<1x8x4096xf32, #tpu.memory_space<vmem>>
    %dma_wait3A_1628 = tpu.memref_squeeze %dma_wait3A_1627 : memref<1x8x4096xf32, #tpu.memory_space<vmem>> -> memref<8x4096xf32, #tpu.memory_space<vmem>>
    %dma_wait3A_1629 = arith.constant 0 : i32
    %dma_wait3A_1630 = tpu.memref_slice %arg2[%add3A_1622, %dma_wait3A_1629] : memref<8192x4096xf32, #tpu.memory_space<hbm>> -> memref<8x4096xf32, #tpu.memory_space<hbm>>
    %dma_wait3A_1631 = tpu.memref_slice %arg5[%dma_wait3A_1624] : memref<2x!tpu.dma_semaphore, #tpu.memory_space<semaphore_mem>> -> memref<1x!tpu.dma_semaphore, #tpu.memory_space<semaphore_mem>>
    %dma_wait3A_1632 = tpu.memref_squeeze %dma_wait3A_1631 : memref<1x!tpu.dma_semaphore, #tpu.memory_space<semaphore_mem>> -> memref<!tpu.dma_semaphore, #tpu.memory_space<semaphore_mem>>
    %dma_wait3A_1633 = arith.constant 0 : i32
    %dma_wait3A_1634 = arith.constant 0 : i32
    %dma_wait3A_1635 = tpu.memref_slice %arg4[%dma_wait3A_1623, %dma_wait3A_1633, %dma_wait3A_1634] : memref<2x8x4096xf32, #tpu.memory_space<vmem>> -> memref<1x8x4096xf32, #tpu.memory_space<vmem>>
    %dma_wait3A_1636 = tpu.memref_squeeze %dma_wait3A_1635 : memref<1x8x4096xf32, #tpu.memory_space<vmem>> -> memref<8x4096xf32, #tpu.memory_space<vmem>>
    %dma_wait3A_1637 = arith.constant 0 : i32
    %dma_wait3A_1638 = tpu.memref_slice %arg2[%add3A_1622, %dma_wait3A_1637] : memref<8192x4096xf32, #tpu.memory_space<hbm>> -> memref<8x4096xf32, #tpu.memory_space<hbm>>
    tpu.wait_dma2 semaphore(%dma_wait3A_1632 : memref<!tpu.dma_semaphore, #tpu.memory_space<semaphore_mem>>) src(%dma_wait3A_1638 : memref<8x4096xf32, #tpu.memory_space<hbm>>) dst(%dma_wait3A_1636 : memref<8x4096xf32, #tpu.memory_space<vmem>>)
    %add3A_1639 = arith.constant 176 : i32
    %add3A_1640 = arith.addi %mul3A_2, %add3A_1639 : i32
    %dma_start3A_1641 = arith.constant 0 : i32
    %dma_start3A_1642 = arith.constant 0 : i32
    %dma_start3A_1643 = arith.constant 0 : i32
    %dma_start3A_1644 = arith.constant 0 : i32
    %dma_start3A_1645 = tpu.memref_slice %arg4[%dma_start3A_1641, %dma_start3A_1643, %dma_start3A_1644] : memref<2x8x4096xf32, #tpu.memory_space<vmem>> -> memref<1x8x4096xf32, #tpu.memory_space<vmem>>
    %dma_start3A_1646 = tpu.memref_squeeze %dma_start3A_1645 : memref<1x8x4096xf32, #tpu.memory_space<vmem>> -> memref<8x4096xf32, #tpu.memory_space<vmem>>
    %dma_start3A_1647 = arith.constant 0 : i32
    %dma_start3A_1648 = tpu.memref_slice %arg3[%add3A_1640, %dma_start3A_1647] : memref<8192x4096xf32, #tpu.memory_space<hbm>> -> memref<8x4096xf32, #tpu.memory_space<hbm>>
    %dma_start3A_1649 = tpu.memref_slice %arg6[%dma_start3A_1642] : memref<2x!tpu.dma_semaphore, #tpu.memory_space<semaphore_mem>> -> memref<1x!tpu.dma_semaphore, #tpu.memory_space<semaphore_mem>>
    %dma_start3A_1650 = tpu.memref_squeeze %dma_start3A_1649 : memref<1x!tpu.dma_semaphore, #tpu.memory_space<semaphore_mem>> -> memref<!tpu.dma_semaphore, #tpu.memory_space<semaphore_mem>>
    %dma_start3A_1651 = arith.constant 0 : i32
    %dma_start3A_1652 = tpu.memref_slice %arg3[%add3A_1640, %dma_start3A_1651] : memref<8192x4096xf32, #tpu.memory_space<hbm>> -> memref<8x4096xf32, #tpu.memory_space<hbm>>
    %dma_start3A_1653 = arith.constant 0 : i32
    %dma_start3A_1654 = arith.constant 0 : i32
    %dma_start3A_1655 = tpu.memref_slice %arg4[%dma_start3A_1641, %dma_start3A_1653, %dma_start3A_1654] : memref<2x8x4096xf32, #tpu.memory_space<vmem>> -> memref<1x8x4096xf32, #tpu.memory_space<vmem>>
    %dma_start3A_1656 = tpu.memref_squeeze %dma_start3A_1655 : memref<1x8x4096xf32, #tpu.memory_space<vmem>> -> memref<8x4096xf32, #tpu.memory_space<vmem>>
    tpu.enqueue_dma source(%dma_start3A_1656 : memref<8x4096xf32, #tpu.memory_space<vmem>>) target(%dma_start3A_1652 : memref<8x4096xf32, #tpu.memory_space<hbm>>) target_semaphore(%dma_start3A_1650 : memref<!tpu.dma_semaphore, #tpu.memory_space<semaphore_mem>>)
    %add3A_1657 = arith.constant 176 : i32
    %add3A_1658 = arith.addi %mul3A_2, %add3A_1657 : i32
    %dma_wait3A_1659 = arith.constant 0 : i32
    %dma_wait3A_1660 = arith.constant 0 : i32
    %dma_wait3A_1661 = arith.constant 0 : i32
    %dma_wait3A_1662 = arith.constant 0 : i32
    %dma_wait3A_1663 = tpu.memref_slice %arg4[%dma_wait3A_1659, %dma_wait3A_1661, %dma_wait3A_1662] : memref<2x8x4096xf32, #tpu.memory_space<vmem>> -> memref<1x8x4096xf32, #tpu.memory_space<vmem>>
    %dma_wait3A_1664 = tpu.memref_squeeze %dma_wait3A_1663 : memref<1x8x4096xf32, #tpu.memory_space<vmem>> -> memref<8x4096xf32, #tpu.memory_space<vmem>>
    %dma_wait3A_1665 = arith.constant 0 : i32
    %dma_wait3A_1666 = tpu.memref_slice %arg3[%add3A_1658, %dma_wait3A_1665] : memref<8192x4096xf32, #tpu.memory_space<hbm>> -> memref<8x4096xf32, #tpu.memory_space<hbm>>
    %dma_wait3A_1667 = tpu.memref_slice %arg6[%dma_wait3A_1660] : memref<2x!tpu.dma_semaphore, #tpu.memory_space<semaphore_mem>> -> memref<1x!tpu.dma_semaphore, #tpu.memory_space<semaphore_mem>>
    %dma_wait3A_1668 = tpu.memref_squeeze %dma_wait3A_1667 : memref<1x!tpu.dma_semaphore, #tpu.memory_space<semaphore_mem>> -> memref<!tpu.dma_semaphore, #tpu.memory_space<semaphore_mem>>
    %dma_wait3A_1669 = arith.constant 0 : i32
    %dma_wait3A_1670 = tpu.memref_slice %arg3[%add3A_1658, %dma_wait3A_1669] : memref<8192x4096xf32, #tpu.memory_space<hbm>> -> memref<8x4096xf32, #tpu.memory_space<hbm>>
    %dma_wait3A_1671 = arith.constant 0 : i32
    %dma_wait3A_1672 = arith.constant 0 : i32
    %dma_wait3A_1673 = tpu.memref_slice %arg4[%dma_wait3A_1659, %dma_wait3A_1671, %dma_wait3A_1672] : memref<2x8x4096xf32, #tpu.memory_space<vmem>> -> memref<1x8x4096xf32, #tpu.memory_space<vmem>>
    %dma_wait3A_1674 = tpu.memref_squeeze %dma_wait3A_1673 : memref<1x8x4096xf32, #tpu.memory_space<vmem>> -> memref<8x4096xf32, #tpu.memory_space<vmem>>
    tpu.wait_dma2 semaphore(%dma_wait3A_1668 : memref<!tpu.dma_semaphore, #tpu.memory_space<semaphore_mem>>) src(%dma_wait3A_1674 : memref<8x4096xf32, #tpu.memory_space<vmem>>) dst(%dma_wait3A_1670 : memref<8x4096xf32, #tpu.memory_space<hbm>>)
    %add3A_1675 = arith.constant 192 : i32
    %add3A_1676 = arith.addi %mul3A_2, %add3A_1675 : i32
    %dma_start3A_1677 = arith.constant 0 : i32
    %dma_start3A_1678 = arith.constant 0 : i32
    %dma_start3A_1679 = arith.constant 0 : i32
    %dma_start3A_1680 = arith.constant 0 : i32
    %dma_start3A_1681 = tpu.memref_slice %arg4[%dma_start3A_1677, %dma_start3A_1679, %dma_start3A_1680] : memref<2x8x4096xf32, #tpu.memory_space<vmem>> -> memref<1x8x4096xf32, #tpu.memory_space<vmem>>
    %dma_start3A_1682 = tpu.memref_squeeze %dma_start3A_1681 : memref<1x8x4096xf32, #tpu.memory_space<vmem>> -> memref<8x4096xf32, #tpu.memory_space<vmem>>
    %dma_start3A_1683 = arith.constant 0 : i32
    %dma_start3A_1684 = tpu.memref_slice %arg2[%add3A_1676, %dma_start3A_1683] : memref<8192x4096xf32, #tpu.memory_space<hbm>> -> memref<8x4096xf32, #tpu.memory_space<hbm>>
    %dma_start3A_1685 = tpu.memref_slice %arg5[%dma_start3A_1678] : memref<2x!tpu.dma_semaphore, #tpu.memory_space<semaphore_mem>> -> memref<1x!tpu.dma_semaphore, #tpu.memory_space<semaphore_mem>>
    %dma_start3A_1686 = tpu.memref_squeeze %dma_start3A_1685 : memref<1x!tpu.dma_semaphore, #tpu.memory_space<semaphore_mem>> -> memref<!tpu.dma_semaphore, #tpu.memory_space<semaphore_mem>>
    %dma_start3A_1687 = arith.constant 0 : i32
    %dma_start3A_1688 = arith.constant 0 : i32
    %dma_start3A_1689 = tpu.memref_slice %arg4[%dma_start3A_1677, %dma_start3A_1687, %dma_start3A_1688] : memref<2x8x4096xf32, #tpu.memory_space<vmem>> -> memref<1x8x4096xf32, #tpu.memory_space<vmem>>
    %dma_start3A_1690 = tpu.memref_squeeze %dma_start3A_1689 : memref<1x8x4096xf32, #tpu.memory_space<vmem>> -> memref<8x4096xf32, #tpu.memory_space<vmem>>
    %dma_start3A_1691 = arith.constant 0 : i32
    %dma_start3A_1692 = tpu.memref_slice %arg2[%add3A_1676, %dma_start3A_1691] : memref<8192x4096xf32, #tpu.memory_space<hbm>> -> memref<8x4096xf32, #tpu.memory_space<hbm>>
    tpu.enqueue_dma source(%dma_start3A_1692 : memref<8x4096xf32, #tpu.memory_space<hbm>>) target(%dma_start3A_1690 : memref<8x4096xf32, #tpu.memory_space<vmem>>) target_semaphore(%dma_start3A_1686 : memref<!tpu.dma_semaphore, #tpu.memory_space<semaphore_mem>>)
    %add3A_1693 = arith.constant 184 : i32
    %add3A_1694 = arith.addi %mul3A_2, %add3A_1693 : i32
    %dma_wait3A_1695 = arith.constant 1 : i32
    %dma_wait3A_1696 = arith.constant 1 : i32
    %dma_wait3A_1697 = arith.constant 0 : i32
    %dma_wait3A_1698 = arith.constant 0 : i32
    %dma_wait3A_1699 = tpu.memref_slice %arg4[%dma_wait3A_1695, %dma_wait3A_1697, %dma_wait3A_1698] : memref<2x8x4096xf32, #tpu.memory_space<vmem>> -> memref<1x8x4096xf32, #tpu.memory_space<vmem>>
    %dma_wait3A_1700 = tpu.memref_squeeze %dma_wait3A_1699 : memref<1x8x4096xf32, #tpu.memory_space<vmem>> -> memref<8x4096xf32, #tpu.memory_space<vmem>>
    %dma_wait3A_1701 = arith.constant 0 : i32
    %dma_wait3A_1702 = tpu.memref_slice %arg2[%add3A_1694, %dma_wait3A_1701] : memref<8192x4096xf32, #tpu.memory_space<hbm>> -> memref<8x4096xf32, #tpu.memory_space<hbm>>
    %dma_wait3A_1703 = tpu.memref_slice %arg5[%dma_wait3A_1696] : memref<2x!tpu.dma_semaphore, #tpu.memory_space<semaphore_mem>> -> memref<1x!tpu.dma_semaphore, #tpu.memory_space<semaphore_mem>>
    %dma_wait3A_1704 = tpu.memref_squeeze %dma_wait3A_1703 : memref<1x!tpu.dma_semaphore, #tpu.memory_space<semaphore_mem>> -> memref<!tpu.dma_semaphore, #tpu.memory_space<semaphore_mem>>
    %dma_wait3A_1705 = arith.constant 0 : i32
    %dma_wait3A_1706 = arith.constant 0 : i32
    %dma_wait3A_1707 = tpu.memref_slice %arg4[%dma_wait3A_1695, %dma_wait3A_1705, %dma_wait3A_1706] : memref<2x8x4096xf32, #tpu.memory_space<vmem>> -> memref<1x8x4096xf32, #tpu.memory_space<vmem>>
    %dma_wait3A_1708 = tpu.memref_squeeze %dma_wait3A_1707 : memref<1x8x4096xf32, #tpu.memory_space<vmem>> -> memref<8x4096xf32, #tpu.memory_space<vmem>>
    %dma_wait3A_1709 = arith.constant 0 : i32
    %dma_wait3A_1710 = tpu.memref_slice %arg2[%add3A_1694, %dma_wait3A_1709] : memref<8192x4096xf32, #tpu.memory_space<hbm>> -> memref<8x4096xf32, #tpu.memory_space<hbm>>
    tpu.wait_dma2 semaphore(%dma_wait3A_1704 : memref<!tpu.dma_semaphore, #tpu.memory_space<semaphore_mem>>) src(%dma_wait3A_1710 : memref<8x4096xf32, #tpu.memory_space<hbm>>) dst(%dma_wait3A_1708 : memref<8x4096xf32, #tpu.memory_space<vmem>>)
    %add3A_1711 = arith.constant 184 : i32
    %add3A_1712 = arith.addi %mul3A_2, %add3A_1711 : i32
    %dma_start3A_1713 = arith.constant 1 : i32
    %dma_start3A_1714 = arith.constant 1 : i32
    %dma_start3A_1715 = arith.constant 0 : i32
    %dma_start3A_1716 = arith.constant 0 : i32
    %dma_start3A_1717 = tpu.memref_slice %arg4[%dma_start3A_1713, %dma_start3A_1715, %dma_start3A_1716] : memref<2x8x4096xf32, #tpu.memory_space<vmem>> -> memref<1x8x4096xf32, #tpu.memory_space<vmem>>
    %dma_start3A_1718 = tpu.memref_squeeze %dma_start3A_1717 : memref<1x8x4096xf32, #tpu.memory_space<vmem>> -> memref<8x4096xf32, #tpu.memory_space<vmem>>
    %dma_start3A_1719 = arith.constant 0 : i32
    %dma_start3A_1720 = tpu.memref_slice %arg3[%add3A_1712, %dma_start3A_1719] : memref<8192x4096xf32, #tpu.memory_space<hbm>> -> memref<8x4096xf32, #tpu.memory_space<hbm>>
    %dma_start3A_1721 = tpu.memref_slice %arg6[%dma_start3A_1714] : memref<2x!tpu.dma_semaphore, #tpu.memory_space<semaphore_mem>> -> memref<1x!tpu.dma_semaphore, #tpu.memory_space<semaphore_mem>>
    %dma_start3A_1722 = tpu.memref_squeeze %dma_start3A_1721 : memref<1x!tpu.dma_semaphore, #tpu.memory_space<semaphore_mem>> -> memref<!tpu.dma_semaphore, #tpu.memory_space<semaphore_mem>>
    %dma_start3A_1723 = arith.constant 0 : i32
    %dma_start3A_1724 = tpu.memref_slice %arg3[%add3A_1712, %dma_start3A_1723] : memref<8192x4096xf32, #tpu.memory_space<hbm>> -> memref<8x4096xf32, #tpu.memory_space<hbm>>
    %dma_start3A_1725 = arith.constant 0 : i32
    %dma_start3A_1726 = arith.constant 0 : i32
    %dma_start3A_1727 = tpu.memref_slice %arg4[%dma_start3A_1713, %dma_start3A_1725, %dma_start3A_1726] : memref<2x8x4096xf32, #tpu.memory_space<vmem>> -> memref<1x8x4096xf32, #tpu.memory_space<vmem>>
    %dma_start3A_1728 = tpu.memref_squeeze %dma_start3A_1727 : memref<1x8x4096xf32, #tpu.memory_space<vmem>> -> memref<8x4096xf32, #tpu.memory_space<vmem>>
    tpu.enqueue_dma source(%dma_start3A_1728 : memref<8x4096xf32, #tpu.memory_space<vmem>>) target(%dma_start3A_1724 : memref<8x4096xf32, #tpu.memory_space<hbm>>) target_semaphore(%dma_start3A_1722 : memref<!tpu.dma_semaphore, #tpu.memory_space<semaphore_mem>>)
    %add3A_1729 = arith.constant 184 : i32
    %add3A_1730 = arith.addi %mul3A_2, %add3A_1729 : i32
    %dma_wait3A_1731 = arith.constant 1 : i32
    %dma_wait3A_1732 = arith.constant 1 : i32
    %dma_wait3A_1733 = arith.constant 0 : i32
    %dma_wait3A_1734 = arith.constant 0 : i32
    %dma_wait3A_1735 = tpu.memref_slice %arg4[%dma_wait3A_1731, %dma_wait3A_1733, %dma_wait3A_1734] : memref<2x8x4096xf32, #tpu.memory_space<vmem>> -> memref<1x8x4096xf32, #tpu.memory_space<vmem>>
    %dma_wait3A_1736 = tpu.memref_squeeze %dma_wait3A_1735 : memref<1x8x4096xf32, #tpu.memory_space<vmem>> -> memref<8x4096xf32, #tpu.memory_space<vmem>>
    %dma_wait3A_1737 = arith.constant 0 : i32
    %dma_wait3A_1738 = tpu.memref_slice %arg3[%add3A_1730, %dma_wait3A_1737] : memref<8192x4096xf32, #tpu.memory_space<hbm>> -> memref<8x4096xf32, #tpu.memory_space<hbm>>
    %dma_wait3A_1739 = tpu.memref_slice %arg6[%dma_wait3A_1732] : memref<2x!tpu.dma_semaphore, #tpu.memory_space<semaphore_mem>> -> memref<1x!tpu.dma_semaphore, #tpu.memory_space<semaphore_mem>>
    %dma_wait3A_1740 = tpu.memref_squeeze %dma_wait3A_1739 : memref<1x!tpu.dma_semaphore, #tpu.memory_space<semaphore_mem>> -> memref<!tpu.dma_semaphore, #tpu.memory_space<semaphore_mem>>
    %dma_wait3A_1741 = arith.constant 0 : i32
    %dma_wait3A_1742 = tpu.memref_slice %arg3[%add3A_1730, %dma_wait3A_1741] : memref<8192x4096xf32, #tpu.memory_space<hbm>> -> memref<8x4096xf32, #tpu.memory_space<hbm>>
    %dma_wait3A_1743 = arith.constant 0 : i32
    %dma_wait3A_1744 = arith.constant 0 : i32
    %dma_wait3A_1745 = tpu.memref_slice %arg4[%dma_wait3A_1731, %dma_wait3A_1743, %dma_wait3A_1744] : memref<2x8x4096xf32, #tpu.memory_space<vmem>> -> memref<1x8x4096xf32, #tpu.memory_space<vmem>>
    %dma_wait3A_1746 = tpu.memref_squeeze %dma_wait3A_1745 : memref<1x8x4096xf32, #tpu.memory_space<vmem>> -> memref<8x4096xf32, #tpu.memory_space<vmem>>
    tpu.wait_dma2 semaphore(%dma_wait3A_1740 : memref<!tpu.dma_semaphore, #tpu.memory_space<semaphore_mem>>) src(%dma_wait3A_1746 : memref<8x4096xf32, #tpu.memory_space<vmem>>) dst(%dma_wait3A_1742 : memref<8x4096xf32, #tpu.memory_space<hbm>>)
    %add3A_1747 = arith.constant 200 : i32
    %add3A_1748 = arith.addi %mul3A_2, %add3A_1747 : i32
    %dma_start3A_1749 = arith.constant 1 : i32
    %dma_start3A_1750 = arith.constant 1 : i32
    %dma_start3A_1751 = arith.constant 0 : i32
    %dma_start3A_1752 = arith.constant 0 : i32
    %dma_start3A_1753 = tpu.memref_slice %arg4[%dma_start3A_1749, %dma_start3A_1751, %dma_start3A_1752] : memref<2x8x4096xf32, #tpu.memory_space<vmem>> -> memref<1x8x4096xf32, #tpu.memory_space<vmem>>
    %dma_start3A_1754 = tpu.memref_squeeze %dma_start3A_1753 : memref<1x8x4096xf32, #tpu.memory_space<vmem>> -> memref<8x4096xf32, #tpu.memory_space<vmem>>
    %dma_start3A_1755 = arith.constant 0 : i32
    %dma_start3A_1756 = tpu.memref_slice %arg2[%add3A_1748, %dma_start3A_1755] : memref<8192x4096xf32, #tpu.memory_space<hbm>> -> memref<8x4096xf32, #tpu.memory_space<hbm>>
    %dma_start3A_1757 = tpu.memref_slice %arg5[%dma_start3A_1750] : memref<2x!tpu.dma_semaphore, #tpu.memory_space<semaphore_mem>> -> memref<1x!tpu.dma_semaphore, #tpu.memory_space<semaphore_mem>>
    %dma_start3A_1758 = tpu.memref_squeeze %dma_start3A_1757 : memref<1x!tpu.dma_semaphore, #tpu.memory_space<semaphore_mem>> -> memref<!tpu.dma_semaphore, #tpu.memory_space<semaphore_mem>>
    %dma_start3A_1759 = arith.constant 0 : i32
    %dma_start3A_1760 = arith.constant 0 : i32
    %dma_start3A_1761 = tpu.memref_slice %arg4[%dma_start3A_1749, %dma_start3A_1759, %dma_start3A_1760] : memref<2x8x4096xf32, #tpu.memory_space<vmem>> -> memref<1x8x4096xf32, #tpu.memory_space<vmem>>
    %dma_start3A_1762 = tpu.memref_squeeze %dma_start3A_1761 : memref<1x8x4096xf32, #tpu.memory_space<vmem>> -> memref<8x4096xf32, #tpu.memory_space<vmem>>
    %dma_start3A_1763 = arith.constant 0 : i32
    %dma_start3A_1764 = tpu.memref_slice %arg2[%add3A_1748, %dma_start3A_1763] : memref<8192x4096xf32, #tpu.memory_space<hbm>> -> memref<8x4096xf32, #tpu.memory_space<hbm>>
    tpu.enqueue_dma source(%dma_start3A_1764 : memref<8x4096xf32, #tpu.memory_space<hbm>>) target(%dma_start3A_1762 : memref<8x4096xf32, #tpu.memory_space<vmem>>) target_semaphore(%dma_start3A_1758 : memref<!tpu.dma_semaphore, #tpu.memory_space<semaphore_mem>>)
    %add3A_1765 = arith.constant 192 : i32
    %add3A_1766 = arith.addi %mul3A_2, %add3A_1765 : i32
    %dma_wait3A_1767 = arith.constant 0 : i32
    %dma_wait3A_1768 = arith.constant 0 : i32
    %dma_wait3A_1769 = arith.constant 0 : i32
    %dma_wait3A_1770 = arith.constant 0 : i32
    %dma_wait3A_1771 = tpu.memref_slice %arg4[%dma_wait3A_1767, %dma_wait3A_1769, %dma_wait3A_1770] : memref<2x8x4096xf32, #tpu.memory_space<vmem>> -> memref<1x8x4096xf32, #tpu.memory_space<vmem>>
    %dma_wait3A_1772 = tpu.memref_squeeze %dma_wait3A_1771 : memref<1x8x4096xf32, #tpu.memory_space<vmem>> -> memref<8x4096xf32, #tpu.memory_space<vmem>>
    %dma_wait3A_1773 = arith.constant 0 : i32
    %dma_wait3A_1774 = tpu.memref_slice %arg2[%add3A_1766, %dma_wait3A_1773] : memref<8192x4096xf32, #tpu.memory_space<hbm>> -> memref<8x4096xf32, #tpu.memory_space<hbm>>
    %dma_wait3A_1775 = tpu.memref_slice %arg5[%dma_wait3A_1768] : memref<2x!tpu.dma_semaphore, #tpu.memory_space<semaphore_mem>> -> memref<1x!tpu.dma_semaphore, #tpu.memory_space<semaphore_mem>>
    %dma_wait3A_1776 = tpu.memref_squeeze %dma_wait3A_1775 : memref<1x!tpu.dma_semaphore, #tpu.memory_space<semaphore_mem>> -> memref<!tpu.dma_semaphore, #tpu.memory_space<semaphore_mem>>
    %dma_wait3A_1777 = arith.constant 0 : i32
    %dma_wait3A_1778 = arith.constant 0 : i32
    %dma_wait3A_1779 = tpu.memref_slice %arg4[%dma_wait3A_1767, %dma_wait3A_1777, %dma_wait3A_1778] : memref<2x8x4096xf32, #tpu.memory_space<vmem>> -> memref<1x8x4096xf32, #tpu.memory_space<vmem>>
    %dma_wait3A_1780 = tpu.memref_squeeze %dma_wait3A_1779 : memref<1x8x4096xf32, #tpu.memory_space<vmem>> -> memref<8x4096xf32, #tpu.memory_space<vmem>>
    %dma_wait3A_1781 = arith.constant 0 : i32
    %dma_wait3A_1782 = tpu.memref_slice %arg2[%add3A_1766, %dma_wait3A_1781] : memref<8192x4096xf32, #tpu.memory_space<hbm>> -> memref<8x4096xf32, #tpu.memory_space<hbm>>
    tpu.wait_dma2 semaphore(%dma_wait3A_1776 : memref<!tpu.dma_semaphore, #tpu.memory_space<semaphore_mem>>) src(%dma_wait3A_1782 : memref<8x4096xf32, #tpu.memory_space<hbm>>) dst(%dma_wait3A_1780 : memref<8x4096xf32, #tpu.memory_space<vmem>>)
    %add3A_1783 = arith.constant 192 : i32
    %add3A_1784 = arith.addi %mul3A_2, %add3A_1783 : i32
    %dma_start3A_1785 = arith.constant 0 : i32
    %dma_start3A_1786 = arith.constant 0 : i32
    %dma_start3A_1787 = arith.constant 0 : i32
    %dma_start3A_1788 = arith.constant 0 : i32
    %dma_start3A_1789 = tpu.memref_slice %arg4[%dma_start3A_1785, %dma_start3A_1787, %dma_start3A_1788] : memref<2x8x4096xf32, #tpu.memory_space<vmem>> -> memref<1x8x4096xf32, #tpu.memory_space<vmem>>
    %dma_start3A_1790 = tpu.memref_squeeze %dma_start3A_1789 : memref<1x8x4096xf32, #tpu.memory_space<vmem>> -> memref<8x4096xf32, #tpu.memory_space<vmem>>
    %dma_start3A_1791 = arith.constant 0 : i32
    %dma_start3A_1792 = tpu.memref_slice %arg3[%add3A_1784, %dma_start3A_1791] : memref<8192x4096xf32, #tpu.memory_space<hbm>> -> memref<8x4096xf32, #tpu.memory_space<hbm>>
    %dma_start3A_1793 = tpu.memref_slice %arg6[%dma_start3A_1786] : memref<2x!tpu.dma_semaphore, #tpu.memory_space<semaphore_mem>> -> memref<1x!tpu.dma_semaphore, #tpu.memory_space<semaphore_mem>>
    %dma_start3A_1794 = tpu.memref_squeeze %dma_start3A_1793 : memref<1x!tpu.dma_semaphore, #tpu.memory_space<semaphore_mem>> -> memref<!tpu.dma_semaphore, #tpu.memory_space<semaphore_mem>>
    %dma_start3A_1795 = arith.constant 0 : i32
    %dma_start3A_1796 = tpu.memref_slice %arg3[%add3A_1784, %dma_start3A_1795] : memref<8192x4096xf32, #tpu.memory_space<hbm>> -> memref<8x4096xf32, #tpu.memory_space<hbm>>
    %dma_start3A_1797 = arith.constant 0 : i32
    %dma_start3A_1798 = arith.constant 0 : i32
    %dma_start3A_1799 = tpu.memref_slice %arg4[%dma_start3A_1785, %dma_start3A_1797, %dma_start3A_1798] : memref<2x8x4096xf32, #tpu.memory_space<vmem>> -> memref<1x8x4096xf32, #tpu.memory_space<vmem>>
    %dma_start3A_1800 = tpu.memref_squeeze %dma_start3A_1799 : memref<1x8x4096xf32, #tpu.memory_space<vmem>> -> memref<8x4096xf32, #tpu.memory_space<vmem>>
    tpu.enqueue_dma source(%dma_start3A_1800 : memref<8x4096xf32, #tpu.memory_space<vmem>>) target(%dma_start3A_1796 : memref<8x4096xf32, #tpu.memory_space<hbm>>) target_semaphore(%dma_start3A_1794 : memref<!tpu.dma_semaphore, #tpu.memory_space<semaphore_mem>>)
    %add3A_1801 = arith.constant 192 : i32
    %add3A_1802 = arith.addi %mul3A_2, %add3A_1801 : i32
    %dma_wait3A_1803 = arith.constant 0 : i32
    %dma_wait3A_1804 = arith.constant 0 : i32
    %dma_wait3A_1805 = arith.constant 0 : i32
    %dma_wait3A_1806 = arith.constant 0 : i32
    %dma_wait3A_1807 = tpu.memref_slice %arg4[%dma_wait3A_1803, %dma_wait3A_1805, %dma_wait3A_1806] : memref<2x8x4096xf32, #tpu.memory_space<vmem>> -> memref<1x8x4096xf32, #tpu.memory_space<vmem>>
    %dma_wait3A_1808 = tpu.memref_squeeze %dma_wait3A_1807 : memref<1x8x4096xf32, #tpu.memory_space<vmem>> -> memref<8x4096xf32, #tpu.memory_space<vmem>>
    %dma_wait3A_1809 = arith.constant 0 : i32
    %dma_wait3A_1810 = tpu.memref_slice %arg3[%add3A_1802, %dma_wait3A_1809] : memref<8192x4096xf32, #tpu.memory_space<hbm>> -> memref<8x4096xf32, #tpu.memory_space<hbm>>
    %dma_wait3A_1811 = tpu.memref_slice %arg6[%dma_wait3A_1804] : memref<2x!tpu.dma_semaphore, #tpu.memory_space<semaphore_mem>> -> memref<1x!tpu.dma_semaphore, #tpu.memory_space<semaphore_mem>>
    %dma_wait3A_1812 = tpu.memref_squeeze %dma_wait3A_1811 : memref<1x!tpu.dma_semaphore, #tpu.memory_space<semaphore_mem>> -> memref<!tpu.dma_semaphore, #tpu.memory_space<semaphore_mem>>
    %dma_wait3A_1813 = arith.constant 0 : i32
    %dma_wait3A_1814 = tpu.memref_slice %arg3[%add3A_1802, %dma_wait3A_1813] : memref<8192x4096xf32, #tpu.memory_space<hbm>> -> memref<8x4096xf32, #tpu.memory_space<hbm>>
    %dma_wait3A_1815 = arith.constant 0 : i32
    %dma_wait3A_1816 = arith.constant 0 : i32
    %dma_wait3A_1817 = tpu.memref_slice %arg4[%dma_wait3A_1803, %dma_wait3A_1815, %dma_wait3A_1816] : memref<2x8x4096xf32, #tpu.memory_space<vmem>> -> memref<1x8x4096xf32, #tpu.memory_space<vmem>>
    %dma_wait3A_1818 = tpu.memref_squeeze %dma_wait3A_1817 : memref<1x8x4096xf32, #tpu.memory_space<vmem>> -> memref<8x4096xf32, #tpu.memory_space<vmem>>
    tpu.wait_dma2 semaphore(%dma_wait3A_1812 : memref<!tpu.dma_semaphore, #tpu.memory_space<semaphore_mem>>) src(%dma_wait3A_1818 : memref<8x4096xf32, #tpu.memory_space<vmem>>) dst(%dma_wait3A_1814 : memref<8x4096xf32, #tpu.memory_space<hbm>>)
    %add3A_1819 = arith.constant 208 : i32
    %add3A_1820 = arith.addi %mul3A_2, %add3A_1819 : i32
    %dma_start3A_1821 = arith.constant 0 : i32
    %dma_start3A_1822 = arith.constant 0 : i32
    %dma_start3A_1823 = arith.constant 0 : i32
    %dma_start3A_1824 = arith.constant 0 : i32
    %dma_start3A_1825 = tpu.memref_slice %arg4[%dma_start3A_1821, %dma_start3A_1823, %dma_start3A_1824] : memref<2x8x4096xf32, #tpu.memory_space<vmem>> -> memref<1x8x4096xf32, #tpu.memory_space<vmem>>
    %dma_start3A_1826 = tpu.memref_squeeze %dma_start3A_1825 : memref<1x8x4096xf32, #tpu.memory_space<vmem>> -> memref<8x4096xf32, #tpu.memory_space<vmem>>
    %dma_start3A_1827 = arith.constant 0 : i32
    %dma_start3A_1828 = tpu.memref_slice %arg2[%add3A_1820, %dma_start3A_1827] : memref<8192x4096xf32, #tpu.memory_space<hbm>> -> memref<8x4096xf32, #tpu.memory_space<hbm>>
    %dma_start3A_1829 = tpu.memref_slice %arg5[%dma_start3A_1822] : memref<2x!tpu.dma_semaphore, #tpu.memory_space<semaphore_mem>> -> memref<1x!tpu.dma_semaphore, #tpu.memory_space<semaphore_mem>>
    %dma_start3A_1830 = tpu.memref_squeeze %dma_start3A_1829 : memref<1x!tpu.dma_semaphore, #tpu.memory_space<semaphore_mem>> -> memref<!tpu.dma_semaphore, #tpu.memory_space<semaphore_mem>>
    %dma_start3A_1831 = arith.constant 0 : i32
    %dma_start3A_1832 = arith.constant 0 : i32
    %dma_start3A_1833 = tpu.memref_slice %arg4[%dma_start3A_1821, %dma_start3A_1831, %dma_start3A_1832] : memref<2x8x4096xf32, #tpu.memory_space<vmem>> -> memref<1x8x4096xf32, #tpu.memory_space<vmem>>
    %dma_start3A_1834 = tpu.memref_squeeze %dma_start3A_1833 : memref<1x8x4096xf32, #tpu.memory_space<vmem>> -> memref<8x4096xf32, #tpu.memory_space<vmem>>
    %dma_start3A_1835 = arith.constant 0 : i32
    %dma_start3A_1836 = tpu.memref_slice %arg2[%add3A_1820, %dma_start3A_1835] : memref<8192x4096xf32, #tpu.memory_space<hbm>> -> memref<8x4096xf32, #tpu.memory_space<hbm>>
    tpu.enqueue_dma source(%dma_start3A_1836 : memref<8x4096xf32, #tpu.memory_space<hbm>>) target(%dma_start3A_1834 : memref<8x4096xf32, #tpu.memory_space<vmem>>) target_semaphore(%dma_start3A_1830 : memref<!tpu.dma_semaphore, #tpu.memory_space<semaphore_mem>>)
    %add3A_1837 = arith.constant 200 : i32
    %add3A_1838 = arith.addi %mul3A_2, %add3A_1837 : i32
    %dma_wait3A_1839 = arith.constant 1 : i32
    %dma_wait3A_1840 = arith.constant 1 : i32
    %dma_wait3A_1841 = arith.constant 0 : i32
    %dma_wait3A_1842 = arith.constant 0 : i32
    %dma_wait3A_1843 = tpu.memref_slice %arg4[%dma_wait3A_1839, %dma_wait3A_1841, %dma_wait3A_1842] : memref<2x8x4096xf32, #tpu.memory_space<vmem>> -> memref<1x8x4096xf32, #tpu.memory_space<vmem>>
    %dma_wait3A_1844 = tpu.memref_squeeze %dma_wait3A_1843 : memref<1x8x4096xf32, #tpu.memory_space<vmem>> -> memref<8x4096xf32, #tpu.memory_space<vmem>>
    %dma_wait3A_1845 = arith.constant 0 : i32
    %dma_wait3A_1846 = tpu.memref_slice %arg2[%add3A_1838, %dma_wait3A_1845] : memref<8192x4096xf32, #tpu.memory_space<hbm>> -> memref<8x4096xf32, #tpu.memory_space<hbm>>
    %dma_wait3A_1847 = tpu.memref_slice %arg5[%dma_wait3A_1840] : memref<2x!tpu.dma_semaphore, #tpu.memory_space<semaphore_mem>> -> memref<1x!tpu.dma_semaphore, #tpu.memory_space<semaphore_mem>>
    %dma_wait3A_1848 = tpu.memref_squeeze %dma_wait3A_1847 : memref<1x!tpu.dma_semaphore, #tpu.memory_space<semaphore_mem>> -> memref<!tpu.dma_semaphore, #tpu.memory_space<semaphore_mem>>
    %dma_wait3A_1849 = arith.constant 0 : i32
    %dma_wait3A_1850 = arith.constant 0 : i32
    %dma_wait3A_1851 = tpu.memref_slice %arg4[%dma_wait3A_1839, %dma_wait3A_1849, %dma_wait3A_1850] : memref<2x8x4096xf32, #tpu.memory_space<vmem>> -> memref<1x8x4096xf32, #tpu.memory_space<vmem>>
    %dma_wait3A_1852 = tpu.memref_squeeze %dma_wait3A_1851 : memref<1x8x4096xf32, #tpu.memory_space<vmem>> -> memref<8x4096xf32, #tpu.memory_space<vmem>>
    %dma_wait3A_1853 = arith.constant 0 : i32
    %dma_wait3A_1854 = tpu.memref_slice %arg2[%add3A_1838, %dma_wait3A_1853] : memref<8192x4096xf32, #tpu.memory_space<hbm>> -> memref<8x4096xf32, #tpu.memory_space<hbm>>
    tpu.wait_dma2 semaphore(%dma_wait3A_1848 : memref<!tpu.dma_semaphore, #tpu.memory_space<semaphore_mem>>) src(%dma_wait3A_1854 : memref<8x4096xf32, #tpu.memory_space<hbm>>) dst(%dma_wait3A_1852 : memref<8x4096xf32, #tpu.memory_space<vmem>>)
    %add3A_1855 = arith.constant 200 : i32
    %add3A_1856 = arith.addi %mul3A_2, %add3A_1855 : i32
    %dma_start3A_1857 = arith.constant 1 : i32
    %dma_start3A_1858 = arith.constant 1 : i32
    %dma_start3A_1859 = arith.constant 0 : i32
    %dma_start3A_1860 = arith.constant 0 : i32
    %dma_start3A_1861 = tpu.memref_slice %arg4[%dma_start3A_1857, %dma_start3A_1859, %dma_start3A_1860] : memref<2x8x4096xf32, #tpu.memory_space<vmem>> -> memref<1x8x4096xf32, #tpu.memory_space<vmem>>
    %dma_start3A_1862 = tpu.memref_squeeze %dma_start3A_1861 : memref<1x8x4096xf32, #tpu.memory_space<vmem>> -> memref<8x4096xf32, #tpu.memory_space<vmem>>
    %dma_start3A_1863 = arith.constant 0 : i32
    %dma_start3A_1864 = tpu.memref_slice %arg3[%add3A_1856, %dma_start3A_1863] : memref<8192x4096xf32, #tpu.memory_space<hbm>> -> memref<8x4096xf32, #tpu.memory_space<hbm>>
    %dma_start3A_1865 = tpu.memref_slice %arg6[%dma_start3A_1858] : memref<2x!tpu.dma_semaphore, #tpu.memory_space<semaphore_mem>> -> memref<1x!tpu.dma_semaphore, #tpu.memory_space<semaphore_mem>>
    %dma_start3A_1866 = tpu.memref_squeeze %dma_start3A_1865 : memref<1x!tpu.dma_semaphore, #tpu.memory_space<semaphore_mem>> -> memref<!tpu.dma_semaphore, #tpu.memory_space<semaphore_mem>>
    %dma_start3A_1867 = arith.constant 0 : i32
    %dma_start3A_1868 = tpu.memref_slice %arg3[%add3A_1856, %dma_start3A_1867] : memref<8192x4096xf32, #tpu.memory_space<hbm>> -> memref<8x4096xf32, #tpu.memory_space<hbm>>
    %dma_start3A_1869 = arith.constant 0 : i32
    %dma_start3A_1870 = arith.constant 0 : i32
    %dma_start3A_1871 = tpu.memref_slice %arg4[%dma_start3A_1857, %dma_start3A_1869, %dma_start3A_1870] : memref<2x8x4096xf32, #tpu.memory_space<vmem>> -> memref<1x8x4096xf32, #tpu.memory_space<vmem>>
    %dma_start3A_1872 = tpu.memref_squeeze %dma_start3A_1871 : memref<1x8x4096xf32, #tpu.memory_space<vmem>> -> memref<8x4096xf32, #tpu.memory_space<vmem>>
    tpu.enqueue_dma source(%dma_start3A_1872 : memref<8x4096xf32, #tpu.memory_space<vmem>>) target(%dma_start3A_1868 : memref<8x4096xf32, #tpu.memory_space<hbm>>) target_semaphore(%dma_start3A_1866 : memref<!tpu.dma_semaphore, #tpu.memory_space<semaphore_mem>>)
    %add3A_1873 = arith.constant 200 : i32
    %add3A_1874 = arith.addi %mul3A_2, %add3A_1873 : i32
    %dma_wait3A_1875 = arith.constant 1 : i32
    %dma_wait3A_1876 = arith.constant 1 : i32
    %dma_wait3A_1877 = arith.constant 0 : i32
    %dma_wait3A_1878 = arith.constant 0 : i32
    %dma_wait3A_1879 = tpu.memref_slice %arg4[%dma_wait3A_1875, %dma_wait3A_1877, %dma_wait3A_1878] : memref<2x8x4096xf32, #tpu.memory_space<vmem>> -> memref<1x8x4096xf32, #tpu.memory_space<vmem>>
    %dma_wait3A_1880 = tpu.memref_squeeze %dma_wait3A_1879 : memref<1x8x4096xf32, #tpu.memory_space<vmem>> -> memref<8x4096xf32, #tpu.memory_space<vmem>>
    %dma_wait3A_1881 = arith.constant 0 : i32
    %dma_wait3A_1882 = tpu.memref_slice %arg3[%add3A_1874, %dma_wait3A_1881] : memref<8192x4096xf32, #tpu.memory_space<hbm>> -> memref<8x4096xf32, #tpu.memory_space<hbm>>
    %dma_wait3A_1883 = tpu.memref_slice %arg6[%dma_wait3A_1876] : memref<2x!tpu.dma_semaphore, #tpu.memory_space<semaphore_mem>> -> memref<1x!tpu.dma_semaphore, #tpu.memory_space<semaphore_mem>>
    %dma_wait3A_1884 = tpu.memref_squeeze %dma_wait3A_1883 : memref<1x!tpu.dma_semaphore, #tpu.memory_space<semaphore_mem>> -> memref<!tpu.dma_semaphore, #tpu.memory_space<semaphore_mem>>
    %dma_wait3A_1885 = arith.constant 0 : i32
    %dma_wait3A_1886 = tpu.memref_slice %arg3[%add3A_1874, %dma_wait3A_1885] : memref<8192x4096xf32, #tpu.memory_space<hbm>> -> memref<8x4096xf32, #tpu.memory_space<hbm>>
    %dma_wait3A_1887 = arith.constant 0 : i32
    %dma_wait3A_1888 = arith.constant 0 : i32
    %dma_wait3A_1889 = tpu.memref_slice %arg4[%dma_wait3A_1875, %dma_wait3A_1887, %dma_wait3A_1888] : memref<2x8x4096xf32, #tpu.memory_space<vmem>> -> memref<1x8x4096xf32, #tpu.memory_space<vmem>>
    %dma_wait3A_1890 = tpu.memref_squeeze %dma_wait3A_1889 : memref<1x8x4096xf32, #tpu.memory_space<vmem>> -> memref<8x4096xf32, #tpu.memory_space<vmem>>
    tpu.wait_dma2 semaphore(%dma_wait3A_1884 : memref<!tpu.dma_semaphore, #tpu.memory_space<semaphore_mem>>) src(%dma_wait3A_1890 : memref<8x4096xf32, #tpu.memory_space<vmem>>) dst(%dma_wait3A_1886 : memref<8x4096xf32, #tpu.memory_space<hbm>>)
    %add3A_1891 = arith.constant 216 : i32
    %add3A_1892 = arith.addi %mul3A_2, %add3A_1891 : i32
    %dma_start3A_1893 = arith.constant 1 : i32
    %dma_start3A_1894 = arith.constant 1 : i32
    %dma_start3A_1895 = arith.constant 0 : i32
    %dma_start3A_1896 = arith.constant 0 : i32
    %dma_start3A_1897 = tpu.memref_slice %arg4[%dma_start3A_1893, %dma_start3A_1895, %dma_start3A_1896] : memref<2x8x4096xf32, #tpu.memory_space<vmem>> -> memref<1x8x4096xf32, #tpu.memory_space<vmem>>
    %dma_start3A_1898 = tpu.memref_squeeze %dma_start3A_1897 : memref<1x8x4096xf32, #tpu.memory_space<vmem>> -> memref<8x4096xf32, #tpu.memory_space<vmem>>
    %dma_start3A_1899 = arith.constant 0 : i32
    %dma_start3A_1900 = tpu.memref_slice %arg2[%add3A_1892, %dma_start3A_1899] : memref<8192x4096xf32, #tpu.memory_space<hbm>> -> memref<8x4096xf32, #tpu.memory_space<hbm>>
    %dma_start3A_1901 = tpu.memref_slice %arg5[%dma_start3A_1894] : memref<2x!tpu.dma_semaphore, #tpu.memory_space<semaphore_mem>> -> memref<1x!tpu.dma_semaphore, #tpu.memory_space<semaphore_mem>>
    %dma_start3A_1902 = tpu.memref_squeeze %dma_start3A_1901 : memref<1x!tpu.dma_semaphore, #tpu.memory_space<semaphore_mem>> -> memref<!tpu.dma_semaphore, #tpu.memory_space<semaphore_mem>>
    %dma_start3A_1903 = arith.constant 0 : i32
    %dma_start3A_1904 = arith.constant 0 : i32
    %dma_start3A_1905 = tpu.memref_slice %arg4[%dma_start3A_1893, %dma_start3A_1903, %dma_start3A_1904] : memref<2x8x4096xf32, #tpu.memory_space<vmem>> -> memref<1x8x4096xf32, #tpu.memory_space<vmem>>
    %dma_start3A_1906 = tpu.memref_squeeze %dma_start3A_1905 : memref<1x8x4096xf32, #tpu.memory_space<vmem>> -> memref<8x4096xf32, #tpu.memory_space<vmem>>
    %dma_start3A_1907 = arith.constant 0 : i32
    %dma_start3A_1908 = tpu.memref_slice %arg2[%add3A_1892, %dma_start3A_1907] : memref<8192x4096xf32, #tpu.memory_space<hbm>> -> memref<8x4096xf32, #tpu.memory_space<hbm>>
    tpu.enqueue_dma source(%dma_start3A_1908 : memref<8x4096xf32, #tpu.memory_space<hbm>>) target(%dma_start3A_1906 : memref<8x4096xf32, #tpu.memory_space<vmem>>) target_semaphore(%dma_start3A_1902 : memref<!tpu.dma_semaphore, #tpu.memory_space<semaphore_mem>>)
    %add3A_1909 = arith.constant 208 : i32
    %add3A_1910 = arith.addi %mul3A_2, %add3A_1909 : i32
    %dma_wait3A_1911 = arith.constant 0 : i32
    %dma_wait3A_1912 = arith.constant 0 : i32
    %dma_wait3A_1913 = arith.constant 0 : i32
    %dma_wait3A_1914 = arith.constant 0 : i32
    %dma_wait3A_1915 = tpu.memref_slice %arg4[%dma_wait3A_1911, %dma_wait3A_1913, %dma_wait3A_1914] : memref<2x8x4096xf32, #tpu.memory_space<vmem>> -> memref<1x8x4096xf32, #tpu.memory_space<vmem>>
    %dma_wait3A_1916 = tpu.memref_squeeze %dma_wait3A_1915 : memref<1x8x4096xf32, #tpu.memory_space<vmem>> -> memref<8x4096xf32, #tpu.memory_space<vmem>>
    %dma_wait3A_1917 = arith.constant 0 : i32
    %dma_wait3A_1918 = tpu.memref_slice %arg2[%add3A_1910, %dma_wait3A_1917] : memref<8192x4096xf32, #tpu.memory_space<hbm>> -> memref<8x4096xf32, #tpu.memory_space<hbm>>
    %dma_wait3A_1919 = tpu.memref_slice %arg5[%dma_wait3A_1912] : memref<2x!tpu.dma_semaphore, #tpu.memory_space<semaphore_mem>> -> memref<1x!tpu.dma_semaphore, #tpu.memory_space<semaphore_mem>>
    %dma_wait3A_1920 = tpu.memref_squeeze %dma_wait3A_1919 : memref<1x!tpu.dma_semaphore, #tpu.memory_space<semaphore_mem>> -> memref<!tpu.dma_semaphore, #tpu.memory_space<semaphore_mem>>
    %dma_wait3A_1921 = arith.constant 0 : i32
    %dma_wait3A_1922 = arith.constant 0 : i32
    %dma_wait3A_1923 = tpu.memref_slice %arg4[%dma_wait3A_1911, %dma_wait3A_1921, %dma_wait3A_1922] : memref<2x8x4096xf32, #tpu.memory_space<vmem>> -> memref<1x8x4096xf32, #tpu.memory_space<vmem>>
    %dma_wait3A_1924 = tpu.memref_squeeze %dma_wait3A_1923 : memref<1x8x4096xf32, #tpu.memory_space<vmem>> -> memref<8x4096xf32, #tpu.memory_space<vmem>>
    %dma_wait3A_1925 = arith.constant 0 : i32
    %dma_wait3A_1926 = tpu.memref_slice %arg2[%add3A_1910, %dma_wait3A_1925] : memref<8192x4096xf32, #tpu.memory_space<hbm>> -> memref<8x4096xf32, #tpu.memory_space<hbm>>
    tpu.wait_dma2 semaphore(%dma_wait3A_1920 : memref<!tpu.dma_semaphore, #tpu.memory_space<semaphore_mem>>) src(%dma_wait3A_1926 : memref<8x4096xf32, #tpu.memory_space<hbm>>) dst(%dma_wait3A_1924 : memref<8x4096xf32, #tpu.memory_space<vmem>>)
    %add3A_1927 = arith.constant 208 : i32
    %add3A_1928 = arith.addi %mul3A_2, %add3A_1927 : i32
    %dma_start3A_1929 = arith.constant 0 : i32
    %dma_start3A_1930 = arith.constant 0 : i32
    %dma_start3A_1931 = arith.constant 0 : i32
    %dma_start3A_1932 = arith.constant 0 : i32
    %dma_start3A_1933 = tpu.memref_slice %arg4[%dma_start3A_1929, %dma_start3A_1931, %dma_start3A_1932] : memref<2x8x4096xf32, #tpu.memory_space<vmem>> -> memref<1x8x4096xf32, #tpu.memory_space<vmem>>
    %dma_start3A_1934 = tpu.memref_squeeze %dma_start3A_1933 : memref<1x8x4096xf32, #tpu.memory_space<vmem>> -> memref<8x4096xf32, #tpu.memory_space<vmem>>
    %dma_start3A_1935 = arith.constant 0 : i32
    %dma_start3A_1936 = tpu.memref_slice %arg3[%add3A_1928, %dma_start3A_1935] : memref<8192x4096xf32, #tpu.memory_space<hbm>> -> memref<8x4096xf32, #tpu.memory_space<hbm>>
    %dma_start3A_1937 = tpu.memref_slice %arg6[%dma_start3A_1930] : memref<2x!tpu.dma_semaphore, #tpu.memory_space<semaphore_mem>> -> memref<1x!tpu.dma_semaphore, #tpu.memory_space<semaphore_mem>>
    %dma_start3A_1938 = tpu.memref_squeeze %dma_start3A_1937 : memref<1x!tpu.dma_semaphore, #tpu.memory_space<semaphore_mem>> -> memref<!tpu.dma_semaphore, #tpu.memory_space<semaphore_mem>>
    %dma_start3A_1939 = arith.constant 0 : i32
    %dma_start3A_1940 = tpu.memref_slice %arg3[%add3A_1928, %dma_start3A_1939] : memref<8192x4096xf32, #tpu.memory_space<hbm>> -> memref<8x4096xf32, #tpu.memory_space<hbm>>
    %dma_start3A_1941 = arith.constant 0 : i32
    %dma_start3A_1942 = arith.constant 0 : i32
    %dma_start3A_1943 = tpu.memref_slice %arg4[%dma_start3A_1929, %dma_start3A_1941, %dma_start3A_1942] : memref<2x8x4096xf32, #tpu.memory_space<vmem>> -> memref<1x8x4096xf32, #tpu.memory_space<vmem>>
    %dma_start3A_1944 = tpu.memref_squeeze %dma_start3A_1943 : memref<1x8x4096xf32, #tpu.memory_space<vmem>> -> memref<8x4096xf32, #tpu.memory_space<vmem>>
    tpu.enqueue_dma source(%dma_start3A_1944 : memref<8x4096xf32, #tpu.memory_space<vmem>>) target(%dma_start3A_1940 : memref<8x4096xf32, #tpu.memory_space<hbm>>) target_semaphore(%dma_start3A_1938 : memref<!tpu.dma_semaphore, #tpu.memory_space<semaphore_mem>>)
    %add3A_1945 = arith.constant 208 : i32
    %add3A_1946 = arith.addi %mul3A_2, %add3A_1945 : i32
    %dma_wait3A_1947 = arith.constant 0 : i32
    %dma_wait3A_1948 = arith.constant 0 : i32
    %dma_wait3A_1949 = arith.constant 0 : i32
    %dma_wait3A_1950 = arith.constant 0 : i32
    %dma_wait3A_1951 = tpu.memref_slice %arg4[%dma_wait3A_1947, %dma_wait3A_1949, %dma_wait3A_1950] : memref<2x8x4096xf32, #tpu.memory_space<vmem>> -> memref<1x8x4096xf32, #tpu.memory_space<vmem>>
    %dma_wait3A_1952 = tpu.memref_squeeze %dma_wait3A_1951 : memref<1x8x4096xf32, #tpu.memory_space<vmem>> -> memref<8x4096xf32, #tpu.memory_space<vmem>>
    %dma_wait3A_1953 = arith.constant 0 : i32
    %dma_wait3A_1954 = tpu.memref_slice %arg3[%add3A_1946, %dma_wait3A_1953] : memref<8192x4096xf32, #tpu.memory_space<hbm>> -> memref<8x4096xf32, #tpu.memory_space<hbm>>
    %dma_wait3A_1955 = tpu.memref_slice %arg6[%dma_wait3A_1948] : memref<2x!tpu.dma_semaphore, #tpu.memory_space<semaphore_mem>> -> memref<1x!tpu.dma_semaphore, #tpu.memory_space<semaphore_mem>>
    %dma_wait3A_1956 = tpu.memref_squeeze %dma_wait3A_1955 : memref<1x!tpu.dma_semaphore, #tpu.memory_space<semaphore_mem>> -> memref<!tpu.dma_semaphore, #tpu.memory_space<semaphore_mem>>
    %dma_wait3A_1957 = arith.constant 0 : i32
    %dma_wait3A_1958 = tpu.memref_slice %arg3[%add3A_1946, %dma_wait3A_1957] : memref<8192x4096xf32, #tpu.memory_space<hbm>> -> memref<8x4096xf32, #tpu.memory_space<hbm>>
    %dma_wait3A_1959 = arith.constant 0 : i32
    %dma_wait3A_1960 = arith.constant 0 : i32
    %dma_wait3A_1961 = tpu.memref_slice %arg4[%dma_wait3A_1947, %dma_wait3A_1959, %dma_wait3A_1960] : memref<2x8x4096xf32, #tpu.memory_space<vmem>> -> memref<1x8x4096xf32, #tpu.memory_space<vmem>>
    %dma_wait3A_1962 = tpu.memref_squeeze %dma_wait3A_1961 : memref<1x8x4096xf32, #tpu.memory_space<vmem>> -> memref<8x4096xf32, #tpu.memory_space<vmem>>
    tpu.wait_dma2 semaphore(%dma_wait3A_1956 : memref<!tpu.dma_semaphore, #tpu.memory_space<semaphore_mem>>) src(%dma_wait3A_1962 : memref<8x4096xf32, #tpu.memory_space<vmem>>) dst(%dma_wait3A_1958 : memref<8x4096xf32, #tpu.memory_space<hbm>>)
    %add3A_1963 = arith.constant 224 : i32
    %add3A_1964 = arith.addi %mul3A_2, %add3A_1963 : i32
    %dma_start3A_1965 = arith.constant 0 : i32
    %dma_start3A_1966 = arith.constant 0 : i32
    %dma_start3A_1967 = arith.constant 0 : i32
    %dma_start3A_1968 = arith.constant 0 : i32
    %dma_start3A_1969 = tpu.memref_slice %arg4[%dma_start3A_1965, %dma_start3A_1967, %dma_start3A_1968] : memref<2x8x4096xf32, #tpu.memory_space<vmem>> -> memref<1x8x4096xf32, #tpu.memory_space<vmem>>
    %dma_start3A_1970 = tpu.memref_squeeze %dma_start3A_1969 : memref<1x8x4096xf32, #tpu.memory_space<vmem>> -> memref<8x4096xf32, #tpu.memory_space<vmem>>
    %dma_start3A_1971 = arith.constant 0 : i32
    %dma_start3A_1972 = tpu.memref_slice %arg2[%add3A_1964, %dma_start3A_1971] : memref<8192x4096xf32, #tpu.memory_space<hbm>> -> memref<8x4096xf32, #tpu.memory_space<hbm>>
    %dma_start3A_1973 = tpu.memref_slice %arg5[%dma_start3A_1966] : memref<2x!tpu.dma_semaphore, #tpu.memory_space<semaphore_mem>> -> memref<1x!tpu.dma_semaphore, #tpu.memory_space<semaphore_mem>>
    %dma_start3A_1974 = tpu.memref_squeeze %dma_start3A_1973 : memref<1x!tpu.dma_semaphore, #tpu.memory_space<semaphore_mem>> -> memref<!tpu.dma_semaphore, #tpu.memory_space<semaphore_mem>>
    %dma_start3A_1975 = arith.constant 0 : i32
    %dma_start3A_1976 = arith.constant 0 : i32
    %dma_start3A_1977 = tpu.memref_slice %arg4[%dma_start3A_1965, %dma_start3A_1975, %dma_start3A_1976] : memref<2x8x4096xf32, #tpu.memory_space<vmem>> -> memref<1x8x4096xf32, #tpu.memory_space<vmem>>
    %dma_start3A_1978 = tpu.memref_squeeze %dma_start3A_1977 : memref<1x8x4096xf32, #tpu.memory_space<vmem>> -> memref<8x4096xf32, #tpu.memory_space<vmem>>
    %dma_start3A_1979 = arith.constant 0 : i32
    %dma_start3A_1980 = tpu.memref_slice %arg2[%add3A_1964, %dma_start3A_1979] : memref<8192x4096xf32, #tpu.memory_space<hbm>> -> memref<8x4096xf32, #tpu.memory_space<hbm>>
    tpu.enqueue_dma source(%dma_start3A_1980 : memref<8x4096xf32, #tpu.memory_space<hbm>>) target(%dma_start3A_1978 : memref<8x4096xf32, #tpu.memory_space<vmem>>) target_semaphore(%dma_start3A_1974 : memref<!tpu.dma_semaphore, #tpu.memory_space<semaphore_mem>>)
    %add3A_1981 = arith.constant 216 : i32
    %add3A_1982 = arith.addi %mul3A_2, %add3A_1981 : i32
    %dma_wait3A_1983 = arith.constant 1 : i32
    %dma_wait3A_1984 = arith.constant 1 : i32
    %dma_wait3A_1985 = arith.constant 0 : i32
    %dma_wait3A_1986 = arith.constant 0 : i32
    %dma_wait3A_1987 = tpu.memref_slice %arg4[%dma_wait3A_1983, %dma_wait3A_1985, %dma_wait3A_1986] : memref<2x8x4096xf32, #tpu.memory_space<vmem>> -> memref<1x8x4096xf32, #tpu.memory_space<vmem>>
    %dma_wait3A_1988 = tpu.memref_squeeze %dma_wait3A_1987 : memref<1x8x4096xf32, #tpu.memory_space<vmem>> -> memref<8x4096xf32, #tpu.memory_space<vmem>>
    %dma_wait3A_1989 = arith.constant 0 : i32
    %dma_wait3A_1990 = tpu.memref_slice %arg2[%add3A_1982, %dma_wait3A_1989] : memref<8192x4096xf32, #tpu.memory_space<hbm>> -> memref<8x4096xf32, #tpu.memory_space<hbm>>
    %dma_wait3A_1991 = tpu.memref_slice %arg5[%dma_wait3A_1984] : memref<2x!tpu.dma_semaphore, #tpu.memory_space<semaphore_mem>> -> memref<1x!tpu.dma_semaphore, #tpu.memory_space<semaphore_mem>>
    %dma_wait3A_1992 = tpu.memref_squeeze %dma_wait3A_1991 : memref<1x!tpu.dma_semaphore, #tpu.memory_space<semaphore_mem>> -> memref<!tpu.dma_semaphore, #tpu.memory_space<semaphore_mem>>
    %dma_wait3A_1993 = arith.constant 0 : i32
    %dma_wait3A_1994 = arith.constant 0 : i32
    %dma_wait3A_1995 = tpu.memref_slice %arg4[%dma_wait3A_1983, %dma_wait3A_1993, %dma_wait3A_1994] : memref<2x8x4096xf32, #tpu.memory_space<vmem>> -> memref<1x8x4096xf32, #tpu.memory_space<vmem>>
    %dma_wait3A_1996 = tpu.memref_squeeze %dma_wait3A_1995 : memref<1x8x4096xf32, #tpu.memory_space<vmem>> -> memref<8x4096xf32, #tpu.memory_space<vmem>>
    %dma_wait3A_1997 = arith.constant 0 : i32
    %dma_wait3A_1998 = tpu.memref_slice %arg2[%add3A_1982, %dma_wait3A_1997] : memref<8192x4096xf32, #tpu.memory_space<hbm>> -> memref<8x4096xf32, #tpu.memory_space<hbm>>
    tpu.wait_dma2 semaphore(%dma_wait3A_1992 : memref<!tpu.dma_semaphore, #tpu.memory_space<semaphore_mem>>) src(%dma_wait3A_1998 : memref<8x4096xf32, #tpu.memory_space<hbm>>) dst(%dma_wait3A_1996 : memref<8x4096xf32, #tpu.memory_space<vmem>>)
    %add3A_1999 = arith.constant 216 : i32
    %add3A_2000 = arith.addi %mul3A_2, %add3A_1999 : i32
    %dma_start3A_2001 = arith.constant 1 : i32
    %dma_start3A_2002 = arith.constant 1 : i32
    %dma_start3A_2003 = arith.constant 0 : i32
    %dma_start3A_2004 = arith.constant 0 : i32
    %dma_start3A_2005 = tpu.memref_slice %arg4[%dma_start3A_2001, %dma_start3A_2003, %dma_start3A_2004] : memref<2x8x4096xf32, #tpu.memory_space<vmem>> -> memref<1x8x4096xf32, #tpu.memory_space<vmem>>
    %dma_start3A_2006 = tpu.memref_squeeze %dma_start3A_2005 : memref<1x8x4096xf32, #tpu.memory_space<vmem>> -> memref<8x4096xf32, #tpu.memory_space<vmem>>
    %dma_start3A_2007 = arith.constant 0 : i32
    %dma_start3A_2008 = tpu.memref_slice %arg3[%add3A_2000, %dma_start3A_2007] : memref<8192x4096xf32, #tpu.memory_space<hbm>> -> memref<8x4096xf32, #tpu.memory_space<hbm>>
    %dma_start3A_2009 = tpu.memref_slice %arg6[%dma_start3A_2002] : memref<2x!tpu.dma_semaphore, #tpu.memory_space<semaphore_mem>> -> memref<1x!tpu.dma_semaphore, #tpu.memory_space<semaphore_mem>>
    %dma_start3A_2010 = tpu.memref_squeeze %dma_start3A_2009 : memref<1x!tpu.dma_semaphore, #tpu.memory_space<semaphore_mem>> -> memref<!tpu.dma_semaphore, #tpu.memory_space<semaphore_mem>>
    %dma_start3A_2011 = arith.constant 0 : i32
    %dma_start3A_2012 = tpu.memref_slice %arg3[%add3A_2000, %dma_start3A_2011] : memref<8192x4096xf32, #tpu.memory_space<hbm>> -> memref<8x4096xf32, #tpu.memory_space<hbm>>
    %dma_start3A_2013 = arith.constant 0 : i32
    %dma_start3A_2014 = arith.constant 0 : i32
    %dma_start3A_2015 = tpu.memref_slice %arg4[%dma_start3A_2001, %dma_start3A_2013, %dma_start3A_2014] : memref<2x8x4096xf32, #tpu.memory_space<vmem>> -> memref<1x8x4096xf32, #tpu.memory_space<vmem>>
    %dma_start3A_2016 = tpu.memref_squeeze %dma_start3A_2015 : memref<1x8x4096xf32, #tpu.memory_space<vmem>> -> memref<8x4096xf32, #tpu.memory_space<vmem>>
    tpu.enqueue_dma source(%dma_start3A_2016 : memref<8x4096xf32, #tpu.memory_space<vmem>>) target(%dma_start3A_2012 : memref<8x4096xf32, #tpu.memory_space<hbm>>) target_semaphore(%dma_start3A_2010 : memref<!tpu.dma_semaphore, #tpu.memory_space<semaphore_mem>>)
    %add3A_2017 = arith.constant 216 : i32
    %add3A_2018 = arith.addi %mul3A_2, %add3A_2017 : i32
    %dma_wait3A_2019 = arith.constant 1 : i32
    %dma_wait3A_2020 = arith.constant 1 : i32
    %dma_wait3A_2021 = arith.constant 0 : i32
    %dma_wait3A_2022 = arith.constant 0 : i32
    %dma_wait3A_2023 = tpu.memref_slice %arg4[%dma_wait3A_2019, %dma_wait3A_2021, %dma_wait3A_2022] : memref<2x8x4096xf32, #tpu.memory_space<vmem>> -> memref<1x8x4096xf32, #tpu.memory_space<vmem>>
    %dma_wait3A_2024 = tpu.memref_squeeze %dma_wait3A_2023 : memref<1x8x4096xf32, #tpu.memory_space<vmem>> -> memref<8x4096xf32, #tpu.memory_space<vmem>>
    %dma_wait3A_2025 = arith.constant 0 : i32
    %dma_wait3A_2026 = tpu.memref_slice %arg3[%add3A_2018, %dma_wait3A_2025] : memref<8192x4096xf32, #tpu.memory_space<hbm>> -> memref<8x4096xf32, #tpu.memory_space<hbm>>
    %dma_wait3A_2027 = tpu.memref_slice %arg6[%dma_wait3A_2020] : memref<2x!tpu.dma_semaphore, #tpu.memory_space<semaphore_mem>> -> memref<1x!tpu.dma_semaphore, #tpu.memory_space<semaphore_mem>>
    %dma_wait3A_2028 = tpu.memref_squeeze %dma_wait3A_2027 : memref<1x!tpu.dma_semaphore, #tpu.memory_space<semaphore_mem>> -> memref<!tpu.dma_semaphore, #tpu.memory_space<semaphore_mem>>
    %dma_wait3A_2029 = arith.constant 0 : i32
    %dma_wait3A_2030 = tpu.memref_slice %arg3[%add3A_2018, %dma_wait3A_2029] : memref<8192x4096xf32, #tpu.memory_space<hbm>> -> memref<8x4096xf32, #tpu.memory_space<hbm>>
    %dma_wait3A_2031 = arith.constant 0 : i32
    %dma_wait3A_2032 = arith.constant 0 : i32
    %dma_wait3A_2033 = tpu.memref_slice %arg4[%dma_wait3A_2019, %dma_wait3A_2031, %dma_wait3A_2032] : memref<2x8x4096xf32, #tpu.memory_space<vmem>> -> memref<1x8x4096xf32, #tpu.memory_space<vmem>>
    %dma_wait3A_2034 = tpu.memref_squeeze %dma_wait3A_2033 : memref<1x8x4096xf32, #tpu.memory_space<vmem>> -> memref<8x4096xf32, #tpu.memory_space<vmem>>
    tpu.wait_dma2 semaphore(%dma_wait3A_2028 : memref<!tpu.dma_semaphore, #tpu.memory_space<semaphore_mem>>) src(%dma_wait3A_2034 : memref<8x4096xf32, #tpu.memory_space<vmem>>) dst(%dma_wait3A_2030 : memref<8x4096xf32, #tpu.memory_space<hbm>>)
    %add3A_2035 = arith.constant 232 : i32
    %add3A_2036 = arith.addi %mul3A_2, %add3A_2035 : i32
    %dma_start3A_2037 = arith.constant 1 : i32
    %dma_start3A_2038 = arith.constant 1 : i32
    %dma_start3A_2039 = arith.constant 0 : i32
    %dma_start3A_2040 = arith.constant 0 : i32
    %dma_start3A_2041 = tpu.memref_slice %arg4[%dma_start3A_2037, %dma_start3A_2039, %dma_start3A_2040] : memref<2x8x4096xf32, #tpu.memory_space<vmem>> -> memref<1x8x4096xf32, #tpu.memory_space<vmem>>
    %dma_start3A_2042 = tpu.memref_squeeze %dma_start3A_2041 : memref<1x8x4096xf32, #tpu.memory_space<vmem>> -> memref<8x4096xf32, #tpu.memory_space<vmem>>
    %dma_start3A_2043 = arith.constant 0 : i32
    %dma_start3A_2044 = tpu.memref_slice %arg2[%add3A_2036, %dma_start3A_2043] : memref<8192x4096xf32, #tpu.memory_space<hbm>> -> memref<8x4096xf32, #tpu.memory_space<hbm>>
    %dma_start3A_2045 = tpu.memref_slice %arg5[%dma_start3A_2038] : memref<2x!tpu.dma_semaphore, #tpu.memory_space<semaphore_mem>> -> memref<1x!tpu.dma_semaphore, #tpu.memory_space<semaphore_mem>>
    %dma_start3A_2046 = tpu.memref_squeeze %dma_start3A_2045 : memref<1x!tpu.dma_semaphore, #tpu.memory_space<semaphore_mem>> -> memref<!tpu.dma_semaphore, #tpu.memory_space<semaphore_mem>>
    %dma_start3A_2047 = arith.constant 0 : i32
    %dma_start3A_2048 = arith.constant 0 : i32
    %dma_start3A_2049 = tpu.memref_slice %arg4[%dma_start3A_2037, %dma_start3A_2047, %dma_start3A_2048] : memref<2x8x4096xf32, #tpu.memory_space<vmem>> -> memref<1x8x4096xf32, #tpu.memory_space<vmem>>
    %dma_start3A_2050 = tpu.memref_squeeze %dma_start3A_2049 : memref<1x8x4096xf32, #tpu.memory_space<vmem>> -> memref<8x4096xf32, #tpu.memory_space<vmem>>
    %dma_start3A_2051 = arith.constant 0 : i32
    %dma_start3A_2052 = tpu.memref_slice %arg2[%add3A_2036, %dma_start3A_2051] : memref<8192x4096xf32, #tpu.memory_space<hbm>> -> memref<8x4096xf32, #tpu.memory_space<hbm>>
    tpu.enqueue_dma source(%dma_start3A_2052 : memref<8x4096xf32, #tpu.memory_space<hbm>>) target(%dma_start3A_2050 : memref<8x4096xf32, #tpu.memory_space<vmem>>) target_semaphore(%dma_start3A_2046 : memref<!tpu.dma_semaphore, #tpu.memory_space<semaphore_mem>>)
    %add3A_2053 = arith.constant 224 : i32
    %add3A_2054 = arith.addi %mul3A_2, %add3A_2053 : i32
    %dma_wait3A_2055 = arith.constant 0 : i32
    %dma_wait3A_2056 = arith.constant 0 : i32
    %dma_wait3A_2057 = arith.constant 0 : i32
    %dma_wait3A_2058 = arith.constant 0 : i32
    %dma_wait3A_2059 = tpu.memref_slice %arg4[%dma_wait3A_2055, %dma_wait3A_2057, %dma_wait3A_2058] : memref<2x8x4096xf32, #tpu.memory_space<vmem>> -> memref<1x8x4096xf32, #tpu.memory_space<vmem>>
    %dma_wait3A_2060 = tpu.memref_squeeze %dma_wait3A_2059 : memref<1x8x4096xf32, #tpu.memory_space<vmem>> -> memref<8x4096xf32, #tpu.memory_space<vmem>>
    %dma_wait3A_2061 = arith.constant 0 : i32
    %dma_wait3A_2062 = tpu.memref_slice %arg2[%add3A_2054, %dma_wait3A_2061] : memref<8192x4096xf32, #tpu.memory_space<hbm>> -> memref<8x4096xf32, #tpu.memory_space<hbm>>
    %dma_wait3A_2063 = tpu.memref_slice %arg5[%dma_wait3A_2056] : memref<2x!tpu.dma_semaphore, #tpu.memory_space<semaphore_mem>> -> memref<1x!tpu.dma_semaphore, #tpu.memory_space<semaphore_mem>>
    %dma_wait3A_2064 = tpu.memref_squeeze %dma_wait3A_2063 : memref<1x!tpu.dma_semaphore, #tpu.memory_space<semaphore_mem>> -> memref<!tpu.dma_semaphore, #tpu.memory_space<semaphore_mem>>
    %dma_wait3A_2065 = arith.constant 0 : i32
    %dma_wait3A_2066 = arith.constant 0 : i32
    %dma_wait3A_2067 = tpu.memref_slice %arg4[%dma_wait3A_2055, %dma_wait3A_2065, %dma_wait3A_2066] : memref<2x8x4096xf32, #tpu.memory_space<vmem>> -> memref<1x8x4096xf32, #tpu.memory_space<vmem>>
    %dma_wait3A_2068 = tpu.memref_squeeze %dma_wait3A_2067 : memref<1x8x4096xf32, #tpu.memory_space<vmem>> -> memref<8x4096xf32, #tpu.memory_space<vmem>>
    %dma_wait3A_2069 = arith.constant 0 : i32
    %dma_wait3A_2070 = tpu.memref_slice %arg2[%add3A_2054, %dma_wait3A_2069] : memref<8192x4096xf32, #tpu.memory_space<hbm>> -> memref<8x4096xf32, #tpu.memory_space<hbm>>
    tpu.wait_dma2 semaphore(%dma_wait3A_2064 : memref<!tpu.dma_semaphore, #tpu.memory_space<semaphore_mem>>) src(%dma_wait3A_2070 : memref<8x4096xf32, #tpu.memory_space<hbm>>) dst(%dma_wait3A_2068 : memref<8x4096xf32, #tpu.memory_space<vmem>>)
    %add3A_2071 = arith.constant 224 : i32
    %add3A_2072 = arith.addi %mul3A_2, %add3A_2071 : i32
    %dma_start3A_2073 = arith.constant 0 : i32
    %dma_start3A_2074 = arith.constant 0 : i32
    %dma_start3A_2075 = arith.constant 0 : i32
    %dma_start3A_2076 = arith.constant 0 : i32
    %dma_start3A_2077 = tpu.memref_slice %arg4[%dma_start3A_2073, %dma_start3A_2075, %dma_start3A_2076] : memref<2x8x4096xf32, #tpu.memory_space<vmem>> -> memref<1x8x4096xf32, #tpu.memory_space<vmem>>
    %dma_start3A_2078 = tpu.memref_squeeze %dma_start3A_2077 : memref<1x8x4096xf32, #tpu.memory_space<vmem>> -> memref<8x4096xf32, #tpu.memory_space<vmem>>
    %dma_start3A_2079 = arith.constant 0 : i32
    %dma_start3A_2080 = tpu.memref_slice %arg3[%add3A_2072, %dma_start3A_2079] : memref<8192x4096xf32, #tpu.memory_space<hbm>> -> memref<8x4096xf32, #tpu.memory_space<hbm>>
    %dma_start3A_2081 = tpu.memref_slice %arg6[%dma_start3A_2074] : memref<2x!tpu.dma_semaphore, #tpu.memory_space<semaphore_mem>> -> memref<1x!tpu.dma_semaphore, #tpu.memory_space<semaphore_mem>>
    %dma_start3A_2082 = tpu.memref_squeeze %dma_start3A_2081 : memref<1x!tpu.dma_semaphore, #tpu.memory_space<semaphore_mem>> -> memref<!tpu.dma_semaphore, #tpu.memory_space<semaphore_mem>>
    %dma_start3A_2083 = arith.constant 0 : i32
    %dma_start3A_2084 = tpu.memref_slice %arg3[%add3A_2072, %dma_start3A_2083] : memref<8192x4096xf32, #tpu.memory_space<hbm>> -> memref<8x4096xf32, #tpu.memory_space<hbm>>
    %dma_start3A_2085 = arith.constant 0 : i32
    %dma_start3A_2086 = arith.constant 0 : i32
    %dma_start3A_2087 = tpu.memref_slice %arg4[%dma_start3A_2073, %dma_start3A_2085, %dma_start3A_2086] : memref<2x8x4096xf32, #tpu.memory_space<vmem>> -> memref<1x8x4096xf32, #tpu.memory_space<vmem>>
    %dma_start3A_2088 = tpu.memref_squeeze %dma_start3A_2087 : memref<1x8x4096xf32, #tpu.memory_space<vmem>> -> memref<8x4096xf32, #tpu.memory_space<vmem>>
    tpu.enqueue_dma source(%dma_start3A_2088 : memref<8x4096xf32, #tpu.memory_space<vmem>>) target(%dma_start3A_2084 : memref<8x4096xf32, #tpu.memory_space<hbm>>) target_semaphore(%dma_start3A_2082 : memref<!tpu.dma_semaphore, #tpu.memory_space<semaphore_mem>>)
    %add3A_2089 = arith.constant 224 : i32
    %add3A_2090 = arith.addi %mul3A_2, %add3A_2089 : i32
    %dma_wait3A_2091 = arith.constant 0 : i32
    %dma_wait3A_2092 = arith.constant 0 : i32
    %dma_wait3A_2093 = arith.constant 0 : i32
    %dma_wait3A_2094 = arith.constant 0 : i32
    %dma_wait3A_2095 = tpu.memref_slice %arg4[%dma_wait3A_2091, %dma_wait3A_2093, %dma_wait3A_2094] : memref<2x8x4096xf32, #tpu.memory_space<vmem>> -> memref<1x8x4096xf32, #tpu.memory_space<vmem>>
    %dma_wait3A_2096 = tpu.memref_squeeze %dma_wait3A_2095 : memref<1x8x4096xf32, #tpu.memory_space<vmem>> -> memref<8x4096xf32, #tpu.memory_space<vmem>>
    %dma_wait3A_2097 = arith.constant 0 : i32
    %dma_wait3A_2098 = tpu.memref_slice %arg3[%add3A_2090, %dma_wait3A_2097] : memref<8192x4096xf32, #tpu.memory_space<hbm>> -> memref<8x4096xf32, #tpu.memory_space<hbm>>
    %dma_wait3A_2099 = tpu.memref_slice %arg6[%dma_wait3A_2092] : memref<2x!tpu.dma_semaphore, #tpu.memory_space<semaphore_mem>> -> memref<1x!tpu.dma_semaphore, #tpu.memory_space<semaphore_mem>>
    %dma_wait3A_2100 = tpu.memref_squeeze %dma_wait3A_2099 : memref<1x!tpu.dma_semaphore, #tpu.memory_space<semaphore_mem>> -> memref<!tpu.dma_semaphore, #tpu.memory_space<semaphore_mem>>
    %dma_wait3A_2101 = arith.constant 0 : i32
    %dma_wait3A_2102 = tpu.memref_slice %arg3[%add3A_2090, %dma_wait3A_2101] : memref<8192x4096xf32, #tpu.memory_space<hbm>> -> memref<8x4096xf32, #tpu.memory_space<hbm>>
    %dma_wait3A_2103 = arith.constant 0 : i32
    %dma_wait3A_2104 = arith.constant 0 : i32
    %dma_wait3A_2105 = tpu.memref_slice %arg4[%dma_wait3A_2091, %dma_wait3A_2103, %dma_wait3A_2104] : memref<2x8x4096xf32, #tpu.memory_space<vmem>> -> memref<1x8x4096xf32, #tpu.memory_space<vmem>>
    %dma_wait3A_2106 = tpu.memref_squeeze %dma_wait3A_2105 : memref<1x8x4096xf32, #tpu.memory_space<vmem>> -> memref<8x4096xf32, #tpu.memory_space<vmem>>
    tpu.wait_dma2 semaphore(%dma_wait3A_2100 : memref<!tpu.dma_semaphore, #tpu.memory_space<semaphore_mem>>) src(%dma_wait3A_2106 : memref<8x4096xf32, #tpu.memory_space<vmem>>) dst(%dma_wait3A_2102 : memref<8x4096xf32, #tpu.memory_space<hbm>>)
    %add3A_2107 = arith.constant 240 : i32
    %add3A_2108 = arith.addi %mul3A_2, %add3A_2107 : i32
    %dma_start3A_2109 = arith.constant 0 : i32
    %dma_start3A_2110 = arith.constant 0 : i32
    %dma_start3A_2111 = arith.constant 0 : i32
    %dma_start3A_2112 = arith.constant 0 : i32
    %dma_start3A_2113 = tpu.memref_slice %arg4[%dma_start3A_2109, %dma_start3A_2111, %dma_start3A_2112] : memref<2x8x4096xf32, #tpu.memory_space<vmem>> -> memref<1x8x4096xf32, #tpu.memory_space<vmem>>
    %dma_start3A_2114 = tpu.memref_squeeze %dma_start3A_2113 : memref<1x8x4096xf32, #tpu.memory_space<vmem>> -> memref<8x4096xf32, #tpu.memory_space<vmem>>
    %dma_start3A_2115 = arith.constant 0 : i32
    %dma_start3A_2116 = tpu.memref_slice %arg2[%add3A_2108, %dma_start3A_2115] : memref<8192x4096xf32, #tpu.memory_space<hbm>> -> memref<8x4096xf32, #tpu.memory_space<hbm>>
    %dma_start3A_2117 = tpu.memref_slice %arg5[%dma_start3A_2110] : memref<2x!tpu.dma_semaphore, #tpu.memory_space<semaphore_mem>> -> memref<1x!tpu.dma_semaphore, #tpu.memory_space<semaphore_mem>>
    %dma_start3A_2118 = tpu.memref_squeeze %dma_start3A_2117 : memref<1x!tpu.dma_semaphore, #tpu.memory_space<semaphore_mem>> -> memref<!tpu.dma_semaphore, #tpu.memory_space<semaphore_mem>>
    %dma_start3A_2119 = arith.constant 0 : i32
    %dma_start3A_2120 = arith.constant 0 : i32
    %dma_start3A_2121 = tpu.memref_slice %arg4[%dma_start3A_2109, %dma_start3A_2119, %dma_start3A_2120] : memref<2x8x4096xf32, #tpu.memory_space<vmem>> -> memref<1x8x4096xf32, #tpu.memory_space<vmem>>
    %dma_start3A_2122 = tpu.memref_squeeze %dma_start3A_2121 : memref<1x8x4096xf32, #tpu.memory_space<vmem>> -> memref<8x4096xf32, #tpu.memory_space<vmem>>
    %dma_start3A_2123 = arith.constant 0 : i32
    %dma_start3A_2124 = tpu.memref_slice %arg2[%add3A_2108, %dma_start3A_2123] : memref<8192x4096xf32, #tpu.memory_space<hbm>> -> memref<8x4096xf32, #tpu.memory_space<hbm>>
    tpu.enqueue_dma source(%dma_start3A_2124 : memref<8x4096xf32, #tpu.memory_space<hbm>>) target(%dma_start3A_2122 : memref<8x4096xf32, #tpu.memory_space<vmem>>) target_semaphore(%dma_start3A_2118 : memref<!tpu.dma_semaphore, #tpu.memory_space<semaphore_mem>>)
    %add3A_2125 = arith.constant 232 : i32
    %add3A_2126 = arith.addi %mul3A_2, %add3A_2125 : i32
    %dma_wait3A_2127 = arith.constant 1 : i32
    %dma_wait3A_2128 = arith.constant 1 : i32
    %dma_wait3A_2129 = arith.constant 0 : i32
    %dma_wait3A_2130 = arith.constant 0 : i32
    %dma_wait3A_2131 = tpu.memref_slice %arg4[%dma_wait3A_2127, %dma_wait3A_2129, %dma_wait3A_2130] : memref<2x8x4096xf32, #tpu.memory_space<vmem>> -> memref<1x8x4096xf32, #tpu.memory_space<vmem>>
    %dma_wait3A_2132 = tpu.memref_squeeze %dma_wait3A_2131 : memref<1x8x4096xf32, #tpu.memory_space<vmem>> -> memref<8x4096xf32, #tpu.memory_space<vmem>>
    %dma_wait3A_2133 = arith.constant 0 : i32
    %dma_wait3A_2134 = tpu.memref_slice %arg2[%add3A_2126, %dma_wait3A_2133] : memref<8192x4096xf32, #tpu.memory_space<hbm>> -> memref<8x4096xf32, #tpu.memory_space<hbm>>
    %dma_wait3A_2135 = tpu.memref_slice %arg5[%dma_wait3A_2128] : memref<2x!tpu.dma_semaphore, #tpu.memory_space<semaphore_mem>> -> memref<1x!tpu.dma_semaphore, #tpu.memory_space<semaphore_mem>>
    %dma_wait3A_2136 = tpu.memref_squeeze %dma_wait3A_2135 : memref<1x!tpu.dma_semaphore, #tpu.memory_space<semaphore_mem>> -> memref<!tpu.dma_semaphore, #tpu.memory_space<semaphore_mem>>
    %dma_wait3A_2137 = arith.constant 0 : i32
    %dma_wait3A_2138 = arith.constant 0 : i32
    %dma_wait3A_2139 = tpu.memref_slice %arg4[%dma_wait3A_2127, %dma_wait3A_2137, %dma_wait3A_2138] : memref<2x8x4096xf32, #tpu.memory_space<vmem>> -> memref<1x8x4096xf32, #tpu.memory_space<vmem>>
    %dma_wait3A_2140 = tpu.memref_squeeze %dma_wait3A_2139 : memref<1x8x4096xf32, #tpu.memory_space<vmem>> -> memref<8x4096xf32, #tpu.memory_space<vmem>>
    %dma_wait3A_2141 = arith.constant 0 : i32
    %dma_wait3A_2142 = tpu.memref_slice %arg2[%add3A_2126, %dma_wait3A_2141] : memref<8192x4096xf32, #tpu.memory_space<hbm>> -> memref<8x4096xf32, #tpu.memory_space<hbm>>
    tpu.wait_dma2 semaphore(%dma_wait3A_2136 : memref<!tpu.dma_semaphore, #tpu.memory_space<semaphore_mem>>) src(%dma_wait3A_2142 : memref<8x4096xf32, #tpu.memory_space<hbm>>) dst(%dma_wait3A_2140 : memref<8x4096xf32, #tpu.memory_space<vmem>>)
    %add3A_2143 = arith.constant 232 : i32
    %add3A_2144 = arith.addi %mul3A_2, %add3A_2143 : i32
    %dma_start3A_2145 = arith.constant 1 : i32
    %dma_start3A_2146 = arith.constant 1 : i32
    %dma_start3A_2147 = arith.constant 0 : i32
    %dma_start3A_2148 = arith.constant 0 : i32
    %dma_start3A_2149 = tpu.memref_slice %arg4[%dma_start3A_2145, %dma_start3A_2147, %dma_start3A_2148] : memref<2x8x4096xf32, #tpu.memory_space<vmem>> -> memref<1x8x4096xf32, #tpu.memory_space<vmem>>
    %dma_start3A_2150 = tpu.memref_squeeze %dma_start3A_2149 : memref<1x8x4096xf32, #tpu.memory_space<vmem>> -> memref<8x4096xf32, #tpu.memory_space<vmem>>
    %dma_start3A_2151 = arith.constant 0 : i32
    %dma_start3A_2152 = tpu.memref_slice %arg3[%add3A_2144, %dma_start3A_2151] : memref<8192x4096xf32, #tpu.memory_space<hbm>> -> memref<8x4096xf32, #tpu.memory_space<hbm>>
    %dma_start3A_2153 = tpu.memref_slice %arg6[%dma_start3A_2146] : memref<2x!tpu.dma_semaphore, #tpu.memory_space<semaphore_mem>> -> memref<1x!tpu.dma_semaphore, #tpu.memory_space<semaphore_mem>>
    %dma_start3A_2154 = tpu.memref_squeeze %dma_start3A_2153 : memref<1x!tpu.dma_semaphore, #tpu.memory_space<semaphore_mem>> -> memref<!tpu.dma_semaphore, #tpu.memory_space<semaphore_mem>>
    %dma_start3A_2155 = arith.constant 0 : i32
    %dma_start3A_2156 = tpu.memref_slice %arg3[%add3A_2144, %dma_start3A_2155] : memref<8192x4096xf32, #tpu.memory_space<hbm>> -> memref<8x4096xf32, #tpu.memory_space<hbm>>
    %dma_start3A_2157 = arith.constant 0 : i32
    %dma_start3A_2158 = arith.constant 0 : i32
    %dma_start3A_2159 = tpu.memref_slice %arg4[%dma_start3A_2145, %dma_start3A_2157, %dma_start3A_2158] : memref<2x8x4096xf32, #tpu.memory_space<vmem>> -> memref<1x8x4096xf32, #tpu.memory_space<vmem>>
    %dma_start3A_2160 = tpu.memref_squeeze %dma_start3A_2159 : memref<1x8x4096xf32, #tpu.memory_space<vmem>> -> memref<8x4096xf32, #tpu.memory_space<vmem>>
    tpu.enqueue_dma source(%dma_start3A_2160 : memref<8x4096xf32, #tpu.memory_space<vmem>>) target(%dma_start3A_2156 : memref<8x4096xf32, #tpu.memory_space<hbm>>) target_semaphore(%dma_start3A_2154 : memref<!tpu.dma_semaphore, #tpu.memory_space<semaphore_mem>>)
    %add3A_2161 = arith.constant 232 : i32
    %add3A_2162 = arith.addi %mul3A_2, %add3A_2161 : i32
    %dma_wait3A_2163 = arith.constant 1 : i32
    %dma_wait3A_2164 = arith.constant 1 : i32
    %dma_wait3A_2165 = arith.constant 0 : i32
    %dma_wait3A_2166 = arith.constant 0 : i32
    %dma_wait3A_2167 = tpu.memref_slice %arg4[%dma_wait3A_2163, %dma_wait3A_2165, %dma_wait3A_2166] : memref<2x8x4096xf32, #tpu.memory_space<vmem>> -> memref<1x8x4096xf32, #tpu.memory_space<vmem>>
    %dma_wait3A_2168 = tpu.memref_squeeze %dma_wait3A_2167 : memref<1x8x4096xf32, #tpu.memory_space<vmem>> -> memref<8x4096xf32, #tpu.memory_space<vmem>>
    %dma_wait3A_2169 = arith.constant 0 : i32
    %dma_wait3A_2170 = tpu.memref_slice %arg3[%add3A_2162, %dma_wait3A_2169] : memref<8192x4096xf32, #tpu.memory_space<hbm>> -> memref<8x4096xf32, #tpu.memory_space<hbm>>
    %dma_wait3A_2171 = tpu.memref_slice %arg6[%dma_wait3A_2164] : memref<2x!tpu.dma_semaphore, #tpu.memory_space<semaphore_mem>> -> memref<1x!tpu.dma_semaphore, #tpu.memory_space<semaphore_mem>>
    %dma_wait3A_2172 = tpu.memref_squeeze %dma_wait3A_2171 : memref<1x!tpu.dma_semaphore, #tpu.memory_space<semaphore_mem>> -> memref<!tpu.dma_semaphore, #tpu.memory_space<semaphore_mem>>
    %dma_wait3A_2173 = arith.constant 0 : i32
    %dma_wait3A_2174 = tpu.memref_slice %arg3[%add3A_2162, %dma_wait3A_2173] : memref<8192x4096xf32, #tpu.memory_space<hbm>> -> memref<8x4096xf32, #tpu.memory_space<hbm>>
    %dma_wait3A_2175 = arith.constant 0 : i32
    %dma_wait3A_2176 = arith.constant 0 : i32
    %dma_wait3A_2177 = tpu.memref_slice %arg4[%dma_wait3A_2163, %dma_wait3A_2175, %dma_wait3A_2176] : memref<2x8x4096xf32, #tpu.memory_space<vmem>> -> memref<1x8x4096xf32, #tpu.memory_space<vmem>>
    %dma_wait3A_2178 = tpu.memref_squeeze %dma_wait3A_2177 : memref<1x8x4096xf32, #tpu.memory_space<vmem>> -> memref<8x4096xf32, #tpu.memory_space<vmem>>
    tpu.wait_dma2 semaphore(%dma_wait3A_2172 : memref<!tpu.dma_semaphore, #tpu.memory_space<semaphore_mem>>) src(%dma_wait3A_2178 : memref<8x4096xf32, #tpu.memory_space<vmem>>) dst(%dma_wait3A_2174 : memref<8x4096xf32, #tpu.memory_space<hbm>>)
    %add3A_2179 = arith.constant 248 : i32
    %add3A_2180 = arith.addi %mul3A_2, %add3A_2179 : i32
    %dma_start3A_2181 = arith.constant 1 : i32
    %dma_start3A_2182 = arith.constant 1 : i32
    %dma_start3A_2183 = arith.constant 0 : i32
    %dma_start3A_2184 = arith.constant 0 : i32
    %dma_start3A_2185 = tpu.memref_slice %arg4[%dma_start3A_2181, %dma_start3A_2183, %dma_start3A_2184] : memref<2x8x4096xf32, #tpu.memory_space<vmem>> -> memref<1x8x4096xf32, #tpu.memory_space<vmem>>
    %dma_start3A_2186 = tpu.memref_squeeze %dma_start3A_2185 : memref<1x8x4096xf32, #tpu.memory_space<vmem>> -> memref<8x4096xf32, #tpu.memory_space<vmem>>
    %dma_start3A_2187 = arith.constant 0 : i32
    %dma_start3A_2188 = tpu.memref_slice %arg2[%add3A_2180, %dma_start3A_2187] : memref<8192x4096xf32, #tpu.memory_space<hbm>> -> memref<8x4096xf32, #tpu.memory_space<hbm>>
    %dma_start3A_2189 = tpu.memref_slice %arg5[%dma_start3A_2182] : memref<2x!tpu.dma_semaphore, #tpu.memory_space<semaphore_mem>> -> memref<1x!tpu.dma_semaphore, #tpu.memory_space<semaphore_mem>>
    %dma_start3A_2190 = tpu.memref_squeeze %dma_start3A_2189 : memref<1x!tpu.dma_semaphore, #tpu.memory_space<semaphore_mem>> -> memref<!tpu.dma_semaphore, #tpu.memory_space<semaphore_mem>>
    %dma_start3A_2191 = arith.constant 0 : i32
    %dma_start3A_2192 = arith.constant 0 : i32
    %dma_start3A_2193 = tpu.memref_slice %arg4[%dma_start3A_2181, %dma_start3A_2191, %dma_start3A_2192] : memref<2x8x4096xf32, #tpu.memory_space<vmem>> -> memref<1x8x4096xf32, #tpu.memory_space<vmem>>
    %dma_start3A_2194 = tpu.memref_squeeze %dma_start3A_2193 : memref<1x8x4096xf32, #tpu.memory_space<vmem>> -> memref<8x4096xf32, #tpu.memory_space<vmem>>
    %dma_start3A_2195 = arith.constant 0 : i32
    %dma_start3A_2196 = tpu.memref_slice %arg2[%add3A_2180, %dma_start3A_2195] : memref<8192x4096xf32, #tpu.memory_space<hbm>> -> memref<8x4096xf32, #tpu.memory_space<hbm>>
    tpu.enqueue_dma source(%dma_start3A_2196 : memref<8x4096xf32, #tpu.memory_space<hbm>>) target(%dma_start3A_2194 : memref<8x4096xf32, #tpu.memory_space<vmem>>) target_semaphore(%dma_start3A_2190 : memref<!tpu.dma_semaphore, #tpu.memory_space<semaphore_mem>>)
    %add3A_2197 = arith.constant 240 : i32
    %add3A_2198 = arith.addi %mul3A_2, %add3A_2197 : i32
    %dma_wait3A_2199 = arith.constant 0 : i32
    %dma_wait3A_2200 = arith.constant 0 : i32
    %dma_wait3A_2201 = arith.constant 0 : i32
    %dma_wait3A_2202 = arith.constant 0 : i32
    %dma_wait3A_2203 = tpu.memref_slice %arg4[%dma_wait3A_2199, %dma_wait3A_2201, %dma_wait3A_2202] : memref<2x8x4096xf32, #tpu.memory_space<vmem>> -> memref<1x8x4096xf32, #tpu.memory_space<vmem>>
    %dma_wait3A_2204 = tpu.memref_squeeze %dma_wait3A_2203 : memref<1x8x4096xf32, #tpu.memory_space<vmem>> -> memref<8x4096xf32, #tpu.memory_space<vmem>>
    %dma_wait3A_2205 = arith.constant 0 : i32
    %dma_wait3A_2206 = tpu.memref_slice %arg2[%add3A_2198, %dma_wait3A_2205] : memref<8192x4096xf32, #tpu.memory_space<hbm>> -> memref<8x4096xf32, #tpu.memory_space<hbm>>
    %dma_wait3A_2207 = tpu.memref_slice %arg5[%dma_wait3A_2200] : memref<2x!tpu.dma_semaphore, #tpu.memory_space<semaphore_mem>> -> memref<1x!tpu.dma_semaphore, #tpu.memory_space<semaphore_mem>>
    %dma_wait3A_2208 = tpu.memref_squeeze %dma_wait3A_2207 : memref<1x!tpu.dma_semaphore, #tpu.memory_space<semaphore_mem>> -> memref<!tpu.dma_semaphore, #tpu.memory_space<semaphore_mem>>
    %dma_wait3A_2209 = arith.constant 0 : i32
    %dma_wait3A_2210 = arith.constant 0 : i32
    %dma_wait3A_2211 = tpu.memref_slice %arg4[%dma_wait3A_2199, %dma_wait3A_2209, %dma_wait3A_2210] : memref<2x8x4096xf32, #tpu.memory_space<vmem>> -> memref<1x8x4096xf32, #tpu.memory_space<vmem>>
    %dma_wait3A_2212 = tpu.memref_squeeze %dma_wait3A_2211 : memref<1x8x4096xf32, #tpu.memory_space<vmem>> -> memref<8x4096xf32, #tpu.memory_space<vmem>>
    %dma_wait3A_2213 = arith.constant 0 : i32
    %dma_wait3A_2214 = tpu.memref_slice %arg2[%add3A_2198, %dma_wait3A_2213] : memref<8192x4096xf32, #tpu.memory_space<hbm>> -> memref<8x4096xf32, #tpu.memory_space<hbm>>
    tpu.wait_dma2 semaphore(%dma_wait3A_2208 : memref<!tpu.dma_semaphore, #tpu.memory_space<semaphore_mem>>) src(%dma_wait3A_2214 : memref<8x4096xf32, #tpu.memory_space<hbm>>) dst(%dma_wait3A_2212 : memref<8x4096xf32, #tpu.memory_space<vmem>>)
    %add3A_2215 = arith.constant 240 : i32
    %add3A_2216 = arith.addi %mul3A_2, %add3A_2215 : i32
    %dma_start3A_2217 = arith.constant 0 : i32
    %dma_start3A_2218 = arith.constant 0 : i32
    %dma_start3A_2219 = arith.constant 0 : i32
    %dma_start3A_2220 = arith.constant 0 : i32
    %dma_start3A_2221 = tpu.memref_slice %arg4[%dma_start3A_2217, %dma_start3A_2219, %dma_start3A_2220] : memref<2x8x4096xf32, #tpu.memory_space<vmem>> -> memref<1x8x4096xf32, #tpu.memory_space<vmem>>
    %dma_start3A_2222 = tpu.memref_squeeze %dma_start3A_2221 : memref<1x8x4096xf32, #tpu.memory_space<vmem>> -> memref<8x4096xf32, #tpu.memory_space<vmem>>
    %dma_start3A_2223 = arith.constant 0 : i32
    %dma_start3A_2224 = tpu.memref_slice %arg3[%add3A_2216, %dma_start3A_2223] : memref<8192x4096xf32, #tpu.memory_space<hbm>> -> memref<8x4096xf32, #tpu.memory_space<hbm>>
    %dma_start3A_2225 = tpu.memref_slice %arg6[%dma_start3A_2218] : memref<2x!tpu.dma_semaphore, #tpu.memory_space<semaphore_mem>> -> memref<1x!tpu.dma_semaphore, #tpu.memory_space<semaphore_mem>>
    %dma_start3A_2226 = tpu.memref_squeeze %dma_start3A_2225 : memref<1x!tpu.dma_semaphore, #tpu.memory_space<semaphore_mem>> -> memref<!tpu.dma_semaphore, #tpu.memory_space<semaphore_mem>>
    %dma_start3A_2227 = arith.constant 0 : i32
    %dma_start3A_2228 = tpu.memref_slice %arg3[%add3A_2216, %dma_start3A_2227] : memref<8192x4096xf32, #tpu.memory_space<hbm>> -> memref<8x4096xf32, #tpu.memory_space<hbm>>
    %dma_start3A_2229 = arith.constant 0 : i32
    %dma_start3A_2230 = arith.constant 0 : i32
    %dma_start3A_2231 = tpu.memref_slice %arg4[%dma_start3A_2217, %dma_start3A_2229, %dma_start3A_2230] : memref<2x8x4096xf32, #tpu.memory_space<vmem>> -> memref<1x8x4096xf32, #tpu.memory_space<vmem>>
    %dma_start3A_2232 = tpu.memref_squeeze %dma_start3A_2231 : memref<1x8x4096xf32, #tpu.memory_space<vmem>> -> memref<8x4096xf32, #tpu.memory_space<vmem>>
    tpu.enqueue_dma source(%dma_start3A_2232 : memref<8x4096xf32, #tpu.memory_space<vmem>>) target(%dma_start3A_2228 : memref<8x4096xf32, #tpu.memory_space<hbm>>) target_semaphore(%dma_start3A_2226 : memref<!tpu.dma_semaphore, #tpu.memory_space<semaphore_mem>>)
    %add3A_2233 = arith.constant 248 : i32
    %add3A_2234 = arith.addi %mul3A_2, %add3A_2233 : i32
    %dma_wait3A_2235 = arith.constant 1 : i32
    %dma_wait3A_2236 = arith.constant 1 : i32
    %dma_wait3A_2237 = arith.constant 0 : i32
    %dma_wait3A_2238 = arith.constant 0 : i32
    %dma_wait3A_2239 = tpu.memref_slice %arg4[%dma_wait3A_2235, %dma_wait3A_2237, %dma_wait3A_2238] : memref<2x8x4096xf32, #tpu.memory_space<vmem>> -> memref<1x8x4096xf32, #tpu.memory_space<vmem>>
    %dma_wait3A_2240 = tpu.memref_squeeze %dma_wait3A_2239 : memref<1x8x4096xf32, #tpu.memory_space<vmem>> -> memref<8x4096xf32, #tpu.memory_space<vmem>>
    %dma_wait3A_2241 = arith.constant 0 : i32
    %dma_wait3A_2242 = tpu.memref_slice %arg2[%add3A_2234, %dma_wait3A_2241] : memref<8192x4096xf32, #tpu.memory_space<hbm>> -> memref<8x4096xf32, #tpu.memory_space<hbm>>
    %dma_wait3A_2243 = tpu.memref_slice %arg5[%dma_wait3A_2236] : memref<2x!tpu.dma_semaphore, #tpu.memory_space<semaphore_mem>> -> memref<1x!tpu.dma_semaphore, #tpu.memory_space<semaphore_mem>>
    %dma_wait3A_2244 = tpu.memref_squeeze %dma_wait3A_2243 : memref<1x!tpu.dma_semaphore, #tpu.memory_space<semaphore_mem>> -> memref<!tpu.dma_semaphore, #tpu.memory_space<semaphore_mem>>
    %dma_wait3A_2245 = arith.constant 0 : i32
    %dma_wait3A_2246 = arith.constant 0 : i32
    %dma_wait3A_2247 = tpu.memref_slice %arg4[%dma_wait3A_2235, %dma_wait3A_2245, %dma_wait3A_2246] : memref<2x8x4096xf32, #tpu.memory_space<vmem>> -> memref<1x8x4096xf32, #tpu.memory_space<vmem>>
    %dma_wait3A_2248 = tpu.memref_squeeze %dma_wait3A_2247 : memref<1x8x4096xf32, #tpu.memory_space<vmem>> -> memref<8x4096xf32, #tpu.memory_space<vmem>>
    %dma_wait3A_2249 = arith.constant 0 : i32
    %dma_wait3A_2250 = tpu.memref_slice %arg2[%add3A_2234, %dma_wait3A_2249] : memref<8192x4096xf32, #tpu.memory_space<hbm>> -> memref<8x4096xf32, #tpu.memory_space<hbm>>
    tpu.wait_dma2 semaphore(%dma_wait3A_2244 : memref<!tpu.dma_semaphore, #tpu.memory_space<semaphore_mem>>) src(%dma_wait3A_2250 : memref<8x4096xf32, #tpu.memory_space<hbm>>) dst(%dma_wait3A_2248 : memref<8x4096xf32, #tpu.memory_space<vmem>>)
    %add3A_2251 = arith.constant 248 : i32
    %add3A_2252 = arith.addi %mul3A_2, %add3A_2251 : i32
    %dma_start3A_2253 = arith.constant 1 : i32
    %dma_start3A_2254 = arith.constant 1 : i32
    %dma_start3A_2255 = arith.constant 0 : i32
    %dma_start3A_2256 = arith.constant 0 : i32
    %dma_start3A_2257 = tpu.memref_slice %arg4[%dma_start3A_2253, %dma_start3A_2255, %dma_start3A_2256] : memref<2x8x4096xf32, #tpu.memory_space<vmem>> -> memref<1x8x4096xf32, #tpu.memory_space<vmem>>
    %dma_start3A_2258 = tpu.memref_squeeze %dma_start3A_2257 : memref<1x8x4096xf32, #tpu.memory_space<vmem>> -> memref<8x4096xf32, #tpu.memory_space<vmem>>
    %dma_start3A_2259 = arith.constant 0 : i32
    %dma_start3A_2260 = tpu.memref_slice %arg3[%add3A_2252, %dma_start3A_2259] : memref<8192x4096xf32, #tpu.memory_space<hbm>> -> memref<8x4096xf32, #tpu.memory_space<hbm>>
    %dma_start3A_2261 = tpu.memref_slice %arg6[%dma_start3A_2254] : memref<2x!tpu.dma_semaphore, #tpu.memory_space<semaphore_mem>> -> memref<1x!tpu.dma_semaphore, #tpu.memory_space<semaphore_mem>>
    %dma_start3A_2262 = tpu.memref_squeeze %dma_start3A_2261 : memref<1x!tpu.dma_semaphore, #tpu.memory_space<semaphore_mem>> -> memref<!tpu.dma_semaphore, #tpu.memory_space<semaphore_mem>>
    %dma_start3A_2263 = arith.constant 0 : i32
    %dma_start3A_2264 = tpu.memref_slice %arg3[%add3A_2252, %dma_start3A_2263] : memref<8192x4096xf32, #tpu.memory_space<hbm>> -> memref<8x4096xf32, #tpu.memory_space<hbm>>
    %dma_start3A_2265 = arith.constant 0 : i32
    %dma_start3A_2266 = arith.constant 0 : i32
    %dma_start3A_2267 = tpu.memref_slice %arg4[%dma_start3A_2253, %dma_start3A_2265, %dma_start3A_2266] : memref<2x8x4096xf32, #tpu.memory_space<vmem>> -> memref<1x8x4096xf32, #tpu.memory_space<vmem>>
    %dma_start3A_2268 = tpu.memref_squeeze %dma_start3A_2267 : memref<1x8x4096xf32, #tpu.memory_space<vmem>> -> memref<8x4096xf32, #tpu.memory_space<vmem>>
    tpu.enqueue_dma source(%dma_start3A_2268 : memref<8x4096xf32, #tpu.memory_space<vmem>>) target(%dma_start3A_2264 : memref<8x4096xf32, #tpu.memory_space<hbm>>) target_semaphore(%dma_start3A_2262 : memref<!tpu.dma_semaphore, #tpu.memory_space<semaphore_mem>>)
    %add3A_2269 = arith.constant 240 : i32
    %add3A_2270 = arith.addi %mul3A_2, %add3A_2269 : i32
    %dma_wait3A_2271 = arith.constant 0 : i32
    %dma_wait3A_2272 = arith.constant 0 : i32
    %dma_wait3A_2273 = arith.constant 0 : i32
    %dma_wait3A_2274 = arith.constant 0 : i32
    %dma_wait3A_2275 = tpu.memref_slice %arg4[%dma_wait3A_2271, %dma_wait3A_2273, %dma_wait3A_2274] : memref<2x8x4096xf32, #tpu.memory_space<vmem>> -> memref<1x8x4096xf32, #tpu.memory_space<vmem>>
    %dma_wait3A_2276 = tpu.memref_squeeze %dma_wait3A_2275 : memref<1x8x4096xf32, #tpu.memory_space<vmem>> -> memref<8x4096xf32, #tpu.memory_space<vmem>>
    %dma_wait3A_2277 = arith.constant 0 : i32
    %dma_wait3A_2278 = tpu.memref_slice %arg3[%add3A_2270, %dma_wait3A_2277] : memref<8192x4096xf32, #tpu.memory_space<hbm>> -> memref<8x4096xf32, #tpu.memory_space<hbm>>
    %dma_wait3A_2279 = tpu.memref_slice %arg6[%dma_wait3A_2272] : memref<2x!tpu.dma_semaphore, #tpu.memory_space<semaphore_mem>> -> memref<1x!tpu.dma_semaphore, #tpu.memory_space<semaphore_mem>>
    %dma_wait3A_2280 = tpu.memref_squeeze %dma_wait3A_2279 : memref<1x!tpu.dma_semaphore, #tpu.memory_space<semaphore_mem>> -> memref<!tpu.dma_semaphore, #tpu.memory_space<semaphore_mem>>
    %dma_wait3A_2281 = arith.constant 0 : i32
    %dma_wait3A_2282 = tpu.memref_slice %arg3[%add3A_2270, %dma_wait3A_2281] : memref<8192x4096xf32, #tpu.memory_space<hbm>> -> memref<8x4096xf32, #tpu.memory_space<hbm>>
    %dma_wait3A_2283 = arith.constant 0 : i32
    %dma_wait3A_2284 = arith.constant 0 : i32
    %dma_wait3A_2285 = tpu.memref_slice %arg4[%dma_wait3A_2271, %dma_wait3A_2283, %dma_wait3A_2284] : memref<2x8x4096xf32, #tpu.memory_space<vmem>> -> memref<1x8x4096xf32, #tpu.memory_space<vmem>>
    %dma_wait3A_2286 = tpu.memref_squeeze %dma_wait3A_2285 : memref<1x8x4096xf32, #tpu.memory_space<vmem>> -> memref<8x4096xf32, #tpu.memory_space<vmem>>
    tpu.wait_dma2 semaphore(%dma_wait3A_2280 : memref<!tpu.dma_semaphore, #tpu.memory_space<semaphore_mem>>) src(%dma_wait3A_2286 : memref<8x4096xf32, #tpu.memory_space<vmem>>) dst(%dma_wait3A_2282 : memref<8x4096xf32, #tpu.memory_space<hbm>>)
    %add3A_2287 = arith.constant 248 : i32
    %add3A_2288 = arith.addi %mul3A_2, %add3A_2287 : i32
    %dma_wait3A_2289 = arith.constant 1 : i32
    %dma_wait3A_2290 = arith.constant 1 : i32
    %dma_wait3A_2291 = arith.constant 0 : i32
    %dma_wait3A_2292 = arith.constant 0 : i32
    %dma_wait3A_2293 = tpu.memref_slice %arg4[%dma_wait3A_2289, %dma_wait3A_2291, %dma_wait3A_2292] : memref<2x8x4096xf32, #tpu.memory_space<vmem>> -> memref<1x8x4096xf32, #tpu.memory_space<vmem>>
    %dma_wait3A_2294 = tpu.memref_squeeze %dma_wait3A_2293 : memref<1x8x4096xf32, #tpu.memory_space<vmem>> -> memref<8x4096xf32, #tpu.memory_space<vmem>>
    %dma_wait3A_2295 = arith.constant 0 : i32
    %dma_wait3A_2296 = tpu.memref_slice %arg3[%add3A_2288, %dma_wait3A_2295] : memref<8192x4096xf32, #tpu.memory_space<hbm>> -> memref<8x4096xf32, #tpu.memory_space<hbm>>
    %dma_wait3A_2297 = tpu.memref_slice %arg6[%dma_wait3A_2290] : memref<2x!tpu.dma_semaphore, #tpu.memory_space<semaphore_mem>> -> memref<1x!tpu.dma_semaphore, #tpu.memory_space<semaphore_mem>>
    %dma_wait3A_2298 = tpu.memref_squeeze %dma_wait3A_2297 : memref<1x!tpu.dma_semaphore, #tpu.memory_space<semaphore_mem>> -> memref<!tpu.dma_semaphore, #tpu.memory_space<semaphore_mem>>
    %dma_wait3A_2299 = arith.constant 0 : i32
    %dma_wait3A_2300 = tpu.memref_slice %arg3[%add3A_2288, %dma_wait3A_2299] : memref<8192x4096xf32, #tpu.memory_space<hbm>> -> memref<8x4096xf32, #tpu.memory_space<hbm>>
    %dma_wait3A_2301 = arith.constant 0 : i32
    %dma_wait3A_2302 = arith.constant 0 : i32
    %dma_wait3A_2303 = tpu.memref_slice %arg4[%dma_wait3A_2289, %dma_wait3A_2301, %dma_wait3A_2302] : memref<2x8x4096xf32, #tpu.memory_space<vmem>> -> memref<1x8x4096xf32, #tpu.memory_space<vmem>>
    %dma_wait3A_2304 = tpu.memref_squeeze %dma_wait3A_2303 : memref<1x8x4096xf32, #tpu.memory_space<vmem>> -> memref<8x4096xf32, #tpu.memory_space<vmem>>
    tpu.wait_dma2 semaphore(%dma_wait3A_2298 : memref<!tpu.dma_semaphore, #tpu.memory_space<semaphore_mem>>) src(%dma_wait3A_2304 : memref<8x4096xf32, #tpu.memory_space<vmem>>) dst(%dma_wait3A_2300 : memref<8x4096xf32, #tpu.memory_space<hbm>>)
    return
  }
}

</mosaic_0001>

<sc_bundles>
// kernel: kernel.3.cloned.1.call-start
scs
__scs_entry_jumppad:
0x0: {  	(pc) =	sbr.rel $0x88, $3  }
0x1: {  	(tag) =	ssettag $0x0;
	lr =	simm.s32 $0x1  }
0x2: {  	[smem:$0x3FA0] =	sst lr;
	_ =	strace $0xD0000000  }
0x3: {  	_ = 	snop  }
0x4: {  	_ = 	snop  }
0x5: {  	_ = 	snop  }
0x6: {  	_ = 	snop  }
0x7: {  	_ = 	snop  }
__scs_overlays_trampoline_lowered:
0x8: {  	[smem:$0x3FAF] =	sst s0  }
0x9: {  	[smem:$0x3FB0] =	sst s1  }
0xa: {  	[smem:$0x3FB1] =	sst s2  }
0xb: {  	[smem:$0x3FB2] =	sst s3  }
0xc: {  	[smem:$0x3FB3] =	sst s4  }
0xd: {  	[smem:$0x3FB4] =	sst s5  }
0xe: {  	[smem:$0x3FB5] =	sst s6  }
0xf: {  	[smem:$0x3FB6] =	sst s7  }
0x10: {  	[smem:$0x3FB7] =	sst s8  }
0x11: {  	[smem:$0x3FB8] =	sst s9;
	s0 =	simm.s32 @!p0 $0x0  }
0x12: {  	s1 =	sld [smem:$0x3F9E];
	s0 =	simm.s32 @p0 $0x1  }
0x13: {  	[smem:$0x3FB9] =	sst s0;
	s0 =	simm.s32 @!p1 $0x0  }
0x14: {  	s2 =	sld [smem:$0x3F9D];
	s0 =	simm.s32 @p1 $0x1  }
0x15: {  	[smem:$0x3FBA] =	sst s0;
	s0 =	simm.s32 @!p2 $0x0  }
0x16: {  	s3 =	sld [smem:$0x3FDB];
	s0 =	simm.s32 @p2 $0x1  }
0x17: {  	s4 =	simm.s32 $0x1BF5;
	[smem:$0x3FBC] =	sst s0  }
0x18: {  	s0 =	sld [smem:$0x3F9F];
	_ =	swait.ge [sflag:s4], $0x0  }
0x19: {  	s7 =	sld [smem:$0x3FA0]  }
0x1a: {  	s8 =	sadd.s32 $0xFFFFE003, lr  }
0x1b: {  	s9 =	sadd.s32 $0xFFFFFEF7, lr;
	s5 =	simm.s32 $0xFFFFFFFF;
	p2 =	slt.u32 s8, $0xFFFFF086  }
0x1c: {  	p1 =	slt.u32 s9, $0xF7A;
	s5 =	simm.s32 @!p2 $0x0  }
0x1d: {  	s5 =	simm.s32 @p1 $0x1;
	p0 =	seq.s32 s7, s2  }
0x1e: {  	s7 =	smul.u32 @!p0 $0xF7A, s2;
	p2 =	seq.s32 @!p0 s5, $0x0  }
0x1f: {  	s9 =	smul.u32 $0xF7A, s1;
	s8 =	simm.s32 @!p0 $0x1BF5;
	p2 =	por !p2, p0  }
0x20: {  	[sflag:s8] =	ssyncset.s32 @!p0 $0xFFFFF086;
	s6 =	sadd.s32 @!p0 s3, s7;
	s7 =	simm.s32 @!p0 $0x108  }
0x21: {  	s3 =	sadd.s32 s3, s9;
	s6 =	sadd.s32 @!p0 $0x88, s6;
	s7 =	simm.s32 @p2 $0x1082  }
0x22: {  	[simem:s7], [sflag:s8] =	dma.local @!p0 [hbm:s6], $0xF7A  }
0x23: {  	s9 =	sor.u32 $0xD0000000, s2;
	s6 =	simm.s32 $0x108;
	_ =	swait.ge @!p0 [sflag:s8], $0x0  }
0x24: {  	s3 =	sadd.s32 $0x88, s3;
	s6 =	simm.s32 @!p1 $0x1082;
	[sflag:s4] =	ssyncset.s32 $0xFFFFF086  }
0x25: {  	[simem:s6], [sflag:s4] =	dma.local [hbm:s3], $0xF7A  }
0x26: {  	[smem:$0x3FA0] =	sst s1;
	(tag) =	ssettag s2;
	_ =	strace s9  }
0x27: {  	s1 =	sld [smem:$0x3FB0]  }
0x28: {  	s2 =	sld [smem:$0x3FB1]  }
0x29: {  	s4 =	sld [smem:$0x3FB3]  }
0x2a: {  	p0 =	seq.s32 s5, $0x0;
	s5 =	sld [smem:$0x3FB4]  }
0x2b: {  	s6 =	sld [smem:$0x3FB5]  }
0x2c: {  	s7 =	sld [smem:$0x3FB6]  }
0x2d: {  	s3 =	simm.s32 $0x108;
	s8 =	sld [smem:$0x3FB7]  }
0x2e: {  	s3 =	simm.s32 @!p0 $0x1082;
	s9 =	sld [smem:$0x3FB8]  }
0x2f: {  	lr =	sadd.s32 s0, s3;
	s0 =	sld [smem:$0x3FAF]  }
0x30: {  	s3 =	sld [smem:$0x3FB2]  }
0x31: {  	[smem:$0x3FBB] =	sst s10  }
0x32: {  	s10 =	sld [smem:$0x3FB9];
	_ =	sdelay $0x3  }
0x33: {  	p0 =	seq.s32 s10, $0x1;
	s10 =	sld [smem:$0x3FBB];
	_ =	sdelay $0x3  }
0x34: {  	[smem:$0x3FBB] =	sst s10  }
0x35: {  	s10 =	sld [smem:$0x3FBA];
	_ =	sdelay $0x3  }
0x36: {  	p1 =	seq.s32 s10, $0x1;
	s10 =	sld [smem:$0x3FBB];
	_ =	sdelay $0x3  }
0x37: {  	[smem:$0x3FBB] =	sst s10  }
0x38: {  	s10 =	sld [smem:$0x3FBC]  }
0x39: {  	_ = 	snop;
	(pc) =	sbr.ind lr, $3  }
0x3a: {  	_ = 	snop  }
0x3b: {  	_ = 	snop  }
0x3c: {  	p2 =	seq.s32 s10, $0x1;
	s10 =	sld [smem:$0x3FBB]  }
0x3d: {  	_ =	shalt  }
0x3e: {  	_ =	shalt  }
0x3f: {  	_ =	shalt  }
0x40: {  	_ =	shalt  }
0x41: {  	_ =	shalt  }
0x42: {  	_ =	shalt  }
0x43: {  	_ =	shalt  }
0x44: {  	_ =	shalt  }
0x45: {  	_ =	shalt  }
0x46: {  	_ =	shalt  }
0x47: {  	_ =	shalt  }
0x48: {  	_ =	shalt  }
0x49: {  	_ =	shalt  }
0x4a: {  	_ =	shalt  }
0x4b: {  	_ =	shalt  }
0x4c: {  	_ =	shalt  }
0x4d: {  	_ =	shalt  }
0x4e: {  	_ =	shalt  }
0x4f: {  	_ =	shalt  }
0x50: {  	_ =	shalt  }
0x51: {  	_ =	shalt  }
0x52: {  	_ =	shalt  }
0x53: {  	_ =	shalt  }
0x54: {  	_ =	shalt  }
0x55: {  	_ =	shalt  }
0x56: {  	_ =	shalt  }
0x57: {  	_ =	shalt  }
0x58: {  	_ =	shalt  }
0x59: {  	_ =	shalt  }
0x5a: {  	_ =	shalt  }
0x5b: {  	_ =	shalt  }
0x5c: {  	_ =	shalt  }
0x5d: {  	_ =	shalt  }
0x5e: {  	_ =	shalt  }
0x5f: {  	_ =	shalt  }
0x60: {  	_ =	shalt  }
0x61: {  	_ =	shalt  }
0x62: {  	_ =	shalt  }
0x63: {  	_ =	shalt  }
0x64: {  	_ =	shalt  }
0x65: {  	_ =	shalt  }
0x66: {  	_ =	shalt  }
0x67: {  	_ =	shalt  }
0x68: {  	_ =	shalt  }
0x69: {  	_ =	shalt  }
0x6a: {  	_ =	shalt  }
0x6b: {  	_ =	shalt  }
0x6c: {  	_ =	shalt  }
0x6d: {  	_ =	shalt  }
0x6e: {  	_ =	shalt  }
0x6f: {  	_ =	shalt  }
0x70: {  	_ =	shalt  }
0x71: {  	_ =	shalt  }
0x72: {  	_ =	shalt  }
0x73: {  	_ =	shalt  }
0x74: {  	_ =	shalt  }
0x75: {  	_ =	shalt  }
0x76: {  	_ =	shalt  }
0x77: {  	_ =	shalt  }
0x78: {  	_ =	shalt  }
0x79: {  	_ =	shalt  }
0x7a: {  	_ =	shalt  }
0x7b: {  	_ =	shalt  }
0x7c: {  	_ =	shalt  }
0x7d: {  	_ =	shalt  }
0x7e: {  	_ =	shalt  }
0x7f: {  	_ =	shalt  }
0x80: {  	_ =	shalt  }
0x81: {  	_ =	shalt  }
0x82: {  	_ =	shalt  }
0x83: {  	_ =	shalt  }
0x84: {  	_ =	shalt  }
0x85: {  	_ =	shalt  }
0x86: {  	_ =	shalt  }
0x87: {  	_ =	shalt  }
.Lfunc_end0:
.L_simem_size_0:
called_computation_lowered:
.L_overlay_start_0:
0x88: {  	s2 =	sld [smem:$0x3FD9]  }
0x89: {  	s3 =	sld [smem:$0x3FFE];
	_ =	sdelay $0x1  }
0x8a: {  	s1 =	srdreg.scid  }
0x8b: {  	s0 =	sand.u32 $0x1, s1  }
0x8c: {  	s18 =	sshll.u32 s0, $0xA;
	s2 =	sadd.s32 s3, s2  }
0x8d: {  	s2 =	sadd.s32 s2, s18  }
0x8e: {  	[smem:$0x3FC7] =	sst s2  }
0x8f: {  	_ = 	snop  }
0x90: {  	s2 =	sld [smem:$0x3FC9]  }
0x91: {  	s19 =	sld [smem:$0x3FD0];
	(tm) =	ssettm $0x1  }
0x92: {  	s4 =	sld [smem:$0x3FFB];
	_ =	sdelay $0x3  }
0x93: {  	_ =	strace s4  }
0x94: {  	s4 =	sld [smem:$0x3FFC];
	_ =	sdelay $0x3  }
0x95: {  	_ =	strace s4  }
0x96: {  	s4 =	sld [smem:$0x3FFD];
	_ =	sdelay $0x3  }
0x97: {  	_ =	strace s4  }
0x98: {  	_ =	strace $0x8FFFFFFF  }
0x99: {  	s20 =	sld [smem:$0x3FDB];
	_ =	sdelay $0x1  }
0x9a: {  	s5 =	simm.s32 $_scs_section_size  }
0x9b: {  	s6 =	simm.s32 $_size__tile_overlayer_lowered;
	s7 =	simm.s32 $_tile_overlayer_lowered  }
0x9c: {  	s23 =	simm.s32 $0x1BFF;
	s22 =	sshll.u32 s7, $0x1;
	s4 =	sadd.s32 s5, s20  }
0x9d: {  	s8 =	simm.s32 $0x0;
	s21 =	sshll.u32 s6, $0x1;
	s6 =	sadd.s32 s22, s4  }
0x9e: {  	[timem:s8], [sflag:s23] =	dma.local [hbm:s6], s21  }
0x9f: {  	_ =	swait.ge [sflag:s23], s21  }
0xa0: {  	s5 =	ssub.s32 $0x0, s21;
	[sflag:s23] =	ssyncset.done $0x0  }
0xa1: {  	[sflag:s23] =	ssyncadd.s32 s5;
	_ =	sdelay $0x1  }
0xa2: {  	s24 =	simm.s32 $0x1B8B  }
0xa3: {  	_ =	swait.ge [sflag:s24], $0x1  }
0xa4: {  	[sflag:s24] =	ssyncset.done $0x0  }
0xa5: {  	s25 =	simm.s32 $0x1B8E;
	[sflag:s24] =	ssyncadd.s32 $0xFFFFFFFF  }
0xa6: {  	s26 =	simm.s32 $execute0_lowered;
	[smem:$0x3FD2] =	sst s25  }
0xa7: {  	s5 =	sshll.u32 s26, $0x1;
	_ =	strace $0x80000046;
	[dreg:$0x1] =	wrdreg $0xFFFFFFFF  }
0xa8: {  	s28 =	simm.s32 $_size_execute0_lowered;
	s4 =	sadd.s32 s4, s5;
	[dreg:$0x0] =	wrdreg $0x0  }
0xa9: {  	s5 =	sshll.u32 s28, $0x1;
	[dreg:$0x2] =	wrdreg s4  }
0xaa: {  	[dreg:$0x3] =	wrdreg s5  }
0xab: {  	[dreg:$0x4] =	wrdreg $0xC0  }
0xac: {  	_ =	task [dreg:s8], $0x5FFFF  }
0xad: {  	[dreg:$0x1] =	wrdreg $0xFFFFFFFF  }
0xae: {  	[dreg:$0x0] =	wrdreg $0x60  }
0xaf: {  	[dreg:$0x2] =	wrdreg s2  }
0xb0: {  	[dreg:$0x3] =	wrdreg s19  }
0xb1: {  	[dreg:$0x4] =	wrdreg $0x9  }
0xb2: {  	_ =	task.clear_ibuf [dreg:s8], $0x5FFFF;
	_ =	strace $0x90000046  }
0xb3: {  	s29 =	simm.s32 $0x9;
	_ =	strace $0x80000048  }
0xb4: {  	_ =	swait.ge [sflag:s29], $0x1  }
0xb5: {  	[sflag:s29] =	ssyncadd.s32 $0xFFFFFFFF  }
0xb6: {  	_ =	strace $0x90000048  }
0xb7: {  	_ =	sfence  }
0xb8: {  	s30 =	sld [smem:$0x0];
	_ =	sdelay $0x2  }
0xb9: {  	s31 =	sshll.u32 s1, $0xD;
	s1 =	sshrl.u32 s1, $0x2  }
0xba: {  	s3 =	sand.u32 $0x4000, s31;
	s1 =	sadd.s32 s1, s30  }
0xbb: {  	s0 =	sor.u32 s3, s0;
	s1 =	sshll.u32 s1, $0x11  }
0xbc: {  	s0 =	sor.u32 s1, s0  }
0xbd: {  	s0 =	sadd.s32 $0x8F2B, s0  }
0xbe: {  	[sflag:s0] =	ssyncadd.remote.s32 $0x1  }
0xbf: {  	_ =	sfence.sel $0xFFFF  }
0xc0: {  	[dreg:$0x0] =	wrdreg $0xFFFFFFFF;
	(pc) =	sbr.abs _section_cstart, $3  }
0xc1: {  	[dreg:$0x1] =	wrdreg $0xFFFFFFFF  }
0xc2: {  	_ =	task.clear_ibuf [dreg:s8], $0x2FFFF;
	_ =	strace $0x9FFFFFFF  }
0xc3: {  	(tm) =	ssettm $0x7FFFFFFF  }
tec
execute0_lowered:
.L_overlay_start_1:
0x0: {  	(tag) =	ssettag $0x1  }
0x1: {  	s1 =	srdreg.scid  }
0x2: {  	s3 =	rddreg [dreg:$0x0];
	s4 =	stileid.u32;
	s5 =	sand.u32 $0x1, s1  }
0x3: {  	s2 =	simm.s32 $0x0;
	s7 =	sshll.u32 s4, $0x12;
	s8 =	sshll.u32 s5, $0x11  }
0x4: {  	[smem:$0x7FF] =	sst s2;
	s4 =	sor.u32 s8, s7  }
0x5: {  	s0 =	rddreg [dreg:$0x1];
	_ =	strace $0x80000047;
	s1 =	sadd.s32 s3, s4  }
0x6: {  	s6 =	sor.u32 $0x1000, s4;
	s10 =	sadd.s32 s0, s4;
	[dreg:$0x3] =	wrdreg s1  }
0x7: {  	s7 =	sor.u32 $0x2000, s4;
	s9 =	sadd.s32 s3, s6;
	[dreg:$0x5] =	wrdreg s10  }
0x8: {  	s11 =	sadd.s32 s3, s7;
	[dreg:$0x4] =	wrdreg s9  }
0x9: {  	s13 =	sor.u32 $0x3000, s4;
	s12 =	sadd.s32 s0, s6;
	[dreg:$0x6] =	wrdreg s11  }
0xa: {  	s14 =	sadd.s32 s3, s13;
	[dreg:$0x7] =	wrdreg s12  }
0xb: {  	s16 =	sor.u32 $0x4000, s4;
	s15 =	sadd.s32 s0, s7;
	[dreg:$0x8] =	wrdreg s14  }
0xc: {  	s17 =	sadd.s32 s3, s16;
	[dreg:$0x9] =	wrdreg s15  }
0xd: {  	s19 =	sor.u32 $0x5000, s4;
	s18 =	sadd.s32 s0, s13;
	[dreg:$0xa] =	wrdreg s17  }
0xe: {  	s20 =	sadd.s32 s3, s19;
	[dreg:$0xb] =	wrdreg s18  }
0xf: {  	s22 =	sor.u32 $0x6000, s4;
	s21 =	sadd.s32 s0, s16;
	[dreg:$0xc] =	wrdreg s20  }
0x10: {  	s23 =	sadd.s32 s3, s22;
	[dreg:$0xd] =	wrdreg s21  }
0x11: {  	s25 =	sor.u32 $0x7000, s4;
	s24 =	sadd.s32 s0, s19;
	[dreg:$0xe] =	wrdreg s23  }
0x12: {  	s26 =	sadd.s32 s3, s25;
	[dreg:$0xf] =	wrdreg s24  }
0x13: {  	s7 =	sadd.s32 s0, s22;
	[dreg:$0x10] =	wrdreg s26  }
0x14: {  	s8 =	sor.u32 $0x8000, s4;
	s10 =	sadd.s32 s0, s25;
	[dreg:$0x11] =	wrdreg s7  }
0x15: {  	s13 =	sadd.s32 s0, s8;
	[dreg:$0x13] =	wrdreg s10  }
0x16: {  	[dreg:$0x15] =	wrdreg s13  }
0x17: {  	s9 =	sadd.s32 s3, s8;
	s11 =	sor.u32 $0x9000, s4;
	s1 =	rddreg [dreg:$0x3]  }
0x18: {  	s14 =	sor.u32 $0xA000, s4;
	[dreg:$0x12] =	wrdreg s9;
	s12 =	sadd.s32 s3, s11  }
0x19: {  	s15 =	sadd.s32 s3, s14;
	[dreg:$0x14] =	wrdreg s12  }
0x1a: {  	s17 =	sor.u32 $0xB000, s4;
	s16 =	sadd.s32 s0, s11;
	[dreg:$0x16] =	wrdreg s15  }
0x1b: {  	s18 =	sadd.s32 s3, s17;
	[dreg:$0x17] =	wrdreg s16  }
0x1c: {  	s20 =	sor.u32 $0xC000, s4;
	s19 =	sadd.s32 s0, s14;
	[dreg:$0x18] =	wrdreg s18  }
0x1d: {  	s21 =	sadd.s32 s3, s20;
	[dreg:$0x19] =	wrdreg s19  }
0x1e: {  	s23 =	sor.u32 $0xD000, s4;
	s22 =	sadd.s32 s0, s17;
	[dreg:$0x1a] =	wrdreg s21  }
0x1f: {  	p0 =	por $0x0, $0x0;
	s24 =	sadd.s32 s3, s23;
	[dreg:$0x1b] =	wrdreg s22  }
0x20: {  	s26 =	sor.u32 $0xE000, s4;
	s25 =	sadd.s32 s0, s20;
	[dreg:$0x1c] =	wrdreg s24  }
0x21: {  	s5 =	ssub.s32 $0x2, s5;
	s8 =	sadd.s32 s3, s26;
	[dreg:$0x1d] =	wrdreg s25  }
0x22: {  	s10 =	sor.u32 $0xF000, s4;
	s9 =	sadd.s32 s0, s23;
	[dreg:$0x1e] =	wrdreg s8  }
0x23: {  	s13 =	sor.u32 $0x10000, s4;
	s11 =	sadd.s32 s3, s10;
	[dreg:$0x1f] =	wrdreg s9  }
0x24: {  	s7 =	sor.u32 $0x1E000, s4;
	s14 =	sadd.s32 s3, s13;
	[smem:$0x7F2] =	sst s11  }
0x25: {  	s12 =	sadd.s32 s0, s26;
	[smem:$0x7F4] =	sst s14;
	s15 =	sadd.s32 s0, s10  }
0x26: {  	s16 =	sor.u32 $0x11000, s4;
	s18 =	sadd.s32 s0, s13;
	s19 =	sor.u32 $0x12000, s4  }
0x27: {  	s22 =	sor.u32 $0x13000, s4;
	s25 =	sor.u32 $0x14000, s4;
	s8 =	sshrl.u32 s5, $0x1  }
0x28: {  	s9 =	sor.u32 $0x16000, s4;
	s10 =	sor.u32 $0x17000, s4;
	[smem:$0x7F3] =	sst s12  }
0x29: {  	s11 =	sor.u32 $0x18000, s4;
	s13 =	sor.u32 $0x1A000, s4;
	[smem:$0x7F5] =	sst s15  }
0x2a: {  	s14 =	sor.u32 $0x1B000, s4;
	s17 =	sadd.s32 s3, s16;
	[smem:$0x7F7] =	sst s18  }
0x2b: {  	s20 =	sadd.s32 s3, s19;
	s21 =	sadd.s32 s0, s16;
	s23 =	sadd.s32 s3, s22  }
0x2c: {  	s24 =	sadd.s32 s0, s19;
	s26 =	sadd.s32 s3, s25;
	[smem:$0x7F6] =	sst s17  }
0x2d: {  	s5 =	ssub.s32 s5, s8;
	s6 =	sadd.s32 s0, s22;
	[smem:$0x7F8] =	sst s20  }
0x2e: {  	s8 =	sor.u32 $0x15000, s4;
	s30 =	sadd.s32 s0, s25;
	[smem:$0x7F9] =	sst s21  }
0x2f: {  	s29 =	sadd.s32 s3, s9;
	s25 =	sadd.s32 s0, s9;
	[smem:$0x7FA] =	sst s23  }
0x30: {  	s12 =	sor.u32 $0x19000, s4;
	s15 =	sor.u32 $0x1C000, s4;
	[smem:$0x7FB] =	sst s24  }
0x31: {  	s18 =	sadd.s32 s3, s14;
	s14 =	sadd.s32 s0, s14;
	[smem:$0x7FC] =	sst s26  }
0x32: {  	[smem:$0x7FD] =	sst s6;
	s31 =	sadd.s32 s3, s8;
	s28 =	sadd.s32 s0, s8  }
0x33: {  	s26 =	sadd.s32 s3, s10;
	s24 =	sadd.s32 s3, s11;
	s23 =	sadd.s32 s0, s10  }
0x34: {  	s22 =	sadd.s32 s3, s12;
	s21 =	sadd.s32 s0, s11;
	s20 =	sadd.s32 s3, s13  }
0x35: {  	s19 =	sadd.s32 s0, s12;
	s17 =	sadd.s32 s0, s13;
	s11 =	smax.u32 s5, $0x1  }
0x36: {  	s16 =	sadd.s32 s3, s15;
	s6 =	sor.u32 $0x1D000, s4;
	p1 =	sne.s32 s11, $0x1  }
.Ltmp0:
0x37: {  	s12 =	sadd.s32 s0, s15;
	s10 =	sor.u32 $0x1F000, s4;
	(pc) =	sbr.rel @!p1 .LBB2_3-.Ltmp0, $4  }
0x38: {  	s13 =	sadd.s32 s3, s7;
	s4 =	sadd.s32 s0, s7;
	s7 =	simm.s32 $0x8000  }
0x39: {  	s5 =	simm.s32 $0x4;
	s15 =	sadd.s32 s3, s6;
	s9 =	sadd.s32 s0, s6  }
0x3a: {  	s8 =	sadd.s32 s3, s10;
	s3 =	sadd.s32 s0, s10;
	s0 =	sadd.s32 $0xFFFFFFFF, s11  }
0x3b: {  	s11 =	simm.s32 $0x1;
	s6 =	simm.s32 $0x3;
	s10 =	simm.s32 $0x2  }
0x3c: {  	[smem:$0x7F1] =	sst s0  }
0x3d: {  	[tilespmem:s2], [sflag:$0x1] =	stream.linear.gather [hbm4b:s1+s2], $0x8000, $0x38;
	[tilespmem:$0x10000] =	vst v63  }
0x3e: {  	s0 =	rddreg [dreg:$0x4]  }
0x3f: {  	[tilespmem:s7], [sflag:$0x2] =	stream.linear.gather [hbm4b:s0+s2], $0x8000, $0x38;
	[tilespmem:$0x10000] =	vst v63  }
0x40: {  	_ =	swait.ge [sflag:s11], $0x8000  }
0x41: {  	[sflag:s11] =	ssyncset.done $0x0  }
0x42: {  	s1 =	rddreg [dreg:$0x5];
	[sflag:s11] =	ssyncadd.s32 $0xFFFF8000  }
0x43: {  	[hbm4b:s1+s2] =	stream.linear.scatter [tilespmem:s2], [sflag:$0x3], $0x8000, $0x38;
	[tilespmem:$0x10000] =	vst v63  }
0x44: {  	_ =	swait.ge [sflag:s6], $0x8000  }
0x45: {  	[sflag:s6] =	ssyncset.done $0x0  }
0x46: {  	s1 =	rddreg [dreg:$0x6];
	[sflag:s6] =	ssyncadd.s32 $0xFFFF8000  }
0x47: {  	[tilespmem:s2], [sflag:$0x1] =	stream.linear.gather [hbm4b:s1+s2], $0x8000, $0x38;
	[tilespmem:$0x10000] =	vst v63  }
0x48: {  	_ =	swait.ge [sflag:s10], $0x8000  }
0x49: {  	[sflag:s10] =	ssyncset.done $0x0  }
0x4a: {  	s1 =	rddreg [dreg:$0x7];
	[sflag:s10] =	ssyncadd.s32 $0xFFFF8000  }
0x4b: {  	[hbm4b:s1+s2] =	stream.linear.scatter [tilespmem:s7], [sflag:$0x4], $0x8000, $0x38;
	[tilespmem:$0x10000] =	vst v63  }
0x4c: {  	_ =	swait.ge [sflag:s5], $0x8000  }
0x4d: {  	[sflag:s5] =	ssyncset.done $0x0  }
0x4e: {  	s1 =	rddreg [dreg:$0x8];
	[sflag:s5] =	ssyncadd.s32 $0xFFFF8000  }
0x4f: {  	[tilespmem:s7], [sflag:$0x2] =	stream.linear.gather [hbm4b:s1+s2], $0x8000, $0x38;
	[tilespmem:$0x10000] =	vst v63  }
0x50: {  	_ =	swait.ge [sflag:s11], $0x8000  }
0x51: {  	[sflag:s11] =	ssyncset.done $0x0  }
0x52: {  	s1 =	rddreg [dreg:$0x9];
	[sflag:s11] =	ssyncadd.s32 $0xFFFF8000  }
0x53: {  	[hbm4b:s1+s2] =	stream.linear.scatter [tilespmem:s2], [sflag:$0x3], $0x8000, $0x38;
	[tilespmem:$0x10000] =	vst v63  }
0x54: {  	_ =	swait.ge [sflag:s6], $0x8000  }
0x55: {  	[sflag:s6] =	ssyncset.done $0x0  }
0x56: {  	s1 =	rddreg [dreg:$0xa];
	[sflag:s6] =	ssyncadd.s32 $0xFFFF8000  }
0x57: {  	[tilespmem:s2], [sflag:$0x1] =	stream.linear.gather [hbm4b:s1+s2], $0x8000, $0x38;
	[tilespmem:$0x10000] =	vst v63  }
0x58: {  	_ =	swait.ge [sflag:s10], $0x8000  }
0x59: {  	[sflag:s10] =	ssyncset.done $0x0  }
0x5a: {  	s1 =	rddreg [dreg:$0xb];
	[sflag:s10] =	ssyncadd.s32 $0xFFFF8000  }
0x5b: {  	[hbm4b:s1+s2] =	stream.linear.scatter [tilespmem:s7], [sflag:$0x4], $0x8000, $0x38;
	[tilespmem:$0x10000] =	vst v63  }
0x5c: {  	_ =	swait.ge [sflag:s5], $0x8000  }
0x5d: {  	[sflag:s5] =	ssyncset.done $0x0  }
0x5e: {  	s1 =	rddreg [dreg:$0xc];
	[sflag:s5] =	ssyncadd.s32 $0xFFFF8000  }
0x5f: {  	[tilespmem:s7], [sflag:$0x2] =	stream.linear.gather [hbm4b:s1+s2], $0x8000, $0x38;
	[tilespmem:$0x10000] =	vst v63  }
0x60: {  	_ =	swait.ge [sflag:s11], $0x8000  }
0x61: {  	[sflag:s11] =	ssyncset.done $0x0  }
0x62: {  	s1 =	rddreg [dreg:$0xd];
	[sflag:s11] =	ssyncadd.s32 $0xFFFF8000  }
0x63: {  	[hbm4b:s1+s2] =	stream.linear.scatter [tilespmem:s2], [sflag:$0x3], $0x8000, $0x38;
	[tilespmem:$0x10000] =	vst v63  }
0x64: {  	_ =	swait.ge [sflag:s6], $0x8000  }
0x65: {  	[sflag:s6] =	ssyncset.done $0x0  }
0x66: {  	s1 =	rddreg [dreg:$0xe];
	[sflag:s6] =	ssyncadd.s32 $0xFFFF8000  }
0x67: {  	[tilespmem:s2], [sflag:$0x1] =	stream.linear.gather [hbm4b:s1+s2], $0x8000, $0x38;
	[tilespmem:$0x10000] =	vst v63  }
0x68: {  	_ =	swait.ge [sflag:s10], $0x8000  }
0x69: {  	[sflag:s10] =	ssyncset.done $0x0  }
0x6a: {  	s1 =	rddreg [dreg:$0xf];
	[sflag:s10] =	ssyncadd.s32 $0xFFFF8000  }
0x6b: {  	[hbm4b:s1+s2] =	stream.linear.scatter [tilespmem:s7], [sflag:$0x4], $0x8000, $0x38;
	[tilespmem:$0x10000] =	vst v63  }
0x6c: {  	_ =	swait.ge [sflag:s5], $0x8000  }
0x6d: {  	[sflag:s5] =	ssyncset.done $0x0  }
0x6e: {  	s1 =	rddreg [dreg:$0x10];
	[sflag:s5] =	ssyncadd.s32 $0xFFFF8000  }
0x6f: {  	[tilespmem:s7], [sflag:$0x2] =	stream.linear.gather [hbm4b:s1+s2], $0x8000, $0x38;
	[tilespmem:$0x10000] =	vst v63  }
0x70: {  	_ =	swait.ge [sflag:s11], $0x8000  }
0x71: {  	[sflag:s11] =	ssyncset.done $0x0  }
0x72: {  	s1 =	rddreg [dreg:$0x11];
	[sflag:s11] =	ssyncadd.s32 $0xFFFF8000  }
0x73: {  	[hbm4b:s1+s2] =	stream.linear.scatter [tilespmem:s2], [sflag:$0x3], $0x8000, $0x38;
	[tilespmem:$0x10000] =	vst v63  }
0x74: {  	_ =	swait.ge [sflag:s6], $0x8000  }
0x75: {  	[sflag:s6] =	ssyncset.done $0x0  }
0x76: {  	s1 =	rddreg [dreg:$0x12];
	[sflag:s6] =	ssyncadd.s32 $0xFFFF8000  }
0x77: {  	[tilespmem:s2], [sflag:$0x1] =	stream.linear.gather [hbm4b:s1+s2], $0x8000, $0x38;
	[tilespmem:$0x10000] =	vst v63  }
0x78: {  	_ =	swait.ge [sflag:s10], $0x8000  }
0x79: {  	[sflag:s10] =	ssyncset.done $0x0  }
0x7a: {  	s1 =	rddreg [dreg:$0x13];
	[sflag:s10] =	ssyncadd.s32 $0xFFFF8000  }
0x7b: {  	[hbm4b:s1+s2] =	stream.linear.scatter [tilespmem:s7], [sflag:$0x4], $0x8000, $0x38;
	[tilespmem:$0x10000] =	vst v63  }
0x7c: {  	_ =	swait.ge [sflag:s5], $0x8000  }
0x7d: {  	[sflag:s5] =	ssyncset.done $0x0  }
0x7e: {  	s1 =	rddreg [dreg:$0x14];
	[sflag:s5] =	ssyncadd.s32 $0xFFFF8000  }
0x7f: {  	[tilespmem:s7], [sflag:$0x2] =	stream.linear.gather [hbm4b:s1+s2], $0x8000, $0x38;
	[tilespmem:$0x10000] =	vst v63  }
0x80: {  	_ =	swait.ge [sflag:s11], $0x8000  }
0x81: {  	[sflag:s11] =	ssyncset.done $0x0  }
0x82: {  	s1 =	rddreg [dreg:$0x15];
	[sflag:s11] =	ssyncadd.s32 $0xFFFF8000  }
0x83: {  	[hbm4b:s1+s2] =	stream.linear.scatter [tilespmem:s2], [sflag:$0x3], $0x8000, $0x38;
	[tilespmem:$0x10000] =	vst v63  }
0x84: {  	_ =	swait.ge [sflag:s6], $0x8000  }
0x85: {  	[sflag:s6] =	ssyncset.done $0x0  }
0x86: {  	s1 =	rddreg [dreg:$0x16];
	[sflag:s6] =	ssyncadd.s32 $0xFFFF8000  }
0x87: {  	[tilespmem:s2], [sflag:$0x1] =	stream.linear.gather [hbm4b:s1+s2], $0x8000, $0x38;
	[tilespmem:$0x10000] =	vst v63  }
0x88: {  	_ =	swait.ge [sflag:s10], $0x8000  }
0x89: {  	[sflag:s10] =	ssyncset.done $0x0  }
0x8a: {  	s1 =	rddreg [dreg:$0x17];
	[sflag:s10] =	ssyncadd.s32 $0xFFFF8000  }
0x8b: {  	[hbm4b:s1+s2] =	stream.linear.scatter [tilespmem:s7], [sflag:$0x4], $0x8000, $0x38;
	[tilespmem:$0x10000] =	vst v63  }
0x8c: {  	_ =	swait.ge [sflag:s5], $0x8000  }
0x8d: {  	[sflag:s5] =	ssyncset.done $0x0  }
0x8e: {  	s1 =	rddreg [dreg:$0x18];
	[sflag:s5] =	ssyncadd.s32 $0xFFFF8000  }
0x8f: {  	[tilespmem:s7], [sflag:$0x2] =	stream.linear.gather [hbm4b:s1+s2], $0x8000, $0x38;
	[tilespmem:$0x10000] =	vst v63  }
0x90: {  	_ =	swait.ge [sflag:s11], $0x8000  }
0x91: {  	[sflag:s11] =	ssyncset.done $0x0  }
0x92: {  	s1 =	rddreg [dreg:$0x19];
	[sflag:s11] =	ssyncadd.s32 $0xFFFF8000  }
0x93: {  	[hbm4b:s1+s2] =	stream.linear.scatter [tilespmem:s2], [sflag:$0x3], $0x8000, $0x38;
	[tilespmem:$0x10000] =	vst v63  }
0x94: {  	_ =	swait.ge [sflag:s6], $0x8000  }
0x95: {  	[sflag:s6] =	ssyncset.done $0x0  }
0x96: {  	s1 =	rddreg [dreg:$0x1a];
	[sflag:s6] =	ssyncadd.s32 $0xFFFF8000  }
0x97: {  	[tilespmem:s2], [sflag:$0x1] =	stream.linear.gather [hbm4b:s1+s2], $0x8000, $0x38;
	[tilespmem:$0x10000] =	vst v63  }
0x98: {  	_ =	swait.ge [sflag:s10], $0x8000  }
0x99: {  	[sflag:s10] =	ssyncset.done $0x0  }
0x9a: {  	s1 =	rddreg [dreg:$0x1b];
	[sflag:s10] =	ssyncadd.s32 $0xFFFF8000  }
0x9b: {  	[hbm4b:s1+s2] =	stream.linear.scatter [tilespmem:s7], [sflag:$0x4], $0x8000, $0x38;
	[tilespmem:$0x10000] =	vst v63  }
0x9c: {  	_ =	swait.ge [sflag:s5], $0x8000  }
0x9d: {  	[sflag:s5] =	ssyncset.done $0x0  }
0x9e: {  	s1 =	rddreg [dreg:$0x1c];
	[sflag:s5] =	ssyncadd.s32 $0xFFFF8000  }
0x9f: {  	[tilespmem:s7], [sflag:$0x2] =	stream.linear.gather [hbm4b:s1+s2], $0x8000, $0x38;
	[tilespmem:$0x10000] =	vst v63  }
0xa0: {  	_ =	swait.ge [sflag:s11], $0x8000  }
0xa1: {  	[sflag:s11] =	ssyncset.done $0x0  }
0xa2: {  	s1 =	rddreg [dreg:$0x1d];
	[sflag:s11] =	ssyncadd.s32 $0xFFFF8000  }
0xa3: {  	[hbm4b:s1+s2] =	stream.linear.scatter [tilespmem:s2], [sflag:$0x3], $0x8000, $0x38;
	[tilespmem:$0x10000] =	vst v63  }
0xa4: {  	_ =	swait.ge [sflag:s6], $0x8000  }
0xa5: {  	[sflag:s6] =	ssyncset.done $0x0  }
0xa6: {  	s1 =	rddreg [dreg:$0x1e];
	[sflag:s6] =	ssyncadd.s32 $0xFFFF8000  }
0xa7: {  	[tilespmem:s2], [sflag:$0x1] =	stream.linear.gather [hbm4b:s1+s2], $0x8000, $0x38;
	[tilespmem:$0x10000] =	vst v63  }
0xa8: {  	_ =	swait.ge [sflag:s10], $0x8000  }
0xa9: {  	[sflag:s10] =	ssyncset.done $0x0  }
0xaa: {  	s1 =	rddreg [dreg:$0x1f];
	[sflag:s10] =	ssyncadd.s32 $0xFFFF8000  }
0xab: {  	[hbm4b:s1+s2] =	stream.linear.scatter [tilespmem:s7], [sflag:$0x4], $0x8000, $0x38;
	[tilespmem:$0x10000] =	vst v63  }
0xac: {  	_ =	swait.ge [sflag:s5], $0x8000  }
0xad: {  	s1 =	sld [smem:$0x7F2]  }
0xae: {  	[sflag:s5] =	ssyncset.done $0x0  }
0xaf: {  	[sflag:s5] =	ssyncadd.s32 $0xFFFF8000  }
0xb0: {  	[tilespmem:s7], [sflag:$0x2] =	stream.linear.gather [hbm4b:s1+s2], $0x8000, $0x38;
	[tilespmem:$0x10000] =	vst v63  }
0xb1: {  	_ =	swait.ge [sflag:s11], $0x8000  }
0xb2: {  	s1 =	sld [smem:$0x7F3]  }
0xb3: {  	[sflag:s11] =	ssyncset.done $0x0  }
0xb4: {  	[sflag:s11] =	ssyncadd.s32 $0xFFFF8000  }
0xb5: {  	[hbm4b:s1+s2] =	stream.linear.scatter [tilespmem:s2], [sflag:$0x3], $0x8000, $0x38;
	[tilespmem:$0x10000] =	vst v63  }
0xb6: {  	_ =	swait.ge [sflag:s6], $0x8000  }
0xb7: {  	s1 =	sld [smem:$0x7F4]  }
0xb8: {  	[sflag:s6] =	ssyncset.done $0x0  }
0xb9: {  	[sflag:s6] =	ssyncadd.s32 $0xFFFF8000  }
0xba: {  	[tilespmem:s2], [sflag:$0x1] =	stream.linear.gather [hbm4b:s1+s2], $0x8000, $0x38;
	[tilespmem:$0x10000] =	vst v63  }
0xbb: {  	_ =	swait.ge [sflag:s10], $0x8000  }
0xbc: {  	s1 =	sld [smem:$0x7F5]  }
0xbd: {  	[sflag:s10] =	ssyncset.done $0x0  }
0xbe: {  	[sflag:s10] =	ssyncadd.s32 $0xFFFF8000  }
0xbf: {  	[hbm4b:s1+s2] =	stream.linear.scatter [tilespmem:s7], [sflag:$0x4], $0x8000, $0x38;
	[tilespmem:$0x10000] =	vst v63  }
0xc0: {  	_ =	swait.ge [sflag:s5], $0x8000  }
0xc1: {  	s1 =	sld [smem:$0x7F6]  }
0xc2: {  	[sflag:s5] =	ssyncset.done $0x0  }
0xc3: {  	[sflag:s5] =	ssyncadd.s32 $0xFFFF8000  }
0xc4: {  	[tilespmem:s7], [sflag:$0x2] =	stream.linear.gather [hbm4b:s1+s2], $0x8000, $0x38;
	[tilespmem:$0x10000] =	vst v63  }
0xc5: {  	_ =	swait.ge [sflag:s11], $0x8000  }
0xc6: {  	s1 =	sld [smem:$0x7F7]  }
0xc7: {  	[sflag:s11] =	ssyncset.done $0x0  }
0xc8: {  	[sflag:s11] =	ssyncadd.s32 $0xFFFF8000  }
0xc9: {  	[hbm4b:s1+s2] =	stream.linear.scatter [tilespmem:s2], [sflag:$0x3], $0x8000, $0x38;
	[tilespmem:$0x10000] =	vst v63  }
0xca: {  	_ =	swait.ge [sflag:s6], $0x8000  }
0xcb: {  	s1 =	sld [smem:$0x7F8]  }
0xcc: {  	[sflag:s6] =	ssyncset.done $0x0  }
0xcd: {  	[sflag:s6] =	ssyncadd.s32 $0xFFFF8000  }
0xce: {  	[tilespmem:s2], [sflag:$0x1] =	stream.linear.gather [hbm4b:s1+s2], $0x8000, $0x38;
	[tilespmem:$0x10000] =	vst v63  }
0xcf: {  	_ =	swait.ge [sflag:s10], $0x8000  }
0xd0: {  	s1 =	sld [smem:$0x7F9]  }
0xd1: {  	[sflag:s10] =	ssyncset.done $0x0  }
0xd2: {  	[sflag:s10] =	ssyncadd.s32 $0xFFFF8000  }
0xd3: {  	[hbm4b:s1+s2] =	stream.linear.scatter [tilespmem:s7], [sflag:$0x4], $0x8000, $0x38;
	[tilespmem:$0x10000] =	vst v63  }
0xd4: {  	_ =	swait.ge [sflag:s5], $0x8000  }
0xd5: {  	s1 =	sld [smem:$0x7FA]  }
0xd6: {  	[sflag:s5] =	ssyncset.done $0x0  }
0xd7: {  	[sflag:s5] =	ssyncadd.s32 $0xFFFF8000  }
0xd8: {  	[tilespmem:s7], [sflag:$0x2] =	stream.linear.gather [hbm4b:s1+s2], $0x8000, $0x38;
	[tilespmem:$0x10000] =	vst v63  }
0xd9: {  	_ =	swait.ge [sflag:s11], $0x8000  }
0xda: {  	s1 =	sld [smem:$0x7FB]  }
0xdb: {  	[sflag:s11] =	ssyncset.done $0x0  }
0xdc: {  	[sflag:s11] =	ssyncadd.s32 $0xFFFF8000  }
0xdd: {  	[hbm4b:s1+s2] =	stream.linear.scatter [tilespmem:s2], [sflag:$0x3], $0x8000, $0x38;
	[tilespmem:$0x10000] =	vst v63  }
0xde: {  	_ =	swait.ge [sflag:s6], $0x8000  }
0xdf: {  	s1 =	sld [smem:$0x7FC]  }
0xe0: {  	[sflag:s6] =	ssyncset.done $0x0  }
0xe1: {  	[sflag:s6] =	ssyncadd.s32 $0xFFFF8000  }
0xe2: {  	[tilespmem:s2], [sflag:$0x1] =	stream.linear.gather [hbm4b:s1+s2], $0x8000, $0x38;
	[tilespmem:$0x10000] =	vst v63  }
0xe3: {  	_ =	swait.ge [sflag:s10], $0x8000  }
0xe4: {  	s1 =	sld [smem:$0x7FD]  }
0xe5: {  	[sflag:s10] =	ssyncset.done $0x0  }
0xe6: {  	[sflag:s10] =	ssyncadd.s32 $0xFFFF8000  }
0xe7: {  	[hbm4b:s1+s2] =	stream.linear.scatter [tilespmem:s7], [sflag:$0x4], $0x8000, $0x38;
	[tilespmem:$0x10000] =	vst v63  }
0xe8: {  	_ =	swait.ge [sflag:s5], $0x8000  }
0xe9: {  	[sflag:s5] =	ssyncset.done $0x0  }
0xea: {  	[sflag:s5] =	ssyncadd.s32 $0xFFFF8000  }
0xeb: {  	[tilespmem:s7], [sflag:$0x2] =	stream.linear.gather [hbm4b:s31+s2], $0x8000, $0x38;
	[tilespmem:$0x10000] =	vst v63  }
0xec: {  	_ =	swait.ge [sflag:s11], $0x8000  }
0xed: {  	[sflag:s11] =	ssyncset.done $0x0  }
0xee: {  	[sflag:s11] =	ssyncadd.s32 $0xFFFF8000  }
0xef: {  	[hbm4b:s30+s2] =	stream.linear.scatter [tilespmem:s2], [sflag:$0x3], $0x8000, $0x38;
	[tilespmem:$0x10000] =	vst v63  }
0xf0: {  	_ =	swait.ge [sflag:s6], $0x8000  }
0xf1: {  	[sflag:s6] =	ssyncset.done $0x0  }
0xf2: {  	[sflag:s6] =	ssyncadd.s32 $0xFFFF8000  }
0xf3: {  	[tilespmem:s2], [sflag:$0x1] =	stream.linear.gather [hbm4b:s29+s2], $0x8000, $0x38;
	[tilespmem:$0x10000] =	vst v63  }
0xf4: {  	_ =	swait.ge [sflag:s10], $0x8000  }
0xf5: {  	[sflag:s10] =	ssyncset.done $0x0  }
0xf6: {  	[sflag:s10] =	ssyncadd.s32 $0xFFFF8000  }
0xf7: {  	[hbm4b:s28+s2] =	stream.linear.scatter [tilespmem:s7], [sflag:$0x4], $0x8000, $0x38;
	[tilespmem:$0x10000] =	vst v63  }
0xf8: {  	_ =	swait.ge [sflag:s5], $0x8000  }
0xf9: {  	[sflag:s5] =	ssyncset.done $0x0  }
0xfa: {  	[sflag:s5] =	ssyncadd.s32 $0xFFFF8000  }
0xfb: {  	[tilespmem:s7], [sflag:$0x2] =	stream.linear.gather [hbm4b:s26+s2], $0x8000, $0x38;
	[tilespmem:$0x10000] =	vst v63  }
0xfc: {  	_ =	swait.ge [sflag:s11], $0x8000  }
0xfd: {  	[sflag:s11] =	ssyncset.done $0x0  }
0xfe: {  	[sflag:s11] =	ssyncadd.s32 $0xFFFF8000  }
0xff: {  	[hbm4b:s25+s2] =	stream.linear.scatter [tilespmem:s2], [sflag:$0x3], $0x8000, $0x38;
	[tilespmem:$0x10000] =	vst v63  }
0x100: {  	_ =	swait.ge [sflag:s6], $0x8000  }
0x101: {  	[sflag:s6] =	ssyncset.done $0x0  }
0x102: {  	[sflag:s6] =	ssyncadd.s32 $0xFFFF8000  }
0x103: {  	[tilespmem:s2], [sflag:$0x1] =	stream.linear.gather [hbm4b:s24+s2], $0x8000, $0x38;
	[tilespmem:$0x10000] =	vst v63  }
0x104: {  	_ =	swait.ge [sflag:s10], $0x8000  }
0x105: {  	[sflag:s10] =	ssyncset.done $0x0  }
0x106: {  	[sflag:s10] =	ssyncadd.s32 $0xFFFF8000  }
0x107: {  	[hbm4b:s23+s2] =	stream.linear.scatter [tilespmem:s7], [sflag:$0x4], $0x8000, $0x38;
	[tilespmem:$0x10000] =	vst v63  }
0x108: {  	_ =	swait.ge [sflag:s5], $0x8000  }
0x109: {  	[sflag:s5] =	ssyncset.done $0x0  }
0x10a: {  	[sflag:s5] =	ssyncadd.s32 $0xFFFF8000  }
0x10b: {  	[tilespmem:s7], [sflag:$0x2] =	stream.linear.gather [hbm4b:s22+s2], $0x8000, $0x38;
	[tilespmem:$0x10000] =	vst v63  }
0x10c: {  	_ =	swait.ge [sflag:s11], $0x8000  }
0x10d: {  	[sflag:s11] =	ssyncset.done $0x0  }
0x10e: {  	[sflag:s11] =	ssyncadd.s32 $0xFFFF8000  }
0x10f: {  	[hbm4b:s21+s2] =	stream.linear.scatter [tilespmem:s2], [sflag:$0x3], $0x8000, $0x38;
	[tilespmem:$0x10000] =	vst v63  }
0x110: {  	_ =	swait.ge [sflag:s6], $0x8000  }
0x111: {  	[sflag:s6] =	ssyncset.done $0x0  }
0x112: {  	[sflag:s6] =	ssyncadd.s32 $0xFFFF8000  }
0x113: {  	[tilespmem:s2], [sflag:$0x1] =	stream.linear.gather [hbm4b:s20+s2], $0x8000, $0x38;
	[tilespmem:$0x10000] =	vst v63  }
0x114: {  	_ =	swait.ge [sflag:s10], $0x8000  }
0x115: {  	[sflag:s10] =	ssyncset.done $0x0  }
0x116: {  	[sflag:s10] =	ssyncadd.s32 $0xFFFF8000  }
0x117: {  	[hbm4b:s19+s2] =	stream.linear.scatter [tilespmem:s7], [sflag:$0x4], $0x8000, $0x38;
	[tilespmem:$0x10000] =	vst v63  }
0x118: {  	_ =	swait.ge [sflag:s5], $0x8000  }
0x119: {  	[sflag:s5] =	ssyncset.done $0x0  }
0x11a: {  	[sflag:s5] =	ssyncadd.s32 $0xFFFF8000  }
0x11b: {  	[tilespmem:s7], [sflag:$0x2] =	stream.linear.gather [hbm4b:s18+s2], $0x8000, $0x38;
	[tilespmem:$0x10000] =	vst v63  }
0x11c: {  	_ =	swait.ge [sflag:s11], $0x8000  }
0x11d: {  	[sflag:s11] =	ssyncset.done $0x0  }
0x11e: {  	[sflag:s11] =	ssyncadd.s32 $0xFFFF8000  }
0x11f: {  	[hbm4b:s17+s2] =	stream.linear.scatter [tilespmem:s2], [sflag:$0x3], $0x8000, $0x38;
	[tilespmem:$0x10000] =	vst v63  }
0x120: {  	_ =	swait.ge [sflag:s6], $0x8000  }
0x121: {  	[sflag:s6] =	ssyncset.done $0x0  }
0x122: {  	[sflag:s6] =	ssyncadd.s32 $0xFFFF8000  }
0x123: {  	[tilespmem:s2], [sflag:$0x1] =	stream.linear.gather [hbm4b:s16+s2], $0x8000, $0x38;
	[tilespmem:$0x10000] =	vst v63  }
0x124: {  	_ =	swait.ge [sflag:s10], $0x8000  }
0x125: {  	[sflag:s10] =	ssyncset.done $0x0  }
0x126: {  	[sflag:s10] =	ssyncadd.s32 $0xFFFF8000  }
0x127: {  	[hbm4b:s14+s2] =	stream.linear.scatter [tilespmem:s7], [sflag:$0x4], $0x8000, $0x38;
	[tilespmem:$0x10000] =	vst v63  }
0x128: {  	_ =	swait.ge [sflag:s5], $0x8000  }
0x129: {  	[sflag:s5] =	ssyncset.done $0x0  }
0x12a: {  	[sflag:s5] =	ssyncadd.s32 $0xFFFF8000  }
0x12b: {  	[tilespmem:s7], [sflag:$0x2] =	stream.linear.gather [hbm4b:s15+s2], $0x8000, $0x38;
	[tilespmem:$0x10000] =	vst v63  }
0x12c: {  	_ =	swait.ge [sflag:s11], $0x8000  }
0x12d: {  	[sflag:s11] =	ssyncset.done $0x0  }
0x12e: {  	[sflag:s11] =	ssyncadd.s32 $0xFFFF8000  }
0x12f: {  	[hbm4b:s12+s2] =	stream.linear.scatter [tilespmem:s2], [sflag:$0x3], $0x8000, $0x38;
	[tilespmem:$0x10000] =	vst v63  }
0x130: {  	_ =	swait.ge [sflag:s6], $0x8000  }
0x131: {  	[sflag:s6] =	ssyncset.done $0x0  }
0x132: {  	[sflag:s6] =	ssyncadd.s32 $0xFFFF8000  }
0x133: {  	[tilespmem:s2], [sflag:$0x1] =	stream.linear.gather [hbm4b:s13+s2], $0x8000, $0x38;
	[tilespmem:$0x10000] =	vst v63  }
0x134: {  	_ =	swait.ge [sflag:s10], $0x8000  }
0x135: {  	[sflag:s10] =	ssyncset.done $0x0  }
0x136: {  	[sflag:s10] =	ssyncadd.s32 $0xFFFF8000  }
0x137: {  	[hbm4b:s9+s2] =	stream.linear.scatter [tilespmem:s7], [sflag:$0x4], $0x8000, $0x38;
	[tilespmem:$0x10000] =	vst v63  }
0x138: {  	_ =	swait.ge [sflag:s5], $0x8000  }
0x139: {  	[sflag:s5] =	ssyncset.done $0x0  }
0x13a: {  	[sflag:s5] =	ssyncadd.s32 $0xFFFF8000  }
0x13b: {  	[tilespmem:s7], [sflag:$0x2] =	stream.linear.gather [hbm4b:s8+s2], $0x8000, $0x38;
	[tilespmem:$0x10000] =	vst v63  }
0x13c: {  	_ =	swait.ge [sflag:s11], $0x8000  }
0x13d: {  	[sflag:s11] =	ssyncset.done $0x0  }
0x13e: {  	[sflag:s11] =	ssyncadd.s32 $0xFFFF8000  }
0x13f: {  	[hbm4b:s4+s2] =	stream.linear.scatter [tilespmem:s2], [sflag:$0x3], $0x8000, $0x38;
	[tilespmem:$0x10000] =	vst v63  }
0x140: {  	_ =	swait.ge [sflag:s10], $0x8000  }
0x141: {  	[sflag:s10] =	ssyncset.done $0x0  }
0x142: {  	[sflag:s10] =	ssyncadd.s32 $0xFFFF8000  }
0x143: {  	[hbm4b:s3+s2] =	stream.linear.scatter [tilespmem:s7], [sflag:$0x4], $0x8000, $0x38;
	[tilespmem:$0x10000] =	vst v63  }
0x144: {  	_ =	swait.ge [sflag:s6], $0x8000  }
0x145: {  	s1 =	sld [smem:$0x7F1];
	_ =	sdelay $0x2  }
0x146: {  	p1 =	sne.s32 s1, $0x1  }
.Ltmp1:
0x147: {  	_ = 	snop;
	(pc) =	sbr.rel @!p1 .LBB2_3-.Ltmp1, $4  }
0x148: {  	[sflag:s6] =	ssyncset.done $0x0  }
0x149: {  	[sflag:s6] =	ssyncadd.s32 $0xFFFF8000  }
0x14a: {  	p0 =	por $0x1, $0x1;
	_ =	swait.ge [sflag:s5], $0x8000  }
0x14b: {  	s0 =	sadd.s32 $0xFFFFFFFF, s1;
	s1 =	rddreg [dreg:$0x3];
	[sflag:s5] =	ssyncset.done $0x0  }
.LBB2_2:
0x14c: {  	p1 =	sne.s32 s0, $0x1  }
0x14d: {  	s7 =	sadd.s32 $0xFFFFFFFF, s0;
	[sflag:s5] =	ssyncadd.s32 $0xFFFF8000;
	s5 =	simm.s32 $0x8000  }
0x14e: {  	s0 =	smov.u32 s31;
	s31 =	smov.u32 s30;
	s30 =	smov.u32 s29  }
0x14f: {  	s29 =	smov.u32 s28;
	s28 =	smov.u32 s26;
	s26 =	smov.u32 s25  }
0x150: {  	s25 =	smov.u32 s24;
	s24 =	smov.u32 s23;
	s23 =	smov.u32 s22  }
0x151: {  	s22 =	smov.u32 s21;
	s21 =	smov.u32 s20;
	s20 =	smov.u32 s19  }
0x152: {  	s19 =	smov.u32 s18;
	s18 =	smov.u32 s17;
	s17 =	smov.u32 s16  }
0x153: {  	s16 =	smov.u32 s15;
	s15 =	smov.u32 s14;
	s14 =	smov.u32 s13  }
0x154: {  	s13 =	smov.u32 s12;
	s12 =	smov.u32 s9;
	s9 =	smov.u32 s8  }
0x155: {  	[tilespmem:s2], [sflag:$0x1] =	stream.linear.gather [hbm4b:s1+s2], $0x8000, $0x38;
	[tilespmem:$0x10000] =	vst v63  }
0x156: {  	s8 =	smov.u32 s4;
	s4 =	smov.u32 s3;
	s3 =	rddreg [dreg:$0x4]  }
0x157: {  	[tilespmem:s5], [sflag:$0x2] =	stream.linear.gather [hbm4b:s3+s2], $0x8000, $0x38;
	[tilespmem:$0x10000] =	vst v63  }
0x158: {  	s5 =	simm.s32 $0x4;
	s3 =	smov.u32 s4  }
0x159: {  	s4 =	smov.u32 s8;
	s8 =	smov.u32 s9;
	s9 =	smov.u32 s12  }
0x15a: {  	s12 =	smov.u32 s13;
	s13 =	smov.u32 s14;
	s14 =	smov.u32 s15  }
0x15b: {  	s15 =	smov.u32 s16;
	s16 =	smov.u32 s17;
	s17 =	smov.u32 s18  }
0x15c: {  	s18 =	smov.u32 s19;
	s19 =	smov.u32 s20;
	_ =	swait.ge [sflag:s11], $0x8000  }
0x15d: {  	s20 =	smov.u32 s21;
	s21 =	smov.u32 s22;
	[sflag:s11] =	ssyncset.done $0x0  }
0x15e: {  	s22 =	smov.u32 s23;
	s1 =	rddreg [dreg:$0x5];
	[sflag:s11] =	ssyncadd.s32 $0xFFFF8000  }
0x15f: {  	[hbm4b:s1+s2] =	stream.linear.scatter [tilespmem:s2], [sflag:$0x3], $0x8000, $0x38;
	[tilespmem:$0x10000] =	vst v63  }
0x160: {  	s23 =	smov.u32 s24;
	s24 =	smov.u32 s25;
	_ =	swait.ge [sflag:s6], $0x8000  }
0x161: {  	s25 =	smov.u32 s26;
	s26 =	smov.u32 s28;
	[sflag:s6] =	ssyncset.done $0x0  }
0x162: {  	s28 =	smov.u32 s29;
	s1 =	rddreg [dreg:$0x6];
	[sflag:s6] =	ssyncadd.s32 $0xFFFF8000  }
0x163: {  	[tilespmem:s2], [sflag:$0x1] =	stream.linear.gather [hbm4b:s1+s2], $0x8000, $0x38;
	[tilespmem:$0x10000] =	vst v63  }
0x164: {  	s29 =	smov.u32 s30;
	s30 =	smov.u32 s31;
	_ =	swait.ge [sflag:s10], $0x8000  }
0x165: {  	s31 =	smov.u32 s0;
	s0 =	smov.u32 s7;
	[sflag:s10] =	ssyncset.done $0x0  }
0x166: {  	s7 =	simm.s32 $0x8000;
	s1 =	rddreg [dreg:$0x7];
	[sflag:s10] =	ssyncadd.s32 $0xFFFF8000  }
0x167: {  	[hbm4b:s1+s2] =	stream.linear.scatter [tilespmem:s7], [sflag:$0x4], $0x8000, $0x38;
	[tilespmem:$0x10000] =	vst v63  }
0x168: {  	_ =	swait.ge [sflag:s5], $0x8000  }
0x169: {  	[sflag:s5] =	ssyncset.done $0x0  }
0x16a: {  	s1 =	rddreg [dreg:$0x8];
	[sflag:s5] =	ssyncadd.s32 $0xFFFF8000  }
0x16b: {  	[tilespmem:s7], [sflag:$0x2] =	stream.linear.gather [hbm4b:s1+s2], $0x8000, $0x38;
	[tilespmem:$0x10000] =	vst v63  }
0x16c: {  	_ =	swait.ge [sflag:s11], $0x8000  }
0x16d: {  	[sflag:s11] =	ssyncset.done $0x0  }
0x16e: {  	s1 =	rddreg [dreg:$0x9];
	[sflag:s11] =	ssyncadd.s32 $0xFFFF8000  }
0x16f: {  	[hbm4b:s1+s2] =	stream.linear.scatter [tilespmem:s2], [sflag:$0x3], $0x8000, $0x38;
	[tilespmem:$0x10000] =	vst v63  }
0x170: {  	_ =	swait.ge [sflag:s6], $0x8000  }
0x171: {  	[sflag:s6] =	ssyncset.done $0x0  }
0x172: {  	s1 =	rddreg [dreg:$0xa];
	[sflag:s6] =	ssyncadd.s32 $0xFFFF8000  }
0x173: {  	[tilespmem:s2], [sflag:$0x1] =	stream.linear.gather [hbm4b:s1+s2], $0x8000, $0x38;
	[tilespmem:$0x10000] =	vst v63  }
0x174: {  	_ =	swait.ge [sflag:s10], $0x8000  }
0x175: {  	[sflag:s10] =	ssyncset.done $0x0  }
0x176: {  	s1 =	rddreg [dreg:$0xb];
	[sflag:s10] =	ssyncadd.s32 $0xFFFF8000  }
0x177: {  	[hbm4b:s1+s2] =	stream.linear.scatter [tilespmem:s7], [sflag:$0x4], $0x8000, $0x38;
	[tilespmem:$0x10000] =	vst v63  }
0x178: {  	_ =	swait.ge [sflag:s5], $0x8000  }
0x179: {  	[sflag:s5] =	ssyncset.done $0x0  }
0x17a: {  	s1 =	rddreg [dreg:$0xc];
	[sflag:s5] =	ssyncadd.s32 $0xFFFF8000  }
0x17b: {  	[tilespmem:s7], [sflag:$0x2] =	stream.linear.gather [hbm4b:s1+s2], $0x8000, $0x38;
	[tilespmem:$0x10000] =	vst v63  }
0x17c: {  	_ =	swait.ge [sflag:s11], $0x8000  }
0x17d: {  	[sflag:s11] =	ssyncset.done $0x0  }
0x17e: {  	s1 =	rddreg [dreg:$0xd];
	[sflag:s11] =	ssyncadd.s32 $0xFFFF8000  }
0x17f: {  	[hbm4b:s1+s2] =	stream.linear.scatter [tilespmem:s2], [sflag:$0x3], $0x8000, $0x38;
	[tilespmem:$0x10000] =	vst v63  }
0x180: {  	_ =	swait.ge [sflag:s6], $0x8000  }
0x181: {  	[sflag:s6] =	ssyncset.done $0x0  }
0x182: {  	s1 =	rddreg [dreg:$0xe];
	[sflag:s6] =	ssyncadd.s32 $0xFFFF8000  }
0x183: {  	[tilespmem:s2], [sflag:$0x1] =	stream.linear.gather [hbm4b:s1+s2], $0x8000, $0x38;
	[tilespmem:$0x10000] =	vst v63  }
0x184: {  	_ =	swait.ge [sflag:s10], $0x8000  }
0x185: {  	[sflag:s10] =	ssyncset.done $0x0  }
0x186: {  	s1 =	rddreg [dreg:$0xf];
	[sflag:s10] =	ssyncadd.s32 $0xFFFF8000  }
0x187: {  	[hbm4b:s1+s2] =	stream.linear.scatter [tilespmem:s7], [sflag:$0x4], $0x8000, $0x38;
	[tilespmem:$0x10000] =	vst v63  }
0x188: {  	_ =	swait.ge [sflag:s5], $0x8000  }
0x189: {  	[sflag:s5] =	ssyncset.done $0x0  }
0x18a: {  	s1 =	rddreg [dreg:$0x10];
	[sflag:s5] =	ssyncadd.s32 $0xFFFF8000  }
0x18b: {  	[tilespmem:s7], [sflag:$0x2] =	stream.linear.gather [hbm4b:s1+s2], $0x8000, $0x38;
	[tilespmem:$0x10000] =	vst v63  }
0x18c: {  	_ =	swait.ge [sflag:s11], $0x8000  }
0x18d: {  	[sflag:s11] =	ssyncset.done $0x0  }
0x18e: {  	s1 =	rddreg [dreg:$0x11];
	[sflag:s11] =	ssyncadd.s32 $0xFFFF8000  }
0x18f: {  	[hbm4b:s1+s2] =	stream.linear.scatter [tilespmem:s2], [sflag:$0x3], $0x8000, $0x38;
	[tilespmem:$0x10000] =	vst v63  }
0x190: {  	_ =	swait.ge [sflag:s6], $0x8000  }
0x191: {  	[sflag:s6] =	ssyncset.done $0x0  }
0x192: {  	s1 =	rddreg [dreg:$0x12];
	[sflag:s6] =	ssyncadd.s32 $0xFFFF8000  }
0x193: {  	[tilespmem:s2], [sflag:$0x1] =	stream.linear.gather [hbm4b:s1+s2], $0x8000, $0x38;
	[tilespmem:$0x10000] =	vst v63  }
0x194: {  	_ =	swait.ge [sflag:s10], $0x8000  }
0x195: {  	[sflag:s10] =	ssyncset.done $0x0  }
0x196: {  	s1 =	rddreg [dreg:$0x13];
	[sflag:s10] =	ssyncadd.s32 $0xFFFF8000  }
0x197: {  	[hbm4b:s1+s2] =	stream.linear.scatter [tilespmem:s7], [sflag:$0x4], $0x8000, $0x38;
	[tilespmem:$0x10000] =	vst v63  }
0x198: {  	_ =	swait.ge [sflag:s5], $0x8000  }
0x199: {  	[sflag:s5] =	ssyncset.done $0x0  }
0x19a: {  	s1 =	rddreg [dreg:$0x14];
	[sflag:s5] =	ssyncadd.s32 $0xFFFF8000  }
0x19b: {  	[tilespmem:s7], [sflag:$0x2] =	stream.linear.gather [hbm4b:s1+s2], $0x8000, $0x38;
	[tilespmem:$0x10000] =	vst v63  }
0x19c: {  	_ =	swait.ge [sflag:s11], $0x8000  }
0x19d: {  	[sflag:s11] =	ssyncset.done $0x0  }
0x19e: {  	s1 =	rddreg [dreg:$0x15];
	[sflag:s11] =	ssyncadd.s32 $0xFFFF8000  }
0x19f: {  	[hbm4b:s1+s2] =	stream.linear.scatter [tilespmem:s2], [sflag:$0x3], $0x8000, $0x38;
	[tilespmem:$0x10000] =	vst v63  }
0x1a0: {  	_ =	swait.ge [sflag:s6], $0x8000  }
0x1a1: {  	[sflag:s6] =	ssyncset.done $0x0  }
0x1a2: {  	s1 =	rddreg [dreg:$0x16];
	[sflag:s6] =	ssyncadd.s32 $0xFFFF8000  }
0x1a3: {  	[tilespmem:s2], [sflag:$0x1] =	stream.linear.gather [hbm4b:s1+s2], $0x8000, $0x38;
	[tilespmem:$0x10000] =	vst v63  }
0x1a4: {  	_ =	swait.ge [sflag:s10], $0x8000  }
0x1a5: {  	[sflag:s10] =	ssyncset.done $0x0  }
0x1a6: {  	s1 =	rddreg [dreg:$0x17];
	[sflag:s10] =	ssyncadd.s32 $0xFFFF8000  }
0x1a7: {  	[hbm4b:s1+s2] =	stream.linear.scatter [tilespmem:s7], [sflag:$0x4], $0x8000, $0x38;
	[tilespmem:$0x10000] =	vst v63  }
0x1a8: {  	_ =	swait.ge [sflag:s5], $0x8000  }
0x1a9: {  	[sflag:s5] =	ssyncset.done $0x0  }
0x1aa: {  	s1 =	rddreg [dreg:$0x18];
	[sflag:s5] =	ssyncadd.s32 $0xFFFF8000  }
0x1ab: {  	[tilespmem:s7], [sflag:$0x2] =	stream.linear.gather [hbm4b:s1+s2], $0x8000, $0x38;
	[tilespmem:$0x10000] =	vst v63  }
0x1ac: {  	_ =	swait.ge [sflag:s11], $0x8000  }
0x1ad: {  	[sflag:s11] =	ssyncset.done $0x0  }
0x1ae: {  	s1 =	rddreg [dreg:$0x19];
	[sflag:s11] =	ssyncadd.s32 $0xFFFF8000  }
0x1af: {  	[hbm4b:s1+s2] =	stream.linear.scatter [tilespmem:s2], [sflag:$0x3], $0x8000, $0x38;
	[tilespmem:$0x10000] =	vst v63  }
0x1b0: {  	_ =	swait.ge [sflag:s6], $0x8000  }
0x1b1: {  	[sflag:s6] =	ssyncset.done $0x0  }
0x1b2: {  	s1 =	rddreg [dreg:$0x1a];
	[sflag:s6] =	ssyncadd.s32 $0xFFFF8000  }
0x1b3: {  	[tilespmem:s2], [sflag:$0x1] =	stream.linear.gather [hbm4b:s1+s2], $0x8000, $0x38;
	[tilespmem:$0x10000] =	vst v63  }
0x1b4: {  	_ =	swait.ge [sflag:s10], $0x8000  }
0x1b5: {  	[sflag:s10] =	ssyncset.done $0x0  }
0x1b6: {  	s1 =	rddreg [dreg:$0x1b];
	[sflag:s10] =	ssyncadd.s32 $0xFFFF8000  }
0x1b7: {  	[hbm4b:s1+s2] =	stream.linear.scatter [tilespmem:s7], [sflag:$0x4], $0x8000, $0x38;
	[tilespmem:$0x10000] =	vst v63  }
0x1b8: {  	_ =	swait.ge [sflag:s5], $0x8000  }
0x1b9: {  	[sflag:s5] =	ssyncset.done $0x0  }
0x1ba: {  	s1 =	rddreg [dreg:$0x1c];
	[sflag:s5] =	ssyncadd.s32 $0xFFFF8000  }
0x1bb: {  	[tilespmem:s7], [sflag:$0x2] =	stream.linear.gather [hbm4b:s1+s2], $0x8000, $0x38;
	[tilespmem:$0x10000] =	vst v63  }
0x1bc: {  	_ =	swait.ge [sflag:s11], $0x8000  }
0x1bd: {  	[sflag:s11] =	ssyncset.done $0x0  }
0x1be: {  	s1 =	rddreg [dreg:$0x1d];
	[sflag:s11] =	ssyncadd.s32 $0xFFFF8000  }
0x1bf: {  	[hbm4b:s1+s2] =	stream.linear.scatter [tilespmem:s2], [sflag:$0x3], $0x8000, $0x38;
	[tilespmem:$0x10000] =	vst v63  }
0x1c0: {  	_ =	swait.ge [sflag:s6], $0x8000  }
0x1c1: {  	[sflag:s6] =	ssyncset.done $0x0  }
0x1c2: {  	s1 =	rddreg [dreg:$0x1e];
	[sflag:s6] =	ssyncadd.s32 $0xFFFF8000  }
0x1c3: {  	[tilespmem:s2], [sflag:$0x1] =	stream.linear.gather [hbm4b:s1+s2], $0x8000, $0x38;
	[tilespmem:$0x10000] =	vst v63  }
0x1c4: {  	_ =	swait.ge [sflag:s10], $0x8000  }
0x1c5: {  	[sflag:s10] =	ssyncset.done $0x0  }
0x1c6: {  	s1 =	rddreg [dreg:$0x1f];
	[sflag:s10] =	ssyncadd.s32 $0xFFFF8000  }
0x1c7: {  	[hbm4b:s1+s2] =	stream.linear.scatter [tilespmem:s7], [sflag:$0x4], $0x8000, $0x38;
	[tilespmem:$0x10000] =	vst v63  }
0x1c8: {  	_ =	swait.ge [sflag:s5], $0x8000  }
0x1c9: {  	s1 =	sld [smem:$0x7F2]  }
0x1ca: {  	[sflag:s5] =	ssyncset.done $0x0  }
0x1cb: {  	[sflag:s5] =	ssyncadd.s32 $0xFFFF8000  }
0x1cc: {  	[tilespmem:s7], [sflag:$0x2] =	stream.linear.gather [hbm4b:s1+s2], $0x8000, $0x38;
	[tilespmem:$0x10000] =	vst v63  }
0x1cd: {  	_ =	swait.ge [sflag:s11], $0x8000  }
0x1ce: {  	s1 =	sld [smem:$0x7F3]  }
0x1cf: {  	[sflag:s11] =	ssyncset.done $0x0  }
0x1d0: {  	[sflag:s11] =	ssyncadd.s32 $0xFFFF8000  }
0x1d1: {  	[hbm4b:s1+s2] =	stream.linear.scatter [tilespmem:s2], [sflag:$0x3], $0x8000, $0x38;
	[tilespmem:$0x10000] =	vst v63  }
0x1d2: {  	_ =	swait.ge [sflag:s6], $0x8000  }
0x1d3: {  	s1 =	sld [smem:$0x7F4]  }
0x1d4: {  	[sflag:s6] =	ssyncset.done $0x0  }
0x1d5: {  	[sflag:s6] =	ssyncadd.s32 $0xFFFF8000  }
0x1d6: {  	[tilespmem:s2], [sflag:$0x1] =	stream.linear.gather [hbm4b:s1+s2], $0x8000, $0x38;
	[tilespmem:$0x10000] =	vst v63  }
0x1d7: {  	_ =	swait.ge [sflag:s10], $0x8000  }
0x1d8: {  	s1 =	sld [smem:$0x7F5]  }
0x1d9: {  	[sflag:s10] =	ssyncset.done $0x0  }
0x1da: {  	[sflag:s10] =	ssyncadd.s32 $0xFFFF8000  }
0x1db: {  	[hbm4b:s1+s2] =	stream.linear.scatter [tilespmem:s7], [sflag:$0x4], $0x8000, $0x38;
	[tilespmem:$0x10000] =	vst v63  }
0x1dc: {  	_ =	swait.ge [sflag:s5], $0x8000  }
0x1dd: {  	s1 =	sld [smem:$0x7F6]  }
0x1de: {  	[sflag:s5] =	ssyncset.done $0x0  }
0x1df: {  	[sflag:s5] =	ssyncadd.s32 $0xFFFF8000  }
0x1e0: {  	[tilespmem:s7], [sflag:$0x2] =	stream.linear.gather [hbm4b:s1+s2], $0x8000, $0x38;
	[tilespmem:$0x10000] =	vst v63  }
0x1e1: {  	_ =	swait.ge [sflag:s11], $0x8000  }
0x1e2: {  	s1 =	sld [smem:$0x7F7]  }
0x1e3: {  	[sflag:s11] =	ssyncset.done $0x0  }
0x1e4: {  	[sflag:s11] =	ssyncadd.s32 $0xFFFF8000  }
0x1e5: {  	[hbm4b:s1+s2] =	stream.linear.scatter [tilespmem:s2], [sflag:$0x3], $0x8000, $0x38;
	[tilespmem:$0x10000] =	vst v63  }
0x1e6: {  	_ =	swait.ge [sflag:s6], $0x8000  }
0x1e7: {  	s1 =	sld [smem:$0x7F8]  }
0x1e8: {  	[sflag:s6] =	ssyncset.done $0x0  }
0x1e9: {  	[sflag:s6] =	ssyncadd.s32 $0xFFFF8000  }
0x1ea: {  	[tilespmem:s2], [sflag:$0x1] =	stream.linear.gather [hbm4b:s1+s2], $0x8000, $0x38;
	[tilespmem:$0x10000] =	vst v63  }
0x1eb: {  	_ =	swait.ge [sflag:s10], $0x8000  }
0x1ec: {  	s1 =	sld [smem:$0x7F9]  }
0x1ed: {  	[sflag:s10] =	ssyncset.done $0x0  }
0x1ee: {  	[sflag:s10] =	ssyncadd.s32 $0xFFFF8000  }
0x1ef: {  	[hbm4b:s1+s2] =	stream.linear.scatter [tilespmem:s7], [sflag:$0x4], $0x8000, $0x38;
	[tilespmem:$0x10000] =	vst v63  }
0x1f0: {  	_ =	swait.ge [sflag:s5], $0x8000  }
0x1f1: {  	s1 =	sld [smem:$0x7FA]  }
0x1f2: {  	[sflag:s5] =	ssyncset.done $0x0  }
0x1f3: {  	[sflag:s5] =	ssyncadd.s32 $0xFFFF8000  }
0x1f4: {  	[tilespmem:s7], [sflag:$0x2] =	stream.linear.gather [hbm4b:s1+s2], $0x8000, $0x38;
	[tilespmem:$0x10000] =	vst v63  }
0x1f5: {  	_ =	swait.ge [sflag:s11], $0x8000  }
0x1f6: {  	s1 =	sld [smem:$0x7FB]  }
0x1f7: {  	[sflag:s11] =	ssyncset.done $0x0  }
0x1f8: {  	[sflag:s11] =	ssyncadd.s32 $0xFFFF8000  }
0x1f9: {  	[hbm4b:s1+s2] =	stream.linear.scatter [tilespmem:s2], [sflag:$0x3], $0x8000, $0x38;
	[tilespmem:$0x10000] =	vst v63  }
0x1fa: {  	_ =	swait.ge [sflag:s6], $0x8000  }
0x1fb: {  	s1 =	sld [smem:$0x7FC]  }
0x1fc: {  	[sflag:s6] =	ssyncset.done $0x0  }
0x1fd: {  	[sflag:s6] =	ssyncadd.s32 $0xFFFF8000  }
0x1fe: {  	[tilespmem:s2], [sflag:$0x1] =	stream.linear.gather [hbm4b:s1+s2], $0x8000, $0x38;
	[tilespmem:$0x10000] =	vst v63  }
0x1ff: {  	_ =	swait.ge [sflag:s10], $0x8000  }
0x200: {  	s1 =	sld [smem:$0x7FD]  }
0x201: {  	[sflag:s10] =	ssyncset.done $0x0  }
0x202: {  	[sflag:s10] =	ssyncadd.s32 $0xFFFF8000  }
0x203: {  	[hbm4b:s1+s2] =	stream.linear.scatter [tilespmem:s7], [sflag:$0x4], $0x8000, $0x38;
	[tilespmem:$0x10000] =	vst v63  }
0x204: {  	_ =	swait.ge [sflag:s5], $0x8000  }
0x205: {  	[sflag:s5] =	ssyncset.done $0x0  }
0x206: {  	[sflag:s5] =	ssyncadd.s32 $0xFFFF8000  }
0x207: {  	[tilespmem:s7], [sflag:$0x2] =	stream.linear.gather [hbm4b:s31+s2], $0x8000, $0x38;
	[tilespmem:$0x10000] =	vst v63  }
0x208: {  	_ =	swait.ge [sflag:s11], $0x8000  }
0x209: {  	[sflag:s11] =	ssyncset.done $0x0  }
0x20a: {  	[sflag:s11] =	ssyncadd.s32 $0xFFFF8000  }
0x20b: {  	[hbm4b:s30+s2] =	stream.linear.scatter [tilespmem:s2], [sflag:$0x3], $0x8000, $0x38;
	[tilespmem:$0x10000] =	vst v63  }
0x20c: {  	_ =	swait.ge [sflag:s6], $0x8000  }
0x20d: {  	[sflag:s6] =	ssyncset.done $0x0  }
0x20e: {  	[sflag:s6] =	ssyncadd.s32 $0xFFFF8000  }
0x20f: {  	[tilespmem:s2], [sflag:$0x1] =	stream.linear.gather [hbm4b:s29+s2], $0x8000, $0x38;
	[tilespmem:$0x10000] =	vst v63  }
0x210: {  	_ =	swait.ge [sflag:s10], $0x8000  }
0x211: {  	[sflag:s10] =	ssyncset.done $0x0  }
0x212: {  	[sflag:s10] =	ssyncadd.s32 $0xFFFF8000  }
0x213: {  	[hbm4b:s28+s2] =	stream.linear.scatter [tilespmem:s7], [sflag:$0x4], $0x8000, $0x38;
	[tilespmem:$0x10000] =	vst v63  }
0x214: {  	_ =	swait.ge [sflag:s5], $0x8000  }
0x215: {  	[sflag:s5] =	ssyncset.done $0x0  }
0x216: {  	[sflag:s5] =	ssyncadd.s32 $0xFFFF8000  }
0x217: {  	[tilespmem:s7], [sflag:$0x2] =	stream.linear.gather [hbm4b:s26+s2], $0x8000, $0x38;
	[tilespmem:$0x10000] =	vst v63  }
0x218: {  	_ =	swait.ge [sflag:s11], $0x8000  }
0x219: {  	[sflag:s11] =	ssyncset.done $0x0  }
0x21a: {  	[sflag:s11] =	ssyncadd.s32 $0xFFFF8000  }
0x21b: {  	[hbm4b:s25+s2] =	stream.linear.scatter [tilespmem:s2], [sflag:$0x3], $0x8000, $0x38;
	[tilespmem:$0x10000] =	vst v63  }
0x21c: {  	_ =	swait.ge [sflag:s6], $0x8000  }
0x21d: {  	[sflag:s6] =	ssyncset.done $0x0  }
0x21e: {  	[sflag:s6] =	ssyncadd.s32 $0xFFFF8000  }
0x21f: {  	[tilespmem:s2], [sflag:$0x1] =	stream.linear.gather [hbm4b:s24+s2], $0x8000, $0x38;
	[tilespmem:$0x10000] =	vst v63  }
0x220: {  	_ =	swait.ge [sflag:s10], $0x8000  }
0x221: {  	[sflag:s10] =	ssyncset.done $0x0  }
0x222: {  	[sflag:s10] =	ssyncadd.s32 $0xFFFF8000  }
0x223: {  	[hbm4b:s23+s2] =	stream.linear.scatter [tilespmem:s7], [sflag:$0x4], $0x8000, $0x38;
	[tilespmem:$0x10000] =	vst v63  }
0x224: {  	_ =	swait.ge [sflag:s5], $0x8000  }
0x225: {  	[sflag:s5] =	ssyncset.done $0x0  }
0x226: {  	[sflag:s5] =	ssyncadd.s32 $0xFFFF8000  }
0x227: {  	[tilespmem:s7], [sflag:$0x2] =	stream.linear.gather [hbm4b:s22+s2], $0x8000, $0x38;
	[tilespmem:$0x10000] =	vst v63  }
0x228: {  	_ =	swait.ge [sflag:s11], $0x8000  }
0x229: {  	[sflag:s11] =	ssyncset.done $0x0  }
0x22a: {  	[sflag:s11] =	ssyncadd.s32 $0xFFFF8000  }
0x22b: {  	[hbm4b:s21+s2] =	stream.linear.scatter [tilespmem:s2], [sflag:$0x3], $0x8000, $0x38;
	[tilespmem:$0x10000] =	vst v63  }
0x22c: {  	_ =	swait.ge [sflag:s6], $0x8000  }
0x22d: {  	[sflag:s6] =	ssyncset.done $0x0  }
0x22e: {  	[sflag:s6] =	ssyncadd.s32 $0xFFFF8000  }
0x22f: {  	[tilespmem:s2], [sflag:$0x1] =	stream.linear.gather [hbm4b:s20+s2], $0x8000, $0x38;
	[tilespmem:$0x10000] =	vst v63  }
0x230: {  	_ =	swait.ge [sflag:s10], $0x8000  }
0x231: {  	[sflag:s10] =	ssyncset.done $0x0  }
0x232: {  	[sflag:s10] =	ssyncadd.s32 $0xFFFF8000  }
0x233: {  	[hbm4b:s19+s2] =	stream.linear.scatter [tilespmem:s7], [sflag:$0x4], $0x8000, $0x38;
	[tilespmem:$0x10000] =	vst v63  }
0x234: {  	_ =	swait.ge [sflag:s5], $0x8000  }
0x235: {  	[sflag:s5] =	ssyncset.done $0x0  }
0x236: {  	[sflag:s5] =	ssyncadd.s32 $0xFFFF8000  }
0x237: {  	[tilespmem:s7], [sflag:$0x2] =	stream.linear.gather [hbm4b:s18+s2], $0x8000, $0x38;
	[tilespmem:$0x10000] =	vst v63  }
0x238: {  	_ =	swait.ge [sflag:s11], $0x8000  }
0x239: {  	[sflag:s11] =	ssyncset.done $0x0  }
0x23a: {  	[sflag:s11] =	ssyncadd.s32 $0xFFFF8000  }
0x23b: {  	[hbm4b:s17+s2] =	stream.linear.scatter [tilespmem:s2], [sflag:$0x3], $0x8000, $0x38;
	[tilespmem:$0x10000] =	vst v63  }
0x23c: {  	_ =	swait.ge [sflag:s6], $0x8000  }
0x23d: {  	[sflag:s6] =	ssyncset.done $0x0  }
0x23e: {  	[sflag:s6] =	ssyncadd.s32 $0xFFFF8000  }
0x23f: {  	[tilespmem:s2], [sflag:$0x1] =	stream.linear.gather [hbm4b:s16+s2], $0x8000, $0x38;
	[tilespmem:$0x10000] =	vst v63  }
0x240: {  	_ =	swait.ge [sflag:s10], $0x8000  }
0x241: {  	[sflag:s10] =	ssyncset.done $0x0  }
0x242: {  	[sflag:s10] =	ssyncadd.s32 $0xFFFF8000  }
0x243: {  	[hbm4b:s14+s2] =	stream.linear.scatter [tilespmem:s7], [sflag:$0x4], $0x8000, $0x38;
	[tilespmem:$0x10000] =	vst v63  }
0x244: {  	_ =	swait.ge [sflag:s5], $0x8000  }
0x245: {  	[sflag:s5] =	ssyncset.done $0x0  }
0x246: {  	[sflag:s5] =	ssyncadd.s32 $0xFFFF8000  }
0x247: {  	[tilespmem:s7], [sflag:$0x2] =	stream.linear.gather [hbm4b:s15+s2], $0x8000, $0x38;
	[tilespmem:$0x10000] =	vst v63  }
0x248: {  	_ =	swait.ge [sflag:s11], $0x8000  }
0x249: {  	[sflag:s11] =	ssyncset.done $0x0  }
0x24a: {  	[sflag:s11] =	ssyncadd.s32 $0xFFFF8000  }
0x24b: {  	[hbm4b:s12+s2] =	stream.linear.scatter [tilespmem:s2], [sflag:$0x3], $0x8000, $0x38;
	[tilespmem:$0x10000] =	vst v63  }
0x24c: {  	_ =	swait.ge [sflag:s6], $0x8000  }
0x24d: {  	[sflag:s6] =	ssyncset.done $0x0  }
0x24e: {  	[sflag:s6] =	ssyncadd.s32 $0xFFFF8000  }
0x24f: {  	[tilespmem:s2], [sflag:$0x1] =	stream.linear.gather [hbm4b:s13+s2], $0x8000, $0x38;
	[tilespmem:$0x10000] =	vst v63  }
0x250: {  	_ =	swait.ge [sflag:s10], $0x8000  }
0x251: {  	[sflag:s10] =	ssyncset.done $0x0  }
0x252: {  	[sflag:s10] =	ssyncadd.s32 $0xFFFF8000  }
0x253: {  	[hbm4b:s9+s2] =	stream.linear.scatter [tilespmem:s7], [sflag:$0x4], $0x8000, $0x38;
	[tilespmem:$0x10000] =	vst v63  }
0x254: {  	_ =	swait.ge [sflag:s5], $0x8000  }
0x255: {  	[sflag:s5] =	ssyncset.done $0x0  }
0x256: {  	[sflag:s5] =	ssyncadd.s32 $0xFFFF8000  }
0x257: {  	[tilespmem:s7], [sflag:$0x2] =	stream.linear.gather [hbm4b:s8+s2], $0x8000, $0x38;
	[tilespmem:$0x10000] =	vst v63  }
0x258: {  	_ =	swait.ge [sflag:s11], $0x8000  }
0x259: {  	[sflag:s11] =	ssyncset.done $0x0  }
0x25a: {  	[sflag:s11] =	ssyncadd.s32 $0xFFFF8000  }
0x25b: {  	[hbm4b:s4+s2] =	stream.linear.scatter [tilespmem:s2], [sflag:$0x3], $0x8000, $0x38;
	[tilespmem:$0x10000] =	vst v63  }
0x25c: {  	_ =	swait.ge [sflag:s10], $0x8000  }
0x25d: {  	[sflag:s10] =	ssyncset.done $0x0  }
0x25e: {  	[sflag:s10] =	ssyncadd.s32 $0xFFFF8000  }
0x25f: {  	[hbm4b:s3+s2] =	stream.linear.scatter [tilespmem:s7], [sflag:$0x4], $0x8000, $0x38;
	[tilespmem:$0x10000] =	vst v63  }
.Ltmp2:
0x260: {  	_ =	swait.ge [sflag:s6], $0x8000;
	(pc) =	sbr.rel @p1 .LBB2_2-.Ltmp2, $4  }
0x261: {  	[sflag:s6] =	ssyncset.done $0x0  }
0x262: {  	[sflag:s6] =	ssyncadd.s32 $0xFFFF8000  }
0x263: {  	_ =	swait.ge [sflag:s5], $0x8000  }
0x264: {  	s1 =	rddreg [dreg:$0x3];
	[sflag:s5] =	ssyncset.done $0x0  }
.LBB2_3:
0x265: {  	[sflag:s5] =	ssyncadd.s32 @p0 $0xFFFF8000  }
0x266: {  	[tilespmem:s2], [sflag:$0x1] =	stream.linear.gather [hbm4b:s1+s2], $0x8000, $0x38;
	[tilespmem:$0x10000] =	vst v63  }
0x267: {  	s0 =	rddreg [dreg:$0x4]  }
0x268: {  	[tilespmem:s7], [sflag:$0x2] =	stream.linear.gather [hbm4b:s0+s2], $0x8000, $0x38;
	[tilespmem:$0x10000] =	vst v63  }
0x269: {  	_ =	swait.ge [sflag:s11], $0x8000  }
0x26a: {  	[sflag:s11] =	ssyncset.done $0x0  }
0x26b: {  	s1 =	rddreg [dreg:$0x5];
	[sflag:s11] =	ssyncadd.s32 $0xFFFF8000  }
0x26c: {  	[hbm4b:s1+s2] =	stream.linear.scatter [tilespmem:s2], [sflag:$0x3], $0x8000, $0x38;
	[tilespmem:$0x10000] =	vst v63  }
0x26d: {  	_ =	swait.ge [sflag:s6], $0x8000  }
0x26e: {  	[sflag:s6] =	ssyncset.done $0x0  }
0x26f: {  	s1 =	rddreg [dreg:$0x6];
	[sflag:s6] =	ssyncadd.s32 $0xFFFF8000  }
0x270: {  	[tilespmem:s2], [sflag:$0x1] =	stream.linear.gather [hbm4b:s1+s2], $0x8000, $0x38;
	[tilespmem:$0x10000] =	vst v63  }
0x271: {  	_ =	swait.ge [sflag:s10], $0x8000  }
0x272: {  	[sflag:s10] =	ssyncset.done $0x0  }
0x273: {  	s1 =	rddreg [dreg:$0x7];
	[sflag:s10] =	ssyncadd.s32 $0xFFFF8000  }
0x274: {  	[hbm4b:s1+s2] =	stream.linear.scatter [tilespmem:s7], [sflag:$0x4], $0x8000, $0x38;
	[tilespmem:$0x10000] =	vst v63  }
0x275: {  	_ =	swait.ge [sflag:s5], $0x8000  }
0x276: {  	[sflag:s5] =	ssyncset.done $0x0  }
0x277: {  	s1 =	rddreg [dreg:$0x8];
	[sflag:s5] =	ssyncadd.s32 $0xFFFF8000  }
0x278: {  	[tilespmem:s7], [sflag:$0x2] =	stream.linear.gather [hbm4b:s1+s2], $0x8000, $0x38;
	[tilespmem:$0x10000] =	vst v63  }
0x279: {  	_ =	swait.ge [sflag:s11], $0x8000  }
0x27a: {  	[sflag:s11] =	ssyncset.done $0x0  }
0x27b: {  	s1 =	rddreg [dreg:$0x9];
	[sflag:s11] =	ssyncadd.s32 $0xFFFF8000  }
0x27c: {  	[hbm4b:s1+s2] =	stream.linear.scatter [tilespmem:s2], [sflag:$0x3], $0x8000, $0x38;
	[tilespmem:$0x10000] =	vst v63  }
0x27d: {  	_ =	swait.ge [sflag:s6], $0x8000  }
0x27e: {  	[sflag:s6] =	ssyncset.done $0x0  }
0x27f: {  	s1 =	rddreg [dreg:$0xa];
	[sflag:s6] =	ssyncadd.s32 $0xFFFF8000  }
0x280: {  	[tilespmem:s2], [sflag:$0x1] =	stream.linear.gather [hbm4b:s1+s2], $0x8000, $0x38;
	[tilespmem:$0x10000] =	vst v63  }
0x281: {  	_ =	swait.ge [sflag:s10], $0x8000  }
0x282: {  	[sflag:s10] =	ssyncset.done $0x0  }
0x283: {  	s1 =	rddreg [dreg:$0xb];
	[sflag:s10] =	ssyncadd.s32 $0xFFFF8000  }
0x284: {  	[hbm4b:s1+s2] =	stream.linear.scatter [tilespmem:s7], [sflag:$0x4], $0x8000, $0x38;
	[tilespmem:$0x10000] =	vst v63  }
0x285: {  	_ =	swait.ge [sflag:s5], $0x8000  }
0x286: {  	[sflag:s5] =	ssyncset.done $0x0  }
0x287: {  	s1 =	rddreg [dreg:$0xc];
	[sflag:s5] =	ssyncadd.s32 $0xFFFF8000  }
0x288: {  	[tilespmem:s7], [sflag:$0x2] =	stream.linear.gather [hbm4b:s1+s2], $0x8000, $0x38;
	[tilespmem:$0x10000] =	vst v63  }
0x289: {  	_ =	swait.ge [sflag:s11], $0x8000  }
0x28a: {  	[sflag:s11] =	ssyncset.done $0x0  }
0x28b: {  	s1 =	rddreg [dreg:$0xd];
	[sflag:s11] =	ssyncadd.s32 $0xFFFF8000  }
0x28c: {  	[hbm4b:s1+s2] =	stream.linear.scatter [tilespmem:s2], [sflag:$0x3], $0x8000, $0x38;
	[tilespmem:$0x10000] =	vst v63  }
0x28d: {  	_ =	swait.ge [sflag:s6], $0x8000  }
0x28e: {  	[sflag:s6] =	ssyncset.done $0x0  }
0x28f: {  	s1 =	rddreg [dreg:$0xe];
	[sflag:s6] =	ssyncadd.s32 $0xFFFF8000  }
0x290: {  	[tilespmem:s2], [sflag:$0x1] =	stream.linear.gather [hbm4b:s1+s2], $0x8000, $0x38;
	[tilespmem:$0x10000] =	vst v63  }
0x291: {  	_ =	swait.ge [sflag:s10], $0x8000  }
0x292: {  	[sflag:s10] =	ssyncset.done $0x0  }
0x293: {  	s1 =	rddreg [dreg:$0xf];
	[sflag:s10] =	ssyncadd.s32 $0xFFFF8000  }
0x294: {  	[hbm4b:s1+s2] =	stream.linear.scatter [tilespmem:s7], [sflag:$0x4], $0x8000, $0x38;
	[tilespmem:$0x10000] =	vst v63  }
0x295: {  	_ =	swait.ge [sflag:s5], $0x8000  }
0x296: {  	[sflag:s5] =	ssyncset.done $0x0  }
0x297: {  	s1 =	rddreg [dreg:$0x10];
	[sflag:s5] =	ssyncadd.s32 $0xFFFF8000  }
0x298: {  	[tilespmem:s7], [sflag:$0x2] =	stream.linear.gather [hbm4b:s1+s2], $0x8000, $0x38;
	[tilespmem:$0x10000] =	vst v63  }
0x299: {  	_ =	swait.ge [sflag:s11], $0x8000  }
0x29a: {  	[sflag:s11] =	ssyncset.done $0x0  }
0x29b: {  	s1 =	rddreg [dreg:$0x11];
	[sflag:s11] =	ssyncadd.s32 $0xFFFF8000  }
0x29c: {  	[hbm4b:s1+s2] =	stream.linear.scatter [tilespmem:s2], [sflag:$0x3], $0x8000, $0x38;
	[tilespmem:$0x10000] =	vst v63  }
0x29d: {  	_ =	swait.ge [sflag:s6], $0x8000  }
0x29e: {  	[sflag:s6] =	ssyncset.done $0x0  }
0x29f: {  	s1 =	rddreg [dreg:$0x12];
	[sflag:s6] =	ssyncadd.s32 $0xFFFF8000  }
0x2a0: {  	[tilespmem:s2], [sflag:$0x1] =	stream.linear.gather [hbm4b:s1+s2], $0x8000, $0x38;
	[tilespmem:$0x10000] =	vst v63  }
0x2a1: {  	_ =	swait.ge [sflag:s10], $0x8000  }
0x2a2: {  	[sflag:s10] =	ssyncset.done $0x0  }
0x2a3: {  	s1 =	rddreg [dreg:$0x13];
	[sflag:s10] =	ssyncadd.s32 $0xFFFF8000  }
0x2a4: {  	[hbm4b:s1+s2] =	stream.linear.scatter [tilespmem:s7], [sflag:$0x4], $0x8000, $0x38;
	[tilespmem:$0x10000] =	vst v63  }
0x2a5: {  	_ =	swait.ge [sflag:s5], $0x8000  }
0x2a6: {  	[sflag:s5] =	ssyncset.done $0x0  }
0x2a7: {  	s1 =	rddreg [dreg:$0x14];
	[sflag:s5] =	ssyncadd.s32 $0xFFFF8000  }
0x2a8: {  	[tilespmem:s7], [sflag:$0x2] =	stream.linear.gather [hbm4b:s1+s2], $0x8000, $0x38;
	[tilespmem:$0x10000] =	vst v63  }
0x2a9: {  	_ =	swait.ge [sflag:s11], $0x8000  }
0x2aa: {  	[sflag:s11] =	ssyncset.done $0x0  }
0x2ab: {  	s1 =	rddreg [dreg:$0x15];
	[sflag:s11] =	ssyncadd.s32 $0xFFFF8000  }
0x2ac: {  	[hbm4b:s1+s2] =	stream.linear.scatter [tilespmem:s2], [sflag:$0x3], $0x8000, $0x38;
	[tilespmem:$0x10000] =	vst v63  }
0x2ad: {  	_ =	swait.ge [sflag:s6], $0x8000  }
0x2ae: {  	[sflag:s6] =	ssyncset.done $0x0  }
0x2af: {  	s1 =	rddreg [dreg:$0x16];
	[sflag:s6] =	ssyncadd.s32 $0xFFFF8000  }
0x2b0: {  	[tilespmem:s2], [sflag:$0x1] =	stream.linear.gather [hbm4b:s1+s2], $0x8000, $0x38;
	[tilespmem:$0x10000] =	vst v63  }
0x2b1: {  	_ =	swait.ge [sflag:s10], $0x8000  }
0x2b2: {  	[sflag:s10] =	ssyncset.done $0x0  }
0x2b3: {  	s1 =	rddreg [dreg:$0x17];
	[sflag:s10] =	ssyncadd.s32 $0xFFFF8000  }
0x2b4: {  	[hbm4b:s1+s2] =	stream.linear.scatter [tilespmem:s7], [sflag:$0x4], $0x8000, $0x38;
	[tilespmem:$0x10000] =	vst v63  }
0x2b5: {  	_ =	swait.ge [sflag:s5], $0x8000  }
0x2b6: {  	[sflag:s5] =	ssyncset.done $0x0  }
0x2b7: {  	s1 =	rddreg [dreg:$0x18];
	[sflag:s5] =	ssyncadd.s32 $0xFFFF8000  }
0x2b8: {  	[tilespmem:s7], [sflag:$0x2] =	stream.linear.gather [hbm4b:s1+s2], $0x8000, $0x38;
	[tilespmem:$0x10000] =	vst v63  }
0x2b9: {  	_ =	swait.ge [sflag:s11], $0x8000  }
0x2ba: {  	[sflag:s11] =	ssyncset.done $0x0  }
0x2bb: {  	s1 =	rddreg [dreg:$0x19];
	[sflag:s11] =	ssyncadd.s32 $0xFFFF8000  }
0x2bc: {  	[hbm4b:s1+s2] =	stream.linear.scatter [tilespmem:s2], [sflag:$0x3], $0x8000, $0x38;
	[tilespmem:$0x10000] =	vst v63  }
0x2bd: {  	_ =	swait.ge [sflag:s6], $0x8000  }
0x2be: {  	[sflag:s6] =	ssyncset.done $0x0  }
0x2bf: {  	s1 =	rddreg [dreg:$0x1a];
	[sflag:s6] =	ssyncadd.s32 $0xFFFF8000  }
0x2c0: {  	[tilespmem:s2], [sflag:$0x1] =	stream.linear.gather [hbm4b:s1+s2], $0x8000, $0x38;
	[tilespmem:$0x10000] =	vst v63  }
0x2c1: {  	_ =	swait.ge [sflag:s10], $0x8000  }
0x2c2: {  	[sflag:s10] =	ssyncset.done $0x0  }
0x2c3: {  	s1 =	rddreg [dreg:$0x1b];
	[sflag:s10] =	ssyncadd.s32 $0xFFFF8000  }
0x2c4: {  	[hbm4b:s1+s2] =	stream.linear.scatter [tilespmem:s7], [sflag:$0x4], $0x8000, $0x38;
	[tilespmem:$0x10000] =	vst v63  }
0x2c5: {  	_ =	swait.ge [sflag:s5], $0x8000  }
0x2c6: {  	[sflag:s5] =	ssyncset.done $0x0  }
0x2c7: {  	s1 =	rddreg [dreg:$0x1c];
	[sflag:s5] =	ssyncadd.s32 $0xFFFF8000  }
0x2c8: {  	[tilespmem:s7], [sflag:$0x2] =	stream.linear.gather [hbm4b:s1+s2], $0x8000, $0x38;
	[tilespmem:$0x10000] =	vst v63  }
0x2c9: {  	_ =	swait.ge [sflag:s11], $0x8000  }
0x2ca: {  	[sflag:s11] =	ssyncset.done $0x0  }
0x2cb: {  	s1 =	rddreg [dreg:$0x1d];
	[sflag:s11] =	ssyncadd.s32 $0xFFFF8000  }
0x2cc: {  	[hbm4b:s1+s2] =	stream.linear.scatter [tilespmem:s2], [sflag:$0x3], $0x8000, $0x38;
	[tilespmem:$0x10000] =	vst v63  }
0x2cd: {  	_ =	swait.ge [sflag:s6], $0x8000  }
0x2ce: {  	[sflag:s6] =	ssyncset.done $0x0  }
0x2cf: {  	s1 =	rddreg [dreg:$0x1e];
	[sflag:s6] =	ssyncadd.s32 $0xFFFF8000  }
0x2d0: {  	[tilespmem:s2], [sflag:$0x1] =	stream.linear.gather [hbm4b:s1+s2], $0x8000, $0x38;
	[tilespmem:$0x10000] =	vst v63  }
0x2d1: {  	_ =	swait.ge [sflag:s10], $0x8000  }
0x2d2: {  	[sflag:s10] =	ssyncset.done $0x0  }
0x2d3: {  	s1 =	rddreg [dreg:$0x1f];
	[sflag:s10] =	ssyncadd.s32 $0xFFFF8000  }
0x2d4: {  	[hbm4b:s1+s2] =	stream.linear.scatter [tilespmem:s7], [sflag:$0x4], $0x8000, $0x38;
	[tilespmem:$0x10000] =	vst v63  }
0x2d5: {  	_ =	swait.ge [sflag:s5], $0x8000  }
0x2d6: {  	s1 =	sld [smem:$0x7F2]  }
0x2d7: {  	[sflag:s5] =	ssyncset.done $0x0  }
0x2d8: {  	[sflag:s5] =	ssyncadd.s32 $0xFFFF8000  }
0x2d9: {  	[tilespmem:s7], [sflag:$0x2] =	stream.linear.gather [hbm4b:s1+s2], $0x8000, $0x38;
	[tilespmem:$0x10000] =	vst v63  }
0x2da: {  	_ =	swait.ge [sflag:s11], $0x8000  }
0x2db: {  	s1 =	sld [smem:$0x7F3]  }
0x2dc: {  	[sflag:s11] =	ssyncset.done $0x0  }
0x2dd: {  	[sflag:s11] =	ssyncadd.s32 $0xFFFF8000  }
0x2de: {  	[hbm4b:s1+s2] =	stream.linear.scatter [tilespmem:s2], [sflag:$0x3], $0x8000, $0x38;
	[tilespmem:$0x10000] =	vst v63  }
0x2df: {  	_ =	swait.ge [sflag:s6], $0x8000  }
0x2e0: {  	s1 =	sld [smem:$0x7F4]  }
0x2e1: {  	[sflag:s6] =	ssyncset.done $0x0  }
0x2e2: {  	[sflag:s6] =	ssyncadd.s32 $0xFFFF8000  }
0x2e3: {  	[tilespmem:s2], [sflag:$0x1] =	stream.linear.gather [hbm4b:s1+s2], $0x8000, $0x38;
	[tilespmem:$0x10000] =	vst v63  }
0x2e4: {  	_ =	swait.ge [sflag:s10], $0x8000  }
0x2e5: {  	s1 =	sld [smem:$0x7F5]  }
0x2e6: {  	[sflag:s10] =	ssyncset.done $0x0  }
0x2e7: {  	[sflag:s10] =	ssyncadd.s32 $0xFFFF8000  }
0x2e8: {  	[hbm4b:s1+s2] =	stream.linear.scatter [tilespmem:s7], [sflag:$0x4], $0x8000, $0x38;
	[tilespmem:$0x10000] =	vst v63  }
0x2e9: {  	_ =	swait.ge [sflag:s5], $0x8000  }
0x2ea: {  	s1 =	sld [smem:$0x7F6]  }
0x2eb: {  	[sflag:s5] =	ssyncset.done $0x0  }
0x2ec: {  	[sflag:s5] =	ssyncadd.s32 $0xFFFF8000  }
0x2ed: {  	[tilespmem:s7], [sflag:$0x2] =	stream.linear.gather [hbm4b:s1+s2], $0x8000, $0x38;
	[tilespmem:$0x10000] =	vst v63  }
0x2ee: {  	_ =	swait.ge [sflag:s11], $0x8000  }
0x2ef: {  	s1 =	sld [smem:$0x7F7]  }
0x2f0: {  	[sflag:s11] =	ssyncset.done $0x0  }
0x2f1: {  	[sflag:s11] =	ssyncadd.s32 $0xFFFF8000  }
0x2f2: {  	[hbm4b:s1+s2] =	stream.linear.scatter [tilespmem:s2], [sflag:$0x3], $0x8000, $0x38;
	[tilespmem:$0x10000] =	vst v63  }
0x2f3: {  	_ =	swait.ge [sflag:s6], $0x8000  }
0x2f4: {  	s1 =	sld [smem:$0x7F8]  }
0x2f5: {  	[sflag:s6] =	ssyncset.done $0x0  }
0x2f6: {  	[sflag:s6] =	ssyncadd.s32 $0xFFFF8000  }
0x2f7: {  	[tilespmem:s2], [sflag:$0x1] =	stream.linear.gather [hbm4b:s1+s2], $0x8000, $0x38;
	[tilespmem:$0x10000] =	vst v63  }
0x2f8: {  	_ =	swait.ge [sflag:s10], $0x8000  }
0x2f9: {  	s1 =	sld [smem:$0x7F9]  }
0x2fa: {  	[sflag:s10] =	ssyncset.done $0x0  }
0x2fb: {  	[sflag:s10] =	ssyncadd.s32 $0xFFFF8000  }
0x2fc: {  	[hbm4b:s1+s2] =	stream.linear.scatter [tilespmem:s7], [sflag:$0x4], $0x8000, $0x38;
	[tilespmem:$0x10000] =	vst v63  }
0x2fd: {  	_ =	swait.ge [sflag:s5], $0x8000  }
0x2fe: {  	s1 =	sld [smem:$0x7FA]  }
0x2ff: {  	[sflag:s5] =	ssyncset.done $0x0  }
0x300: {  	[sflag:s5] =	ssyncadd.s32 $0xFFFF8000  }
0x301: {  	[tilespmem:s7], [sflag:$0x2] =	stream.linear.gather [hbm4b:s1+s2], $0x8000, $0x38;
	[tilespmem:$0x10000] =	vst v63  }
0x302: {  	_ =	swait.ge [sflag:s11], $0x8000  }
0x303: {  	s1 =	sld [smem:$0x7FB]  }
0x304: {  	[sflag:s11] =	ssyncset.done $0x0  }
0x305: {  	[sflag:s11] =	ssyncadd.s32 $0xFFFF8000  }
0x306: {  	[hbm4b:s1+s2] =	stream.linear.scatter [tilespmem:s2], [sflag:$0x3], $0x8000, $0x38;
	[tilespmem:$0x10000] =	vst v63  }
0x307: {  	_ =	swait.ge [sflag:s6], $0x8000  }
0x308: {  	s1 =	sld [smem:$0x7FC]  }
0x309: {  	[sflag:s6] =	ssyncset.done $0x0  }
0x30a: {  	[sflag:s6] =	ssyncadd.s32 $0xFFFF8000  }
0x30b: {  	[tilespmem:s2], [sflag:$0x1] =	stream.linear.gather [hbm4b:s1+s2], $0x8000, $0x38;
	[tilespmem:$0x10000] =	vst v63  }
0x30c: {  	_ =	swait.ge [sflag:s10], $0x8000  }
0x30d: {  	s1 =	sld [smem:$0x7FD]  }
0x30e: {  	[sflag:s10] =	ssyncset.done $0x0  }
0x30f: {  	[sflag:s10] =	ssyncadd.s32 $0xFFFF8000  }
0x310: {  	[hbm4b:s1+s2] =	stream.linear.scatter [tilespmem:s7], [sflag:$0x4], $0x8000, $0x38;
	[tilespmem:$0x10000] =	vst v63  }
0x311: {  	_ =	swait.ge [sflag:s5], $0x8000  }
0x312: {  	[sflag:s5] =	ssyncset.done $0x0  }
0x313: {  	[sflag:s5] =	ssyncadd.s32 $0xFFFF8000  }
0x314: {  	[tilespmem:s7], [sflag:$0x2] =	stream.linear.gather [hbm4b:s31+s2], $0x8000, $0x38;
	[tilespmem:$0x10000] =	vst v63  }
0x315: {  	_ =	swait.ge [sflag:s11], $0x8000  }
0x316: {  	[sflag:s11] =	ssyncset.done $0x0  }
0x317: {  	[sflag:s11] =	ssyncadd.s32 $0xFFFF8000  }
0x318: {  	[hbm4b:s30+s2] =	stream.linear.scatter [tilespmem:s2], [sflag:$0x3], $0x8000, $0x38;
	[tilespmem:$0x10000] =	vst v63  }
0x319: {  	_ =	swait.ge [sflag:s6], $0x8000  }
0x31a: {  	[sflag:s6] =	ssyncset.done $0x0  }
0x31b: {  	[sflag:s6] =	ssyncadd.s32 $0xFFFF8000  }
0x31c: {  	[tilespmem:s2], [sflag:$0x1] =	stream.linear.gather [hbm4b:s29+s2], $0x8000, $0x38;
	[tilespmem:$0x10000] =	vst v63  }
0x31d: {  	_ =	swait.ge [sflag:s10], $0x8000  }
0x31e: {  	[sflag:s10] =	ssyncset.done $0x0  }
0x31f: {  	[sflag:s10] =	ssyncadd.s32 $0xFFFF8000  }
0x320: {  	[hbm4b:s28+s2] =	stream.linear.scatter [tilespmem:s7], [sflag:$0x4], $0x8000, $0x38;
	[tilespmem:$0x10000] =	vst v63  }
0x321: {  	_ =	swait.ge [sflag:s5], $0x8000  }
0x322: {  	[sflag:s5] =	ssyncset.done $0x0  }
0x323: {  	[sflag:s5] =	ssyncadd.s32 $0xFFFF8000  }
0x324: {  	[tilespmem:s7], [sflag:$0x2] =	stream.linear.gather [hbm4b:s26+s2], $0x8000, $0x38;
	[tilespmem:$0x10000] =	vst v63  }
0x325: {  	_ =	swait.ge [sflag:s11], $0x8000  }
0x326: {  	[sflag:s11] =	ssyncset.done $0x0  }
0x327: {  	[sflag:s11] =	ssyncadd.s32 $0xFFFF8000  }
0x328: {  	[hbm4b:s25+s2] =	stream.linear.scatter [tilespmem:s2], [sflag:$0x3], $0x8000, $0x38;
	[tilespmem:$0x10000] =	vst v63  }
0x329: {  	_ =	swait.ge [sflag:s6], $0x8000  }
0x32a: {  	[sflag:s6] =	ssyncset.done $0x0  }
0x32b: {  	[sflag:s6] =	ssyncadd.s32 $0xFFFF8000  }
0x32c: {  	[tilespmem:s2], [sflag:$0x1] =	stream.linear.gather [hbm4b:s24+s2], $0x8000, $0x38;
	[tilespmem:$0x10000] =	vst v63  }
0x32d: {  	_ =	swait.ge [sflag:s10], $0x8000  }
0x32e: {  	[sflag:s10] =	ssyncset.done $0x0  }
0x32f: {  	[sflag:s10] =	ssyncadd.s32 $0xFFFF8000  }
0x330: {  	[hbm4b:s23+s2] =	stream.linear.scatter [tilespmem:s7], [sflag:$0x4], $0x8000, $0x38;
	[tilespmem:$0x10000] =	vst v63  }
0x331: {  	_ =	swait.ge [sflag:s5], $0x8000  }
0x332: {  	[sflag:s5] =	ssyncset.done $0x0  }
0x333: {  	[sflag:s5] =	ssyncadd.s32 $0xFFFF8000  }
0x334: {  	[tilespmem:s7], [sflag:$0x2] =	stream.linear.gather [hbm4b:s22+s2], $0x8000, $0x38;
	[tilespmem:$0x10000] =	vst v63  }
0x335: {  	_ =	swait.ge [sflag:s11], $0x8000  }
0x336: {  	[sflag:s11] =	ssyncset.done $0x0  }
0x337: {  	[sflag:s11] =	ssyncadd.s32 $0xFFFF8000  }
0x338: {  	[hbm4b:s21+s2] =	stream.linear.scatter [tilespmem:s2], [sflag:$0x3], $0x8000, $0x38;
	[tilespmem:$0x10000] =	vst v63  }
0x339: {  	_ =	swait.ge [sflag:s6], $0x8000  }
0x33a: {  	[sflag:s6] =	ssyncset.done $0x0  }
0x33b: {  	[sflag:s6] =	ssyncadd.s32 $0xFFFF8000  }
0x33c: {  	[tilespmem:s2], [sflag:$0x1] =	stream.linear.gather [hbm4b:s20+s2], $0x8000, $0x38;
	[tilespmem:$0x10000] =	vst v63  }
0x33d: {  	_ =	swait.ge [sflag:s10], $0x8000  }
0x33e: {  	[sflag:s10] =	ssyncset.done $0x0  }
0x33f: {  	[sflag:s10] =	ssyncadd.s32 $0xFFFF8000  }
0x340: {  	[hbm4b:s19+s2] =	stream.linear.scatter [tilespmem:s7], [sflag:$0x4], $0x8000, $0x38;
	[tilespmem:$0x10000] =	vst v63  }
0x341: {  	_ =	swait.ge [sflag:s5], $0x8000  }
0x342: {  	[sflag:s5] =	ssyncset.done $0x0  }
0x343: {  	[sflag:s5] =	ssyncadd.s32 $0xFFFF8000  }
0x344: {  	[tilespmem:s7], [sflag:$0x2] =	stream.linear.gather [hbm4b:s18+s2], $0x8000, $0x38;
	[tilespmem:$0x10000] =	vst v63  }
0x345: {  	_ =	swait.ge [sflag:s11], $0x8000  }
0x346: {  	[sflag:s11] =	ssyncset.done $0x0  }
0x347: {  	[sflag:s11] =	ssyncadd.s32 $0xFFFF8000  }
0x348: {  	[hbm4b:s17+s2] =	stream.linear.scatter [tilespmem:s2], [sflag:$0x3], $0x8000, $0x38;
	[tilespmem:$0x10000] =	vst v63  }
0x349: {  	_ =	swait.ge [sflag:s6], $0x8000  }
0x34a: {  	[sflag:s6] =	ssyncset.done $0x0  }
0x34b: {  	[sflag:s6] =	ssyncadd.s32 $0xFFFF8000  }
0x34c: {  	[tilespmem:s2], [sflag:$0x1] =	stream.linear.gather [hbm4b:s16+s2], $0x8000, $0x38;
	[tilespmem:$0x10000] =	vst v63  }
0x34d: {  	_ =	swait.ge [sflag:s10], $0x8000  }
0x34e: {  	[sflag:s10] =	ssyncset.done $0x0  }
0x34f: {  	[sflag:s10] =	ssyncadd.s32 $0xFFFF8000  }
0x350: {  	[hbm4b:s14+s2] =	stream.linear.scatter [tilespmem:s7], [sflag:$0x4], $0x8000, $0x38;
	[tilespmem:$0x10000] =	vst v63  }
0x351: {  	_ =	swait.ge [sflag:s5], $0x8000  }
0x352: {  	[sflag:s5] =	ssyncset.done $0x0  }
0x353: {  	[sflag:s5] =	ssyncadd.s32 $0xFFFF8000  }
0x354: {  	[tilespmem:s7], [sflag:$0x2] =	stream.linear.gather [hbm4b:s15+s2], $0x8000, $0x38;
	[tilespmem:$0x10000] =	vst v63  }
0x355: {  	_ =	swait.ge [sflag:s11], $0x8000  }
0x356: {  	[sflag:s11] =	ssyncset.done $0x0  }
0x357: {  	[sflag:s11] =	ssyncadd.s32 $0xFFFF8000  }
0x358: {  	[hbm4b:s12+s2] =	stream.linear.scatter [tilespmem:s2], [sflag:$0x3], $0x8000, $0x38;
	[tilespmem:$0x10000] =	vst v63  }
0x359: {  	_ =	swait.ge [sflag:s6], $0x8000  }
0x35a: {  	[sflag:s6] =	ssyncset.done $0x0  }
0x35b: {  	[sflag:s6] =	ssyncadd.s32 $0xFFFF8000  }
0x35c: {  	[tilespmem:s2], [sflag:$0x1] =	stream.linear.gather [hbm4b:s13+s2], $0x8000, $0x38;
	[tilespmem:$0x10000] =	vst v63  }
0x35d: {  	_ =	swait.ge [sflag:s10], $0x8000  }
0x35e: {  	[sflag:s10] =	ssyncset.done $0x0  }
0x35f: {  	[sflag:s10] =	ssyncadd.s32 $0xFFFF8000  }
0x360: {  	[hbm4b:s9+s2] =	stream.linear.scatter [tilespmem:s7], [sflag:$0x4], $0x8000, $0x38;
	[tilespmem:$0x10000] =	vst v63  }
0x361: {  	_ =	swait.ge [sflag:s5], $0x8000  }
0x362: {  	[sflag:s5] =	ssyncset.done $0x0  }
0x363: {  	[sflag:s5] =	ssyncadd.s32 $0xFFFF8000  }
0x364: {  	[tilespmem:s7], [sflag:$0x2] =	stream.linear.gather [hbm4b:s8+s2], $0x8000, $0x38;
	[tilespmem:$0x10000] =	vst v63  }
0x365: {  	_ =	swait.ge [sflag:s11], $0x8000  }
0x366: {  	[sflag:s11] =	ssyncset.done $0x0  }
0x367: {  	[sflag:s11] =	ssyncadd.s32 $0xFFFF8000  }
0x368: {  	[hbm4b:s4+s2] =	stream.linear.scatter [tilespmem:s2], [sflag:$0x3], $0x8000, $0x38;
	[tilespmem:$0x10000] =	vst v63  }
0x369: {  	_ =	swait.ge [sflag:s10], $0x8000  }
0x36a: {  	[sflag:s10] =	ssyncset.done $0x0  }
0x36b: {  	[sflag:s10] =	ssyncadd.s32 $0xFFFF8000  }
0x36c: {  	[hbm4b:s3+s2] =	stream.linear.scatter [tilespmem:s7], [sflag:$0x4], $0x8000, $0x38;
	[tilespmem:$0x10000] =	vst v63  }
0x36d: {  	_ =	swait.ge [sflag:s6], $0x8000  }
0x36e: {  	[sflag:s6] =	ssyncset.done $0x0  }
0x36f: {  	[sflag:s6] =	ssyncadd.s32 $0xFFFF8000  }
0x370: {  	_ =	swait.ge [sflag:s5], $0x8000  }
0x371: {  	[sflag:s5] =	ssyncset.done $0x0  }
0x372: {  	[sflag:s5] =	ssyncadd.s32 $0xFFFF8000  }
0x373: {  	_ =	sfence.sel $0x180000  }
0x374: {  	[bflag:$0x0] =	sbarrier.arrive $0xFFFF  }
0x375: {  	_ =	strace $0x90000047  }
0x376: {  	s31 =	stileid.u32;
	[bflag:$0x2] =	sbarrier.arrive $0xFFFF  }
0x377: {  	p0 =	sne.s32 s31, $0x0;
	s0 =	rddreg [dreg:$0x2]  }
0x378: {  	s0 =	sadd.s32 @!p0 $0x100000, s0  }
0x379: {  	[sflag:s0] =	ssyncadd.tile.s32 @!p0 $0x1;
	_ =	shalt  }
.Lfunc_end2:
_tile_overlayer_lowered:
.L_overlay_start_2:
0x37a: {  	(tag) =	ssettag $0x2  }
0x37b: {  	s0 =	rddreg [dreg:$0x0];
	s2 =	stileid.u32  }
0x37c: {  	s1 =	rddreg [dreg:$0x1];
	p0 =	sne.s32 s2, $0x0  }
0x37d: {  	s3 =	rddreg [dreg:$0x2];
	[bflag:$0x3] =	sbarrier.arrive $0xFFFF;
	s2 =	simm.s32 @!p0 $0x1C05  }
0x37e: {  	[timem:s3], [sflag:s2] =	dma.local @!p0 [hbm:s0], s1  }
0x37f: {  	s0 =	simm.s32 @!p0 $0x5  }
0x380: {  	_ =	swait.ge @!p0 [sflag:s0], s1  }
0x381: {  	s1 =	ssub.s32 @!p0 $0x0, s1;
	[sflag:s0] =	ssyncset.done @!p0 $0x0  }
0x382: {  	[sflag:s0] =	ssyncadd.s32 @!p0 s1  }
0x383: {  	[bflag:$0x3] =	sbarrier.arrive $0xFFFF  }
0x384: {  	_ =	shalt  }

</sc_bundles>
